<compile_context>
chip_gen: v7x
topology: tpu7x:2x2x1
jax: 0.10.2.dev20260603
libtpu: 0.0.44.dev20260713+nightly
codegen_flags: <defaults>
</compile_context>

<pallas_src>
import functools

import jax
import jax.numpy as jnp
from jax import lax
from jax.experimental import pallas as pl
from jax.experimental.pallas import tpu as pltpu
from jax.experimental.pallas import tpu_sc as plsc

N = 10000
D = 128
H = 128
E = 320000
EL = 100000

N_PAD = 10240
PAD_ROWS = N_PAD - N

NC, NS = 2, 16
NW = NC * NS
CHUNK = 128

E_TILE = 10240
E_PAD = NW * E_TILE
E_CH = E_TILE // CHUNK
L_CH = 26
L_TILE = L_CH * CHUNK
EL_PAD = NW * L_TILE

ROWS_PER_TILE = N_PAD // NS

MCHUNK = 128
M_CH = 80
M_TILE = M_CH * MCHUNK
M_PAD = NW * M_TILE


def _worker_id():
    return lax.axis_index("s") * NC + lax.axis_index("c")


def _fill_const(buf, val):
    v = jnp.full((16,), val, jnp.float32)
    n = buf.shape[0]

    def row(i, carry):
        for j in range(H // 16):
            buf[i, pl.ds(j * 16, 16)] = v
        return carry

    lax.fori_loop(0, n, row, 0)


def _zero_acc_slice(buf, acc_sh, sid):
    for j in range(ROWS_PER_TILE // CHUNK):
        pltpu.sync_copy(buf, acc_sh.at[pl.ds(sid * ROWS_PER_TILE + j * CHUNK, CHUNK)])



def _row_iota(buf, base, n):
    for j in range(n // 16):
        buf[pl.ds(j * 16, 16)] = base + j * 16 + lax.iota(jnp.int32, 16)


def _sc_deg_body(dst_hbm, out_hbm, ridx_v, didx_v, ones_v, deg_sh, sem):
    cid = lax.axis_index("c")
    sid = lax.axis_index("s")
    wid = _worker_id()
    _fill_const(ones_v, 0.0)
    _zero_acc_slice(ones_v, deg_sh, sid)
    _fill_const(ones_v, 1.0)
    _row_iota(ridx_v, wid * E_CH, E_CH)
    pltpu.async_copy(dst_hbm.at[ridx_v], didx_v, sem).wait()
    plsc.subcore_barrier()

    GRP = 4

    def group(g, carry):
        for k in range(GRP):
            pltpu.async_copy(ones_v, deg_sh.at[didx_v.at[g * GRP + k]], sem, add=True)
        for k in range(GRP):
            pltpu.make_async_copy(ones_v, deg_sh.at[didx_v.at[0]], sem).wait()
        return carry

    lax.fori_loop(0, E_CH // GRP, group, 0)
    plsc.subcore_barrier()
    pltpu.sync_copy(
        deg_sh.at[pl.ds(sid * ROWS_PER_TILE, ROWS_PER_TILE)],
        out_hbm.at[pl.ds(cid * N_PAD + sid * ROWS_PER_TILE, ROWS_PER_TILE)],
    )


_sc_deg = pl.kernel(
    _sc_deg_body,
    out_type=jax.ShapeDtypeStruct((NC * N_PAD, H), jnp.float32),
    mesh=plsc.VectorSubcoreMesh(core_axis_name="c", subcore_axis_name="s"),
    scratch_types=[
        pltpu.VMEM((E_CH,), jnp.int32),
        pltpu.VMEM((E_CH, CHUNK), jnp.int32),
        pltpu.VMEM((CHUNK, H), jnp.float32),
        pltpu.VMEM_SHARED((N_PAD, H), jnp.float32),
        pltpu.SemaphoreType.DMA,
    ],
)


def _sc_msg_body(g_hbm, pk_hbm, out_hbm,
                 pk_v, sidx0_v, sidx1_v, didx0_v, didx1_v, rows0_v, rows1_v,
                 acc_sh, semg0, semg1, sems0, sems1):
    cid = lax.axis_index("c")
    sid = lax.axis_index("s")
    wid = _worker_id()
    _fill_const(rows0_v, 0.0)
    _zero_acc_slice(rows0_v, acc_sh, sid)
    pltpu.sync_copy(pk_hbm.at[wid], pk_v)
    plsc.subcore_barrier()

    def unpack(c, sbuf, dbuf):
        for j in range(MCHUNK // 16):
            p = pk_v[c, pl.ds(j * 16, 16)]
            sbuf[pl.ds(j * 16, 16)] = p & 0xFFFF
            dbuf[pl.ds(j * 16, 16)] = lax.shift_right_logical(p, 16)

    def gather(sbuf, rbuf, sem):
        pltpu.async_copy(g_hbm.at[sbuf], rbuf, sem)

    def gwait(rbuf, sem):
        pltpu.make_async_copy(g_hbm.at[sidx0_v], rbuf, sem).wait()

    def sissue(dbuf, rbuf, sem):
        pltpu.async_copy(rbuf, acc_sh.at[dbuf], sem, add=True)

    def swait(sem):
        pltpu.make_async_copy(rows0_v, acc_sh.at[didx0_v], sem).wait()

    unpack(0, sidx0_v, didx0_v)
    gather(sidx0_v, rows0_v, semg0)

    def pair(i, carry):
        c0 = 2 * i

        @pl.when(i > 0)
        def _():
            swait(sems1)

        unpack(c0 + 1, sidx1_v, didx1_v)
        gather(sidx1_v, rows1_v, semg1)
        gwait(rows0_v, semg0)
        sissue(didx0_v, rows0_v, sems0)
        gwait(rows1_v, semg1)
        swait(sems0)

        @pl.when(i < M_CH // 2 - 1)
        def _():
            unpack(c0 + 2, sidx0_v, didx0_v)
            gather(sidx0_v, rows0_v, semg0)

        sissue(didx1_v, rows1_v, sems1)
        return carry

    lax.fori_loop(0, M_CH // 2, pair, 0)
    swait(sems1)
    plsc.subcore_barrier()
    pltpu.sync_copy(
        acc_sh.at[pl.ds(sid * ROWS_PER_TILE, ROWS_PER_TILE)],
        out_hbm.at[pl.ds(cid * N_PAD + sid * ROWS_PER_TILE, ROWS_PER_TILE)],
    )


_sc_msg = pl.kernel(
    _sc_msg_body,
    out_type=jax.ShapeDtypeStruct((NC * N_PAD, H), jnp.float32),
    mesh=plsc.VectorSubcoreMesh(core_axis_name="c", subcore_axis_name="s"),
    scratch_types=[
        pltpu.VMEM((M_CH, MCHUNK), jnp.int32),
        pltpu.VMEM((MCHUNK,), jnp.int32),
        pltpu.VMEM((MCHUNK,), jnp.int32),
        pltpu.VMEM((MCHUNK,), jnp.int32),
        pltpu.VMEM((MCHUNK,), jnp.int32),
        pltpu.VMEM((MCHUNK, H), jnp.float32),
        pltpu.VMEM((MCHUNK, H), jnp.float32),
        pltpu.VMEM_SHARED((N_PAD, H), jnp.float32),
        pltpu.SemaphoreType.DMA,
        pltpu.SemaphoreType.DMA,
        pltpu.SemaphoreType.DMA,
        pltpu.SemaphoreType.DMA,
    ],
)


def _sc_decode_body(z_hbm, pk_hbm, out_hbm,
                    pk_v, aidx0_v, bidx0_v, aidx1_v, bidx1_v,
                    ra0_v, rb0_v, ra1_v, rb1_v, ps_v,
                    sa0, sb0, sa1, sb1):
    wid = _worker_id()
    pltpu.sync_copy(pk_hbm.at[wid], pk_v)

    def unpack(c, abuf, bbuf):
        for j in range(CHUNK // 16):
            p = pk_v[c, pl.ds(j * 16, 16)]
            abuf[pl.ds(j * 16, 16)] = p & 0xFFFF
            bbuf[pl.ds(j * 16, 16)] = lax.shift_right_logical(p, 16)

    def gathers(abuf, bbuf, ra, rb, sema, semb):
        pltpu.async_copy(z_hbm.at[abuf], ra, sema)
        pltpu.async_copy(z_hbm.at[bbuf], rb, semb)

    def gwaits(ra, rb, sema, semb):
        pltpu.make_async_copy(z_hbm.at[aidx0_v], ra, sema).wait()
        pltpu.make_async_copy(z_hbm.at[aidx0_v], rb, semb).wait()

    def compute(c, ra, rb):
        def edge(e, carry):
            acc = ra[e, pl.ds(0, 16)] * rb[e, pl.ds(0, 16)]
            for j in range(1, H // 16):
                acc = acc + ra[e, pl.ds(j * 16, 16)] * rb[e, pl.ds(j * 16, 16)]
            ps_v[e, :] = acc
            return carry

        lax.fori_loop(0, CHUNK, edge, 0)
        pltpu.sync_copy(ps_v, out_hbm.at[pl.ds(wid * L_TILE + c * CHUNK, CHUNK)])

    unpack(0, aidx0_v, bidx0_v)
    gathers(aidx0_v, bidx0_v, ra0_v, rb0_v, sa0, sb0)

    def pair(i, carry):
        c0 = 2 * i
        unpack(c0 + 1, aidx1_v, bidx1_v)
        gathers(aidx1_v, bidx1_v, ra1_v, rb1_v, sa1, sb1)
        gwaits(ra0_v, rb0_v, sa0, sb0)
        compute(c0, ra0_v, rb0_v)

        @pl.when(i < L_CH // 2 - 1)
        def _():
            unpack(c0 + 2, aidx0_v, bidx0_v)
            gathers(aidx0_v, bidx0_v, ra0_v, rb0_v, sa0, sb0)

        gwaits(ra1_v, rb1_v, sa1, sb1)
        compute(c0 + 1, ra1_v, rb1_v)
        return carry

    lax.fori_loop(0, L_CH // 2, pair, 0)


_sc_decode = pl.kernel(
    _sc_decode_body,
    out_type=jax.ShapeDtypeStruct((EL_PAD, 16), jnp.float32),
    mesh=plsc.VectorSubcoreMesh(core_axis_name="c", subcore_axis_name="s"),
    scratch_types=[
        pltpu.VMEM((L_CH, CHUNK), jnp.int32),
        pltpu.VMEM((CHUNK,), jnp.int32),
        pltpu.VMEM((CHUNK,), jnp.int32),
        pltpu.VMEM((CHUNK,), jnp.int32),
        pltpu.VMEM((CHUNK,), jnp.int32),
        pltpu.VMEM((CHUNK, H), jnp.float32),
        pltpu.VMEM((CHUNK, H), jnp.float32),
        pltpu.VMEM((CHUNK, H), jnp.float32),
        pltpu.VMEM((CHUNK, H), jnp.float32),
        pltpu.VMEM((CHUNK, 16), jnp.float32),
        pltpu.SemaphoreType.DMA,
        pltpu.SemaphoreType.DMA,
        pltpu.SemaphoreType.DMA,
        pltpu.SemaphoreType.DMA,
    ],
)


ROW_BLK = 512
GRID_N = N_PAD // ROW_BLK


def _dis_block(deg_blk):
    deg = 1.0 + deg_blk[0, :, 0:1] + deg_blk[1, :, 0:1]
    return lax.rsqrt(deg)


def _tc_prep1_body(x_ref, w_ref, deg_ref, g_ref):
    dis = _dis_block(deg_ref[...])
    h = jnp.dot(x_ref[...], w_ref[...], preferred_element_type=jnp.float32)
    g_ref[...] = h * dis


_tc_prep1 = pl.pallas_call(
    _tc_prep1_body,
    out_shape=jax.ShapeDtypeStruct((N_PAD, H), jnp.float32),
    grid=(GRID_N,),
    in_specs=[
        pl.BlockSpec((ROW_BLK, D), lambda i: (i, 0)),
        pl.BlockSpec((D, H), lambda i: (0, 0)),
        pl.BlockSpec((2, ROW_BLK, 8), lambda i: (0, i, 0)),
    ],
    out_specs=pl.BlockSpec((ROW_BLK, H), lambda i: (i, 0)),
)


def _tc_prep2_body(p_ref, g_ref, deg_ref, b_ref, w_ref, o_ref):
    dis = _dis_block(deg_ref[...])
    p = p_ref[...]
    z = jnp.maximum(dis * (p[0] + p[1] + g_ref[...]) + b_ref[...], 0.0)
    o_ref[...] = jnp.dot(z, w_ref[...], preferred_element_type=jnp.float32) * dis


_tc_prep2 = pl.pallas_call(
    _tc_prep2_body,
    out_shape=jax.ShapeDtypeStruct((N_PAD, H), jnp.float32),
    grid=(GRID_N,),
    in_specs=[
        pl.BlockSpec((2, ROW_BLK, H), lambda i: (0, i, 0)),
        pl.BlockSpec((ROW_BLK, H), lambda i: (i, 0)),
        pl.BlockSpec((2, ROW_BLK, 8), lambda i: (0, i, 0)),
        pl.BlockSpec((1, H), lambda i: (0, 0)),
        pl.BlockSpec((H, H), lambda i: (0, 0)),
    ],
    out_specs=pl.BlockSpec((ROW_BLK, H), lambda i: (i, 0)),
)


def _tc_final_body(p_ref, g_ref, deg_ref, b_ref, o_ref):
    dis = _dis_block(deg_ref[...])
    p = p_ref[...]
    o_ref[...] = dis * (p[0] + p[1] + g_ref[...]) + b_ref[...]


_tc_final = pl.pallas_call(
    _tc_final_body,
    out_shape=jax.ShapeDtypeStruct((N_PAD, H), jnp.float32),
    grid=(GRID_N,),
    in_specs=[
        pl.BlockSpec((2, ROW_BLK, H), lambda i: (0, i, 0)),
        pl.BlockSpec((ROW_BLK, H), lambda i: (i, 0)),
        pl.BlockSpec((2, ROW_BLK, 8), lambda i: (0, i, 0)),
        pl.BlockSpec((1, H), lambda i: (0, 0)),
    ],
    out_specs=pl.BlockSpec((ROW_BLK, H), lambda i: (i, 0)),
)


RED_BLK = 16
RED_ROWS = EL_PAD // 128


def _tc_reduce_body(ps_ref, o_ref):
    o_ref[...] = jnp.sum(ps_ref[...], axis=-1)


_tc_reduce = pl.pallas_call(
    _tc_reduce_body,
    out_shape=jax.ShapeDtypeStruct((RED_ROWS, 128), jnp.float32),
    grid=(RED_ROWS // RED_BLK,),
    in_specs=[pl.BlockSpec((RED_BLK, 128, 16), lambda i: (i, 0, 0))],
    out_specs=pl.BlockSpec((RED_BLK, 128), lambda i: (i, 0)),
)


def kernel(x, edge_index, edge_label_index, W1, b1, W2, b2):
    src, dst = edge_index[0], edge_index[1]
    epad = N + (jnp.arange(E_PAD - E, dtype=jnp.int32) % PAD_ROWS)
    dstp = jnp.concatenate([dst, epad])
    srcp = jnp.concatenate([src, epad])
    pk = (srcp | (dstp << 16)).reshape(NW, M_CH, MCHUNK)
    lpad = N + (jnp.arange(EL_PAD - EL, dtype=jnp.int32) % PAD_ROWS)
    ea = jnp.concatenate([edge_label_index[0], lpad])
    eb = jnp.concatenate([edge_label_index[1], lpad])
    pkl = (ea | (eb << 16)).reshape(NW, L_CH, CHUNK)
    x_pad = jnp.zeros((N_PAD, D), jnp.float32).at[:N].set(x)

    degparts = _sc_deg(dstp.reshape(NW * E_CH, CHUNK)).reshape(NC, N_PAD, H)[:, :, :8]
    g1 = _tc_prep1(x_pad, W1, degparts)
    p1 = _sc_msg(g1, pk).reshape(NC, N_PAD, H)
    g2 = _tc_prep2(p1, g1, degparts, b1.reshape(1, H), W2)
    p2 = _sc_msg(g2, pk).reshape(NC, N_PAD, H)
    z2 = _tc_final(p2, g2, degparts, b2.reshape(1, H))
    ps = _sc_decode(z2, pkl)
    red = _tc_reduce(ps.reshape(RED_ROWS, 128, 16))
    return red.reshape(EL_PAD)[:EL]

# --- scband reference (transcript-rebuilt; emitter-appended) ---
"""Pipeline reference for scband-cllink-predictor-55490977465152 (READ-ONLY COPY).

The authoritative reference and input builder live on the scoring server;
editing this copy changes nothing except your own understanding.
"""

import jax, jax.numpy as jnp
import numpy as np

N = 10000
D = 128
H = 128
E = 320000
EL = 100000


def setup_inputs(seed: int = 0) -> dict:
    key = jax.random.key(seed)
    ks = jax.random.split(key, 8)
    x = jax.random.normal(ks[0], (N, D), dtype=jnp.float32)
    edge_index = jax.random.randint(ks[1], (2, E), 0, N, dtype=jnp.int32)
    edge_label_index = jax.random.randint(ks[2], (2, EL), 0, N, dtype=jnp.int32)
    W1 = jax.random.normal(ks[3], (D, H), dtype=jnp.float32) * (1.0 / np.sqrt(D))
    b1 = jnp.zeros((H,), dtype=jnp.float32)
    W2 = jax.random.normal(ks[4], (H, H), dtype=jnp.float32) * (1.0 / np.sqrt(H))
    b2 = jnp.zeros((H,), dtype=jnp.float32)
    return {"x": x, "edge_index": edge_index, "edge_label_index": edge_label_index,
            "W1": W1, "b1": b1, "W2": W2, "b2": b2}


def _gcn_conv(x, src, dst, W, b, n):
    # GCNConv with self-loops and symmetric normalization (PyG default)
    h = x @ W
    loop = jnp.arange(n, dtype=src.dtype)
    s = jnp.concatenate([src, loop])
    d = jnp.concatenate([dst, loop])
    deg = jax.ops.segment_sum(jnp.ones_like(d, dtype=x.dtype), d, num_segments=n)
    deg_inv_sqrt = jnp.where(deg > 0, 1.0 / jnp.sqrt(deg), 0.0)
    norm = deg_inv_sqrt[s] * deg_inv_sqrt[d]
    msg = h[s] * norm[:, None]
    out = jax.ops.segment_sum(msg, d, num_segments=n)
    return out + b


def reference(x, edge_index, edge_label_index, W1, b1, W2, b2):
    n = x.shape[0]
    src, dst = edge_index[0], edge_index[1]
    # encode: conv1 -> relu -> conv2
    z = jax.nn.relu(_gcn_conv(x, src, dst, W1, b1, n))
    z = _gcn_conv(z, src, dst, W2, b2, n)
    # decode: dot product of endpoint embeddings
    logits = jnp.sum(z[edge_label_index[0]] * z[edge_label_index[1]], axis=-1)
    return logits

if __name__ == "__main__":
    import jax
    _d = setup_inputs()
    print(jax.jit(kernel)(*tuple(_d.values())))

</pallas_src>

<mosaic_0001>
#map = affine_map<(d0, d1) -> (0, 0)>
#map1 = affine_map<(d0, d1) -> (0, 0, 0)>
module attributes {stable_mosaic.version = 14 : i64} {
  func.func @_sc_msg_body(%arg0: i32, %arg1: i32, %arg2: memref<10240x128xf32, #tpu.memory_space<hbm>>, %arg3: memref<32x80x128xi32, #tpu.memory_space<hbm>>, %arg4: memref<20480x128xf32, #tpu.memory_space<hbm>>, %arg5: memref<80x128xi32, #tpu.memory_space<vmem>>, %arg6: memref<128xi32, #tpu.memory_space<vmem>>, %arg7: memref<128xi32, #tpu.memory_space<vmem>>, %arg8: memref<128xi32, #tpu.memory_space<vmem>>, %arg9: memref<128xi32, #tpu.memory_space<vmem>>, %arg10: memref<128x128xf32, #tpu.memory_space<vmem>>, %arg11: memref<128x128xf32, #tpu.memory_space<vmem>>, %arg12: memref<10240x128xf32, #tpu.memory_space<vmem_shared>>, %arg13: memref<!tpu.dma_semaphore, #tpu.memory_space<semaphore_mem>>, %arg14: memref<!tpu.dma_semaphore, #tpu.memory_space<semaphore_mem>>, %arg15: memref<!tpu.dma_semaphore, #tpu.memory_space<semaphore_mem>>, %arg16: memref<!tpu.dma_semaphore, #tpu.memory_space<semaphore_mem>>) attributes {dimension_semantics = [#tpu.dimension_semantics<core_parallel>, #tpu.dimension_semantics<subcore_parallel>], iteration_bounds = array<i64: 2, 16>, scalar_prefetch = 0 : i64, scratch_operands = 12 : i64, tpu.core_type = #tpu.core_type<sc_vector_subcore>, window_params = [{transform_indices = #map}, {transform_indices = #map1}, {transform_indices = #map}]} {
    %mul3A = arith.constant 2 : i32
    %mul3A_0 = arith.muli %arg1, %mul3A : i32
    %add3A = arith.addi %mul3A_0, %arg0 : i32
    %broadcast_in_dim3A = arith.constant 0.000000e+00 : f32
    %broadcast_in_dim3A_1 = vector.broadcast %broadcast_in_dim3A : f32 to vector<16xf32>
    %scan3A = arith.constant 0 : i32
    %scan3A_2 = arith.constant 0 : i32
    %scan3A_3 = arith.constant 128 : i32
    %scan3A_4 = arith.addi %scan3A_2, %scan3A_3 : i32
    %scan3A_5 = arith.constant 1 : i32
    scf.for %scan3A_193 = %scan3A_2 to %scan3A_4 step %scan3A_5  : i32 {
      %swap3A_194 = arith.index_cast %scan3A_193 : i32 to index
      %swap3A_195 = arith.constant 0 : index
      %swap3A_196 = tpu.vector_load %arg10[%swap3A_194, %swap3A_195] {strides = array<i32>} : memref<128x128xf32, #tpu.memory_space<vmem>>, vector<1x16xf32>,
      %swap3A_197 = vector.shape_cast %swap3A_196 : vector<1x16xf32> to vector<16xf32>
      %swap3A_198 = vector.shape_cast %broadcast_in_dim3A_1 : vector<16xf32> to vector<1x16xf32>
      tpu.vector_store %arg10[%swap3A_194, %swap3A_195], %swap3A_198 {strides = array<i32>} : memref<128x128xf32, #tpu.memory_space<vmem>>, vector<1x16xf32>,
      %swap3A_199 = arith.index_cast %scan3A_193 : i32 to index
      %swap3A_200 = arith.constant 16 : index
      %swap3A_201 = tpu.vector_load %arg10[%swap3A_199, %swap3A_200] {strides = array<i32>} : memref<128x128xf32, #tpu.memory_space<vmem>>, vector<1x16xf32>,
      %swap3A_202 = vector.shape_cast %swap3A_201 : vector<1x16xf32> to vector<16xf32>
      %swap3A_203 = vector.shape_cast %broadcast_in_dim3A_1 : vector<16xf32> to vector<1x16xf32>
      tpu.vector_store %arg10[%swap3A_199, %swap3A_200], %swap3A_203 {strides = array<i32>} : memref<128x128xf32, #tpu.memory_space<vmem>>, vector<1x16xf32>,
      %swap3A_204 = arith.index_cast %scan3A_193 : i32 to index
      %swap3A_205 = arith.constant 32 : index
      %swap3A_206 = tpu.vector_load %arg10[%swap3A_204, %swap3A_205] {strides = array<i32>} : memref<128x128xf32, #tpu.memory_space<vmem>>, vector<1x16xf32>,
      %swap3A_207 = vector.shape_cast %swap3A_206 : vector<1x16xf32> to vector<16xf32>
      %swap3A_208 = vector.shape_cast %broadcast_in_dim3A_1 : vector<16xf32> to vector<1x16xf32>
      tpu.vector_store %arg10[%swap3A_204, %swap3A_205], %swap3A_208 {strides = array<i32>} : memref<128x128xf32, #tpu.memory_space<vmem>>, vector<1x16xf32>,
      %swap3A_209 = arith.index_cast %scan3A_193 : i32 to index
      %swap3A_210 = arith.constant 48 : index
      %swap3A_211 = tpu.vector_load %arg10[%swap3A_209, %swap3A_210] {strides = array<i32>} : memref<128x128xf32, #tpu.memory_space<vmem>>, vector<1x16xf32>,
      %swap3A_212 = vector.shape_cast %swap3A_211 : vector<1x16xf32> to vector<16xf32>
      %swap3A_213 = vector.shape_cast %broadcast_in_dim3A_1 : vector<16xf32> to vector<1x16xf32>
      tpu.vector_store %arg10[%swap3A_209, %swap3A_210], %swap3A_213 {strides = array<i32>} : memref<128x128xf32, #tpu.memory_space<vmem>>, vector<1x16xf32>,
      %swap3A_214 = arith.index_cast %scan3A_193 : i32 to index
      %swap3A_215 = arith.constant 64 : index
      %swap3A_216 = tpu.vector_load %arg10[%swap3A_214, %swap3A_215] {strides = array<i32>} : memref<128x128xf32, #tpu.memory_space<vmem>>, vector<1x16xf32>,
      %swap3A_217 = vector.shape_cast %swap3A_216 : vector<1x16xf32> to vector<16xf32>
      %swap3A_218 = vector.shape_cast %broadcast_in_dim3A_1 : vector<16xf32> to vector<1x16xf32>
      tpu.vector_store %arg10[%swap3A_214, %swap3A_215], %swap3A_218 {strides = array<i32>} : memref<128x128xf32, #tpu.memory_space<vmem>>, vector<1x16xf32>,
      %swap3A_219 = arith.index_cast %scan3A_193 : i32 to index
      %swap3A_220 = arith.constant 80 : index
      %swap3A_221 = tpu.vector_load %arg10[%swap3A_219, %swap3A_220] {strides = array<i32>} : memref<128x128xf32, #tpu.memory_space<vmem>>, vector<1x16xf32>,
      %swap3A_222 = vector.shape_cast %swap3A_221 : vector<1x16xf32> to vector<16xf32>
      %swap3A_223 = vector.shape_cast %broadcast_in_dim3A_1 : vector<16xf32> to vector<1x16xf32>
      tpu.vector_store %arg10[%swap3A_219, %swap3A_220], %swap3A_223 {strides = array<i32>} : memref<128x128xf32, #tpu.memory_space<vmem>>, vector<1x16xf32>,
      %swap3A_224 = arith.index_cast %scan3A_193 : i32 to index
      %swap3A_225 = arith.constant 96 : index
      %swap3A_226 = tpu.vector_load %arg10[%swap3A_224, %swap3A_225] {strides = array<i32>} : memref<128x128xf32, #tpu.memory_space<vmem>>, vector<1x16xf32>,
      %swap3A_227 = vector.shape_cast %swap3A_226 : vector<1x16xf32> to vector<16xf32>
      %swap3A_228 = vector.shape_cast %broadcast_in_dim3A_1 : vector<16xf32> to vector<1x16xf32>
      tpu.vector_store %arg10[%swap3A_224, %swap3A_225], %swap3A_228 {strides = array<i32>} : memref<128x128xf32, #tpu.memory_space<vmem>>, vector<1x16xf32>,
      %swap3A_229 = arith.index_cast %scan3A_193 : i32 to index
      %swap3A_230 = arith.constant 112 : index
      %swap3A_231 = tpu.vector_load %arg10[%swap3A_229, %swap3A_230] {strides = array<i32>} : memref<128x128xf32, #tpu.memory_space<vmem>>, vector<1x16xf32>,
      %swap3A_232 = vector.shape_cast %swap3A_231 : vector<1x16xf32> to vector<16xf32>
      %swap3A_233 = vector.shape_cast %broadcast_in_dim3A_1 : vector<16xf32> to vector<1x16xf32>
      tpu.vector_store %arg10[%swap3A_229, %swap3A_230], %swap3A_233 {strides = array<i32>} : memref<128x128xf32, #tpu.memory_space<vmem>>, vector<1x16xf32>,
    }
    %scan3A_6 = arith.constant 128 : i32
    %mul3A_7 = arith.constant 640 : i32
    %mul3A_8 = arith.muli %arg1, %mul3A_7 : i32
    %add3A_9 = arith.constant 0 : i32
    %add3A_10 = arith.addi %mul3A_8, %add3A_9 : i32
    "tpu.region"() ({
      %run_scoped3A = tpu.sem_alloc : memref<!tpu.dma_semaphore, #tpu.memory_space<semaphore_mem>>
      %dma_start3A_193 = arith.constant 0 : i32
      %dma_start3A_194 = tpu.memref_slice %arg12[%add3A_10, %dma_start3A_193] : memref<10240x128xf32, #tpu.memory_space<vmem_shared>> -> memref<128x128xf32, #tpu.memory_space<vmem_shared>>
      %dma_start3A_195 = arith.constant 0 : i32
      %dma_start3A_196 = tpu.memref_slice %arg12[%add3A_10, %dma_start3A_195] : memref<10240x128xf32, #tpu.memory_space<vmem_shared>> -> memref<128x128xf32, #tpu.memory_space<vmem_shared>>
      tpu.enqueue_dma source(%arg10 : memref<128x128xf32, #tpu.memory_space<vmem>>) target(%dma_start3A_196 : memref<128x128xf32, #tpu.memory_space<vmem_shared>>) target_semaphore(%run_scoped3A : memref<!tpu.dma_semaphore, #tpu.memory_space<semaphore_mem>>)
      %dma_wait3A_197 = arith.constant 0 : i32
      %dma_wait3A_198 = tpu.memref_slice %arg12[%add3A_10, %dma_wait3A_197] : memref<10240x128xf32, #tpu.memory_space<vmem_shared>> -> memref<128x128xf32, #tpu.memory_space<vmem_shared>>
      %dma_wait3A_199 = arith.constant 0 : i32
      %dma_wait3A_200 = tpu.memref_slice %arg12[%add3A_10, %dma_wait3A_199] : memref<10240x128xf32, #tpu.memory_space<vmem_shared>> -> memref<128x128xf32, #tpu.memory_space<vmem_shared>>
      tpu.wait_dma2 semaphore(%run_scoped3A : memref<!tpu.dma_semaphore, #tpu.memory_space<semaphore_mem>>) src(%arg10 : memref<128x128xf32, #tpu.memory_space<vmem>>) dst(%dma_wait3A_200 : memref<128x128xf32, #tpu.memory_space<vmem_shared>>)
      tpu.yield
    }) : () -> ()
    %mul3A_11 = arith.constant 640 : i32
    %mul3A_12 = arith.muli %arg1, %mul3A_11 : i32
    %add3A_13 = arith.constant 128 : i32
    %add3A_14 = arith.addi %mul3A_12, %add3A_13 : i32
    "tpu.region"() ({
      %run_scoped3A = tpu.sem_alloc : memref<!tpu.dma_semaphore, #tpu.memory_space<semaphore_mem>>
      %dma_start3A_193 = arith.constant 0 : i32
      %dma_start3A_194 = tpu.memref_slice %arg12[%add3A_14, %dma_start3A_193] : memref<10240x128xf32, #tpu.memory_space<vmem_shared>> -> memref<128x128xf32, #tpu.memory_space<vmem_shared>>
      %dma_start3A_195 = arith.constant 0 : i32
      %dma_start3A_196 = tpu.memref_slice %arg12[%add3A_14, %dma_start3A_195] : memref<10240x128xf32, #tpu.memory_space<vmem_shared>> -> memref<128x128xf32, #tpu.memory_space<vmem_shared>>
      tpu.enqueue_dma source(%arg10 : memref<128x128xf32, #tpu.memory_space<vmem>>) target(%dma_start3A_196 : memref<128x128xf32, #tpu.memory_space<vmem_shared>>) target_semaphore(%run_scoped3A : memref<!tpu.dma_semaphore, #tpu.memory_space<semaphore_mem>>)
      %dma_wait3A_197 = arith.constant 0 : i32
      %dma_wait3A_198 = tpu.memref_slice %arg12[%add3A_14, %dma_wait3A_197] : memref<10240x128xf32, #tpu.memory_space<vmem_shared>> -> memref<128x128xf32, #tpu.memory_space<vmem_shared>>
      %dma_wait3A_199 = arith.constant 0 : i32
      %dma_wait3A_200 = tpu.memref_slice %arg12[%add3A_14, %dma_wait3A_199] : memref<10240x128xf32, #tpu.memory_space<vmem_shared>> -> memref<128x128xf32, #tpu.memory_space<vmem_shared>>
      tpu.wait_dma2 semaphore(%run_scoped3A : memref<!tpu.dma_semaphore, #tpu.memory_space<semaphore_mem>>) src(%arg10 : memref<128x128xf32, #tpu.memory_space<vmem>>) dst(%dma_wait3A_200 : memref<128x128xf32, #tpu.memory_space<vmem_shared>>)
      tpu.yield
    }) : () -> ()
    %mul3A_15 = arith.constant 640 : i32
    %mul3A_16 = arith.muli %arg1, %mul3A_15 : i32
    %add3A_17 = arith.constant 256 : i32
    %add3A_18 = arith.addi %mul3A_16, %add3A_17 : i32
    "tpu.region"() ({
      %run_scoped3A = tpu.sem_alloc : memref<!tpu.dma_semaphore, #tpu.memory_space<semaphore_mem>>
      %dma_start3A_193 = arith.constant 0 : i32
      %dma_start3A_194 = tpu.memref_slice %arg12[%add3A_18, %dma_start3A_193] : memref<10240x128xf32, #tpu.memory_space<vmem_shared>> -> memref<128x128xf32, #tpu.memory_space<vmem_shared>>
      %dma_start3A_195 = arith.constant 0 : i32
      %dma_start3A_196 = tpu.memref_slice %arg12[%add3A_18, %dma_start3A_195] : memref<10240x128xf32, #tpu.memory_space<vmem_shared>> -> memref<128x128xf32, #tpu.memory_space<vmem_shared>>
      tpu.enqueue_dma source(%arg10 : memref<128x128xf32, #tpu.memory_space<vmem>>) target(%dma_start3A_196 : memref<128x128xf32, #tpu.memory_space<vmem_shared>>) target_semaphore(%run_scoped3A : memref<!tpu.dma_semaphore, #tpu.memory_space<semaphore_mem>>)
      %dma_wait3A_197 = arith.constant 0 : i32
      %dma_wait3A_198 = tpu.memref_slice %arg12[%add3A_18, %dma_wait3A_197] : memref<10240x128xf32, #tpu.memory_space<vmem_shared>> -> memref<128x128xf32, #tpu.memory_space<vmem_shared>>
      %dma_wait3A_199 = arith.constant 0 : i32
      %dma_wait3A_200 = tpu.memref_slice %arg12[%add3A_18, %dma_wait3A_199] : memref<10240x128xf32, #tpu.memory_space<vmem_shared>> -> memref<128x128xf32, #tpu.memory_space<vmem_shared>>
      tpu.wait_dma2 semaphore(%run_scoped3A : memref<!tpu.dma_semaphore, #tpu.memory_space<semaphore_mem>>) src(%arg10 : memref<128x128xf32, #tpu.memory_space<vmem>>) dst(%dma_wait3A_200 : memref<128x128xf32, #tpu.memory_space<vmem_shared>>)
      tpu.yield
    }) : () -> ()
    %mul3A_19 = arith.constant 640 : i32
    %mul3A_20 = arith.muli %arg1, %mul3A_19 : i32
    %add3A_21 = arith.constant 384 : i32
    %add3A_22 = arith.addi %mul3A_20, %add3A_21 : i32
    "tpu.region"() ({
      %run_scoped3A = tpu.sem_alloc : memref<!tpu.dma_semaphore, #tpu.memory_space<semaphore_mem>>
      %dma_start3A_193 = arith.constant 0 : i32
      %dma_start3A_194 = tpu.memref_slice %arg12[%add3A_22, %dma_start3A_193] : memref<10240x128xf32, #tpu.memory_space<vmem_shared>> -> memref<128x128xf32, #tpu.memory_space<vmem_shared>>
      %dma_start3A_195 = arith.constant 0 : i32
      %dma_start3A_196 = tpu.memref_slice %arg12[%add3A_22, %dma_start3A_195] : memref<10240x128xf32, #tpu.memory_space<vmem_shared>> -> memref<128x128xf32, #tpu.memory_space<vmem_shared>>
      tpu.enqueue_dma source(%arg10 : memref<128x128xf32, #tpu.memory_space<vmem>>) target(%dma_start3A_196 : memref<128x128xf32, #tpu.memory_space<vmem_shared>>) target_semaphore(%run_scoped3A : memref<!tpu.dma_semaphore, #tpu.memory_space<semaphore_mem>>)
      %dma_wait3A_197 = arith.constant 0 : i32
      %dma_wait3A_198 = tpu.memref_slice %arg12[%add3A_22, %dma_wait3A_197] : memref<10240x128xf32, #tpu.memory_space<vmem_shared>> -> memref<128x128xf32, #tpu.memory_space<vmem_shared>>
      %dma_wait3A_199 = arith.constant 0 : i32
      %dma_wait3A_200 = tpu.memref_slice %arg12[%add3A_22, %dma_wait3A_199] : memref<10240x128xf32, #tpu.memory_space<vmem_shared>> -> memref<128x128xf32, #tpu.memory_space<vmem_shared>>
      tpu.wait_dma2 semaphore(%run_scoped3A : memref<!tpu.dma_semaphore, #tpu.memory_space<semaphore_mem>>) src(%arg10 : memref<128x128xf32, #tpu.memory_space<vmem>>) dst(%dma_wait3A_200 : memref<128x128xf32, #tpu.memory_space<vmem_shared>>)
      tpu.yield
    }) : () -> ()
    %mul3A_23 = arith.constant 640 : i32
    %mul3A_24 = arith.muli %arg1, %mul3A_23 : i32
    %add3A_25 = arith.constant 512 : i32
    %add3A_26 = arith.addi %mul3A_24, %add3A_25 : i32
    "tpu.region"() ({
      %run_scoped3A = tpu.sem_alloc : memref<!tpu.dma_semaphore, #tpu.memory_space<semaphore_mem>>
      %dma_start3A_193 = arith.constant 0 : i32
      %dma_start3A_194 = tpu.memref_slice %arg12[%add3A_26, %dma_start3A_193] : memref<10240x128xf32, #tpu.memory_space<vmem_shared>> -> memref<128x128xf32, #tpu.memory_space<vmem_shared>>
      %dma_start3A_195 = arith.constant 0 : i32
      %dma_start3A_196 = tpu.memref_slice %arg12[%add3A_26, %dma_start3A_195] : memref<10240x128xf32, #tpu.memory_space<vmem_shared>> -> memref<128x128xf32, #tpu.memory_space<vmem_shared>>
      tpu.enqueue_dma source(%arg10 : memref<128x128xf32, #tpu.memory_space<vmem>>) target(%dma_start3A_196 : memref<128x128xf32, #tpu.memory_space<vmem_shared>>) target_semaphore(%run_scoped3A : memref<!tpu.dma_semaphore, #tpu.memory_space<semaphore_mem>>)
      %dma_wait3A_197 = arith.constant 0 : i32
      %dma_wait3A_198 = tpu.memref_slice %arg12[%add3A_26, %dma_wait3A_197] : memref<10240x128xf32, #tpu.memory_space<vmem_shared>> -> memref<128x128xf32, #tpu.memory_space<vmem_shared>>
      %dma_wait3A_199 = arith.constant 0 : i32
      %dma_wait3A_200 = tpu.memref_slice %arg12[%add3A_26, %dma_wait3A_199] : memref<10240x128xf32, #tpu.memory_space<vmem_shared>> -> memref<128x128xf32, #tpu.memory_space<vmem_shared>>
      tpu.wait_dma2 semaphore(%run_scoped3A : memref<!tpu.dma_semaphore, #tpu.memory_space<semaphore_mem>>) src(%arg10 : memref<128x128xf32, #tpu.memory_space<vmem>>) dst(%dma_wait3A_200 : memref<128x128xf32, #tpu.memory_space<vmem_shared>>)
      tpu.yield
    }) : () -> ()
    "tpu.region"() ({
      %run_scoped3A = tpu.sem_alloc : memref<!tpu.dma_semaphore, #tpu.memory_space<semaphore_mem>>
      %dma_start3A_193 = arith.constant 0 : i32
      %dma_start3A_194 = arith.constant 0 : i32
      %dma_start3A_195 = tpu.memref_slice %arg3[%add3A, %dma_start3A_193, %dma_start3A_194] : memref<32x80x128xi32, #tpu.memory_space<hbm>> -> memref<1x80x128xi32, #tpu.memory_space<hbm>>
      %dma_start3A_196 = tpu.memref_squeeze %dma_start3A_195 : memref<1x80x128xi32, #tpu.memory_space<hbm>> -> memref<80x128xi32, #tpu.memory_space<hbm>>
      %dma_start3A_197 = arith.constant 0 : i32
      %dma_start3A_198 = arith.constant 0 : i32
      %dma_start3A_199 = tpu.memref_slice %arg3[%add3A, %dma_start3A_197, %dma_start3A_198] : memref<32x80x128xi32, #tpu.memory_space<hbm>> -> memref<1x80x128xi32, #tpu.memory_space<hbm>>
      %dma_start3A_200 = tpu.memref_squeeze %dma_start3A_199 : memref<1x80x128xi32, #tpu.memory_space<hbm>> -> memref<80x128xi32, #tpu.memory_space<hbm>>
      tpu.enqueue_dma source(%dma_start3A_200 : memref<80x128xi32, #tpu.memory_space<hbm>>) target(%arg5 : memref<80x128xi32, #tpu.memory_space<vmem>>) target_semaphore(%run_scoped3A : memref<!tpu.dma_semaphore, #tpu.memory_space<semaphore_mem>>)
      %dma_wait3A_201 = arith.constant 0 : i32
      %dma_wait3A_202 = arith.constant 0 : i32
      %dma_wait3A_203 = tpu.memref_slice %arg3[%add3A, %dma_wait3A_201, %dma_wait3A_202] : memref<32x80x128xi32, #tpu.memory_space<hbm>> -> memref<1x80x128xi32, #tpu.memory_space<hbm>>
      %dma_wait3A_204 = tpu.memref_squeeze %dma_wait3A_203 : memref<1x80x128xi32, #tpu.memory_space<hbm>> -> memref<80x128xi32, #tpu.memory_space<hbm>>
      %dma_wait3A_205 = arith.constant 0 : i32
      %dma_wait3A_206 = arith.constant 0 : i32
      %dma_wait3A_207 = tpu.memref_slice %arg3[%add3A, %dma_wait3A_205, %dma_wait3A_206] : memref<32x80x128xi32, #tpu.memory_space<hbm>> -> memref<1x80x128xi32, #tpu.memory_space<hbm>>
      %dma_wait3A_208 = tpu.memref_squeeze %dma_wait3A_207 : memref<1x80x128xi32, #tpu.memory_space<hbm>> -> memref<80x128xi32, #tpu.memory_space<hbm>>
      tpu.wait_dma2 semaphore(%run_scoped3A : memref<!tpu.dma_semaphore, #tpu.memory_space<semaphore_mem>>) src(%dma_wait3A_208 : memref<80x128xi32, #tpu.memory_space<hbm>>) dst(%arg5 : memref<80x128xi32, #tpu.memory_space<vmem>>)
      tpu.yield
    }) : () -> ()
    %barrier3A = arith.constant 0 : index
    tpu.barrier barrier_id(%barrier3A)
    %get3A = arith.constant 0 : i32
    %get3A_27 = arith.index_cast %get3A : i32 to index
    %get3A_28 = arith.constant 0 : index
    %get3A_29 = tpu.vector_load %arg5[%get3A_27, %get3A_28] {strides = array<i32>} : memref<80x128xi32, #tpu.memory_space<vmem>>, vector<1x16xi32>,
    %get3A_30 = vector.shape_cast %get3A_29 : vector<1x16xi32> to vector<16xi32>
    %and3A = arith.constant 65535 : i32
    %and3A_31 = vector.broadcast %and3A : i32 to vector<16xi32>
    %and3A_32 = arith.andi %get3A_30, %and3A_31 : vector<16xi32>
    %swap3A = arith.constant 0 : index
    %swap3A_33 = tpu.vector_load %arg6[%swap3A] {strides = array<i32>} : memref<128xi32, #tpu.memory_space<vmem>>, vector<16xi32>,
    %swap3A_34 = vector.shape_cast %swap3A_33 : vector<16xi32> to vector<16xi32>
    %swap3A_35 = vector.shape_cast %and3A_32 : vector<16xi32> to vector<16xi32>
    tpu.vector_store %arg6[%swap3A], %swap3A_35 {strides = array<i32>} : memref<128xi32, #tpu.memory_space<vmem>>, vector<16xi32>,
    %shift_right_logical3A = arith.constant 16 : i32
    %shift_right_logical3A_36 = vector.broadcast %shift_right_logical3A : i32 to vector<16xi32>
    %shift_right_logical3A_37 = arith.shrui %get3A_30, %shift_right_logical3A_36 : vector<16xi32>
    %swap3A_38 = arith.constant 0 : index
    %swap3A_39 = tpu.vector_load %arg8[%swap3A_38] {strides = array<i32>} : memref<128xi32, #tpu.memory_space<vmem>>, vector<16xi32>,
    %swap3A_40 = vector.shape_cast %swap3A_39 : vector<16xi32> to vector<16xi32>
    %swap3A_41 = vector.shape_cast %shift_right_logical3A_37 : vector<16xi32> to vector<16xi32>
    tpu.vector_store %arg8[%swap3A_38], %swap3A_41 {strides = array<i32>} : memref<128xi32, #tpu.memory_space<vmem>>, vector<16xi32>,
    %get3A_42 = arith.constant 0 : i32
    %get3A_43 = arith.index_cast %get3A_42 : i32 to index
    %get3A_44 = arith.constant 16 : index
    %get3A_45 = tpu.vector_load %arg5[%get3A_43, %get3A_44] {strides = array<i32>} : memref<80x128xi32, #tpu.memory_space<vmem>>, vector<1x16xi32>,
    %get3A_46 = vector.shape_cast %get3A_45 : vector<1x16xi32> to vector<16xi32>
    %and3A_47 = arith.constant 65535 : i32
    %and3A_48 = vector.broadcast %and3A_47 : i32 to vector<16xi32>
    %and3A_49 = arith.andi %get3A_46, %and3A_48 : vector<16xi32>
    %swap3A_50 = arith.constant 16 : index
    %swap3A_51 = tpu.vector_load %arg6[%swap3A_50] {strides = array<i32>} : memref<128xi32, #tpu.memory_space<vmem>>, vector<16xi32>,
    %swap3A_52 = vector.shape_cast %swap3A_51 : vector<16xi32> to vector<16xi32>
    %swap3A_53 = vector.shape_cast %and3A_49 : vector<16xi32> to vector<16xi32>
    tpu.vector_store %arg6[%swap3A_50], %swap3A_53 {strides = array<i32>} : memref<128xi32, #tpu.memory_space<vmem>>, vector<16xi32>,
    %shift_right_logical3A_54 = arith.constant 16 : i32
    %shift_right_logical3A_55 = vector.broadcast %shift_right_logical3A_54 : i32 to vector<16xi32>
    %shift_right_logical3A_56 = arith.shrui %get3A_46, %shift_right_logical3A_55 : vector<16xi32>
    %swap3A_57 = arith.constant 16 : index
    %swap3A_58 = tpu.vector_load %arg8[%swap3A_57] {strides = array<i32>} : memref<128xi32, #tpu.memory_space<vmem>>, vector<16xi32>,
    %swap3A_59 = vector.shape_cast %swap3A_58 : vector<16xi32> to vector<16xi32>
    %swap3A_60 = vector.shape_cast %shift_right_logical3A_56 : vector<16xi32> to vector<16xi32>
    tpu.vector_store %arg8[%swap3A_57], %swap3A_60 {strides = array<i32>} : memref<128xi32, #tpu.memory_space<vmem>>, vector<16xi32>,
    %get3A_61 = arith.constant 0 : i32
    %get3A_62 = arith.index_cast %get3A_61 : i32 to index
    %get3A_63 = arith.constant 32 : index
    %get3A_64 = tpu.vector_load %arg5[%get3A_62, %get3A_63] {strides = array<i32>} : memref<80x128xi32, #tpu.memory_space<vmem>>, vector<1x16xi32>,
    %get3A_65 = vector.shape_cast %get3A_64 : vector<1x16xi32> to vector<16xi32>
    %and3A_66 = arith.constant 65535 : i32
    %and3A_67 = vector.broadcast %and3A_66 : i32 to vector<16xi32>
    %and3A_68 = arith.andi %get3A_65, %and3A_67 : vector<16xi32>
    %swap3A_69 = arith.constant 32 : index
    %swap3A_70 = tpu.vector_load %arg6[%swap3A_69] {strides = array<i32>} : memref<128xi32, #tpu.memory_space<vmem>>, vector<16xi32>,
    %swap3A_71 = vector.shape_cast %swap3A_70 : vector<16xi32> to vector<16xi32>
    %swap3A_72 = vector.shape_cast %and3A_68 : vector<16xi32> to vector<16xi32>
    tpu.vector_store %arg6[%swap3A_69], %swap3A_72 {strides = array<i32>} : memref<128xi32, #tpu.memory_space<vmem>>, vector<16xi32>,
    %shift_right_logical3A_73 = arith.constant 16 : i32
    %shift_right_logical3A_74 = vector.broadcast %shift_right_logical3A_73 : i32 to vector<16xi32>
    %shift_right_logical3A_75 = arith.shrui %get3A_65, %shift_right_logical3A_74 : vector<16xi32>
    %swap3A_76 = arith.constant 32 : index
    %swap3A_77 = tpu.vector_load %arg8[%swap3A_76] {strides = array<i32>} : memref<128xi32, #tpu.memory_space<vmem>>, vector<16xi32>,
    %swap3A_78 = vector.shape_cast %swap3A_77 : vector<16xi32> to vector<16xi32>
    %swap3A_79 = vector.shape_cast %shift_right_logical3A_75 : vector<16xi32> to vector<16xi32>
    tpu.vector_store %arg8[%swap3A_76], %swap3A_79 {strides = array<i32>} : memref<128xi32, #tpu.memory_space<vmem>>, vector<16xi32>,
    %get3A_80 = arith.constant 0 : i32
    %get3A_81 = arith.index_cast %get3A_80 : i32 to index
    %get3A_82 = arith.constant 48 : index
    %get3A_83 = tpu.vector_load %arg5[%get3A_81, %get3A_82] {strides = array<i32>} : memref<80x128xi32, #tpu.memory_space<vmem>>, vector<1x16xi32>,
    %get3A_84 = vector.shape_cast %get3A_83 : vector<1x16xi32> to vector<16xi32>
    %and3A_85 = arith.constant 65535 : i32
    %and3A_86 = vector.broadcast %and3A_85 : i32 to vector<16xi32>
    %and3A_87 = arith.andi %get3A_84, %and3A_86 : vector<16xi32>
    %swap3A_88 = arith.constant 48 : index
    %swap3A_89 = tpu.vector_load %arg6[%swap3A_88] {strides = array<i32>} : memref<128xi32, #tpu.memory_space<vmem>>, vector<16xi32>,
    %swap3A_90 = vector.shape_cast %swap3A_89 : vector<16xi32> to vector<16xi32>
    %swap3A_91 = vector.shape_cast %and3A_87 : vector<16xi32> to vector<16xi32>
    tpu.vector_store %arg6[%swap3A_88], %swap3A_91 {strides = array<i32>} : memref<128xi32, #tpu.memory_space<vmem>>, vector<16xi32>,
    %shift_right_logical3A_92 = arith.constant 16 : i32
    %shift_right_logical3A_93 = vector.broadcast %shift_right_logical3A_92 : i32 to vector<16xi32>
    %shift_right_logical3A_94 = arith.shrui %get3A_84, %shift_right_logical3A_93 : vector<16xi32>
    %swap3A_95 = arith.constant 48 : index
    %swap3A_96 = tpu.vector_load %arg8[%swap3A_95] {strides = array<i32>} : memref<128xi32, #tpu.memory_space<vmem>>, vector<16xi32>,
    %swap3A_97 = vector.shape_cast %swap3A_96 : vector<16xi32> to vector<16xi32>
    %swap3A_98 = vector.shape_cast %shift_right_logical3A_94 : vector<16xi32> to vector<16xi32>
    tpu.vector_store %arg8[%swap3A_95], %swap3A_98 {strides = array<i32>} : memref<128xi32, #tpu.memory_space<vmem>>, vector<16xi32>,
    %get3A_99 = arith.constant 0 : i32
    %get3A_100 = arith.index_cast %get3A_99 : i32 to index
    %get3A_101 = arith.constant 64 : index
    %get3A_102 = tpu.vector_load %arg5[%get3A_100, %get3A_101] {strides = array<i32>} : memref<80x128xi32, #tpu.memory_space<vmem>>, vector<1x16xi32>,
    %get3A_103 = vector.shape_cast %get3A_102 : vector<1x16xi32> to vector<16xi32>
    %and3A_104 = arith.constant 65535 : i32
    %and3A_105 = vector.broadcast %and3A_104 : i32 to vector<16xi32>
    %and3A_106 = arith.andi %get3A_103, %and3A_105 : vector<16xi32>
    %swap3A_107 = arith.constant 64 : index
    %swap3A_108 = tpu.vector_load %arg6[%swap3A_107] {strides = array<i32>} : memref<128xi32, #tpu.memory_space<vmem>>, vector<16xi32>,
    %swap3A_109 = vector.shape_cast %swap3A_108 : vector<16xi32> to vector<16xi32>
    %swap3A_110 = vector.shape_cast %and3A_106 : vector<16xi32> to vector<16xi32>
    tpu.vector_store %arg6[%swap3A_107], %swap3A_110 {strides = array<i32>} : memref<128xi32, #tpu.memory_space<vmem>>, vector<16xi32>,
    %shift_right_logical3A_111 = arith.constant 16 : i32
    %shift_right_logical3A_112 = vector.broadcast %shift_right_logical3A_111 : i32 to vector<16xi32>
    %shift_right_logical3A_113 = arith.shrui %get3A_103, %shift_right_logical3A_112 : vector<16xi32>
    %swap3A_114 = arith.constant 64 : index
    %swap3A_115 = tpu.vector_load %arg8[%swap3A_114] {strides = array<i32>} : memref<128xi32, #tpu.memory_space<vmem>>, vector<16xi32>,
    %swap3A_116 = vector.shape_cast %swap3A_115 : vector<16xi32> to vector<16xi32>
    %swap3A_117 = vector.shape_cast %shift_right_logical3A_113 : vector<16xi32> to vector<16xi32>
    tpu.vector_store %arg8[%swap3A_114], %swap3A_117 {strides = array<i32>} : memref<128xi32, #tpu.memory_space<vmem>>, vector<16xi32>,
    %get3A_118 = arith.constant 0 : i32
    %get3A_119 = arith.index_cast %get3A_118 : i32 to index
    %get3A_120 = arith.constant 80 : index
    %get3A_121 = tpu.vector_load %arg5[%get3A_119, %get3A_120] {strides = array<i32>} : memref<80x128xi32, #tpu.memory_space<vmem>>, vector<1x16xi32>,
    %get3A_122 = vector.shape_cast %get3A_121 : vector<1x16xi32> to vector<16xi32>
    %and3A_123 = arith.constant 65535 : i32
    %and3A_124 = vector.broadcast %and3A_123 : i32 to vector<16xi32>
    %and3A_125 = arith.andi %get3A_122, %and3A_124 : vector<16xi32>
    %swap3A_126 = arith.constant 80 : index
    %swap3A_127 = tpu.vector_load %arg6[%swap3A_126] {strides = array<i32>} : memref<128xi32, #tpu.memory_space<vmem>>, vector<16xi32>,
    %swap3A_128 = vector.shape_cast %swap3A_127 : vector<16xi32> to vector<16xi32>
    %swap3A_129 = vector.shape_cast %and3A_125 : vector<16xi32> to vector<16xi32>
    tpu.vector_store %arg6[%swap3A_126], %swap3A_129 {strides = array<i32>} : memref<128xi32, #tpu.memory_space<vmem>>, vector<16xi32>,
    %shift_right_logical3A_130 = arith.constant 16 : i32
    %shift_right_logical3A_131 = vector.broadcast %shift_right_logical3A_130 : i32 to vector<16xi32>
    %shift_right_logical3A_132 = arith.shrui %get3A_122, %shift_right_logical3A_131 : vector<16xi32>
    %swap3A_133 = arith.constant 80 : index
    %swap3A_134 = tpu.vector_load %arg8[%swap3A_133] {strides = array<i32>} : memref<128xi32, #tpu.memory_space<vmem>>, vector<16xi32>,
    %swap3A_135 = vector.shape_cast %swap3A_134 : vector<16xi32> to vector<16xi32>
    %swap3A_136 = vector.shape_cast %shift_right_logical3A_132 : vector<16xi32> to vector<16xi32>
    tpu.vector_store %arg8[%swap3A_133], %swap3A_136 {strides = array<i32>} : memref<128xi32, #tpu.memory_space<vmem>>, vector<16xi32>,
    %get3A_137 = arith.constant 0 : i32
    %get3A_138 = arith.index_cast %get3A_137 : i32 to index
    %get3A_139 = arith.constant 96 : index
    %get3A_140 = tpu.vector_load %arg5[%get3A_138, %get3A_139] {strides = array<i32>} : memref<80x128xi32, #tpu.memory_space<vmem>>, vector<1x16xi32>,
    %get3A_141 = vector.shape_cast %get3A_140 : vector<1x16xi32> to vector<16xi32>
    %and3A_142 = arith.constant 65535 : i32
    %and3A_143 = vector.broadcast %and3A_142 : i32 to vector<16xi32>
    %and3A_144 = arith.andi %get3A_141, %and3A_143 : vector<16xi32>
    %swap3A_145 = arith.constant 96 : index
    %swap3A_146 = tpu.vector_load %arg6[%swap3A_145] {strides = array<i32>} : memref<128xi32, #tpu.memory_space<vmem>>, vector<16xi32>,
    %swap3A_147 = vector.shape_cast %swap3A_146 : vector<16xi32> to vector<16xi32>
    %swap3A_148 = vector.shape_cast %and3A_144 : vector<16xi32> to vector<16xi32>
    tpu.vector_store %arg6[%swap3A_145], %swap3A_148 {strides = array<i32>} : memref<128xi32, #tpu.memory_space<vmem>>, vector<16xi32>,
    %shift_right_logical3A_149 = arith.constant 16 : i32
    %shift_right_logical3A_150 = vector.broadcast %shift_right_logical3A_149 : i32 to vector<16xi32>
    %shift_right_logical3A_151 = arith.shrui %get3A_141, %shift_right_logical3A_150 : vector<16xi32>
    %swap3A_152 = arith.constant 96 : index
    %swap3A_153 = tpu.vector_load %arg8[%swap3A_152] {strides = array<i32>} : memref<128xi32, #tpu.memory_space<vmem>>, vector<16xi32>,
    %swap3A_154 = vector.shape_cast %swap3A_153 : vector<16xi32> to vector<16xi32>
    %swap3A_155 = vector.shape_cast %shift_right_logical3A_151 : vector<16xi32> to vector<16xi32>
    tpu.vector_store %arg8[%swap3A_152], %swap3A_155 {strides = array<i32>} : memref<128xi32, #tpu.memory_space<vmem>>, vector<16xi32>,
    %get3A_156 = arith.constant 0 : i32
    %get3A_157 = arith.index_cast %get3A_156 : i32 to index
    %get3A_158 = arith.constant 112 : index
    %get3A_159 = tpu.vector_load %arg5[%get3A_157, %get3A_158] {strides = array<i32>} : memref<80x128xi32, #tpu.memory_space<vmem>>, vector<1x16xi32>,
    %get3A_160 = vector.shape_cast %get3A_159 : vector<1x16xi32> to vector<16xi32>
    %and3A_161 = arith.constant 65535 : i32
    %and3A_162 = vector.broadcast %and3A_161 : i32 to vector<16xi32>
    %and3A_163 = arith.andi %get3A_160, %and3A_162 : vector<16xi32>
    %swap3A_164 = arith.constant 112 : index
    %swap3A_165 = tpu.vector_load %arg6[%swap3A_164] {strides = array<i32>} : memref<128xi32, #tpu.memory_space<vmem>>, vector<16xi32>,
    %swap3A_166 = vector.shape_cast %swap3A_165 : vector<16xi32> to vector<16xi32>
    %swap3A_167 = vector.shape_cast %and3A_163 : vector<16xi32> to vector<16xi32>
    tpu.vector_store %arg6[%swap3A_164], %swap3A_167 {strides = array<i32>} : memref<128xi32, #tpu.memory_space<vmem>>, vector<16xi32>,
    %shift_right_logical3A_168 = arith.constant 16 : i32
    %shift_right_logical3A_169 = vector.broadcast %shift_right_logical3A_168 : i32 to vector<16xi32>
    %shift_right_logical3A_170 = arith.shrui %get3A_160, %shift_right_logical3A_169 : vector<16xi32>
    %swap3A_171 = arith.constant 112 : index
    %swap3A_172 = tpu.vector_load %arg8[%swap3A_171] {strides = array<i32>} : memref<128xi32, #tpu.memory_space<vmem>>, vector<16xi32>,
    %swap3A_173 = vector.shape_cast %swap3A_172 : vector<16xi32> to vector<16xi32>
    %swap3A_174 = vector.shape_cast %shift_right_logical3A_170 : vector<16xi32> to vector<16xi32>
    tpu.vector_store %arg8[%swap3A_171], %swap3A_174 {strides = array<i32>} : memref<128xi32, #tpu.memory_space<vmem>>, vector<16xi32>,
    %dma_start3A = arith.constant 0 : i32
    %dma_start3A_175 = arith.constant 0 : i32
    %dma_start3A_176 = tpu.memref_slice %arg2[%dma_start3A, %dma_start3A_175] : memref<10240x128xf32, #tpu.memory_space<hbm>> -> memref<10240x128xf32, #tpu.memory_space<hbm>>
    tpu.enqueue_indirect_dma source(%dma_start3A_176 : memref<10240x128xf32, #tpu.memory_space<hbm>>) target(%arg10 : memref<128x128xf32, #tpu.memory_space<vmem>>) offsets(%arg6 : memref<128xi32, #tpu.memory_space<vmem>>) semaphore(%arg13 : memref<!tpu.dma_semaphore, #tpu.memory_space<semaphore_mem>>)
    %scan3A_177 = arith.constant 0 : i32
    %scan3A_178 = arith.constant 0 : i32
    %scan3A_179 = arith.constant 40 : i32
    %scan3A_180 = arith.addi %scan3A_178, %scan3A_179 : i32
    %scan3A_181 = arith.constant 1 : i32
    scf.for %scan3A_193 = %scan3A_178 to %scan3A_180 step %scan3A_181  : i32 {
      %mul3A_194 = arith.constant 2 : i32
      %mul3A_195 = arith.muli %mul3A_194, %scan3A_193 : i32
      %gt3A = arith.constant 0 : i32
      %gt3A_196 = arith.cmpi sgt, %scan3A_193, %gt3A : i32
      %convert_element_type3A = arith.extui %gt3A_196 : i1 to i32
      %cond3A = arith.constant 0 : i32
      %cond3A_197 = arith.cmpi ne, %convert_element_type3A, %cond3A : i32
      scf.if %cond3A_197 {
        %dma_wait3A_366 = arith.constant 0 : i32
        %dma_wait3A_367 = arith.constant 0 : i32
        %dma_wait3A_368 = tpu.memref_slice %arg12[%dma_wait3A_366, %dma_wait3A_367] : memref<10240x128xf32, #tpu.memory_space<vmem_shared>> -> memref<10240x128xf32, #tpu.memory_space<vmem_shared>>
        tpu.wait_indirect_dma semaphore(%arg16 : memref<!tpu.dma_semaphore, #tpu.memory_space<semaphore_mem>>) src(%arg10 : memref<128x128xf32, #tpu.memory_space<vmem>>) dst(%dma_wait3A_368 : memref<10240x128xf32, #tpu.memory_space<vmem_shared>>)
      } else {
      }
      %add3A_198 = arith.constant 1 : i32
      %add3A_199 = arith.addi %mul3A_195, %add3A_198 : i32
      %get3A_200 = arith.index_cast %add3A_199 : i32 to index
      %get3A_201 = arith.constant 0 : index
      %get3A_202 = tpu.vector_load %arg5[%get3A_200, %get3A_201] {strides = array<i32>} : memref<80x128xi32, #tpu.memory_space<vmem>>, vector<1x16xi32>,
      %get3A_203 = vector.shape_cast %get3A_202 : vector<1x16xi32> to vector<16xi32>
      %and3A_204 = arith.constant 65535 : i32
      %and3A_205 = vector.broadcast %and3A_204 : i32 to vector<16xi32>
      %and3A_206 = arith.andi %get3A_203, %and3A_205 : vector<16xi32>
      %swap3A_207 = arith.constant 0 : index
      %swap3A_208 = tpu.vector_load %arg7[%swap3A_207] {strides = array<i32>} : memref<128xi32, #tpu.memory_space<vmem>>, vector<16xi32>,
      %swap3A_209 = vector.shape_cast %swap3A_208 : vector<16xi32> to vector<16xi32>
      %swap3A_210 = vector.shape_cast %and3A_206 : vector<16xi32> to vector<16xi32>
      tpu.vector_store %arg7[%swap3A_207], %swap3A_210 {strides = array<i32>} : memref<128xi32, #tpu.memory_space<vmem>>, vector<16xi32>,
      %shift_right_logical3A_211 = arith.constant 16 : i32
      %shift_right_logical3A_212 = vector.broadcast %shift_right_logical3A_211 : i32 to vector<16xi32>
      %shift_right_logical3A_213 = arith.shrui %get3A_203, %shift_right_logical3A_212 : vector<16xi32>
      %swap3A_214 = arith.constant 0 : index
      %swap3A_215 = tpu.vector_load %arg9[%swap3A_214] {strides = array<i32>} : memref<128xi32, #tpu.memory_space<vmem>>, vector<16xi32>,
      %swap3A_216 = vector.shape_cast %swap3A_215 : vector<16xi32> to vector<16xi32>
      %swap3A_217 = vector.shape_cast %shift_right_logical3A_213 : vector<16xi32> to vector<16xi32>
      tpu.vector_store %arg9[%swap3A_214], %swap3A_217 {strides = array<i32>} : memref<128xi32, #tpu.memory_space<vmem>>, vector<16xi32>,
      %get3A_218 = arith.index_cast %add3A_199 : i32 to index
      %get3A_219 = arith.constant 16 : index
      %get3A_220 = tpu.vector_load %arg5[%get3A_218, %get3A_219] {strides = array<i32>} : memref<80x128xi32, #tpu.memory_space<vmem>>, vector<1x16xi32>,
      %get3A_221 = vector.shape_cast %get3A_220 : vector<1x16xi32> to vector<16xi32>
      %and3A_222 = arith.constant 65535 : i32
      %and3A_223 = vector.broadcast %and3A_222 : i32 to vector<16xi32>
      %and3A_224 = arith.andi %get3A_221, %and3A_223 : vector<16xi32>
      %swap3A_225 = arith.constant 16 : index
      %swap3A_226 = tpu.vector_load %arg7[%swap3A_225] {strides = array<i32>} : memref<128xi32, #tpu.memory_space<vmem>>, vector<16xi32>,
      %swap3A_227 = vector.shape_cast %swap3A_226 : vector<16xi32> to vector<16xi32>
      %swap3A_228 = vector.shape_cast %and3A_224 : vector<16xi32> to vector<16xi32>
      tpu.vector_store %arg7[%swap3A_225], %swap3A_228 {strides = array<i32>} : memref<128xi32, #tpu.memory_space<vmem>>, vector<16xi32>,
      %shift_right_logical3A_229 = arith.constant 16 : i32
      %shift_right_logical3A_230 = vector.broadcast %shift_right_logical3A_229 : i32 to vector<16xi32>
      %shift_right_logical3A_231 = arith.shrui %get3A_221, %shift_right_logical3A_230 : vector<16xi32>
      %swap3A_232 = arith.constant 16 : index
      %swap3A_233 = tpu.vector_load %arg9[%swap3A_232] {strides = array<i32>} : memref<128xi32, #tpu.memory_space<vmem>>, vector<16xi32>,
      %swap3A_234 = vector.shape_cast %swap3A_233 : vector<16xi32> to vector<16xi32>
      %swap3A_235 = vector.shape_cast %shift_right_logical3A_231 : vector<16xi32> to vector<16xi32>
      tpu.vector_store %arg9[%swap3A_232], %swap3A_235 {strides = array<i32>} : memref<128xi32, #tpu.memory_space<vmem>>, vector<16xi32>,
      %get3A_236 = arith.index_cast %add3A_199 : i32 to index
      %get3A_237 = arith.constant 32 : index
      %get3A_238 = tpu.vector_load %arg5[%get3A_236, %get3A_237] {strides = array<i32>} : memref<80x128xi32, #tpu.memory_space<vmem>>, vector<1x16xi32>,
      %get3A_239 = vector.shape_cast %get3A_238 : vector<1x16xi32> to vector<16xi32>
      %and3A_240 = arith.constant 65535 : i32
      %and3A_241 = vector.broadcast %and3A_240 : i32 to vector<16xi32>
      %and3A_242 = arith.andi %get3A_239, %and3A_241 : vector<16xi32>
      %swap3A_243 = arith.constant 32 : index
      %swap3A_244 = tpu.vector_load %arg7[%swap3A_243] {strides = array<i32>} : memref<128xi32, #tpu.memory_space<vmem>>, vector<16xi32>,
      %swap3A_245 = vector.shape_cast %swap3A_244 : vector<16xi32> to vector<16xi32>
      %swap3A_246 = vector.shape_cast %and3A_242 : vector<16xi32> to vector<16xi32>
      tpu.vector_store %arg7[%swap3A_243], %swap3A_246 {strides = array<i32>} : memref<128xi32, #tpu.memory_space<vmem>>, vector<16xi32>,
      %shift_right_logical3A_247 = arith.constant 16 : i32
      %shift_right_logical3A_248 = vector.broadcast %shift_right_logical3A_247 : i32 to vector<16xi32>
      %shift_right_logical3A_249 = arith.shrui %get3A_239, %shift_right_logical3A_248 : vector<16xi32>
      %swap3A_250 = arith.constant 32 : index
      %swap3A_251 = tpu.vector_load %arg9[%swap3A_250] {strides = array<i32>} : memref<128xi32, #tpu.memory_space<vmem>>, vector<16xi32>,
      %swap3A_252 = vector.shape_cast %swap3A_251 : vector<16xi32> to vector<16xi32>
      %swap3A_253 = vector.shape_cast %shift_right_logical3A_249 : vector<16xi32> to vector<16xi32>
      tpu.vector_store %arg9[%swap3A_250], %swap3A_253 {strides = array<i32>} : memref<128xi32, #tpu.memory_space<vmem>>, vector<16xi32>,
      %get3A_254 = arith.index_cast %add3A_199 : i32 to index
      %get3A_255 = arith.constant 48 : index
      %get3A_256 = tpu.vector_load %arg5[%get3A_254, %get3A_255] {strides = array<i32>} : memref<80x128xi32, #tpu.memory_space<vmem>>, vector<1x16xi32>,
      %get3A_257 = vector.shape_cast %get3A_256 : vector<1x16xi32> to vector<16xi32>
      %and3A_258 = arith.constant 65535 : i32
      %and3A_259 = vector.broadcast %and3A_258 : i32 to vector<16xi32>
      %and3A_260 = arith.andi %get3A_257, %and3A_259 : vector<16xi32>
      %swap3A_261 = arith.constant 48 : index
      %swap3A_262 = tpu.vector_load %arg7[%swap3A_261] {strides = array<i32>} : memref<128xi32, #tpu.memory_space<vmem>>, vector<16xi32>,
      %swap3A_263 = vector.shape_cast %swap3A_262 : vector<16xi32> to vector<16xi32>
      %swap3A_264 = vector.shape_cast %and3A_260 : vector<16xi32> to vector<16xi32>
      tpu.vector_store %arg7[%swap3A_261], %swap3A_264 {strides = array<i32>} : memref<128xi32, #tpu.memory_space<vmem>>, vector<16xi32>,
      %shift_right_logical3A_265 = arith.constant 16 : i32
      %shift_right_logical3A_266 = vector.broadcast %shift_right_logical3A_265 : i32 to vector<16xi32>
      %shift_right_logical3A_267 = arith.shrui %get3A_257, %shift_right_logical3A_266 : vector<16xi32>
      %swap3A_268 = arith.constant 48 : index
      %swap3A_269 = tpu.vector_load %arg9[%swap3A_268] {strides = array<i32>} : memref<128xi32, #tpu.memory_space<vmem>>, vector<16xi32>,
      %swap3A_270 = vector.shape_cast %swap3A_269 : vector<16xi32> to vector<16xi32>
      %swap3A_271 = vector.shape_cast %shift_right_logical3A_267 : vector<16xi32> to vector<16xi32>
      tpu.vector_store %arg9[%swap3A_268], %swap3A_271 {strides = array<i32>} : memref<128xi32, #tpu.memory_space<vmem>>, vector<16xi32>,
      %get3A_272 = arith.index_cast %add3A_199 : i32 to index
      %get3A_273 = arith.constant 64 : index
      %get3A_274 = tpu.vector_load %arg5[%get3A_272, %get3A_273] {strides = array<i32>} : memref<80x128xi32, #tpu.memory_space<vmem>>, vector<1x16xi32>,
      %get3A_275 = vector.shape_cast %get3A_274 : vector<1x16xi32> to vector<16xi32>
      %and3A_276 = arith.constant 65535 : i32
      %and3A_277 = vector.broadcast %and3A_276 : i32 to vector<16xi32>
      %and3A_278 = arith.andi %get3A_275, %and3A_277 : vector<16xi32>
      %swap3A_279 = arith.constant 64 : index
      %swap3A_280 = tpu.vector_load %arg7[%swap3A_279] {strides = array<i32>} : memref<128xi32, #tpu.memory_space<vmem>>, vector<16xi32>,
      %swap3A_281 = vector.shape_cast %swap3A_280 : vector<16xi32> to vector<16xi32>
      %swap3A_282 = vector.shape_cast %and3A_278 : vector<16xi32> to vector<16xi32>
      tpu.vector_store %arg7[%swap3A_279], %swap3A_282 {strides = array<i32>} : memref<128xi32, #tpu.memory_space<vmem>>, vector<16xi32>,
      %shift_right_logical3A_283 = arith.constant 16 : i32
      %shift_right_logical3A_284 = vector.broadcast %shift_right_logical3A_283 : i32 to vector<16xi32>
      %shift_right_logical3A_285 = arith.shrui %get3A_275, %shift_right_logical3A_284 : vector<16xi32>
      %swap3A_286 = arith.constant 64 : index
      %swap3A_287 = tpu.vector_load %arg9[%swap3A_286] {strides = array<i32>} : memref<128xi32, #tpu.memory_space<vmem>>, vector<16xi32>,
      %swap3A_288 = vector.shape_cast %swap3A_287 : vector<16xi32> to vector<16xi32>
      %swap3A_289 = vector.shape_cast %shift_right_logical3A_285 : vector<16xi32> to vector<16xi32>
      tpu.vector_store %arg9[%swap3A_286], %swap3A_289 {strides = array<i32>} : memref<128xi32, #tpu.memory_space<vmem>>, vector<16xi32>,
      %get3A_290 = arith.index_cast %add3A_199 : i32 to index
      %get3A_291 = arith.constant 80 : index
      %get3A_292 = tpu.vector_load %arg5[%get3A_290, %get3A_291] {strides = array<i32>} : memref<80x128xi32, #tpu.memory_space<vmem>>, vector<1x16xi32>,
      %get3A_293 = vector.shape_cast %get3A_292 : vector<1x16xi32> to vector<16xi32>
      %and3A_294 = arith.constant 65535 : i32
      %and3A_295 = vector.broadcast %and3A_294 : i32 to vector<16xi32>
      %and3A_296 = arith.andi %get3A_293, %and3A_295 : vector<16xi32>
      %swap3A_297 = arith.constant 80 : index
      %swap3A_298 = tpu.vector_load %arg7[%swap3A_297] {strides = array<i32>} : memref<128xi32, #tpu.memory_space<vmem>>, vector<16xi32>,
      %swap3A_299 = vector.shape_cast %swap3A_298 : vector<16xi32> to vector<16xi32>
      %swap3A_300 = vector.shape_cast %and3A_296 : vector<16xi32> to vector<16xi32>
      tpu.vector_store %arg7[%swap3A_297], %swap3A_300 {strides = array<i32>} : memref<128xi32, #tpu.memory_space<vmem>>, vector<16xi32>,
      %shift_right_logical3A_301 = arith.constant 16 : i32
      %shift_right_logical3A_302 = vector.broadcast %shift_right_logical3A_301 : i32 to vector<16xi32>
      %shift_right_logical3A_303 = arith.shrui %get3A_293, %shift_right_logical3A_302 : vector<16xi32>
      %swap3A_304 = arith.constant 80 : index
      %swap3A_305 = tpu.vector_load %arg9[%swap3A_304] {strides = array<i32>} : memref<128xi32, #tpu.memory_space<vmem>>, vector<16xi32>,
      %swap3A_306 = vector.shape_cast %swap3A_305 : vector<16xi32> to vector<16xi32>
      %swap3A_307 = vector.shape_cast %shift_right_logical3A_303 : vector<16xi32> to vector<16xi32>
      tpu.vector_store %arg9[%swap3A_304], %swap3A_307 {strides = array<i32>} : memref<128xi32, #tpu.memory_space<vmem>>, vector<16xi32>,
      %get3A_308 = arith.index_cast %add3A_199 : i32 to index
      %get3A_309 = arith.constant 96 : index
      %get3A_310 = tpu.vector_load %arg5[%get3A_308, %get3A_309] {strides = array<i32>} : memref<80x128xi32, #tpu.memory_space<vmem>>, vector<1x16xi32>,
      %get3A_311 = vector.shape_cast %get3A_310 : vector<1x16xi32> to vector<16xi32>
      %and3A_312 = arith.constant 65535 : i32
      %and3A_313 = vector.broadcast %and3A_312 : i32 to vector<16xi32>
      %and3A_314 = arith.andi %get3A_311, %and3A_313 : vector<16xi32>
      %swap3A_315 = arith.constant 96 : index
      %swap3A_316 = tpu.vector_load %arg7[%swap3A_315] {strides = array<i32>} : memref<128xi32, #tpu.memory_space<vmem>>, vector<16xi32>,
      %swap3A_317 = vector.shape_cast %swap3A_316 : vector<16xi32> to vector<16xi32>
      %swap3A_318 = vector.shape_cast %and3A_314 : vector<16xi32> to vector<16xi32>
      tpu.vector_store %arg7[%swap3A_315], %swap3A_318 {strides = array<i32>} : memref<128xi32, #tpu.memory_space<vmem>>, vector<16xi32>,
      %shift_right_logical3A_319 = arith.constant 16 : i32
      %shift_right_logical3A_320 = vector.broadcast %shift_right_logical3A_319 : i32 to vector<16xi32>
      %shift_right_logical3A_321 = arith.shrui %get3A_311, %shift_right_logical3A_320 : vector<16xi32>
      %swap3A_322 = arith.constant 96 : index
      %swap3A_323 = tpu.vector_load %arg9[%swap3A_322] {strides = array<i32>} : memref<128xi32, #tpu.memory_space<vmem>>, vector<16xi32>,
      %swap3A_324 = vector.shape_cast %swap3A_323 : vector<16xi32> to vector<16xi32>
      %swap3A_325 = vector.shape_cast %shift_right_logical3A_321 : vector<16xi32> to vector<16xi32>
      tpu.vector_store %arg9[%swap3A_322], %swap3A_325 {strides = array<i32>} : memref<128xi32, #tpu.memory_space<vmem>>, vector<16xi32>,
      %get3A_326 = arith.index_cast %add3A_199 : i32 to index
      %get3A_327 = arith.constant 112 : index
      %get3A_328 = tpu.vector_load %arg5[%get3A_326, %get3A_327] {strides = array<i32>} : memref<80x128xi32, #tpu.memory_space<vmem>>, vector<1x16xi32>,
      %get3A_329 = vector.shape_cast %get3A_328 : vector<1x16xi32> to vector<16xi32>
      %and3A_330 = arith.constant 65535 : i32
      %and3A_331 = vector.broadcast %and3A_330 : i32 to vector<16xi32>
      %and3A_332 = arith.andi %get3A_329, %and3A_331 : vector<16xi32>
      %swap3A_333 = arith.constant 112 : index
      %swap3A_334 = tpu.vector_load %arg7[%swap3A_333] {strides = array<i32>} : memref<128xi32, #tpu.memory_space<vmem>>, vector<16xi32>,
      %swap3A_335 = vector.shape_cast %swap3A_334 : vector<16xi32> to vector<16xi32>
      %swap3A_336 = vector.shape_cast %and3A_332 : vector<16xi32> to vector<16xi32>
      tpu.vector_store %arg7[%swap3A_333], %swap3A_336 {strides = array<i32>} : memref<128xi32, #tpu.memory_space<vmem>>, vector<16xi32>,
      %shift_right_logical3A_337 = arith.constant 16 : i32
      %shift_right_logical3A_338 = vector.broadcast %shift_right_logical3A_337 : i32 to vector<16xi32>
      %shift_right_logical3A_339 = arith.shrui %get3A_329, %shift_right_logical3A_338 : vector<16xi32>
      %swap3A_340 = arith.constant 112 : index
      %swap3A_341 = tpu.vector_load %arg9[%swap3A_340] {strides = array<i32>} : memref<128xi32, #tpu.memory_space<vmem>>, vector<16xi32>,
      %swap3A_342 = vector.shape_cast %swap3A_341 : vector<16xi32> to vector<16xi32>
      %swap3A_343 = vector.shape_cast %shift_right_logical3A_339 : vector<16xi32> to vector<16xi32>
      tpu.vector_store %arg9[%swap3A_340], %swap3A_343 {strides = array<i32>} : memref<128xi32, #tpu.memory_space<vmem>>, vector<16xi32>,
      %dma_start3A_344 = arith.constant 0 : i32
      %dma_start3A_345 = arith.constant 0 : i32
      %dma_start3A_346 = tpu.memref_slice %arg2[%dma_start3A_344, %dma_start3A_345] : memref<10240x128xf32, #tpu.memory_space<hbm>> -> memref<10240x128xf32, #tpu.memory_space<hbm>>
      tpu.enqueue_indirect_dma source(%dma_start3A_346 : memref<10240x128xf32, #tpu.memory_space<hbm>>) target(%arg11 : memref<128x128xf32, #tpu.memory_space<vmem>>) offsets(%arg7 : memref<128xi32, #tpu.memory_space<vmem>>) semaphore(%arg14 : memref<!tpu.dma_semaphore, #tpu.memory_space<semaphore_mem>>)
      %dma_wait3A_347 = arith.constant 0 : i32
      %dma_wait3A_348 = arith.constant 0 : i32
      %dma_wait3A_349 = tpu.memref_slice %arg2[%dma_wait3A_347, %dma_wait3A_348] : memref<10240x128xf32, #tpu.memory_space<hbm>> -> memref<10240x128xf32, #tpu.memory_space<hbm>>
      tpu.wait_indirect_dma semaphore(%arg13 : memref<!tpu.dma_semaphore, #tpu.memory_space<semaphore_mem>>) src(%dma_wait3A_349 : memref<10240x128xf32, #tpu.memory_space<hbm>>) dst(%arg10 : memref<128x128xf32, #tpu.memory_space<vmem>>)
      %dma_start3A_350 = arith.constant 0 : i32
      %dma_start3A_351 = arith.constant 0 : i32
      %dma_start3A_352 = tpu.memref_slice %arg12[%dma_start3A_350, %dma_start3A_351] : memref<10240x128xf32, #tpu.memory_space<vmem_shared>> -> memref<10240x128xf32, #tpu.memory_space<vmem_shared>>
      tpu.enqueue_indirect_dma source(%arg10 : memref<128x128xf32, #tpu.memory_space<vmem>>) target(%dma_start3A_352 : memref<10240x128xf32, #tpu.memory_space<vmem_shared>>) offsets(%arg8 : memref<128xi32, #tpu.memory_space<vmem>>) semaphore(%arg15 : memref<!tpu.dma_semaphore, #tpu.memory_space<semaphore_mem>>) {add = true}
      %dma_wait3A_353 = arith.constant 0 : i32
      %dma_wait3A_354 = arith.constant 0 : i32
      %dma_wait3A_355 = tpu.memref_slice %arg2[%dma_wait3A_353, %dma_wait3A_354] : memref<10240x128xf32, #tpu.memory_space<hbm>> -> memref<10240x128xf32, #tpu.memory_space<hbm>>
      tpu.wait_indirect_dma semaphore(%arg14 : memref<!tpu.dma_semaphore, #tpu.memory_space<semaphore_mem>>) src(%dma_wait3A_355 : memref<10240x128xf32, #tpu.memory_space<hbm>>) dst(%arg11 : memref<128x128xf32, #tpu.memory_space<vmem>>)
      %dma_wait3A_356 = arith.constant 0 : i32
      %dma_wait3A_357 = arith.constant 0 : i32
      %dma_wait3A_358 = tpu.memref_slice %arg12[%dma_wait3A_356, %dma_wait3A_357] : memref<10240x128xf32, #tpu.memory_space<vmem_shared>> -> memref<10240x128xf32, #tpu.memory_space<vmem_shared>>
      tpu.wait_indirect_dma semaphore(%arg15 : memref<!tpu.dma_semaphore, #tpu.memory_space<semaphore_mem>>) src(%arg10 : memref<128x128xf32, #tpu.memory_space<vmem>>) dst(%dma_wait3A_358 : memref<10240x128xf32, #tpu.memory_space<vmem_shared>>)
      %lt3A = arith.constant 39 : i32
      %lt3A_359 = arith.cmpi slt, %scan3A_193, %lt3A : i32
      %convert_element_type3A_360 = arith.extui %lt3A_359 : i1 to i32
      %cond3A_361 = arith.constant 0 : i32
      %cond3A_362 = arith.cmpi ne, %convert_element_type3A_360, %cond3A_361 : i32
      scf.if %cond3A_362 {
        %add3A_366 = arith.constant 2 : i32
        %add3A_367 = arith.addi %mul3A_195, %add3A_366 : i32
        %get3A_368 = arith.index_cast %add3A_367 : i32 to index
        %get3A_369 = arith.constant 0 : index
        %get3A_370 = tpu.vector_load %arg5[%get3A_368, %get3A_369] {strides = array<i32>} : memref<80x128xi32, #tpu.memory_space<vmem>>, vector<1x16xi32>,
        %get3A_371 = vector.shape_cast %get3A_370 : vector<1x16xi32> to vector<16xi32>
        %and3A_372 = arith.constant 65535 : i32
        %and3A_373 = vector.broadcast %and3A_372 : i32 to vector<16xi32>
        %and3A_374 = arith.andi %get3A_371, %and3A_373 : vector<16xi32>
        %swap3A_375 = arith.constant 0 : index
        %swap3A_376 = tpu.vector_load %arg6[%swap3A_375] {strides = array<i32>} : memref<128xi32, #tpu.memory_space<vmem>>, vector<16xi32>,
        %swap3A_377 = vector.shape_cast %swap3A_376 : vector<16xi32> to vector<16xi32>
        %swap3A_378 = vector.shape_cast %and3A_374 : vector<16xi32> to vector<16xi32>
        tpu.vector_store %arg6[%swap3A_375], %swap3A_378 {strides = array<i32>} : memref<128xi32, #tpu.memory_space<vmem>>, vector<16xi32>,
        %shift_right_logical3A_379 = arith.constant 16 : i32
        %shift_right_logical3A_380 = vector.broadcast %shift_right_logical3A_379 : i32 to vector<16xi32>
        %shift_right_logical3A_381 = arith.shrui %get3A_371, %shift_right_logical3A_380 : vector<16xi32>
        %swap3A_382 = arith.constant 0 : index
        %swap3A_383 = tpu.vector_load %arg8[%swap3A_382] {strides = array<i32>} : memref<128xi32, #tpu.memory_space<vmem>>, vector<16xi32>,
        %swap3A_384 = vector.shape_cast %swap3A_383 : vector<16xi32> to vector<16xi32>
        %swap3A_385 = vector.shape_cast %shift_right_logical3A_381 : vector<16xi32> to vector<16xi32>
        tpu.vector_store %arg8[%swap3A_382], %swap3A_385 {strides = array<i32>} : memref<128xi32, #tpu.memory_space<vmem>>, vector<16xi32>,
        %get3A_386 = arith.index_cast %add3A_367 : i32 to index
        %get3A_387 = arith.constant 16 : index
        %get3A_388 = tpu.vector_load %arg5[%get3A_386, %get3A_387] {strides = array<i32>} : memref<80x128xi32, #tpu.memory_space<vmem>>, vector<1x16xi32>,
        %get3A_389 = vector.shape_cast %get3A_388 : vector<1x16xi32> to vector<16xi32>
        %and3A_390 = arith.constant 65535 : i32
        %and3A_391 = vector.broadcast %and3A_390 : i32 to vector<16xi32>
        %and3A_392 = arith.andi %get3A_389, %and3A_391 : vector<16xi32>
        %swap3A_393 = arith.constant 16 : index
        %swap3A_394 = tpu.vector_load %arg6[%swap3A_393] {strides = array<i32>} : memref<128xi32, #tpu.memory_space<vmem>>, vector<16xi32>,
        %swap3A_395 = vector.shape_cast %swap3A_394 : vector<16xi32> to vector<16xi32>
        %swap3A_396 = vector.shape_cast %and3A_392 : vector<16xi32> to vector<16xi32>
        tpu.vector_store %arg6[%swap3A_393], %swap3A_396 {strides = array<i32>} : memref<128xi32, #tpu.memory_space<vmem>>, vector<16xi32>,
        %shift_right_logical3A_397 = arith.constant 16 : i32
        %shift_right_logical3A_398 = vector.broadcast %shift_right_logical3A_397 : i32 to vector<16xi32>
        %shift_right_logical3A_399 = arith.shrui %get3A_389, %shift_right_logical3A_398 : vector<16xi32>
        %swap3A_400 = arith.constant 16 : index
        %swap3A_401 = tpu.vector_load %arg8[%swap3A_400] {strides = array<i32>} : memref<128xi32, #tpu.memory_space<vmem>>, vector<16xi32>,
        %swap3A_402 = vector.shape_cast %swap3A_401 : vector<16xi32> to vector<16xi32>
        %swap3A_403 = vector.shape_cast %shift_right_logical3A_399 : vector<16xi32> to vector<16xi32>
        tpu.vector_store %arg8[%swap3A_400], %swap3A_403 {strides = array<i32>} : memref<128xi32, #tpu.memory_space<vmem>>, vector<16xi32>,
        %get3A_404 = arith.index_cast %add3A_367 : i32 to index
        %get3A_405 = arith.constant 32 : index
        %get3A_406 = tpu.vector_load %arg5[%get3A_404, %get3A_405] {strides = array<i32>} : memref<80x128xi32, #tpu.memory_space<vmem>>, vector<1x16xi32>,
        %get3A_407 = vector.shape_cast %get3A_406 : vector<1x16xi32> to vector<16xi32>
        %and3A_408 = arith.constant 65535 : i32
        %and3A_409 = vector.broadcast %and3A_408 : i32 to vector<16xi32>
        %and3A_410 = arith.andi %get3A_407, %and3A_409 : vector<16xi32>
        %swap3A_411 = arith.constant 32 : index
        %swap3A_412 = tpu.vector_load %arg6[%swap3A_411] {strides = array<i32>} : memref<128xi32, #tpu.memory_space<vmem>>, vector<16xi32>,
        %swap3A_413 = vector.shape_cast %swap3A_412 : vector<16xi32> to vector<16xi32>
        %swap3A_414 = vector.shape_cast %and3A_410 : vector<16xi32> to vector<16xi32>
        tpu.vector_store %arg6[%swap3A_411], %swap3A_414 {strides = array<i32>} : memref<128xi32, #tpu.memory_space<vmem>>, vector<16xi32>,
        %shift_right_logical3A_415 = arith.constant 16 : i32
        %shift_right_logical3A_416 = vector.broadcast %shift_right_logical3A_415 : i32 to vector<16xi32>
        %shift_right_logical3A_417 = arith.shrui %get3A_407, %shift_right_logical3A_416 : vector<16xi32>
        %swap3A_418 = arith.constant 32 : index
        %swap3A_419 = tpu.vector_load %arg8[%swap3A_418] {strides = array<i32>} : memref<128xi32, #tpu.memory_space<vmem>>, vector<16xi32>,
        %swap3A_420 = vector.shape_cast %swap3A_419 : vector<16xi32> to vector<16xi32>
        %swap3A_421 = vector.shape_cast %shift_right_logical3A_417 : vector<16xi32> to vector<16xi32>
        tpu.vector_store %arg8[%swap3A_418], %swap3A_421 {strides = array<i32>} : memref<128xi32, #tpu.memory_space<vmem>>, vector<16xi32>,
        %get3A_422 = arith.index_cast %add3A_367 : i32 to index
        %get3A_423 = arith.constant 48 : index
        %get3A_424 = tpu.vector_load %arg5[%get3A_422, %get3A_423] {strides = array<i32>} : memref<80x128xi32, #tpu.memory_space<vmem>>, vector<1x16xi32>,
        %get3A_425 = vector.shape_cast %get3A_424 : vector<1x16xi32> to vector<16xi32>
        %and3A_426 = arith.constant 65535 : i32
        %and3A_427 = vector.broadcast %and3A_426 : i32 to vector<16xi32>
        %and3A_428 = arith.andi %get3A_425, %and3A_427 : vector<16xi32>
        %swap3A_429 = arith.constant 48 : index
        %swap3A_430 = tpu.vector_load %arg6[%swap3A_429] {strides = array<i32>} : memref<128xi32, #tpu.memory_space<vmem>>, vector<16xi32>,
        %swap3A_431 = vector.shape_cast %swap3A_430 : vector<16xi32> to vector<16xi32>
        %swap3A_432 = vector.shape_cast %and3A_428 : vector<16xi32> to vector<16xi32>
        tpu.vector_store %arg6[%swap3A_429], %swap3A_432 {strides = array<i32>} : memref<128xi32, #tpu.memory_space<vmem>>, vector<16xi32>,
        %shift_right_logical3A_433 = arith.constant 16 : i32
        %shift_right_logical3A_434 = vector.broadcast %shift_right_logical3A_433 : i32 to vector<16xi32>
        %shift_right_logical3A_435 = arith.shrui %get3A_425, %shift_right_logical3A_434 : vector<16xi32>
        %swap3A_436 = arith.constant 48 : index
        %swap3A_437 = tpu.vector_load %arg8[%swap3A_436] {strides = array<i32>} : memref<128xi32, #tpu.memory_space<vmem>>, vector<16xi32>,
        %swap3A_438 = vector.shape_cast %swap3A_437 : vector<16xi32> to vector<16xi32>
        %swap3A_439 = vector.shape_cast %shift_right_logical3A_435 : vector<16xi32> to vector<16xi32>
        tpu.vector_store %arg8[%swap3A_436], %swap3A_439 {strides = array<i32>} : memref<128xi32, #tpu.memory_space<vmem>>, vector<16xi32>,
        %get3A_440 = arith.index_cast %add3A_367 : i32 to index
        %get3A_441 = arith.constant 64 : index
        %get3A_442 = tpu.vector_load %arg5[%get3A_440, %get3A_441] {strides = array<i32>} : memref<80x128xi32, #tpu.memory_space<vmem>>, vector<1x16xi32>,
        %get3A_443 = vector.shape_cast %get3A_442 : vector<1x16xi32> to vector<16xi32>
        %and3A_444 = arith.constant 65535 : i32
        %and3A_445 = vector.broadcast %and3A_444 : i32 to vector<16xi32>
        %and3A_446 = arith.andi %get3A_443, %and3A_445 : vector<16xi32>
        %swap3A_447 = arith.constant 64 : index
        %swap3A_448 = tpu.vector_load %arg6[%swap3A_447] {strides = array<i32>} : memref<128xi32, #tpu.memory_space<vmem>>, vector<16xi32>,
        %swap3A_449 = vector.shape_cast %swap3A_448 : vector<16xi32> to vector<16xi32>
        %swap3A_450 = vector.shape_cast %and3A_446 : vector<16xi32> to vector<16xi32>
        tpu.vector_store %arg6[%swap3A_447], %swap3A_450 {strides = array<i32>} : memref<128xi32, #tpu.memory_space<vmem>>, vector<16xi32>,
        %shift_right_logical3A_451 = arith.constant 16 : i32
        %shift_right_logical3A_452 = vector.broadcast %shift_right_logical3A_451 : i32 to vector<16xi32>
        %shift_right_logical3A_453 = arith.shrui %get3A_443, %shift_right_logical3A_452 : vector<16xi32>
        %swap3A_454 = arith.constant 64 : index
        %swap3A_455 = tpu.vector_load %arg8[%swap3A_454] {strides = array<i32>} : memref<128xi32, #tpu.memory_space<vmem>>, vector<16xi32>,
        %swap3A_456 = vector.shape_cast %swap3A_455 : vector<16xi32> to vector<16xi32>
        %swap3A_457 = vector.shape_cast %shift_right_logical3A_453 : vector<16xi32> to vector<16xi32>
        tpu.vector_store %arg8[%swap3A_454], %swap3A_457 {strides = array<i32>} : memref<128xi32, #tpu.memory_space<vmem>>, vector<16xi32>,
        %get3A_458 = arith.index_cast %add3A_367 : i32 to index
        %get3A_459 = arith.constant 80 : index
        %get3A_460 = tpu.vector_load %arg5[%get3A_458, %get3A_459] {strides = array<i32>} : memref<80x128xi32, #tpu.memory_space<vmem>>, vector<1x16xi32>,
        %get3A_461 = vector.shape_cast %get3A_460 : vector<1x16xi32> to vector<16xi32>
        %and3A_462 = arith.constant 65535 : i32
        %and3A_463 = vector.broadcast %and3A_462 : i32 to vector<16xi32>
        %and3A_464 = arith.andi %get3A_461, %and3A_463 : vector<16xi32>
        %swap3A_465 = arith.constant 80 : index
        %swap3A_466 = tpu.vector_load %arg6[%swap3A_465] {strides = array<i32>} : memref<128xi32, #tpu.memory_space<vmem>>, vector<16xi32>,
        %swap3A_467 = vector.shape_cast %swap3A_466 : vector<16xi32> to vector<16xi32>
        %swap3A_468 = vector.shape_cast %and3A_464 : vector<16xi32> to vector<16xi32>
        tpu.vector_store %arg6[%swap3A_465], %swap3A_468 {strides = array<i32>} : memref<128xi32, #tpu.memory_space<vmem>>, vector<16xi32>,
        %shift_right_logical3A_469 = arith.constant 16 : i32
        %shift_right_logical3A_470 = vector.broadcast %shift_right_logical3A_469 : i32 to vector<16xi32>
        %shift_right_logical3A_471 = arith.shrui %get3A_461, %shift_right_logical3A_470 : vector<16xi32>
        %swap3A_472 = arith.constant 80 : index
        %swap3A_473 = tpu.vector_load %arg8[%swap3A_472] {strides = array<i32>} : memref<128xi32, #tpu.memory_space<vmem>>, vector<16xi32>,
        %swap3A_474 = vector.shape_cast %swap3A_473 : vector<16xi32> to vector<16xi32>
        %swap3A_475 = vector.shape_cast %shift_right_logical3A_471 : vector<16xi32> to vector<16xi32>
        tpu.vector_store %arg8[%swap3A_472], %swap3A_475 {strides = array<i32>} : memref<128xi32, #tpu.memory_space<vmem>>, vector<16xi32>,
        %get3A_476 = arith.index_cast %add3A_367 : i32 to index
        %get3A_477 = arith.constant 96 : index
        %get3A_478 = tpu.vector_load %arg5[%get3A_476, %get3A_477] {strides = array<i32>} : memref<80x128xi32, #tpu.memory_space<vmem>>, vector<1x16xi32>,
        %get3A_479 = vector.shape_cast %get3A_478 : vector<1x16xi32> to vector<16xi32>
        %and3A_480 = arith.constant 65535 : i32
        %and3A_481 = vector.broadcast %and3A_480 : i32 to vector<16xi32>
        %and3A_482 = arith.andi %get3A_479, %and3A_481 : vector<16xi32>
        %swap3A_483 = arith.constant 96 : index
        %swap3A_484 = tpu.vector_load %arg6[%swap3A_483] {strides = array<i32>} : memref<128xi32, #tpu.memory_space<vmem>>, vector<16xi32>,
        %swap3A_485 = vector.shape_cast %swap3A_484 : vector<16xi32> to vector<16xi32>
        %swap3A_486 = vector.shape_cast %and3A_482 : vector<16xi32> to vector<16xi32>
        tpu.vector_store %arg6[%swap3A_483], %swap3A_486 {strides = array<i32>} : memref<128xi32, #tpu.memory_space<vmem>>, vector<16xi32>,
        %shift_right_logical3A_487 = arith.constant 16 : i32
        %shift_right_logical3A_488 = vector.broadcast %shift_right_logical3A_487 : i32 to vector<16xi32>
        %shift_right_logical3A_489 = arith.shrui %get3A_479, %shift_right_logical3A_488 : vector<16xi32>
        %swap3A_490 = arith.constant 96 : index
        %swap3A_491 = tpu.vector_load %arg8[%swap3A_490] {strides = array<i32>} : memref<128xi32, #tpu.memory_space<vmem>>, vector<16xi32>,
        %swap3A_492 = vector.shape_cast %swap3A_491 : vector<16xi32> to vector<16xi32>
        %swap3A_493 = vector.shape_cast %shift_right_logical3A_489 : vector<16xi32> to vector<16xi32>
        tpu.vector_store %arg8[%swap3A_490], %swap3A_493 {strides = array<i32>} : memref<128xi32, #tpu.memory_space<vmem>>, vector<16xi32>,
        %get3A_494 = arith.index_cast %add3A_367 : i32 to index
        %get3A_495 = arith.constant 112 : index
        %get3A_496 = tpu.vector_load %arg5[%get3A_494, %get3A_495] {strides = array<i32>} : memref<80x128xi32, #tpu.memory_space<vmem>>, vector<1x16xi32>,
        %get3A_497 = vector.shape_cast %get3A_496 : vector<1x16xi32> to vector<16xi32>
        %and3A_498 = arith.constant 65535 : i32
        %and3A_499 = vector.broadcast %and3A_498 : i32 to vector<16xi32>
        %and3A_500 = arith.andi %get3A_497, %and3A_499 : vector<16xi32>
        %swap3A_501 = arith.constant 112 : index
        %swap3A_502 = tpu.vector_load %arg6[%swap3A_501] {strides = array<i32>} : memref<128xi32, #tpu.memory_space<vmem>>, vector<16xi32>,
        %swap3A_503 = vector.shape_cast %swap3A_502 : vector<16xi32> to vector<16xi32>
        %swap3A_504 = vector.shape_cast %and3A_500 : vector<16xi32> to vector<16xi32>
        tpu.vector_store %arg6[%swap3A_501], %swap3A_504 {strides = array<i32>} : memref<128xi32, #tpu.memory_space<vmem>>, vector<16xi32>,
        %shift_right_logical3A_505 = arith.constant 16 : i32
        %shift_right_logical3A_506 = vector.broadcast %shift_right_logical3A_505 : i32 to vector<16xi32>
        %shift_right_logical3A_507 = arith.shrui %get3A_497, %shift_right_logical3A_506 : vector<16xi32>
        %swap3A_508 = arith.constant 112 : index
        %swap3A_509 = tpu.vector_load %arg8[%swap3A_508] {strides = array<i32>} : memref<128xi32, #tpu.memory_space<vmem>>, vector<16xi32>,
        %swap3A_510 = vector.shape_cast %swap3A_509 : vector<16xi32> to vector<16xi32>
        %swap3A_511 = vector.shape_cast %shift_right_logical3A_507 : vector<16xi32> to vector<16xi32>
        tpu.vector_store %arg8[%swap3A_508], %swap3A_511 {strides = array<i32>} : memref<128xi32, #tpu.memory_space<vmem>>, vector<16xi32>,
        %dma_start3A_512 = arith.constant 0 : i32
        %dma_start3A_513 = arith.constant 0 : i32
        %dma_start3A_514 = tpu.memref_slice %arg2[%dma_start3A_512, %dma_start3A_513] : memref<10240x128xf32, #tpu.memory_space<hbm>> -> memref<10240x128xf32, #tpu.memory_space<hbm>>
        tpu.enqueue_indirect_dma source(%dma_start3A_514 : memref<10240x128xf32, #tpu.memory_space<hbm>>) target(%arg10 : memref<128x128xf32, #tpu.memory_space<vmem>>) offsets(%arg6 : memref<128xi32, #tpu.memory_space<vmem>>) semaphore(%arg13 : memref<!tpu.dma_semaphore, #tpu.memory_space<semaphore_mem>>)
      } else {
      }
      %dma_start3A_363 = arith.constant 0 : i32
      %dma_start3A_364 = arith.constant 0 : i32
      %dma_start3A_365 = tpu.memref_slice %arg12[%dma_start3A_363, %dma_start3A_364] : memref<10240x128xf32, #tpu.memory_space<vmem_shared>> -> memref<10240x128xf32, #tpu.memory_space<vmem_shared>>
      tpu.enqueue_indirect_dma source(%arg11 : memref<128x128xf32, #tpu.memory_space<vmem>>) target(%dma_start3A_365 : memref<10240x128xf32, #tpu.memory_space<vmem_shared>>) offsets(%arg9 : memref<128xi32, #tpu.memory_space<vmem>>) semaphore(%arg16 : memref<!tpu.dma_semaphore, #tpu.memory_space<semaphore_mem>>) {add = true}
    }
    %scan3A_182 = arith.constant 40 : i32
    %dma_wait3A = arith.constant 0 : i32
    %dma_wait3A_183 = arith.constant 0 : i32
    %dma_wait3A_184 = tpu.memref_slice %arg12[%dma_wait3A, %dma_wait3A_183] : memref<10240x128xf32, #tpu.memory_space<vmem_shared>> -> memref<10240x128xf32, #tpu.memory_space<vmem_shared>>
    tpu.wait_indirect_dma semaphore(%arg16 : memref<!tpu.dma_semaphore, #tpu.memory_space<semaphore_mem>>) src(%arg10 : memref<128x128xf32, #tpu.memory_space<vmem>>) dst(%dma_wait3A_184 : memref<10240x128xf32, #tpu.memory_space<vmem_shared>>)
    %barrier3A_185 = arith.constant 0 : index
    tpu.barrier barrier_id(%barrier3A_185)
    %mul3A_186 = arith.constant 640 : i32
    %mul3A_187 = arith.muli %arg1, %mul3A_186 : i32
    %mul3A_188 = arith.constant 10240 : i32
    %mul3A_189 = arith.muli %arg0, %mul3A_188 : i32
    %mul3A_190 = arith.constant 640 : i32
    %mul3A_191 = arith.muli %arg1, %mul3A_190 : i32
    %add3A_192 = arith.addi %mul3A_189, %mul3A_191 : i32
    "tpu.region"() ({
      %run_scoped3A = tpu.sem_alloc : memref<!tpu.dma_semaphore, #tpu.memory_space<semaphore_mem>>
      %dma_start3A_193 = arith.constant 0 : i32
      %dma_start3A_194 = tpu.memref_slice %arg4[%add3A_192, %dma_start3A_193] : memref<20480x128xf32, #tpu.memory_space<hbm>> -> memref<640x128xf32, #tpu.memory_space<hbm>>
      %dma_start3A_195 = arith.constant 0 : i32
      %dma_start3A_196 = tpu.memref_slice %arg12[%mul3A_187, %dma_start3A_195] : memref<10240x128xf32, #tpu.memory_space<vmem_shared>> -> memref<640x128xf32, #tpu.memory_space<vmem_shared>>
      tpu.enqueue_dma source(%dma_start3A_196 : memref<640x128xf32, #tpu.memory_space<vmem_shared>>) target(%dma_start3A_194 : memref<640x128xf32, #tpu.memory_space<hbm>>) target_semaphore(%run_scoped3A : memref<!tpu.dma_semaphore, #tpu.memory_space<semaphore_mem>>)
      %dma_wait3A_197 = arith.constant 0 : i32
      %dma_wait3A_198 = tpu.memref_slice %arg4[%add3A_192, %dma_wait3A_197] : memref<20480x128xf32, #tpu.memory_space<hbm>> -> memref<640x128xf32, #tpu.memory_space<hbm>>
      %dma_wait3A_199 = arith.constant 0 : i32
      %dma_wait3A_200 = tpu.memref_slice %arg12[%mul3A_187, %dma_wait3A_199] : memref<10240x128xf32, #tpu.memory_space<vmem_shared>> -> memref<640x128xf32, #tpu.memory_space<vmem_shared>>
      tpu.wait_dma2 semaphore(%run_scoped3A : memref<!tpu.dma_semaphore, #tpu.memory_space<semaphore_mem>>) src(%dma_wait3A_200 : memref<640x128xf32, #tpu.memory_space<vmem_shared>>) dst(%dma_wait3A_198 : memref<640x128xf32, #tpu.memory_space<hbm>>)
      tpu.yield
    }) : () -> ()
    return
  }
}

#map = affine_map<(d0, d1) -> (0, 0)>
module attributes {stable_mosaic.version = 14 : i64} {
  func.func @_sc_deg_body(%arg0: i32, %arg1: i32, %arg2: memref<2560x128xi32, #tpu.memory_space<hbm>>, %arg3: memref<20480x128xf32, #tpu.memory_space<hbm>>, %arg4: memref<80xi32, #tpu.memory_space<vmem>>, %arg5: memref<80x128xi32, #tpu.memory_space<vmem>>, %arg6: memref<128x128xf32, #tpu.memory_space<vmem>>, %arg7: memref<10240x128xf32, #tpu.memory_space<vmem_shared>>, %arg8: memref<!tpu.dma_semaphore, #tpu.memory_space<semaphore_mem>>) attributes {dimension_semantics = [#tpu.dimension_semantics<core_parallel>, #tpu.dimension_semantics<subcore_parallel>], iteration_bounds = array<i64: 2, 16>, scalar_prefetch = 0 : i64, scratch_operands = 5 : i64, tpu.core_type = #tpu.core_type<sc_vector_subcore>, window_params = [{transform_indices = #map}, {transform_indices = #map}]} {
    %mul3A = arith.constant 2 : i32
    %mul3A_0 = arith.muli %arg1, %mul3A : i32
    %add3A = arith.addi %mul3A_0, %arg0 : i32
    %broadcast_in_dim3A = arith.constant 0.000000e+00 : f32
    %broadcast_in_dim3A_1 = vector.broadcast %broadcast_in_dim3A : f32 to vector<16xf32>
    %scan3A = arith.constant 0 : i32
    %scan3A_2 = arith.constant 0 : i32
    %scan3A_3 = arith.constant 128 : i32
    %scan3A_4 = arith.addi %scan3A_2, %scan3A_3 : i32
    %scan3A_5 = arith.constant 1 : i32
    scf.for %scan3A_98 = %scan3A_2 to %scan3A_4 step %scan3A_5  : i32 {
      %swap3A_99 = arith.index_cast %scan3A_98 : i32 to index
      %swap3A_100 = arith.constant 0 : index
      %swap3A_101 = tpu.vector_load %arg6[%swap3A_99, %swap3A_100] {strides = array<i32>} : memref<128x128xf32, #tpu.memory_space<vmem>>, vector<1x16xf32>,
      %swap3A_102 = vector.shape_cast %swap3A_101 : vector<1x16xf32> to vector<16xf32>
      %swap3A_103 = vector.shape_cast %broadcast_in_dim3A_1 : vector<16xf32> to vector<1x16xf32>
      tpu.vector_store %arg6[%swap3A_99, %swap3A_100], %swap3A_103 {strides = array<i32>} : memref<128x128xf32, #tpu.memory_space<vmem>>, vector<1x16xf32>,
      %swap3A_104 = arith.index_cast %scan3A_98 : i32 to index
      %swap3A_105 = arith.constant 16 : index
      %swap3A_106 = tpu.vector_load %arg6[%swap3A_104, %swap3A_105] {strides = array<i32>} : memref<128x128xf32, #tpu.memory_space<vmem>>, vector<1x16xf32>,
      %swap3A_107 = vector.shape_cast %swap3A_106 : vector<1x16xf32> to vector<16xf32>
      %swap3A_108 = vector.shape_cast %broadcast_in_dim3A_1 : vector<16xf32> to vector<1x16xf32>
      tpu.vector_store %arg6[%swap3A_104, %swap3A_105], %swap3A_108 {strides = array<i32>} : memref<128x128xf32, #tpu.memory_space<vmem>>, vector<1x16xf32>,
      %swap3A_109 = arith.index_cast %scan3A_98 : i32 to index
      %swap3A_110 = arith.constant 32 : index
      %swap3A_111 = tpu.vector_load %arg6[%swap3A_109, %swap3A_110] {strides = array<i32>} : memref<128x128xf32, #tpu.memory_space<vmem>>, vector<1x16xf32>,
      %swap3A_112 = vector.shape_cast %swap3A_111 : vector<1x16xf32> to vector<16xf32>
      %swap3A_113 = vector.shape_cast %broadcast_in_dim3A_1 : vector<16xf32> to vector<1x16xf32>
      tpu.vector_store %arg6[%swap3A_109, %swap3A_110], %swap3A_113 {strides = array<i32>} : memref<128x128xf32, #tpu.memory_space<vmem>>, vector<1x16xf32>,
      %swap3A_114 = arith.index_cast %scan3A_98 : i32 to index
      %swap3A_115 = arith.constant 48 : index
      %swap3A_116 = tpu.vector_load %arg6[%swap3A_114, %swap3A_115] {strides = array<i32>} : memref<128x128xf32, #tpu.memory_space<vmem>>, vector<1x16xf32>,
      %swap3A_117 = vector.shape_cast %swap3A_116 : vector<1x16xf32> to vector<16xf32>
      %swap3A_118 = vector.shape_cast %broadcast_in_dim3A_1 : vector<16xf32> to vector<1x16xf32>
      tpu.vector_store %arg6[%swap3A_114, %swap3A_115], %swap3A_118 {strides = array<i32>} : memref<128x128xf32, #tpu.memory_space<vmem>>, vector<1x16xf32>,
      %swap3A_119 = arith.index_cast %scan3A_98 : i32 to index
      %swap3A_120 = arith.constant 64 : index
      %swap3A_121 = tpu.vector_load %arg6[%swap3A_119, %swap3A_120] {strides = array<i32>} : memref<128x128xf32, #tpu.memory_space<vmem>>, vector<1x16xf32>,
      %swap3A_122 = vector.shape_cast %swap3A_121 : vector<1x16xf32> to vector<16xf32>
      %swap3A_123 = vector.shape_cast %broadcast_in_dim3A_1 : vector<16xf32> to vector<1x16xf32>
      tpu.vector_store %arg6[%swap3A_119, %swap3A_120], %swap3A_123 {strides = array<i32>} : memref<128x128xf32, #tpu.memory_space<vmem>>, vector<1x16xf32>,
      %swap3A_124 = arith.index_cast %scan3A_98 : i32 to index
      %swap3A_125 = arith.constant 80 : index
      %swap3A_126 = tpu.vector_load %arg6[%swap3A_124, %swap3A_125] {strides = array<i32>} : memref<128x128xf32, #tpu.memory_space<vmem>>, vector<1x16xf32>,
      %swap3A_127 = vector.shape_cast %swap3A_126 : vector<1x16xf32> to vector<16xf32>
      %swap3A_128 = vector.shape_cast %broadcast_in_dim3A_1 : vector<16xf32> to vector<1x16xf32>
      tpu.vector_store %arg6[%swap3A_124, %swap3A_125], %swap3A_128 {strides = array<i32>} : memref<128x128xf32, #tpu.memory_space<vmem>>, vector<1x16xf32>,
      %swap3A_129 = arith.index_cast %scan3A_98 : i32 to index
      %swap3A_130 = arith.constant 96 : index
      %swap3A_131 = tpu.vector_load %arg6[%swap3A_129, %swap3A_130] {strides = array<i32>} : memref<128x128xf32, #tpu.memory_space<vmem>>, vector<1x16xf32>,
      %swap3A_132 = vector.shape_cast %swap3A_131 : vector<1x16xf32> to vector<16xf32>
      %swap3A_133 = vector.shape_cast %broadcast_in_dim3A_1 : vector<16xf32> to vector<1x16xf32>
      tpu.vector_store %arg6[%swap3A_129, %swap3A_130], %swap3A_133 {strides = array<i32>} : memref<128x128xf32, #tpu.memory_space<vmem>>, vector<1x16xf32>,
      %swap3A_134 = arith.index_cast %scan3A_98 : i32 to index
      %swap3A_135 = arith.constant 112 : index
      %swap3A_136 = tpu.vector_load %arg6[%swap3A_134, %swap3A_135] {strides = array<i32>} : memref<128x128xf32, #tpu.memory_space<vmem>>, vector<1x16xf32>,
      %swap3A_137 = vector.shape_cast %swap3A_136 : vector<1x16xf32> to vector<16xf32>
      %swap3A_138 = vector.shape_cast %broadcast_in_dim3A_1 : vector<16xf32> to vector<1x16xf32>
      tpu.vector_store %arg6[%swap3A_134, %swap3A_135], %swap3A_138 {strides = array<i32>} : memref<128x128xf32, #tpu.memory_space<vmem>>, vector<1x16xf32>,
    }
    %scan3A_6 = arith.constant 128 : i32
    %mul3A_7 = arith.constant 640 : i32
    %mul3A_8 = arith.muli %arg1, %mul3A_7 : i32
    %add3A_9 = arith.constant 0 : i32
    %add3A_10 = arith.addi %mul3A_8, %add3A_9 : i32
    "tpu.region"() ({
      %run_scoped3A = tpu.sem_alloc : memref<!tpu.dma_semaphore, #tpu.memory_space<semaphore_mem>>
      %dma_start3A_98 = arith.constant 0 : i32
      %dma_start3A_99 = tpu.memref_slice %arg7[%add3A_10, %dma_start3A_98] : memref<10240x128xf32, #tpu.memory_space<vmem_shared>> -> memref<128x128xf32, #tpu.memory_space<vmem_shared>>
      %dma_start3A_100 = arith.constant 0 : i32
      %dma_start3A_101 = tpu.memref_slice %arg7[%add3A_10, %dma_start3A_100] : memref<10240x128xf32, #tpu.memory_space<vmem_shared>> -> memref<128x128xf32, #tpu.memory_space<vmem_shared>>
      tpu.enqueue_dma source(%arg6 : memref<128x128xf32, #tpu.memory_space<vmem>>) target(%dma_start3A_101 : memref<128x128xf32, #tpu.memory_space<vmem_shared>>) target_semaphore(%run_scoped3A : memref<!tpu.dma_semaphore, #tpu.memory_space<semaphore_mem>>)
      %dma_wait3A_102 = arith.constant 0 : i32
      %dma_wait3A_103 = tpu.memref_slice %arg7[%add3A_10, %dma_wait3A_102] : memref<10240x128xf32, #tpu.memory_space<vmem_shared>> -> memref<128x128xf32, #tpu.memory_space<vmem_shared>>
      %dma_wait3A_104 = arith.constant 0 : i32
      %dma_wait3A_105 = tpu.memref_slice %arg7[%add3A_10, %dma_wait3A_104] : memref<10240x128xf32, #tpu.memory_space<vmem_shared>> -> memref<128x128xf32, #tpu.memory_space<vmem_shared>>
      tpu.wait_dma2 semaphore(%run_scoped3A : memref<!tpu.dma_semaphore, #tpu.memory_space<semaphore_mem>>) src(%arg6 : memref<128x128xf32, #tpu.memory_space<vmem>>) dst(%dma_wait3A_105 : memref<128x128xf32, #tpu.memory_space<vmem_shared>>)
      tpu.yield
    }) : () -> ()
    %mul3A_11 = arith.constant 640 : i32
    %mul3A_12 = arith.muli %arg1, %mul3A_11 : i32
    %add3A_13 = arith.constant 128 : i32
    %add3A_14 = arith.addi %mul3A_12, %add3A_13 : i32
    "tpu.region"() ({
      %run_scoped3A = tpu.sem_alloc : memref<!tpu.dma_semaphore, #tpu.memory_space<semaphore_mem>>
      %dma_start3A_98 = arith.constant 0 : i32
      %dma_start3A_99 = tpu.memref_slice %arg7[%add3A_14, %dma_start3A_98] : memref<10240x128xf32, #tpu.memory_space<vmem_shared>> -> memref<128x128xf32, #tpu.memory_space<vmem_shared>>
      %dma_start3A_100 = arith.constant 0 : i32
      %dma_start3A_101 = tpu.memref_slice %arg7[%add3A_14, %dma_start3A_100] : memref<10240x128xf32, #tpu.memory_space<vmem_shared>> -> memref<128x128xf32, #tpu.memory_space<vmem_shared>>
      tpu.enqueue_dma source(%arg6 : memref<128x128xf32, #tpu.memory_space<vmem>>) target(%dma_start3A_101 : memref<128x128xf32, #tpu.memory_space<vmem_shared>>) target_semaphore(%run_scoped3A : memref<!tpu.dma_semaphore, #tpu.memory_space<semaphore_mem>>)
      %dma_wait3A_102 = arith.constant 0 : i32
      %dma_wait3A_103 = tpu.memref_slice %arg7[%add3A_14, %dma_wait3A_102] : memref<10240x128xf32, #tpu.memory_space<vmem_shared>> -> memref<128x128xf32, #tpu.memory_space<vmem_shared>>
      %dma_wait3A_104 = arith.constant 0 : i32
      %dma_wait3A_105 = tpu.memref_slice %arg7[%add3A_14, %dma_wait3A_104] : memref<10240x128xf32, #tpu.memory_space<vmem_shared>> -> memref<128x128xf32, #tpu.memory_space<vmem_shared>>
      tpu.wait_dma2 semaphore(%run_scoped3A : memref<!tpu.dma_semaphore, #tpu.memory_space<semaphore_mem>>) src(%arg6 : memref<128x128xf32, #tpu.memory_space<vmem>>) dst(%dma_wait3A_105 : memref<128x128xf32, #tpu.memory_space<vmem_shared>>)
      tpu.yield
    }) : () -> ()
    %mul3A_15 = arith.constant 640 : i32
    %mul3A_16 = arith.muli %arg1, %mul3A_15 : i32
    %add3A_17 = arith.constant 256 : i32
    %add3A_18 = arith.addi %mul3A_16, %add3A_17 : i32
    "tpu.region"() ({
      %run_scoped3A = tpu.sem_alloc : memref<!tpu.dma_semaphore, #tpu.memory_space<semaphore_mem>>
      %dma_start3A_98 = arith.constant 0 : i32
      %dma_start3A_99 = tpu.memref_slice %arg7[%add3A_18, %dma_start3A_98] : memref<10240x128xf32, #tpu.memory_space<vmem_shared>> -> memref<128x128xf32, #tpu.memory_space<vmem_shared>>
      %dma_start3A_100 = arith.constant 0 : i32
      %dma_start3A_101 = tpu.memref_slice %arg7[%add3A_18, %dma_start3A_100] : memref<10240x128xf32, #tpu.memory_space<vmem_shared>> -> memref<128x128xf32, #tpu.memory_space<vmem_shared>>
      tpu.enqueue_dma source(%arg6 : memref<128x128xf32, #tpu.memory_space<vmem>>) target(%dma_start3A_101 : memref<128x128xf32, #tpu.memory_space<vmem_shared>>) target_semaphore(%run_scoped3A : memref<!tpu.dma_semaphore, #tpu.memory_space<semaphore_mem>>)
      %dma_wait3A_102 = arith.constant 0 : i32
      %dma_wait3A_103 = tpu.memref_slice %arg7[%add3A_18, %dma_wait3A_102] : memref<10240x128xf32, #tpu.memory_space<vmem_shared>> -> memref<128x128xf32, #tpu.memory_space<vmem_shared>>
      %dma_wait3A_104 = arith.constant 0 : i32
      %dma_wait3A_105 = tpu.memref_slice %arg7[%add3A_18, %dma_wait3A_104] : memref<10240x128xf32, #tpu.memory_space<vmem_shared>> -> memref<128x128xf32, #tpu.memory_space<vmem_shared>>
      tpu.wait_dma2 semaphore(%run_scoped3A : memref<!tpu.dma_semaphore, #tpu.memory_space<semaphore_mem>>) src(%arg6 : memref<128x128xf32, #tpu.memory_space<vmem>>) dst(%dma_wait3A_105 : memref<128x128xf32, #tpu.memory_space<vmem_shared>>)
      tpu.yield
    }) : () -> ()
    %mul3A_19 = arith.constant 640 : i32
    %mul3A_20 = arith.muli %arg1, %mul3A_19 : i32
    %add3A_21 = arith.constant 384 : i32
    %add3A_22 = arith.addi %mul3A_20, %add3A_21 : i32
    "tpu.region"() ({
      %run_scoped3A = tpu.sem_alloc : memref<!tpu.dma_semaphore, #tpu.memory_space<semaphore_mem>>
      %dma_start3A_98 = arith.constant 0 : i32
      %dma_start3A_99 = tpu.memref_slice %arg7[%add3A_22, %dma_start3A_98] : memref<10240x128xf32, #tpu.memory_space<vmem_shared>> -> memref<128x128xf32, #tpu.memory_space<vmem_shared>>
      %dma_start3A_100 = arith.constant 0 : i32
      %dma_start3A_101 = tpu.memref_slice %arg7[%add3A_22, %dma_start3A_100] : memref<10240x128xf32, #tpu.memory_space<vmem_shared>> -> memref<128x128xf32, #tpu.memory_space<vmem_shared>>
      tpu.enqueue_dma source(%arg6 : memref<128x128xf32, #tpu.memory_space<vmem>>) target(%dma_start3A_101 : memref<128x128xf32, #tpu.memory_space<vmem_shared>>) target_semaphore(%run_scoped3A : memref<!tpu.dma_semaphore, #tpu.memory_space<semaphore_mem>>)
      %dma_wait3A_102 = arith.constant 0 : i32
      %dma_wait3A_103 = tpu.memref_slice %arg7[%add3A_22, %dma_wait3A_102] : memref<10240x128xf32, #tpu.memory_space<vmem_shared>> -> memref<128x128xf32, #tpu.memory_space<vmem_shared>>
      %dma_wait3A_104 = arith.constant 0 : i32
      %dma_wait3A_105 = tpu.memref_slice %arg7[%add3A_22, %dma_wait3A_104] : memref<10240x128xf32, #tpu.memory_space<vmem_shared>> -> memref<128x128xf32, #tpu.memory_space<vmem_shared>>
      tpu.wait_dma2 semaphore(%run_scoped3A : memref<!tpu.dma_semaphore, #tpu.memory_space<semaphore_mem>>) src(%arg6 : memref<128x128xf32, #tpu.memory_space<vmem>>) dst(%dma_wait3A_105 : memref<128x128xf32, #tpu.memory_space<vmem_shared>>)
      tpu.yield
    }) : () -> ()
    %mul3A_23 = arith.constant 640 : i32
    %mul3A_24 = arith.muli %arg1, %mul3A_23 : i32
    %add3A_25 = arith.constant 512 : i32
    %add3A_26 = arith.addi %mul3A_24, %add3A_25 : i32
    "tpu.region"() ({
      %run_scoped3A = tpu.sem_alloc : memref<!tpu.dma_semaphore, #tpu.memory_space<semaphore_mem>>
      %dma_start3A_98 = arith.constant 0 : i32
      %dma_start3A_99 = tpu.memref_slice %arg7[%add3A_26, %dma_start3A_98] : memref<10240x128xf32, #tpu.memory_space<vmem_shared>> -> memref<128x128xf32, #tpu.memory_space<vmem_shared>>
      %dma_start3A_100 = arith.constant 0 : i32
      %dma_start3A_101 = tpu.memref_slice %arg7[%add3A_26, %dma_start3A_100] : memref<10240x128xf32, #tpu.memory_space<vmem_shared>> -> memref<128x128xf32, #tpu.memory_space<vmem_shared>>
      tpu.enqueue_dma source(%arg6 : memref<128x128xf32, #tpu.memory_space<vmem>>) target(%dma_start3A_101 : memref<128x128xf32, #tpu.memory_space<vmem_shared>>) target_semaphore(%run_scoped3A : memref<!tpu.dma_semaphore, #tpu.memory_space<semaphore_mem>>)
      %dma_wait3A_102 = arith.constant 0 : i32
      %dma_wait3A_103 = tpu.memref_slice %arg7[%add3A_26, %dma_wait3A_102] : memref<10240x128xf32, #tpu.memory_space<vmem_shared>> -> memref<128x128xf32, #tpu.memory_space<vmem_shared>>
      %dma_wait3A_104 = arith.constant 0 : i32
      %dma_wait3A_105 = tpu.memref_slice %arg7[%add3A_26, %dma_wait3A_104] : memref<10240x128xf32, #tpu.memory_space<vmem_shared>> -> memref<128x128xf32, #tpu.memory_space<vmem_shared>>
      tpu.wait_dma2 semaphore(%run_scoped3A : memref<!tpu.dma_semaphore, #tpu.memory_space<semaphore_mem>>) src(%arg6 : memref<128x128xf32, #tpu.memory_space<vmem>>) dst(%dma_wait3A_105 : memref<128x128xf32, #tpu.memory_space<vmem_shared>>)
      tpu.yield
    }) : () -> ()
    %broadcast_in_dim3A_27 = arith.constant 1.000000e+00 : f32
    %broadcast_in_dim3A_28 = vector.broadcast %broadcast_in_dim3A_27 : f32 to vector<16xf32>
    %scan3A_29 = arith.constant 0 : i32
    %scan3A_30 = arith.constant 0 : i32
    %scan3A_31 = arith.constant 128 : i32
    %scan3A_32 = arith.addi %scan3A_30, %scan3A_31 : i32
    %scan3A_33 = arith.constant 1 : i32
    scf.for %scan3A_98 = %scan3A_30 to %scan3A_32 step %scan3A_33  : i32 {
      %swap3A_99 = arith.index_cast %scan3A_98 : i32 to index
      %swap3A_100 = arith.constant 0 : index
      %swap3A_101 = tpu.vector_load %arg6[%swap3A_99, %swap3A_100] {strides = array<i32>} : memref<128x128xf32, #tpu.memory_space<vmem>>, vector<1x16xf32>,
      %swap3A_102 = vector.shape_cast %swap3A_101 : vector<1x16xf32> to vector<16xf32>
      %swap3A_103 = vector.shape_cast %broadcast_in_dim3A_28 : vector<16xf32> to vector<1x16xf32>
      tpu.vector_store %arg6[%swap3A_99, %swap3A_100], %swap3A_103 {strides = array<i32>} : memref<128x128xf32, #tpu.memory_space<vmem>>, vector<1x16xf32>,
      %swap3A_104 = arith.index_cast %scan3A_98 : i32 to index
      %swap3A_105 = arith.constant 16 : index
      %swap3A_106 = tpu.vector_load %arg6[%swap3A_104, %swap3A_105] {strides = array<i32>} : memref<128x128xf32, #tpu.memory_space<vmem>>, vector<1x16xf32>,
      %swap3A_107 = vector.shape_cast %swap3A_106 : vector<1x16xf32> to vector<16xf32>
      %swap3A_108 = vector.shape_cast %broadcast_in_dim3A_28 : vector<16xf32> to vector<1x16xf32>
      tpu.vector_store %arg6[%swap3A_104, %swap3A_105], %swap3A_108 {strides = array<i32>} : memref<128x128xf32, #tpu.memory_space<vmem>>, vector<1x16xf32>,
      %swap3A_109 = arith.index_cast %scan3A_98 : i32 to index
      %swap3A_110 = arith.constant 32 : index
      %swap3A_111 = tpu.vector_load %arg6[%swap3A_109, %swap3A_110] {strides = array<i32>} : memref<128x128xf32, #tpu.memory_space<vmem>>, vector<1x16xf32>,
      %swap3A_112 = vector.shape_cast %swap3A_111 : vector<1x16xf32> to vector<16xf32>
      %swap3A_113 = vector.shape_cast %broadcast_in_dim3A_28 : vector<16xf32> to vector<1x16xf32>
      tpu.vector_store %arg6[%swap3A_109, %swap3A_110], %swap3A_113 {strides = array<i32>} : memref<128x128xf32, #tpu.memory_space<vmem>>, vector<1x16xf32>,
      %swap3A_114 = arith.index_cast %scan3A_98 : i32 to index
      %swap3A_115 = arith.constant 48 : index
      %swap3A_116 = tpu.vector_load %arg6[%swap3A_114, %swap3A_115] {strides = array<i32>} : memref<128x128xf32, #tpu.memory_space<vmem>>, vector<1x16xf32>,
      %swap3A_117 = vector.shape_cast %swap3A_116 : vector<1x16xf32> to vector<16xf32>
      %swap3A_118 = vector.shape_cast %broadcast_in_dim3A_28 : vector<16xf32> to vector<1x16xf32>
      tpu.vector_store %arg6[%swap3A_114, %swap3A_115], %swap3A_118 {strides = array<i32>} : memref<128x128xf32, #tpu.memory_space<vmem>>, vector<1x16xf32>,
      %swap3A_119 = arith.index_cast %scan3A_98 : i32 to index
      %swap3A_120 = arith.constant 64 : index
      %swap3A_121 = tpu.vector_load %arg6[%swap3A_119, %swap3A_120] {strides = array<i32>} : memref<128x128xf32, #tpu.memory_space<vmem>>, vector<1x16xf32>,
      %swap3A_122 = vector.shape_cast %swap3A_121 : vector<1x16xf32> to vector<16xf32>
      %swap3A_123 = vector.shape_cast %broadcast_in_dim3A_28 : vector<16xf32> to vector<1x16xf32>
      tpu.vector_store %arg6[%swap3A_119, %swap3A_120], %swap3A_123 {strides = array<i32>} : memref<128x128xf32, #tpu.memory_space<vmem>>, vector<1x16xf32>,
      %swap3A_124 = arith.index_cast %scan3A_98 : i32 to index
      %swap3A_125 = arith.constant 80 : index
      %swap3A_126 = tpu.vector_load %arg6[%swap3A_124, %swap3A_125] {strides = array<i32>} : memref<128x128xf32, #tpu.memory_space<vmem>>, vector<1x16xf32>,
      %swap3A_127 = vector.shape_cast %swap3A_126 : vector<1x16xf32> to vector<16xf32>
      %swap3A_128 = vector.shape_cast %broadcast_in_dim3A_28 : vector<16xf32> to vector<1x16xf32>
      tpu.vector_store %arg6[%swap3A_124, %swap3A_125], %swap3A_128 {strides = array<i32>} : memref<128x128xf32, #tpu.memory_space<vmem>>, vector<1x16xf32>,
      %swap3A_129 = arith.index_cast %scan3A_98 : i32 to index
      %swap3A_130 = arith.constant 96 : index
      %swap3A_131 = tpu.vector_load %arg6[%swap3A_129, %swap3A_130] {strides = array<i32>} : memref<128x128xf32, #tpu.memory_space<vmem>>, vector<1x16xf32>,
      %swap3A_132 = vector.shape_cast %swap3A_131 : vector<1x16xf32> to vector<16xf32>
      %swap3A_133 = vector.shape_cast %broadcast_in_dim3A_28 : vector<16xf32> to vector<1x16xf32>
      tpu.vector_store %arg6[%swap3A_129, %swap3A_130], %swap3A_133 {strides = array<i32>} : memref<128x128xf32, #tpu.memory_space<vmem>>, vector<1x16xf32>,
      %swap3A_134 = arith.index_cast %scan3A_98 : i32 to index
      %swap3A_135 = arith.constant 112 : index
      %swap3A_136 = tpu.vector_load %arg6[%swap3A_134, %swap3A_135] {strides = array<i32>} : memref<128x128xf32, #tpu.memory_space<vmem>>, vector<1x16xf32>,
      %swap3A_137 = vector.shape_cast %swap3A_136 : vector<1x16xf32> to vector<16xf32>
      %swap3A_138 = vector.shape_cast %broadcast_in_dim3A_28 : vector<16xf32> to vector<1x16xf32>
      tpu.vector_store %arg6[%swap3A_134, %swap3A_135], %swap3A_138 {strides = array<i32>} : memref<128x128xf32, #tpu.memory_space<vmem>>, vector<1x16xf32>,
    }
    %scan3A_34 = arith.constant 128 : i32
    %mul3A_35 = arith.constant 80 : i32
    %mul3A_36 = arith.muli %add3A, %mul3A_35 : i32
    %add3A_37 = arith.constant 0 : i32
    %add3A_38 = arith.addi %mul3A_36, %add3A_37 : i32
    %iota3A = tpu.iota {dimensions = array<i32: 0>} : vector<16xi32>
    %add3A_39 = vector.broadcast %add3A_38 : i32 to vector<16xi32>
    %add3A_40 = arith.addi %add3A_39, %iota3A : vector<16xi32>
    %swap3A = arith.constant 0 : index
    %swap3A_41 = tpu.vector_load %arg4[%swap3A] {strides = array<i32>} : memref<80xi32, #tpu.memory_space<vmem>>, vector<16xi32>,
    %swap3A_42 = vector.shape_cast %swap3A_41 : vector<16xi32> to vector<16xi32>
    %swap3A_43 = vector.shape_cast %add3A_40 : vector<16xi32> to vector<16xi32>
    tpu.vector_store %arg4[%swap3A], %swap3A_43 {strides = array<i32>} : memref<80xi32, #tpu.memory_space<vmem>>, vector<16xi32>,
    %add3A_44 = arith.constant 16 : i32
    %add3A_45 = arith.addi %mul3A_36, %add3A_44 : i32
    %iota3A_46 = tpu.iota {dimensions = array<i32: 0>} : vector<16xi32>
    %add3A_47 = vector.broadcast %add3A_45 : i32 to vector<16xi32>
    %add3A_48 = arith.addi %add3A_47, %iota3A_46 : vector<16xi32>
    %swap3A_49 = arith.constant 16 : index
    %swap3A_50 = tpu.vector_load %arg4[%swap3A_49] {strides = array<i32>} : memref<80xi32, #tpu.memory_space<vmem>>, vector<16xi32>,
    %swap3A_51 = vector.shape_cast %swap3A_50 : vector<16xi32> to vector<16xi32>
    %swap3A_52 = vector.shape_cast %add3A_48 : vector<16xi32> to vector<16xi32>
    tpu.vector_store %arg4[%swap3A_49], %swap3A_52 {strides = array<i32>} : memref<80xi32, #tpu.memory_space<vmem>>, vector<16xi32>,
    %add3A_53 = arith.constant 32 : i32
    %add3A_54 = arith.addi %mul3A_36, %add3A_53 : i32
    %iota3A_55 = tpu.iota {dimensions = array<i32: 0>} : vector<16xi32>
    %add3A_56 = vector.broadcast %add3A_54 : i32 to vector<16xi32>
    %add3A_57 = arith.addi %add3A_56, %iota3A_55 : vector<16xi32>
    %swap3A_58 = arith.constant 32 : index
    %swap3A_59 = tpu.vector_load %arg4[%swap3A_58] {strides = array<i32>} : memref<80xi32, #tpu.memory_space<vmem>>, vector<16xi32>,
    %swap3A_60 = vector.shape_cast %swap3A_59 : vector<16xi32> to vector<16xi32>
    %swap3A_61 = vector.shape_cast %add3A_57 : vector<16xi32> to vector<16xi32>
    tpu.vector_store %arg4[%swap3A_58], %swap3A_61 {strides = array<i32>} : memref<80xi32, #tpu.memory_space<vmem>>, vector<16xi32>,
    %add3A_62 = arith.constant 48 : i32
    %add3A_63 = arith.addi %mul3A_36, %add3A_62 : i32
    %iota3A_64 = tpu.iota {dimensions = array<i32: 0>} : vector<16xi32>
    %add3A_65 = vector.broadcast %add3A_63 : i32 to vector<16xi32>
    %add3A_66 = arith.addi %add3A_65, %iota3A_64 : vector<16xi32>
    %swap3A_67 = arith.constant 48 : index
    %swap3A_68 = tpu.vector_load %arg4[%swap3A_67] {strides = array<i32>} : memref<80xi32, #tpu.memory_space<vmem>>, vector<16xi32>,
    %swap3A_69 = vector.shape_cast %swap3A_68 : vector<16xi32> to vector<16xi32>
    %swap3A_70 = vector.shape_cast %add3A_66 : vector<16xi32> to vector<16xi32>
    tpu.vector_store %arg4[%swap3A_67], %swap3A_70 {strides = array<i32>} : memref<80xi32, #tpu.memory_space<vmem>>, vector<16xi32>,
    %add3A_71 = arith.constant 64 : i32
    %add3A_72 = arith.addi %mul3A_36, %add3A_71 : i32
    %iota3A_73 = tpu.iota {dimensions = array<i32: 0>} : vector<16xi32>
    %add3A_74 = vector.broadcast %add3A_72 : i32 to vector<16xi32>
    %add3A_75 = arith.addi %add3A_74, %iota3A_73 : vector<16xi32>
    %swap3A_76 = arith.constant 64 : index
    %swap3A_77 = tpu.vector_load %arg4[%swap3A_76] {strides = array<i32>} : memref<80xi32, #tpu.memory_space<vmem>>, vector<16xi32>,
    %swap3A_78 = vector.shape_cast %swap3A_77 : vector<16xi32> to vector<16xi32>
    %swap3A_79 = vector.shape_cast %add3A_75 : vector<16xi32> to vector<16xi32>
    tpu.vector_store %arg4[%swap3A_76], %swap3A_79 {strides = array<i32>} : memref<80xi32, #tpu.memory_space<vmem>>, vector<16xi32>,
    %dma_start3A = arith.constant 0 : i32
    %dma_start3A_80 = arith.constant 0 : i32
    %dma_start3A_81 = tpu.memref_slice %arg2[%dma_start3A, %dma_start3A_80] : memref<2560x128xi32, #tpu.memory_space<hbm>> -> memref<2560x128xi32, #tpu.memory_space<hbm>>
    tpu.enqueue_indirect_dma source(%dma_start3A_81 : memref<2560x128xi32, #tpu.memory_space<hbm>>) target(%arg5 : memref<80x128xi32, #tpu.memory_space<vmem>>) offsets(%arg4 : memref<80xi32, #tpu.memory_space<vmem>>) semaphore(%arg8 : memref<!tpu.dma_semaphore, #tpu.memory_space<semaphore_mem>>)
    %dma_wait3A = arith.constant 0 : i32
    %dma_wait3A_82 = arith.constant 0 : i32
    %dma_wait3A_83 = tpu.memref_slice %arg2[%dma_wait3A, %dma_wait3A_82] : memref<2560x128xi32, #tpu.memory_space<hbm>> -> memref<2560x128xi32, #tpu.memory_space<hbm>>
    tpu.wait_indirect_dma semaphore(%arg8 : memref<!tpu.dma_semaphore, #tpu.memory_space<semaphore_mem>>) src(%dma_wait3A_83 : memref<2560x128xi32, #tpu.memory_space<hbm>>) dst(%arg5 : memref<80x128xi32, #tpu.memory_space<vmem>>)
    %barrier3A = arith.constant 0 : index
    tpu.barrier barrier_id(%barrier3A)
    %scan3A_84 = arith.constant 0 : i32
    %scan3A_85 = arith.constant 0 : i32
    %scan3A_86 = arith.constant 20 : i32
    %scan3A_87 = arith.addi %scan3A_85, %scan3A_86 : i32
    %scan3A_88 = arith.constant 1 : i32
    scf.for %scan3A_98 = %scan3A_85 to %scan3A_87 step %scan3A_88  : i32 {
      %mul3A_99 = arith.constant 4 : i32
      %mul3A_100 = arith.muli %scan3A_98, %mul3A_99 : i32
      %add3A_101 = arith.constant 0 : i32
      %add3A_102 = arith.addi %mul3A_100, %add3A_101 : i32
      %dma_start3A_103 = arith.constant 0 : i32
      %dma_start3A_104 = tpu.memref_slice %arg5[%add3A_102, %dma_start3A_103] : memref<80x128xi32, #tpu.memory_space<vmem>> -> memref<1x128xi32, #tpu.memory_space<vmem>>
      %dma_start3A_105 = tpu.memref_squeeze %dma_start3A_104 : memref<1x128xi32, #tpu.memory_space<vmem>> -> memref<128xi32, #tpu.memory_space<vmem>>
      %dma_start3A_106 = arith.constant 0 : i32
      %dma_start3A_107 = arith.constant 0 : i32
      %dma_start3A_108 = tpu.memref_slice %arg7[%dma_start3A_106, %dma_start3A_107] : memref<10240x128xf32, #tpu.memory_space<vmem_shared>> -> memref<10240x128xf32, #tpu.memory_space<vmem_shared>>
      tpu.enqueue_indirect_dma source(%arg6 : memref<128x128xf32, #tpu.memory_space<vmem>>) target(%dma_start3A_108 : memref<10240x128xf32, #tpu.memory_space<vmem_shared>>) offsets(%dma_start3A_105 : memref<128xi32, #tpu.memory_space<vmem>>) semaphore(%arg8 : memref<!tpu.dma_semaphore, #tpu.memory_space<semaphore_mem>>) {add = true}
      %mul3A_109 = arith.constant 4 : i32
      %mul3A_110 = arith.muli %scan3A_98, %mul3A_109 : i32
      %add3A_111 = arith.constant 1 : i32
      %add3A_112 = arith.addi %mul3A_110, %add3A_111 : i32
      %dma_start3A_113 = arith.constant 0 : i32
      %dma_start3A_114 = tpu.memref_slice %arg5[%add3A_112, %dma_start3A_113] : memref<80x128xi32, #tpu.memory_space<vmem>> -> memref<1x128xi32, #tpu.memory_space<vmem>>
      %dma_start3A_115 = tpu.memref_squeeze %dma_start3A_114 : memref<1x128xi32, #tpu.memory_space<vmem>> -> memref<128xi32, #tpu.memory_space<vmem>>
      %dma_start3A_116 = arith.constant 0 : i32
      %dma_start3A_117 = arith.constant 0 : i32
      %dma_start3A_118 = tpu.memref_slice %arg7[%dma_start3A_116, %dma_start3A_117] : memref<10240x128xf32, #tpu.memory_space<vmem_shared>> -> memref<10240x128xf32, #tpu.memory_space<vmem_shared>>
      tpu.enqueue_indirect_dma source(%arg6 : memref<128x128xf32, #tpu.memory_space<vmem>>) target(%dma_start3A_118 : memref<10240x128xf32, #tpu.memory_space<vmem_shared>>) offsets(%dma_start3A_115 : memref<128xi32, #tpu.memory_space<vmem>>) semaphore(%arg8 : memref<!tpu.dma_semaphore, #tpu.memory_space<semaphore_mem>>) {add = true}
      %mul3A_119 = arith.constant 4 : i32
      %mul3A_120 = arith.muli %scan3A_98, %mul3A_119 : i32
      %add3A_121 = arith.constant 2 : i32
      %add3A_122 = arith.addi %mul3A_120, %add3A_121 : i32
      %dma_start3A_123 = arith.constant 0 : i32
      %dma_start3A_124 = tpu.memref_slice %arg5[%add3A_122, %dma_start3A_123] : memref<80x128xi32, #tpu.memory_space<vmem>> -> memref<1x128xi32, #tpu.memory_space<vmem>>
      %dma_start3A_125 = tpu.memref_squeeze %dma_start3A_124 : memref<1x128xi32, #tpu.memory_space<vmem>> -> memref<128xi32, #tpu.memory_space<vmem>>
      %dma_start3A_126 = arith.constant 0 : i32
      %dma_start3A_127 = arith.constant 0 : i32
      %dma_start3A_128 = tpu.memref_slice %arg7[%dma_start3A_126, %dma_start3A_127] : memref<10240x128xf32, #tpu.memory_space<vmem_shared>> -> memref<10240x128xf32, #tpu.memory_space<vmem_shared>>
      tpu.enqueue_indirect_dma source(%arg6 : memref<128x128xf32, #tpu.memory_space<vmem>>) target(%dma_start3A_128 : memref<10240x128xf32, #tpu.memory_space<vmem_shared>>) offsets(%dma_start3A_125 : memref<128xi32, #tpu.memory_space<vmem>>) semaphore(%arg8 : memref<!tpu.dma_semaphore, #tpu.memory_space<semaphore_mem>>) {add = true}
      %mul3A_129 = arith.constant 4 : i32
      %mul3A_130 = arith.muli %scan3A_98, %mul3A_129 : i32
      %add3A_131 = arith.constant 3 : i32
      %add3A_132 = arith.addi %mul3A_130, %add3A_131 : i32
      %dma_start3A_133 = arith.constant 0 : i32
      %dma_start3A_134 = tpu.memref_slice %arg5[%add3A_132, %dma_start3A_133] : memref<80x128xi32, #tpu.memory_space<vmem>> -> memref<1x128xi32, #tpu.memory_space<vmem>>
      %dma_start3A_135 = tpu.memref_squeeze %dma_start3A_134 : memref<1x128xi32, #tpu.memory_space<vmem>> -> memref<128xi32, #tpu.memory_space<vmem>>
      %dma_start3A_136 = arith.constant 0 : i32
      %dma_start3A_137 = arith.constant 0 : i32
      %dma_start3A_138 = tpu.memref_slice %arg7[%dma_start3A_136, %dma_start3A_137] : memref<10240x128xf32, #tpu.memory_space<vmem_shared>> -> memref<10240x128xf32, #tpu.memory_space<vmem_shared>>
      tpu.enqueue_indirect_dma source(%arg6 : memref<128x128xf32, #tpu.memory_space<vmem>>) target(%dma_start3A_138 : memref<10240x128xf32, #tpu.memory_space<vmem_shared>>) offsets(%dma_start3A_135 : memref<128xi32, #tpu.memory_space<vmem>>) semaphore(%arg8 : memref<!tpu.dma_semaphore, #tpu.memory_space<semaphore_mem>>) {add = true}
      %dma_wait3A_139 = arith.constant 0 : i32
      %dma_wait3A_140 = arith.constant 0 : i32
      %dma_wait3A_141 = tpu.memref_slice %arg5[%dma_wait3A_139, %dma_wait3A_140] : memref<80x128xi32, #tpu.memory_space<vmem>> -> memref<1x128xi32, #tpu.memory_space<vmem>>
      %dma_wait3A_142 = tpu.memref_squeeze %dma_wait3A_141 : memref<1x128xi32, #tpu.memory_space<vmem>> -> memref<128xi32, #tpu.memory_space<vmem>>
      %dma_wait3A_143 = arith.constant 0 : i32
      %dma_wait3A_144 = arith.constant 0 : i32
      %dma_wait3A_145 = tpu.memref_slice %arg7[%dma_wait3A_143, %dma_wait3A_144] : memref<10240x128xf32, #tpu.memory_space<vmem_shared>> -> memref<10240x128xf32, #tpu.memory_space<vmem_shared>>
      tpu.wait_indirect_dma semaphore(%arg8 : memref<!tpu.dma_semaphore, #tpu.memory_space<semaphore_mem>>) src(%arg6 : memref<128x128xf32, #tpu.memory_space<vmem>>) dst(%dma_wait3A_145 : memref<10240x128xf32, #tpu.memory_space<vmem_shared>>)
      %dma_wait3A_146 = arith.constant 0 : i32
      %dma_wait3A_147 = arith.constant 0 : i32
      %dma_wait3A_148 = tpu.memref_slice %arg5[%dma_wait3A_146, %dma_wait3A_147] : memref<80x128xi32, #tpu.memory_space<vmem>> -> memref<1x128xi32, #tpu.memory_space<vmem>>
      %dma_wait3A_149 = tpu.memref_squeeze %dma_wait3A_148 : memref<1x128xi32, #tpu.memory_space<vmem>> -> memref<128xi32, #tpu.memory_space<vmem>>
      %dma_wait3A_150 = arith.constant 0 : i32
      %dma_wait3A_151 = arith.constant 0 : i32
      %dma_wait3A_152 = tpu.memref_slice %arg7[%dma_wait3A_150, %dma_wait3A_151] : memref<10240x128xf32, #tpu.memory_space<vmem_shared>> -> memref<10240x128xf32, #tpu.memory_space<vmem_shared>>
      tpu.wait_indirect_dma semaphore(%arg8 : memref<!tpu.dma_semaphore, #tpu.memory_space<semaphore_mem>>) src(%arg6 : memref<128x128xf32, #tpu.memory_space<vmem>>) dst(%dma_wait3A_152 : memref<10240x128xf32, #tpu.memory_space<vmem_shared>>)
      %dma_wait3A_153 = arith.constant 0 : i32
      %dma_wait3A_154 = arith.constant 0 : i32
      %dma_wait3A_155 = tpu.memref_slice %arg5[%dma_wait3A_153, %dma_wait3A_154] : memref<80x128xi32, #tpu.memory_space<vmem>> -> memref<1x128xi32, #tpu.memory_space<vmem>>
      %dma_wait3A_156 = tpu.memref_squeeze %dma_wait3A_155 : memref<1x128xi32, #tpu.memory_space<vmem>> -> memref<128xi32, #tpu.memory_space<vmem>>
      %dma_wait3A_157 = arith.constant 0 : i32
      %dma_wait3A_158 = arith.constant 0 : i32
      %dma_wait3A_159 = tpu.memref_slice %arg7[%dma_wait3A_157, %dma_wait3A_158] : memref<10240x128xf32, #tpu.memory_space<vmem_shared>> -> memref<10240x128xf32, #tpu.memory_space<vmem_shared>>
      tpu.wait_indirect_dma semaphore(%arg8 : memref<!tpu.dma_semaphore, #tpu.memory_space<semaphore_mem>>) src(%arg6 : memref<128x128xf32, #tpu.memory_space<vmem>>) dst(%dma_wait3A_159 : memref<10240x128xf32, #tpu.memory_space<vmem_shared>>)
      %dma_wait3A_160 = arith.constant 0 : i32
      %dma_wait3A_161 = arith.constant 0 : i32
      %dma_wait3A_162 = tpu.memref_slice %arg5[%dma_wait3A_160, %dma_wait3A_161] : memref<80x128xi32, #tpu.memory_space<vmem>> -> memref<1x128xi32, #tpu.memory_space<vmem>>
      %dma_wait3A_163 = tpu.memref_squeeze %dma_wait3A_162 : memref<1x128xi32, #tpu.memory_space<vmem>> -> memref<128xi32, #tpu.memory_space<vmem>>
      %dma_wait3A_164 = arith.constant 0 : i32
      %dma_wait3A_165 = arith.constant 0 : i32
      %dma_wait3A_166 = tpu.memref_slice %arg7[%dma_wait3A_164, %dma_wait3A_165] : memref<10240x128xf32, #tpu.memory_space<vmem_shared>> -> memref<10240x128xf32, #tpu.memory_space<vmem_shared>>
      tpu.wait_indirect_dma semaphore(%arg8 : memref<!tpu.dma_semaphore, #tpu.memory_space<semaphore_mem>>) src(%arg6 : memref<128x128xf32, #tpu.memory_space<vmem>>) dst(%dma_wait3A_166 : memref<10240x128xf32, #tpu.memory_space<vmem_shared>>)
    }
    %scan3A_89 = arith.constant 20 : i32
    %barrier3A_90 = arith.constant 0 : index
    tpu.barrier barrier_id(%barrier3A_90)
    %mul3A_91 = arith.constant 640 : i32
    %mul3A_92 = arith.muli %arg1, %mul3A_91 : i32
    %mul3A_93 = arith.constant 10240 : i32
    %mul3A_94 = arith.muli %arg0, %mul3A_93 : i32
    %mul3A_95 = arith.constant 640 : i32
    %mul3A_96 = arith.muli %arg1, %mul3A_95 : i32
    %add3A_97 = arith.addi %mul3A_94, %mul3A_96 : i32
    "tpu.region"() ({
      %run_scoped3A = tpu.sem_alloc : memref<!tpu.dma_semaphore, #tpu.memory_space<semaphore_mem>>
      %dma_start3A_98 = arith.constant 0 : i32
      %dma_start3A_99 = tpu.memref_slice %arg3[%add3A_97, %dma_start3A_98] : memref<20480x128xf32, #tpu.memory_space<hbm>> -> memref<640x128xf32, #tpu.memory_space<hbm>>
      %dma_start3A_100 = arith.constant 0 : i32
      %dma_start3A_101 = tpu.memref_slice %arg7[%mul3A_92, %dma_start3A_100] : memref<10240x128xf32, #tpu.memory_space<vmem_shared>> -> memref<640x128xf32, #tpu.memory_space<vmem_shared>>
      tpu.enqueue_dma source(%dma_start3A_101 : memref<640x128xf32, #tpu.memory_space<vmem_shared>>) target(%dma_start3A_99 : memref<640x128xf32, #tpu.memory_space<hbm>>) target_semaphore(%run_scoped3A : memref<!tpu.dma_semaphore, #tpu.memory_space<semaphore_mem>>)
      %dma_wait3A_102 = arith.constant 0 : i32
      %dma_wait3A_103 = tpu.memref_slice %arg3[%add3A_97, %dma_wait3A_102] : memref<20480x128xf32, #tpu.memory_space<hbm>> -> memref<640x128xf32, #tpu.memory_space<hbm>>
      %dma_wait3A_104 = arith.constant 0 : i32
      %dma_wait3A_105 = tpu.memref_slice %arg7[%mul3A_92, %dma_wait3A_104] : memref<10240x128xf32, #tpu.memory_space<vmem_shared>> -> memref<640x128xf32, #tpu.memory_space<vmem_shared>>
      tpu.wait_dma2 semaphore(%run_scoped3A : memref<!tpu.dma_semaphore, #tpu.memory_space<semaphore_mem>>) src(%dma_wait3A_105 : memref<640x128xf32, #tpu.memory_space<vmem_shared>>) dst(%dma_wait3A_103 : memref<640x128xf32, #tpu.memory_space<hbm>>)
      tpu.yield
    }) : () -> ()
    return
  }
}

#map = affine_map<(d0, d1) -> (0, 0)>
#map1 = affine_map<(d0, d1) -> (0, 0, 0)>
module attributes {stable_mosaic.version = 14 : i64} {
  func.func @_sc_decode_body(%arg0: i32, %arg1: i32, %arg2: memref<10240x128xf32, #tpu.memory_space<hbm>>, %arg3: memref<32x26x128xi32, #tpu.memory_space<hbm>>, %arg4: memref<106496x16xf32, #tpu.memory_space<hbm>>, %arg5: memref<26x128xi32, #tpu.memory_space<vmem>>, %arg6: memref<128xi32, #tpu.memory_space<vmem>>, %arg7: memref<128xi32, #tpu.memory_space<vmem>>, %arg8: memref<128xi32, #tpu.memory_space<vmem>>, %arg9: memref<128xi32, #tpu.memory_space<vmem>>, %arg10: memref<128x128xf32, #tpu.memory_space<vmem>>, %arg11: memref<128x128xf32, #tpu.memory_space<vmem>>, %arg12: memref<128x128xf32, #tpu.memory_space<vmem>>, %arg13: memref<128x128xf32, #tpu.memory_space<vmem>>, %arg14: memref<128x16xf32, #tpu.memory_space<vmem>>, %arg15: memref<!tpu.dma_semaphore, #tpu.memory_space<semaphore_mem>>, %arg16: memref<!tpu.dma_semaphore, #tpu.memory_space<semaphore_mem>>, %arg17: memref<!tpu.dma_semaphore, #tpu.memory_space<semaphore_mem>>, %arg18: memref<!tpu.dma_semaphore, #tpu.memory_space<semaphore_mem>>) attributes {dimension_semantics = [#tpu.dimension_semantics<core_parallel>, #tpu.dimension_semantics<subcore_parallel>], iteration_bounds = array<i64: 2, 16>, scalar_prefetch = 0 : i64, scratch_operands = 14 : i64, tpu.core_type = #tpu.core_type<sc_vector_subcore>, window_params = [{transform_indices = #map}, {transform_indices = #map1}, {transform_indices = #map}]} {
    %mul3A = arith.constant 2 : i32
    %mul3A_0 = arith.muli %arg1, %mul3A : i32
    %add3A = arith.addi %mul3A_0, %arg0 : i32
    "tpu.region"() ({
      %run_scoped3A = tpu.sem_alloc : memref<!tpu.dma_semaphore, #tpu.memory_space<semaphore_mem>>
      %dma_start3A_159 = arith.constant 0 : i32
      %dma_start3A_160 = arith.constant 0 : i32
      %dma_start3A_161 = tpu.memref_slice %arg3[%add3A, %dma_start3A_159, %dma_start3A_160] : memref<32x26x128xi32, #tpu.memory_space<hbm>> -> memref<1x26x128xi32, #tpu.memory_space<hbm>>
      %dma_start3A_162 = tpu.memref_squeeze %dma_start3A_161 : memref<1x26x128xi32, #tpu.memory_space<hbm>> -> memref<26x128xi32, #tpu.memory_space<hbm>>
      %dma_start3A_163 = arith.constant 0 : i32
      %dma_start3A_164 = arith.constant 0 : i32
      %dma_start3A_165 = tpu.memref_slice %arg3[%add3A, %dma_start3A_163, %dma_start3A_164] : memref<32x26x128xi32, #tpu.memory_space<hbm>> -> memref<1x26x128xi32, #tpu.memory_space<hbm>>
      %dma_start3A_166 = tpu.memref_squeeze %dma_start3A_165 : memref<1x26x128xi32, #tpu.memory_space<hbm>> -> memref<26x128xi32, #tpu.memory_space<hbm>>
      tpu.enqueue_dma source(%dma_start3A_166 : memref<26x128xi32, #tpu.memory_space<hbm>>) target(%arg5 : memref<26x128xi32, #tpu.memory_space<vmem>>) target_semaphore(%run_scoped3A : memref<!tpu.dma_semaphore, #tpu.memory_space<semaphore_mem>>)
      %dma_wait3A = arith.constant 0 : i32
      %dma_wait3A_167 = arith.constant 0 : i32
      %dma_wait3A_168 = tpu.memref_slice %arg3[%add3A, %dma_wait3A, %dma_wait3A_167] : memref<32x26x128xi32, #tpu.memory_space<hbm>> -> memref<1x26x128xi32, #tpu.memory_space<hbm>>
      %dma_wait3A_169 = tpu.memref_squeeze %dma_wait3A_168 : memref<1x26x128xi32, #tpu.memory_space<hbm>> -> memref<26x128xi32, #tpu.memory_space<hbm>>
      %dma_wait3A_170 = arith.constant 0 : i32
      %dma_wait3A_171 = arith.constant 0 : i32
      %dma_wait3A_172 = tpu.memref_slice %arg3[%add3A, %dma_wait3A_170, %dma_wait3A_171] : memref<32x26x128xi32, #tpu.memory_space<hbm>> -> memref<1x26x128xi32, #tpu.memory_space<hbm>>
      %dma_wait3A_173 = tpu.memref_squeeze %dma_wait3A_172 : memref<1x26x128xi32, #tpu.memory_space<hbm>> -> memref<26x128xi32, #tpu.memory_space<hbm>>
      tpu.wait_dma2 semaphore(%run_scoped3A : memref<!tpu.dma_semaphore, #tpu.memory_space<semaphore_mem>>) src(%dma_wait3A_173 : memref<26x128xi32, #tpu.memory_space<hbm>>) dst(%arg5 : memref<26x128xi32, #tpu.memory_space<vmem>>)
      tpu.yield
    }) : () -> ()
    %get3A = arith.constant 0 : i32
    %get3A_1 = arith.index_cast %get3A : i32 to index
    %get3A_2 = arith.constant 0 : index
    %get3A_3 = tpu.vector_load %arg5[%get3A_1, %get3A_2] {strides = array<i32>} : memref<26x128xi32, #tpu.memory_space<vmem>>, vector<1x16xi32>,
    %get3A_4 = vector.shape_cast %get3A_3 : vector<1x16xi32> to vector<16xi32>
    %and3A = arith.constant 65535 : i32
    %and3A_5 = vector.broadcast %and3A : i32 to vector<16xi32>
    %and3A_6 = arith.andi %get3A_4, %and3A_5 : vector<16xi32>
    %swap3A = arith.constant 0 : index
    %swap3A_7 = tpu.vector_load %arg6[%swap3A] {strides = array<i32>} : memref<128xi32, #tpu.memory_space<vmem>>, vector<16xi32>,
    %swap3A_8 = vector.shape_cast %swap3A_7 : vector<16xi32> to vector<16xi32>
    %swap3A_9 = vector.shape_cast %and3A_6 : vector<16xi32> to vector<16xi32>
    tpu.vector_store %arg6[%swap3A], %swap3A_9 {strides = array<i32>} : memref<128xi32, #tpu.memory_space<vmem>>, vector<16xi32>,
    %shift_right_logical3A = arith.constant 16 : i32
    %shift_right_logical3A_10 = vector.broadcast %shift_right_logical3A : i32 to vector<16xi32>
    %shift_right_logical3A_11 = arith.shrui %get3A_4, %shift_right_logical3A_10 : vector<16xi32>
    %swap3A_12 = arith.constant 0 : index
    %swap3A_13 = tpu.vector_load %arg7[%swap3A_12] {strides = array<i32>} : memref<128xi32, #tpu.memory_space<vmem>>, vector<16xi32>,
    %swap3A_14 = vector.shape_cast %swap3A_13 : vector<16xi32> to vector<16xi32>
    %swap3A_15 = vector.shape_cast %shift_right_logical3A_11 : vector<16xi32> to vector<16xi32>
    tpu.vector_store %arg7[%swap3A_12], %swap3A_15 {strides = array<i32>} : memref<128xi32, #tpu.memory_space<vmem>>, vector<16xi32>,
    %get3A_16 = arith.constant 0 : i32
    %get3A_17 = arith.index_cast %get3A_16 : i32 to index
    %get3A_18 = arith.constant 16 : index
    %get3A_19 = tpu.vector_load %arg5[%get3A_17, %get3A_18] {strides = array<i32>} : memref<26x128xi32, #tpu.memory_space<vmem>>, vector<1x16xi32>,
    %get3A_20 = vector.shape_cast %get3A_19 : vector<1x16xi32> to vector<16xi32>
    %and3A_21 = arith.constant 65535 : i32
    %and3A_22 = vector.broadcast %and3A_21 : i32 to vector<16xi32>
    %and3A_23 = arith.andi %get3A_20, %and3A_22 : vector<16xi32>
    %swap3A_24 = arith.constant 16 : index
    %swap3A_25 = tpu.vector_load %arg6[%swap3A_24] {strides = array<i32>} : memref<128xi32, #tpu.memory_space<vmem>>, vector<16xi32>,
    %swap3A_26 = vector.shape_cast %swap3A_25 : vector<16xi32> to vector<16xi32>
    %swap3A_27 = vector.shape_cast %and3A_23 : vector<16xi32> to vector<16xi32>
    tpu.vector_store %arg6[%swap3A_24], %swap3A_27 {strides = array<i32>} : memref<128xi32, #tpu.memory_space<vmem>>, vector<16xi32>,
    %shift_right_logical3A_28 = arith.constant 16 : i32
    %shift_right_logical3A_29 = vector.broadcast %shift_right_logical3A_28 : i32 to vector<16xi32>
    %shift_right_logical3A_30 = arith.shrui %get3A_20, %shift_right_logical3A_29 : vector<16xi32>
    %swap3A_31 = arith.constant 16 : index
    %swap3A_32 = tpu.vector_load %arg7[%swap3A_31] {strides = array<i32>} : memref<128xi32, #tpu.memory_space<vmem>>, vector<16xi32>,
    %swap3A_33 = vector.shape_cast %swap3A_32 : vector<16xi32> to vector<16xi32>
    %swap3A_34 = vector.shape_cast %shift_right_logical3A_30 : vector<16xi32> to vector<16xi32>
    tpu.vector_store %arg7[%swap3A_31], %swap3A_34 {strides = array<i32>} : memref<128xi32, #tpu.memory_space<vmem>>, vector<16xi32>,
    %get3A_35 = arith.constant 0 : i32
    %get3A_36 = arith.index_cast %get3A_35 : i32 to index
    %get3A_37 = arith.constant 32 : index
    %get3A_38 = tpu.vector_load %arg5[%get3A_36, %get3A_37] {strides = array<i32>} : memref<26x128xi32, #tpu.memory_space<vmem>>, vector<1x16xi32>,
    %get3A_39 = vector.shape_cast %get3A_38 : vector<1x16xi32> to vector<16xi32>
    %and3A_40 = arith.constant 65535 : i32
    %and3A_41 = vector.broadcast %and3A_40 : i32 to vector<16xi32>
    %and3A_42 = arith.andi %get3A_39, %and3A_41 : vector<16xi32>
    %swap3A_43 = arith.constant 32 : index
    %swap3A_44 = tpu.vector_load %arg6[%swap3A_43] {strides = array<i32>} : memref<128xi32, #tpu.memory_space<vmem>>, vector<16xi32>,
    %swap3A_45 = vector.shape_cast %swap3A_44 : vector<16xi32> to vector<16xi32>
    %swap3A_46 = vector.shape_cast %and3A_42 : vector<16xi32> to vector<16xi32>
    tpu.vector_store %arg6[%swap3A_43], %swap3A_46 {strides = array<i32>} : memref<128xi32, #tpu.memory_space<vmem>>, vector<16xi32>,
    %shift_right_logical3A_47 = arith.constant 16 : i32
    %shift_right_logical3A_48 = vector.broadcast %shift_right_logical3A_47 : i32 to vector<16xi32>
    %shift_right_logical3A_49 = arith.shrui %get3A_39, %shift_right_logical3A_48 : vector<16xi32>
    %swap3A_50 = arith.constant 32 : index
    %swap3A_51 = tpu.vector_load %arg7[%swap3A_50] {strides = array<i32>} : memref<128xi32, #tpu.memory_space<vmem>>, vector<16xi32>,
    %swap3A_52 = vector.shape_cast %swap3A_51 : vector<16xi32> to vector<16xi32>
    %swap3A_53 = vector.shape_cast %shift_right_logical3A_49 : vector<16xi32> to vector<16xi32>
    tpu.vector_store %arg7[%swap3A_50], %swap3A_53 {strides = array<i32>} : memref<128xi32, #tpu.memory_space<vmem>>, vector<16xi32>,
    %get3A_54 = arith.constant 0 : i32
    %get3A_55 = arith.index_cast %get3A_54 : i32 to index
    %get3A_56 = arith.constant 48 : index
    %get3A_57 = tpu.vector_load %arg5[%get3A_55, %get3A_56] {strides = array<i32>} : memref<26x128xi32, #tpu.memory_space<vmem>>, vector<1x16xi32>,
    %get3A_58 = vector.shape_cast %get3A_57 : vector<1x16xi32> to vector<16xi32>
    %and3A_59 = arith.constant 65535 : i32
    %and3A_60 = vector.broadcast %and3A_59 : i32 to vector<16xi32>
    %and3A_61 = arith.andi %get3A_58, %and3A_60 : vector<16xi32>
    %swap3A_62 = arith.constant 48 : index
    %swap3A_63 = tpu.vector_load %arg6[%swap3A_62] {strides = array<i32>} : memref<128xi32, #tpu.memory_space<vmem>>, vector<16xi32>,
    %swap3A_64 = vector.shape_cast %swap3A_63 : vector<16xi32> to vector<16xi32>
    %swap3A_65 = vector.shape_cast %and3A_61 : vector<16xi32> to vector<16xi32>
    tpu.vector_store %arg6[%swap3A_62], %swap3A_65 {strides = array<i32>} : memref<128xi32, #tpu.memory_space<vmem>>, vector<16xi32>,
    %shift_right_logical3A_66 = arith.constant 16 : i32
    %shift_right_logical3A_67 = vector.broadcast %shift_right_logical3A_66 : i32 to vector<16xi32>
    %shift_right_logical3A_68 = arith.shrui %get3A_58, %shift_right_logical3A_67 : vector<16xi32>
    %swap3A_69 = arith.constant 48 : index
    %swap3A_70 = tpu.vector_load %arg7[%swap3A_69] {strides = array<i32>} : memref<128xi32, #tpu.memory_space<vmem>>, vector<16xi32>,
    %swap3A_71 = vector.shape_cast %swap3A_70 : vector<16xi32> to vector<16xi32>
    %swap3A_72 = vector.shape_cast %shift_right_logical3A_68 : vector<16xi32> to vector<16xi32>
    tpu.vector_store %arg7[%swap3A_69], %swap3A_72 {strides = array<i32>} : memref<128xi32, #tpu.memory_space<vmem>>, vector<16xi32>,
    %get3A_73 = arith.constant 0 : i32
    %get3A_74 = arith.index_cast %get3A_73 : i32 to index
    %get3A_75 = arith.constant 64 : index
    %get3A_76 = tpu.vector_load %arg5[%get3A_74, %get3A_75] {strides = array<i32>} : memref<26x128xi32, #tpu.memory_space<vmem>>, vector<1x16xi32>,
    %get3A_77 = vector.shape_cast %get3A_76 : vector<1x16xi32> to vector<16xi32>
    %and3A_78 = arith.constant 65535 : i32
    %and3A_79 = vector.broadcast %and3A_78 : i32 to vector<16xi32>
    %and3A_80 = arith.andi %get3A_77, %and3A_79 : vector<16xi32>
    %swap3A_81 = arith.constant 64 : index
    %swap3A_82 = tpu.vector_load %arg6[%swap3A_81] {strides = array<i32>} : memref<128xi32, #tpu.memory_space<vmem>>, vector<16xi32>,
    %swap3A_83 = vector.shape_cast %swap3A_82 : vector<16xi32> to vector<16xi32>
    %swap3A_84 = vector.shape_cast %and3A_80 : vector<16xi32> to vector<16xi32>
    tpu.vector_store %arg6[%swap3A_81], %swap3A_84 {strides = array<i32>} : memref<128xi32, #tpu.memory_space<vmem>>, vector<16xi32>,
    %shift_right_logical3A_85 = arith.constant 16 : i32
    %shift_right_logical3A_86 = vector.broadcast %shift_right_logical3A_85 : i32 to vector<16xi32>
    %shift_right_logical3A_87 = arith.shrui %get3A_77, %shift_right_logical3A_86 : vector<16xi32>
    %swap3A_88 = arith.constant 64 : index
    %swap3A_89 = tpu.vector_load %arg7[%swap3A_88] {strides = array<i32>} : memref<128xi32, #tpu.memory_space<vmem>>, vector<16xi32>,
    %swap3A_90 = vector.shape_cast %swap3A_89 : vector<16xi32> to vector<16xi32>
    %swap3A_91 = vector.shape_cast %shift_right_logical3A_87 : vector<16xi32> to vector<16xi32>
    tpu.vector_store %arg7[%swap3A_88], %swap3A_91 {strides = array<i32>} : memref<128xi32, #tpu.memory_space<vmem>>, vector<16xi32>,
    %get3A_92 = arith.constant 0 : i32
    %get3A_93 = arith.index_cast %get3A_92 : i32 to index
    %get3A_94 = arith.constant 80 : index
    %get3A_95 = tpu.vector_load %arg5[%get3A_93, %get3A_94] {strides = array<i32>} : memref<26x128xi32, #tpu.memory_space<vmem>>, vector<1x16xi32>,
    %get3A_96 = vector.shape_cast %get3A_95 : vector<1x16xi32> to vector<16xi32>
    %and3A_97 = arith.constant 65535 : i32
    %and3A_98 = vector.broadcast %and3A_97 : i32 to vector<16xi32>
    %and3A_99 = arith.andi %get3A_96, %and3A_98 : vector<16xi32>
    %swap3A_100 = arith.constant 80 : index
    %swap3A_101 = tpu.vector_load %arg6[%swap3A_100] {strides = array<i32>} : memref<128xi32, #tpu.memory_space<vmem>>, vector<16xi32>,
    %swap3A_102 = vector.shape_cast %swap3A_101 : vector<16xi32> to vector<16xi32>
    %swap3A_103 = vector.shape_cast %and3A_99 : vector<16xi32> to vector<16xi32>
    tpu.vector_store %arg6[%swap3A_100], %swap3A_103 {strides = array<i32>} : memref<128xi32, #tpu.memory_space<vmem>>, vector<16xi32>,
    %shift_right_logical3A_104 = arith.constant 16 : i32
    %shift_right_logical3A_105 = vector.broadcast %shift_right_logical3A_104 : i32 to vector<16xi32>
    %shift_right_logical3A_106 = arith.shrui %get3A_96, %shift_right_logical3A_105 : vector<16xi32>
    %swap3A_107 = arith.constant 80 : index
    %swap3A_108 = tpu.vector_load %arg7[%swap3A_107] {strides = array<i32>} : memref<128xi32, #tpu.memory_space<vmem>>, vector<16xi32>,
    %swap3A_109 = vector.shape_cast %swap3A_108 : vector<16xi32> to vector<16xi32>
    %swap3A_110 = vector.shape_cast %shift_right_logical3A_106 : vector<16xi32> to vector<16xi32>
    tpu.vector_store %arg7[%swap3A_107], %swap3A_110 {strides = array<i32>} : memref<128xi32, #tpu.memory_space<vmem>>, vector<16xi32>,
    %get3A_111 = arith.constant 0 : i32
    %get3A_112 = arith.index_cast %get3A_111 : i32 to index
    %get3A_113 = arith.constant 96 : index
    %get3A_114 = tpu.vector_load %arg5[%get3A_112, %get3A_113] {strides = array<i32>} : memref<26x128xi32, #tpu.memory_space<vmem>>, vector<1x16xi32>,
    %get3A_115 = vector.shape_cast %get3A_114 : vector<1x16xi32> to vector<16xi32>
    %and3A_116 = arith.constant 65535 : i32
    %and3A_117 = vector.broadcast %and3A_116 : i32 to vector<16xi32>
    %and3A_118 = arith.andi %get3A_115, %and3A_117 : vector<16xi32>
    %swap3A_119 = arith.constant 96 : index
    %swap3A_120 = tpu.vector_load %arg6[%swap3A_119] {strides = array<i32>} : memref<128xi32, #tpu.memory_space<vmem>>, vector<16xi32>,
    %swap3A_121 = vector.shape_cast %swap3A_120 : vector<16xi32> to vector<16xi32>
    %swap3A_122 = vector.shape_cast %and3A_118 : vector<16xi32> to vector<16xi32>
    tpu.vector_store %arg6[%swap3A_119], %swap3A_122 {strides = array<i32>} : memref<128xi32, #tpu.memory_space<vmem>>, vector<16xi32>,
    %shift_right_logical3A_123 = arith.constant 16 : i32
    %shift_right_logical3A_124 = vector.broadcast %shift_right_logical3A_123 : i32 to vector<16xi32>
    %shift_right_logical3A_125 = arith.shrui %get3A_115, %shift_right_logical3A_124 : vector<16xi32>
    %swap3A_126 = arith.constant 96 : index
    %swap3A_127 = tpu.vector_load %arg7[%swap3A_126] {strides = array<i32>} : memref<128xi32, #tpu.memory_space<vmem>>, vector<16xi32>,
    %swap3A_128 = vector.shape_cast %swap3A_127 : vector<16xi32> to vector<16xi32>
    %swap3A_129 = vector.shape_cast %shift_right_logical3A_125 : vector<16xi32> to vector<16xi32>
    tpu.vector_store %arg7[%swap3A_126], %swap3A_129 {strides = array<i32>} : memref<128xi32, #tpu.memory_space<vmem>>, vector<16xi32>,
    %get3A_130 = arith.constant 0 : i32
    %get3A_131 = arith.index_cast %get3A_130 : i32 to index
    %get3A_132 = arith.constant 112 : index
    %get3A_133 = tpu.vector_load %arg5[%get3A_131, %get3A_132] {strides = array<i32>} : memref<26x128xi32, #tpu.memory_space<vmem>>, vector<1x16xi32>,
    %get3A_134 = vector.shape_cast %get3A_133 : vector<1x16xi32> to vector<16xi32>
    %and3A_135 = arith.constant 65535 : i32
    %and3A_136 = vector.broadcast %and3A_135 : i32 to vector<16xi32>
    %and3A_137 = arith.andi %get3A_134, %and3A_136 : vector<16xi32>
    %swap3A_138 = arith.constant 112 : index
    %swap3A_139 = tpu.vector_load %arg6[%swap3A_138] {strides = array<i32>} : memref<128xi32, #tpu.memory_space<vmem>>, vector<16xi32>,
    %swap3A_140 = vector.shape_cast %swap3A_139 : vector<16xi32> to vector<16xi32>
    %swap3A_141 = vector.shape_cast %and3A_137 : vector<16xi32> to vector<16xi32>
    tpu.vector_store %arg6[%swap3A_138], %swap3A_141 {strides = array<i32>} : memref<128xi32, #tpu.memory_space<vmem>>, vector<16xi32>,
    %shift_right_logical3A_142 = arith.constant 16 : i32
    %shift_right_logical3A_143 = vector.broadcast %shift_right_logical3A_142 : i32 to vector<16xi32>
    %shift_right_logical3A_144 = arith.shrui %get3A_134, %shift_right_logical3A_143 : vector<16xi32>
    %swap3A_145 = arith.constant 112 : index
    %swap3A_146 = tpu.vector_load %arg7[%swap3A_145] {strides = array<i32>} : memref<128xi32, #tpu.memory_space<vmem>>, vector<16xi32>,
    %swap3A_147 = vector.shape_cast %swap3A_146 : vector<16xi32> to vector<16xi32>
    %swap3A_148 = vector.shape_cast %shift_right_logical3A_144 : vector<16xi32> to vector<16xi32>
    tpu.vector_store %arg7[%swap3A_145], %swap3A_148 {strides = array<i32>} : memref<128xi32, #tpu.memory_space<vmem>>, vector<16xi32>,
    %dma_start3A = arith.constant 0 : i32
    %dma_start3A_149 = arith.constant 0 : i32
    %dma_start3A_150 = tpu.memref_slice %arg2[%dma_start3A, %dma_start3A_149] : memref<10240x128xf32, #tpu.memory_space<hbm>> -> memref<10240x128xf32, #tpu.memory_space<hbm>>
    tpu.enqueue_indirect_dma source(%dma_start3A_150 : memref<10240x128xf32, #tpu.memory_space<hbm>>) target(%arg10 : memref<128x128xf32, #tpu.memory_space<vmem>>) offsets(%arg6 : memref<128xi32, #tpu.memory_space<vmem>>) semaphore(%arg15 : memref<!tpu.dma_semaphore, #tpu.memory_space<semaphore_mem>>)
    %dma_start3A_151 = arith.constant 0 : i32
    %dma_start3A_152 = arith.constant 0 : i32
    %dma_start3A_153 = tpu.memref_slice %arg2[%dma_start3A_151, %dma_start3A_152] : memref<10240x128xf32, #tpu.memory_space<hbm>> -> memref<10240x128xf32, #tpu.memory_space<hbm>>
    tpu.enqueue_indirect_dma source(%dma_start3A_153 : memref<10240x128xf32, #tpu.memory_space<hbm>>) target(%arg11 : memref<128x128xf32, #tpu.memory_space<vmem>>) offsets(%arg7 : memref<128xi32, #tpu.memory_space<vmem>>) semaphore(%arg16 : memref<!tpu.dma_semaphore, #tpu.memory_space<semaphore_mem>>)
    %scan3A = arith.constant 0 : i32
    %scan3A_154 = arith.constant 0 : i32
    %scan3A_155 = arith.constant 13 : i32
    %scan3A_156 = arith.addi %scan3A_154, %scan3A_155 : i32
    %scan3A_157 = arith.constant 1 : i32
    scf.for %scan3A_159 = %scan3A_154 to %scan3A_156 step %scan3A_157  : i32 {
      %mul3A_160 = arith.constant 2 : i32
      %mul3A_161 = arith.muli %mul3A_160, %scan3A_159 : i32
      %add3A_162 = arith.constant 1 : i32
      %add3A_163 = arith.addi %mul3A_161, %add3A_162 : i32
      %get3A_164 = arith.index_cast %add3A_163 : i32 to index
      %get3A_165 = arith.constant 0 : index
      %get3A_166 = tpu.vector_load %arg5[%get3A_164, %get3A_165] {strides = array<i32>} : memref<26x128xi32, #tpu.memory_space<vmem>>, vector<1x16xi32>,
      %get3A_167 = vector.shape_cast %get3A_166 : vector<1x16xi32> to vector<16xi32>
      %and3A_168 = arith.constant 65535 : i32
      %and3A_169 = vector.broadcast %and3A_168 : i32 to vector<16xi32>
      %and3A_170 = arith.andi %get3A_167, %and3A_169 : vector<16xi32>
      %swap3A_171 = arith.constant 0 : index
      %swap3A_172 = tpu.vector_load %arg8[%swap3A_171] {strides = array<i32>} : memref<128xi32, #tpu.memory_space<vmem>>, vector<16xi32>,
      %swap3A_173 = vector.shape_cast %swap3A_172 : vector<16xi32> to vector<16xi32>
      %swap3A_174 = vector.shape_cast %and3A_170 : vector<16xi32> to vector<16xi32>
      tpu.vector_store %arg8[%swap3A_171], %swap3A_174 {strides = array<i32>} : memref<128xi32, #tpu.memory_space<vmem>>, vector<16xi32>,
      %shift_right_logical3A_175 = arith.constant 16 : i32
      %shift_right_logical3A_176 = vector.broadcast %shift_right_logical3A_175 : i32 to vector<16xi32>
      %shift_right_logical3A_177 = arith.shrui %get3A_167, %shift_right_logical3A_176 : vector<16xi32>
      %swap3A_178 = arith.constant 0 : index
      %swap3A_179 = tpu.vector_load %arg9[%swap3A_178] {strides = array<i32>} : memref<128xi32, #tpu.memory_space<vmem>>, vector<16xi32>,
      %swap3A_180 = vector.shape_cast %swap3A_179 : vector<16xi32> to vector<16xi32>
      %swap3A_181 = vector.shape_cast %shift_right_logical3A_177 : vector<16xi32> to vector<16xi32>
      tpu.vector_store %arg9[%swap3A_178], %swap3A_181 {strides = array<i32>} : memref<128xi32, #tpu.memory_space<vmem>>, vector<16xi32>,
      %get3A_182 = arith.index_cast %add3A_163 : i32 to index
      %get3A_183 = arith.constant 16 : index
      %get3A_184 = tpu.vector_load %arg5[%get3A_182, %get3A_183] {strides = array<i32>} : memref<26x128xi32, #tpu.memory_space<vmem>>, vector<1x16xi32>,
      %get3A_185 = vector.shape_cast %get3A_184 : vector<1x16xi32> to vector<16xi32>
      %and3A_186 = arith.constant 65535 : i32
      %and3A_187 = vector.broadcast %and3A_186 : i32 to vector<16xi32>
      %and3A_188 = arith.andi %get3A_185, %and3A_187 : vector<16xi32>
      %swap3A_189 = arith.constant 16 : index
      %swap3A_190 = tpu.vector_load %arg8[%swap3A_189] {strides = array<i32>} : memref<128xi32, #tpu.memory_space<vmem>>, vector<16xi32>,
      %swap3A_191 = vector.shape_cast %swap3A_190 : vector<16xi32> to vector<16xi32>
      %swap3A_192 = vector.shape_cast %and3A_188 : vector<16xi32> to vector<16xi32>
      tpu.vector_store %arg8[%swap3A_189], %swap3A_192 {strides = array<i32>} : memref<128xi32, #tpu.memory_space<vmem>>, vector<16xi32>,
      %shift_right_logical3A_193 = arith.constant 16 : i32
      %shift_right_logical3A_194 = vector.broadcast %shift_right_logical3A_193 : i32 to vector<16xi32>
      %shift_right_logical3A_195 = arith.shrui %get3A_185, %shift_right_logical3A_194 : vector<16xi32>
      %swap3A_196 = arith.constant 16 : index
      %swap3A_197 = tpu.vector_load %arg9[%swap3A_196] {strides = array<i32>} : memref<128xi32, #tpu.memory_space<vmem>>, vector<16xi32>,
      %swap3A_198 = vector.shape_cast %swap3A_197 : vector<16xi32> to vector<16xi32>
      %swap3A_199 = vector.shape_cast %shift_right_logical3A_195 : vector<16xi32> to vector<16xi32>
      tpu.vector_store %arg9[%swap3A_196], %swap3A_199 {strides = array<i32>} : memref<128xi32, #tpu.memory_space<vmem>>, vector<16xi32>,
      %get3A_200 = arith.index_cast %add3A_163 : i32 to index
      %get3A_201 = arith.constant 32 : index
      %get3A_202 = tpu.vector_load %arg5[%get3A_200, %get3A_201] {strides = array<i32>} : memref<26x128xi32, #tpu.memory_space<vmem>>, vector<1x16xi32>,
      %get3A_203 = vector.shape_cast %get3A_202 : vector<1x16xi32> to vector<16xi32>
      %and3A_204 = arith.constant 65535 : i32
      %and3A_205 = vector.broadcast %and3A_204 : i32 to vector<16xi32>
      %and3A_206 = arith.andi %get3A_203, %and3A_205 : vector<16xi32>
      %swap3A_207 = arith.constant 32 : index
      %swap3A_208 = tpu.vector_load %arg8[%swap3A_207] {strides = array<i32>} : memref<128xi32, #tpu.memory_space<vmem>>, vector<16xi32>,
      %swap3A_209 = vector.shape_cast %swap3A_208 : vector<16xi32> to vector<16xi32>
      %swap3A_210 = vector.shape_cast %and3A_206 : vector<16xi32> to vector<16xi32>
      tpu.vector_store %arg8[%swap3A_207], %swap3A_210 {strides = array<i32>} : memref<128xi32, #tpu.memory_space<vmem>>, vector<16xi32>,
      %shift_right_logical3A_211 = arith.constant 16 : i32
      %shift_right_logical3A_212 = vector.broadcast %shift_right_logical3A_211 : i32 to vector<16xi32>
      %shift_right_logical3A_213 = arith.shrui %get3A_203, %shift_right_logical3A_212 : vector<16xi32>
      %swap3A_214 = arith.constant 32 : index
      %swap3A_215 = tpu.vector_load %arg9[%swap3A_214] {strides = array<i32>} : memref<128xi32, #tpu.memory_space<vmem>>, vector<16xi32>,
      %swap3A_216 = vector.shape_cast %swap3A_215 : vector<16xi32> to vector<16xi32>
      %swap3A_217 = vector.shape_cast %shift_right_logical3A_213 : vector<16xi32> to vector<16xi32>
      tpu.vector_store %arg9[%swap3A_214], %swap3A_217 {strides = array<i32>} : memref<128xi32, #tpu.memory_space<vmem>>, vector<16xi32>,
      %get3A_218 = arith.index_cast %add3A_163 : i32 to index
      %get3A_219 = arith.constant 48 : index
      %get3A_220 = tpu.vector_load %arg5[%get3A_218, %get3A_219] {strides = array<i32>} : memref<26x128xi32, #tpu.memory_space<vmem>>, vector<1x16xi32>,
      %get3A_221 = vector.shape_cast %get3A_220 : vector<1x16xi32> to vector<16xi32>
      %and3A_222 = arith.constant 65535 : i32
      %and3A_223 = vector.broadcast %and3A_222 : i32 to vector<16xi32>
      %and3A_224 = arith.andi %get3A_221, %and3A_223 : vector<16xi32>
      %swap3A_225 = arith.constant 48 : index
      %swap3A_226 = tpu.vector_load %arg8[%swap3A_225] {strides = array<i32>} : memref<128xi32, #tpu.memory_space<vmem>>, vector<16xi32>,
      %swap3A_227 = vector.shape_cast %swap3A_226 : vector<16xi32> to vector<16xi32>
      %swap3A_228 = vector.shape_cast %and3A_224 : vector<16xi32> to vector<16xi32>
      tpu.vector_store %arg8[%swap3A_225], %swap3A_228 {strides = array<i32>} : memref<128xi32, #tpu.memory_space<vmem>>, vector<16xi32>,
      %shift_right_logical3A_229 = arith.constant 16 : i32
      %shift_right_logical3A_230 = vector.broadcast %shift_right_logical3A_229 : i32 to vector<16xi32>
      %shift_right_logical3A_231 = arith.shrui %get3A_221, %shift_right_logical3A_230 : vector<16xi32>
      %swap3A_232 = arith.constant 48 : index
      %swap3A_233 = tpu.vector_load %arg9[%swap3A_232] {strides = array<i32>} : memref<128xi32, #tpu.memory_space<vmem>>, vector<16xi32>,
      %swap3A_234 = vector.shape_cast %swap3A_233 : vector<16xi32> to vector<16xi32>
      %swap3A_235 = vector.shape_cast %shift_right_logical3A_231 : vector<16xi32> to vector<16xi32>
      tpu.vector_store %arg9[%swap3A_232], %swap3A_235 {strides = array<i32>} : memref<128xi32, #tpu.memory_space<vmem>>, vector<16xi32>,
      %get3A_236 = arith.index_cast %add3A_163 : i32 to index
      %get3A_237 = arith.constant 64 : index
      %get3A_238 = tpu.vector_load %arg5[%get3A_236, %get3A_237] {strides = array<i32>} : memref<26x128xi32, #tpu.memory_space<vmem>>, vector<1x16xi32>,
      %get3A_239 = vector.shape_cast %get3A_238 : vector<1x16xi32> to vector<16xi32>
      %and3A_240 = arith.constant 65535 : i32
      %and3A_241 = vector.broadcast %and3A_240 : i32 to vector<16xi32>
      %and3A_242 = arith.andi %get3A_239, %and3A_241 : vector<16xi32>
      %swap3A_243 = arith.constant 64 : index
      %swap3A_244 = tpu.vector_load %arg8[%swap3A_243] {strides = array<i32>} : memref<128xi32, #tpu.memory_space<vmem>>, vector<16xi32>,
      %swap3A_245 = vector.shape_cast %swap3A_244 : vector<16xi32> to vector<16xi32>
      %swap3A_246 = vector.shape_cast %and3A_242 : vector<16xi32> to vector<16xi32>
      tpu.vector_store %arg8[%swap3A_243], %swap3A_246 {strides = array<i32>} : memref<128xi32, #tpu.memory_space<vmem>>, vector<16xi32>,
      %shift_right_logical3A_247 = arith.constant 16 : i32
      %shift_right_logical3A_248 = vector.broadcast %shift_right_logical3A_247 : i32 to vector<16xi32>
      %shift_right_logical3A_249 = arith.shrui %get3A_239, %shift_right_logical3A_248 : vector<16xi32>
      %swap3A_250 = arith.constant 64 : index
      %swap3A_251 = tpu.vector_load %arg9[%swap3A_250] {strides = array<i32>} : memref<128xi32, #tpu.memory_space<vmem>>, vector<16xi32>,
      %swap3A_252 = vector.shape_cast %swap3A_251 : vector<16xi32> to vector<16xi32>
      %swap3A_253 = vector.shape_cast %shift_right_logical3A_249 : vector<16xi32> to vector<16xi32>
      tpu.vector_store %arg9[%swap3A_250], %swap3A_253 {strides = array<i32>} : memref<128xi32, #tpu.memory_space<vmem>>, vector<16xi32>,
      %get3A_254 = arith.index_cast %add3A_163 : i32 to index
      %get3A_255 = arith.constant 80 : index
      %get3A_256 = tpu.vector_load %arg5[%get3A_254, %get3A_255] {strides = array<i32>} : memref<26x128xi32, #tpu.memory_space<vmem>>, vector<1x16xi32>,
      %get3A_257 = vector.shape_cast %get3A_256 : vector<1x16xi32> to vector<16xi32>
      %and3A_258 = arith.constant 65535 : i32
      %and3A_259 = vector.broadcast %and3A_258 : i32 to vector<16xi32>
      %and3A_260 = arith.andi %get3A_257, %and3A_259 : vector<16xi32>
      %swap3A_261 = arith.constant 80 : index
      %swap3A_262 = tpu.vector_load %arg8[%swap3A_261] {strides = array<i32>} : memref<128xi32, #tpu.memory_space<vmem>>, vector<16xi32>,
      %swap3A_263 = vector.shape_cast %swap3A_262 : vector<16xi32> to vector<16xi32>
      %swap3A_264 = vector.shape_cast %and3A_260 : vector<16xi32> to vector<16xi32>
      tpu.vector_store %arg8[%swap3A_261], %swap3A_264 {strides = array<i32>} : memref<128xi32, #tpu.memory_space<vmem>>, vector<16xi32>,
      %shift_right_logical3A_265 = arith.constant 16 : i32
      %shift_right_logical3A_266 = vector.broadcast %shift_right_logical3A_265 : i32 to vector<16xi32>
      %shift_right_logical3A_267 = arith.shrui %get3A_257, %shift_right_logical3A_266 : vector<16xi32>
      %swap3A_268 = arith.constant 80 : index
      %swap3A_269 = tpu.vector_load %arg9[%swap3A_268] {strides = array<i32>} : memref<128xi32, #tpu.memory_space<vmem>>, vector<16xi32>,
      %swap3A_270 = vector.shape_cast %swap3A_269 : vector<16xi32> to vector<16xi32>
      %swap3A_271 = vector.shape_cast %shift_right_logical3A_267 : vector<16xi32> to vector<16xi32>
      tpu.vector_store %arg9[%swap3A_268], %swap3A_271 {strides = array<i32>} : memref<128xi32, #tpu.memory_space<vmem>>, vector<16xi32>,
      %get3A_272 = arith.index_cast %add3A_163 : i32 to index
      %get3A_273 = arith.constant 96 : index
      %get3A_274 = tpu.vector_load %arg5[%get3A_272, %get3A_273] {strides = array<i32>} : memref<26x128xi32, #tpu.memory_space<vmem>>, vector<1x16xi32>,
      %get3A_275 = vector.shape_cast %get3A_274 : vector<1x16xi32> to vector<16xi32>
      %and3A_276 = arith.constant 65535 : i32
      %and3A_277 = vector.broadcast %and3A_276 : i32 to vector<16xi32>
      %and3A_278 = arith.andi %get3A_275, %and3A_277 : vector<16xi32>
      %swap3A_279 = arith.constant 96 : index
      %swap3A_280 = tpu.vector_load %arg8[%swap3A_279] {strides = array<i32>} : memref<128xi32, #tpu.memory_space<vmem>>, vector<16xi32>,
      %swap3A_281 = vector.shape_cast %swap3A_280 : vector<16xi32> to vector<16xi32>
      %swap3A_282 = vector.shape_cast %and3A_278 : vector<16xi32> to vector<16xi32>
      tpu.vector_store %arg8[%swap3A_279], %swap3A_282 {strides = array<i32>} : memref<128xi32, #tpu.memory_space<vmem>>, vector<16xi32>,
      %shift_right_logical3A_283 = arith.constant 16 : i32
      %shift_right_logical3A_284 = vector.broadcast %shift_right_logical3A_283 : i32 to vector<16xi32>
      %shift_right_logical3A_285 = arith.shrui %get3A_275, %shift_right_logical3A_284 : vector<16xi32>
      %swap3A_286 = arith.constant 96 : index
      %swap3A_287 = tpu.vector_load %arg9[%swap3A_286] {strides = array<i32>} : memref<128xi32, #tpu.memory_space<vmem>>, vector<16xi32>,
      %swap3A_288 = vector.shape_cast %swap3A_287 : vector<16xi32> to vector<16xi32>
      %swap3A_289 = vector.shape_cast %shift_right_logical3A_285 : vector<16xi32> to vector<16xi32>
      tpu.vector_store %arg9[%swap3A_286], %swap3A_289 {strides = array<i32>} : memref<128xi32, #tpu.memory_space<vmem>>, vector<16xi32>,
      %get3A_290 = arith.index_cast %add3A_163 : i32 to index
      %get3A_291 = arith.constant 112 : index
      %get3A_292 = tpu.vector_load %arg5[%get3A_290, %get3A_291] {strides = array<i32>} : memref<26x128xi32, #tpu.memory_space<vmem>>, vector<1x16xi32>,
      %get3A_293 = vector.shape_cast %get3A_292 : vector<1x16xi32> to vector<16xi32>
      %and3A_294 = arith.constant 65535 : i32
      %and3A_295 = vector.broadcast %and3A_294 : i32 to vector<16xi32>
      %and3A_296 = arith.andi %get3A_293, %and3A_295 : vector<16xi32>
      %swap3A_297 = arith.constant 112 : index
      %swap3A_298 = tpu.vector_load %arg8[%swap3A_297] {strides = array<i32>} : memref<128xi32, #tpu.memory_space<vmem>>, vector<16xi32>,
      %swap3A_299 = vector.shape_cast %swap3A_298 : vector<16xi32> to vector<16xi32>
      %swap3A_300 = vector.shape_cast %and3A_296 : vector<16xi32> to vector<16xi32>
      tpu.vector_store %arg8[%swap3A_297], %swap3A_300 {strides = array<i32>} : memref<128xi32, #tpu.memory_space<vmem>>, vector<16xi32>,
      %shift_right_logical3A_301 = arith.constant 16 : i32
      %shift_right_logical3A_302 = vector.broadcast %shift_right_logical3A_301 : i32 to vector<16xi32>
      %shift_right_logical3A_303 = arith.shrui %get3A_293, %shift_right_logical3A_302 : vector<16xi32>
      %swap3A_304 = arith.constant 112 : index
      %swap3A_305 = tpu.vector_load %arg9[%swap3A_304] {strides = array<i32>} : memref<128xi32, #tpu.memory_space<vmem>>, vector<16xi32>,
      %swap3A_306 = vector.shape_cast %swap3A_305 : vector<16xi32> to vector<16xi32>
      %swap3A_307 = vector.shape_cast %shift_right_logical3A_303 : vector<16xi32> to vector<16xi32>
      tpu.vector_store %arg9[%swap3A_304], %swap3A_307 {strides = array<i32>} : memref<128xi32, #tpu.memory_space<vmem>>, vector<16xi32>,
      %dma_start3A_308 = arith.constant 0 : i32
      %dma_start3A_309 = arith.constant 0 : i32
      %dma_start3A_310 = tpu.memref_slice %arg2[%dma_start3A_308, %dma_start3A_309] : memref<10240x128xf32, #tpu.memory_space<hbm>> -> memref<10240x128xf32, #tpu.memory_space<hbm>>
      tpu.enqueue_indirect_dma source(%dma_start3A_310 : memref<10240x128xf32, #tpu.memory_space<hbm>>) target(%arg12 : memref<128x128xf32, #tpu.memory_space<vmem>>) offsets(%arg8 : memref<128xi32, #tpu.memory_space<vmem>>) semaphore(%arg17 : memref<!tpu.dma_semaphore, #tpu.memory_space<semaphore_mem>>)
      %dma_start3A_311 = arith.constant 0 : i32
      %dma_start3A_312 = arith.constant 0 : i32
      %dma_start3A_313 = tpu.memref_slice %arg2[%dma_start3A_311, %dma_start3A_312] : memref<10240x128xf32, #tpu.memory_space<hbm>> -> memref<10240x128xf32, #tpu.memory_space<hbm>>
      tpu.enqueue_indirect_dma source(%dma_start3A_313 : memref<10240x128xf32, #tpu.memory_space<hbm>>) target(%arg13 : memref<128x128xf32, #tpu.memory_space<vmem>>) offsets(%arg9 : memref<128xi32, #tpu.memory_space<vmem>>) semaphore(%arg18 : memref<!tpu.dma_semaphore, #tpu.memory_space<semaphore_mem>>)
      %dma_wait3A = arith.constant 0 : i32
      %dma_wait3A_314 = arith.constant 0 : i32
      %dma_wait3A_315 = tpu.memref_slice %arg2[%dma_wait3A, %dma_wait3A_314] : memref<10240x128xf32, #tpu.memory_space<hbm>> -> memref<10240x128xf32, #tpu.memory_space<hbm>>
      tpu.wait_indirect_dma semaphore(%arg15 : memref<!tpu.dma_semaphore, #tpu.memory_space<semaphore_mem>>) src(%dma_wait3A_315 : memref<10240x128xf32, #tpu.memory_space<hbm>>) dst(%arg10 : memref<128x128xf32, #tpu.memory_space<vmem>>)
      %dma_wait3A_316 = arith.constant 0 : i32
      %dma_wait3A_317 = arith.constant 0 : i32
      %dma_wait3A_318 = tpu.memref_slice %arg2[%dma_wait3A_316, %dma_wait3A_317] : memref<10240x128xf32, #tpu.memory_space<hbm>> -> memref<10240x128xf32, #tpu.memory_space<hbm>>
      tpu.wait_indirect_dma semaphore(%arg16 : memref<!tpu.dma_semaphore, #tpu.memory_space<semaphore_mem>>) src(%dma_wait3A_318 : memref<10240x128xf32, #tpu.memory_space<hbm>>) dst(%arg11 : memref<128x128xf32, #tpu.memory_space<vmem>>)
      %scan3A_319 = arith.constant 0 : i32
      %scan3A_320 = arith.constant 0 : i32
      %scan3A_321 = arith.constant 128 : i32
      %scan3A_322 = arith.addi %scan3A_320, %scan3A_321 : i32
      %scan3A_323 = arith.constant 1 : i32
      scf.for %scan3A_351 = %scan3A_320 to %scan3A_322 step %scan3A_323  : i32 {
        %get3A_352 = arith.index_cast %scan3A_351 : i32 to index
        %get3A_353 = arith.constant 0 : index
        %get3A_354 = tpu.vector_load %arg10[%get3A_352, %get3A_353] {strides = array<i32>} : memref<128x128xf32, #tpu.memory_space<vmem>>, vector<1x16xf32>,
        %get3A_355 = vector.shape_cast %get3A_354 : vector<1x16xf32> to vector<16xf32>
        %get3A_356 = arith.index_cast %scan3A_351 : i32 to index
        %get3A_357 = arith.constant 0 : index
        %get3A_358 = tpu.vector_load %arg11[%get3A_356, %get3A_357] {strides = array<i32>} : memref<128x128xf32, #tpu.memory_space<vmem>>, vector<1x16xf32>,
        %get3A_359 = vector.shape_cast %get3A_358 : vector<1x16xf32> to vector<16xf32>
        %mul3A_360 = arith.mulf %get3A_355, %get3A_359 : vector<16xf32>
        %get3A_361 = arith.index_cast %scan3A_351 : i32 to index
        %get3A_362 = arith.constant 16 : index
        %get3A_363 = tpu.vector_load %arg10[%get3A_361, %get3A_362] {strides = array<i32>} : memref<128x128xf32, #tpu.memory_space<vmem>>, vector<1x16xf32>,
        %get3A_364 = vector.shape_cast %get3A_363 : vector<1x16xf32> to vector<16xf32>
        %get3A_365 = arith.index_cast %scan3A_351 : i32 to index
        %get3A_366 = arith.constant 16 : index
        %get3A_367 = tpu.vector_load %arg11[%get3A_365, %get3A_366] {strides = array<i32>} : memref<128x128xf32, #tpu.memory_space<vmem>>, vector<1x16xf32>,
        %get3A_368 = vector.shape_cast %get3A_367 : vector<1x16xf32> to vector<16xf32>
        %mul3A_369 = arith.mulf %get3A_364, %get3A_368 : vector<16xf32>
        %add3A_370 = arith.addf %mul3A_360, %mul3A_369 : vector<16xf32>
        %get3A_371 = arith.index_cast %scan3A_351 : i32 to index
        %get3A_372 = arith.constant 32 : index
        %get3A_373 = tpu.vector_load %arg10[%get3A_371, %get3A_372] {strides = array<i32>} : memref<128x128xf32, #tpu.memory_space<vmem>>, vector<1x16xf32>,
        %get3A_374 = vector.shape_cast %get3A_373 : vector<1x16xf32> to vector<16xf32>
        %get3A_375 = arith.index_cast %scan3A_351 : i32 to index
        %get3A_376 = arith.constant 32 : index
        %get3A_377 = tpu.vector_load %arg11[%get3A_375, %get3A_376] {strides = array<i32>} : memref<128x128xf32, #tpu.memory_space<vmem>>, vector<1x16xf32>,
        %get3A_378 = vector.shape_cast %get3A_377 : vector<1x16xf32> to vector<16xf32>
        %mul3A_379 = arith.mulf %get3A_374, %get3A_378 : vector<16xf32>
        %add3A_380 = arith.addf %add3A_370, %mul3A_379 : vector<16xf32>
        %get3A_381 = arith.index_cast %scan3A_351 : i32 to index
        %get3A_382 = arith.constant 48 : index
        %get3A_383 = tpu.vector_load %arg10[%get3A_381, %get3A_382] {strides = array<i32>} : memref<128x128xf32, #tpu.memory_space<vmem>>, vector<1x16xf32>,
        %get3A_384 = vector.shape_cast %get3A_383 : vector<1x16xf32> to vector<16xf32>
        %get3A_385 = arith.index_cast %scan3A_351 : i32 to index
        %get3A_386 = arith.constant 48 : index
        %get3A_387 = tpu.vector_load %arg11[%get3A_385, %get3A_386] {strides = array<i32>} : memref<128x128xf32, #tpu.memory_space<vmem>>, vector<1x16xf32>,
        %get3A_388 = vector.shape_cast %get3A_387 : vector<1x16xf32> to vector<16xf32>
        %mul3A_389 = arith.mulf %get3A_384, %get3A_388 : vector<16xf32>
        %add3A_390 = arith.addf %add3A_380, %mul3A_389 : vector<16xf32>
        %get3A_391 = arith.index_cast %scan3A_351 : i32 to index
        %get3A_392 = arith.constant 64 : index
        %get3A_393 = tpu.vector_load %arg10[%get3A_391, %get3A_392] {strides = array<i32>} : memref<128x128xf32, #tpu.memory_space<vmem>>, vector<1x16xf32>,
        %get3A_394 = vector.shape_cast %get3A_393 : vector<1x16xf32> to vector<16xf32>
        %get3A_395 = arith.index_cast %scan3A_351 : i32 to index
        %get3A_396 = arith.constant 64 : index
        %get3A_397 = tpu.vector_load %arg11[%get3A_395, %get3A_396] {strides = array<i32>} : memref<128x128xf32, #tpu.memory_space<vmem>>, vector<1x16xf32>,
        %get3A_398 = vector.shape_cast %get3A_397 : vector<1x16xf32> to vector<16xf32>
        %mul3A_399 = arith.mulf %get3A_394, %get3A_398 : vector<16xf32>
        %add3A_400 = arith.addf %add3A_390, %mul3A_399 : vector<16xf32>
        %get3A_401 = arith.index_cast %scan3A_351 : i32 to index
        %get3A_402 = arith.constant 80 : index
        %get3A_403 = tpu.vector_load %arg10[%get3A_401, %get3A_402] {strides = array<i32>} : memref<128x128xf32, #tpu.memory_space<vmem>>, vector<1x16xf32>,
        %get3A_404 = vector.shape_cast %get3A_403 : vector<1x16xf32> to vector<16xf32>
        %get3A_405 = arith.index_cast %scan3A_351 : i32 to index
        %get3A_406 = arith.constant 80 : index
        %get3A_407 = tpu.vector_load %arg11[%get3A_405, %get3A_406] {strides = array<i32>} : memref<128x128xf32, #tpu.memory_space<vmem>>, vector<1x16xf32>,
        %get3A_408 = vector.shape_cast %get3A_407 : vector<1x16xf32> to vector<16xf32>
        %mul3A_409 = arith.mulf %get3A_404, %get3A_408 : vector<16xf32>
        %add3A_410 = arith.addf %add3A_400, %mul3A_409 : vector<16xf32>
        %get3A_411 = arith.index_cast %scan3A_351 : i32 to index
        %get3A_412 = arith.constant 96 : index
        %get3A_413 = tpu.vector_load %arg10[%get3A_411, %get3A_412] {strides = array<i32>} : memref<128x128xf32, #tpu.memory_space<vmem>>, vector<1x16xf32>,
        %get3A_414 = vector.shape_cast %get3A_413 : vector<1x16xf32> to vector<16xf32>
        %get3A_415 = arith.index_cast %scan3A_351 : i32 to index
        %get3A_416 = arith.constant 96 : index
        %get3A_417 = tpu.vector_load %arg11[%get3A_415, %get3A_416] {strides = array<i32>} : memref<128x128xf32, #tpu.memory_space<vmem>>, vector<1x16xf32>,
        %get3A_418 = vector.shape_cast %get3A_417 : vector<1x16xf32> to vector<16xf32>
        %mul3A_419 = arith.mulf %get3A_414, %get3A_418 : vector<16xf32>
        %add3A_420 = arith.addf %add3A_410, %mul3A_419 : vector<16xf32>
        %get3A_421 = arith.index_cast %scan3A_351 : i32 to index
        %get3A_422 = arith.constant 112 : index
        %get3A_423 = tpu.vector_load %arg10[%get3A_421, %get3A_422] {strides = array<i32>} : memref<128x128xf32, #tpu.memory_space<vmem>>, vector<1x16xf32>,
        %get3A_424 = vector.shape_cast %get3A_423 : vector<1x16xf32> to vector<16xf32>
        %get3A_425 = arith.index_cast %scan3A_351 : i32 to index
        %get3A_426 = arith.constant 112 : index
        %get3A_427 = tpu.vector_load %arg11[%get3A_425, %get3A_426] {strides = array<i32>} : memref<128x128xf32, #tpu.memory_space<vmem>>, vector<1x16xf32>,
        %get3A_428 = vector.shape_cast %get3A_427 : vector<1x16xf32> to vector<16xf32>
        %mul3A_429 = arith.mulf %get3A_424, %get3A_428 : vector<16xf32>
        %add3A_430 = arith.addf %add3A_420, %mul3A_429 : vector<16xf32>
        %swap3A_431 = arith.index_cast %scan3A_351 : i32 to index
        %swap3A_432 = arith.constant 0 : index
        %swap3A_433 = tpu.vector_load %arg14[%swap3A_431, %swap3A_432] {strides = array<i32>} : memref<128x16xf32, #tpu.memory_space<vmem>>, vector<1x16xf32>,
        %swap3A_434 = vector.shape_cast %swap3A_433 : vector<1x16xf32> to vector<16xf32>
        %swap3A_435 = vector.shape_cast %add3A_430 : vector<16xf32> to vector<1x16xf32>
        tpu.vector_store %arg14[%swap3A_431, %swap3A_432], %swap3A_435 {strides = array<i32>} : memref<128x16xf32, #tpu.memory_space<vmem>>, vector<1x16xf32>,
      }
      %scan3A_324 = arith.constant 128 : i32
      %mul3A_325 = arith.constant 3328 : i32
      %mul3A_326 = arith.muli %add3A, %mul3A_325 : i32
      %mul3A_327 = arith.constant 128 : i32
      %mul3A_328 = arith.muli %mul3A_161, %mul3A_327 : i32
      %add3A_329 = arith.addi %mul3A_326, %mul3A_328 : i32
      "tpu.region"() ({
        %run_scoped3A = tpu.sem_alloc : memref<!tpu.dma_semaphore, #tpu.memory_space<semaphore_mem>>
        %dma_start3A_351 = arith.constant 0 : i32
        %dma_start3A_352 = tpu.memref_slice %arg4[%add3A_329, %dma_start3A_351] : memref<106496x16xf32, #tpu.memory_space<hbm>> -> memref<128x16xf32, #tpu.memory_space<hbm>>
        %dma_start3A_353 = arith.constant 0 : i32
        %dma_start3A_354 = tpu.memref_slice %arg4[%add3A_329, %dma_start3A_353] : memref<106496x16xf32, #tpu.memory_space<hbm>> -> memref<128x16xf32, #tpu.memory_space<hbm>>
        tpu.enqueue_dma source(%arg14 : memref<128x16xf32, #tpu.memory_space<vmem>>) target(%dma_start3A_354 : memref<128x16xf32, #tpu.memory_space<hbm>>) target_semaphore(%run_scoped3A : memref<!tpu.dma_semaphore, #tpu.memory_space<semaphore_mem>>)
        %dma_wait3A_355 = arith.constant 0 : i32
        %dma_wait3A_356 = tpu.memref_slice %arg4[%add3A_329, %dma_wait3A_355] : memref<106496x16xf32, #tpu.memory_space<hbm>> -> memref<128x16xf32, #tpu.memory_space<hbm>>
        %dma_wait3A_357 = arith.constant 0 : i32
        %dma_wait3A_358 = tpu.memref_slice %arg4[%add3A_329, %dma_wait3A_357] : memref<106496x16xf32, #tpu.memory_space<hbm>> -> memref<128x16xf32, #tpu.memory_space<hbm>>
        tpu.wait_dma2 semaphore(%run_scoped3A : memref<!tpu.dma_semaphore, #tpu.memory_space<semaphore_mem>>) src(%arg14 : memref<128x16xf32, #tpu.memory_space<vmem>>) dst(%dma_wait3A_358 : memref<128x16xf32, #tpu.memory_space<hbm>>)
        tpu.yield
      }) : () -> ()
      %lt3A = arith.constant 12 : i32
      %lt3A_330 = arith.cmpi slt, %scan3A_159, %lt3A : i32
      %convert_element_type3A = arith.extui %lt3A_330 : i1 to i32
      %cond3A = arith.constant 0 : i32
      %cond3A_331 = arith.cmpi ne, %convert_element_type3A, %cond3A : i32
      scf.if %cond3A_331 {
        %add3A_351 = arith.constant 2 : i32
        %add3A_352 = arith.addi %mul3A_161, %add3A_351 : i32
        %get3A_353 = arith.index_cast %add3A_352 : i32 to index
        %get3A_354 = arith.constant 0 : index
        %get3A_355 = tpu.vector_load %arg5[%get3A_353, %get3A_354] {strides = array<i32>} : memref<26x128xi32, #tpu.memory_space<vmem>>, vector<1x16xi32>,
        %get3A_356 = vector.shape_cast %get3A_355 : vector<1x16xi32> to vector<16xi32>
        %and3A_357 = arith.constant 65535 : i32
        %and3A_358 = vector.broadcast %and3A_357 : i32 to vector<16xi32>
        %and3A_359 = arith.andi %get3A_356, %and3A_358 : vector<16xi32>
        %swap3A_360 = arith.constant 0 : index
        %swap3A_361 = tpu.vector_load %arg6[%swap3A_360] {strides = array<i32>} : memref<128xi32, #tpu.memory_space<vmem>>, vector<16xi32>,
        %swap3A_362 = vector.shape_cast %swap3A_361 : vector<16xi32> to vector<16xi32>
        %swap3A_363 = vector.shape_cast %and3A_359 : vector<16xi32> to vector<16xi32>
        tpu.vector_store %arg6[%swap3A_360], %swap3A_363 {strides = array<i32>} : memref<128xi32, #tpu.memory_space<vmem>>, vector<16xi32>,
        %shift_right_logical3A_364 = arith.constant 16 : i32
        %shift_right_logical3A_365 = vector.broadcast %shift_right_logical3A_364 : i32 to vector<16xi32>
        %shift_right_logical3A_366 = arith.shrui %get3A_356, %shift_right_logical3A_365 : vector<16xi32>
        %swap3A_367 = arith.constant 0 : index
        %swap3A_368 = tpu.vector_load %arg7[%swap3A_367] {strides = array<i32>} : memref<128xi32, #tpu.memory_space<vmem>>, vector<16xi32>,
        %swap3A_369 = vector.shape_cast %swap3A_368 : vector<16xi32> to vector<16xi32>
        %swap3A_370 = vector.shape_cast %shift_right_logical3A_366 : vector<16xi32> to vector<16xi32>
        tpu.vector_store %arg7[%swap3A_367], %swap3A_370 {strides = array<i32>} : memref<128xi32, #tpu.memory_space<vmem>>, vector<16xi32>,
        %get3A_371 = arith.index_cast %add3A_352 : i32 to index
        %get3A_372 = arith.constant 16 : index
        %get3A_373 = tpu.vector_load %arg5[%get3A_371, %get3A_372] {strides = array<i32>} : memref<26x128xi32, #tpu.memory_space<vmem>>, vector<1x16xi32>,
        %get3A_374 = vector.shape_cast %get3A_373 : vector<1x16xi32> to vector<16xi32>
        %and3A_375 = arith.constant 65535 : i32
        %and3A_376 = vector.broadcast %and3A_375 : i32 to vector<16xi32>
        %and3A_377 = arith.andi %get3A_374, %and3A_376 : vector<16xi32>
        %swap3A_378 = arith.constant 16 : index
        %swap3A_379 = tpu.vector_load %arg6[%swap3A_378] {strides = array<i32>} : memref<128xi32, #tpu.memory_space<vmem>>, vector<16xi32>,
        %swap3A_380 = vector.shape_cast %swap3A_379 : vector<16xi32> to vector<16xi32>
        %swap3A_381 = vector.shape_cast %and3A_377 : vector<16xi32> to vector<16xi32>
        tpu.vector_store %arg6[%swap3A_378], %swap3A_381 {strides = array<i32>} : memref<128xi32, #tpu.memory_space<vmem>>, vector<16xi32>,
        %shift_right_logical3A_382 = arith.constant 16 : i32
        %shift_right_logical3A_383 = vector.broadcast %shift_right_logical3A_382 : i32 to vector<16xi32>
        %shift_right_logical3A_384 = arith.shrui %get3A_374, %shift_right_logical3A_383 : vector<16xi32>
        %swap3A_385 = arith.constant 16 : index
        %swap3A_386 = tpu.vector_load %arg7[%swap3A_385] {strides = array<i32>} : memref<128xi32, #tpu.memory_space<vmem>>, vector<16xi32>,
        %swap3A_387 = vector.shape_cast %swap3A_386 : vector<16xi32> to vector<16xi32>
        %swap3A_388 = vector.shape_cast %shift_right_logical3A_384 : vector<16xi32> to vector<16xi32>
        tpu.vector_store %arg7[%swap3A_385], %swap3A_388 {strides = array<i32>} : memref<128xi32, #tpu.memory_space<vmem>>, vector<16xi32>,
        %get3A_389 = arith.index_cast %add3A_352 : i32 to index
        %get3A_390 = arith.constant 32 : index
        %get3A_391 = tpu.vector_load %arg5[%get3A_389, %get3A_390] {strides = array<i32>} : memref<26x128xi32, #tpu.memory_space<vmem>>, vector<1x16xi32>,
        %get3A_392 = vector.shape_cast %get3A_391 : vector<1x16xi32> to vector<16xi32>
        %and3A_393 = arith.constant 65535 : i32
        %and3A_394 = vector.broadcast %and3A_393 : i32 to vector<16xi32>
        %and3A_395 = arith.andi %get3A_392, %and3A_394 : vector<16xi32>
        %swap3A_396 = arith.constant 32 : index
        %swap3A_397 = tpu.vector_load %arg6[%swap3A_396] {strides = array<i32>} : memref<128xi32, #tpu.memory_space<vmem>>, vector<16xi32>,
        %swap3A_398 = vector.shape_cast %swap3A_397 : vector<16xi32> to vector<16xi32>
        %swap3A_399 = vector.shape_cast %and3A_395 : vector<16xi32> to vector<16xi32>
        tpu.vector_store %arg6[%swap3A_396], %swap3A_399 {strides = array<i32>} : memref<128xi32, #tpu.memory_space<vmem>>, vector<16xi32>,
        %shift_right_logical3A_400 = arith.constant 16 : i32
        %shift_right_logical3A_401 = vector.broadcast %shift_right_logical3A_400 : i32 to vector<16xi32>
        %shift_right_logical3A_402 = arith.shrui %get3A_392, %shift_right_logical3A_401 : vector<16xi32>
        %swap3A_403 = arith.constant 32 : index
        %swap3A_404 = tpu.vector_load %arg7[%swap3A_403] {strides = array<i32>} : memref<128xi32, #tpu.memory_space<vmem>>, vector<16xi32>,
        %swap3A_405 = vector.shape_cast %swap3A_404 : vector<16xi32> to vector<16xi32>
        %swap3A_406 = vector.shape_cast %shift_right_logical3A_402 : vector<16xi32> to vector<16xi32>
        tpu.vector_store %arg7[%swap3A_403], %swap3A_406 {strides = array<i32>} : memref<128xi32, #tpu.memory_space<vmem>>, vector<16xi32>,
        %get3A_407 = arith.index_cast %add3A_352 : i32 to index
        %get3A_408 = arith.constant 48 : index
        %get3A_409 = tpu.vector_load %arg5[%get3A_407, %get3A_408] {strides = array<i32>} : memref<26x128xi32, #tpu.memory_space<vmem>>, vector<1x16xi32>,
        %get3A_410 = vector.shape_cast %get3A_409 : vector<1x16xi32> to vector<16xi32>
        %and3A_411 = arith.constant 65535 : i32
        %and3A_412 = vector.broadcast %and3A_411 : i32 to vector<16xi32>
        %and3A_413 = arith.andi %get3A_410, %and3A_412 : vector<16xi32>
        %swap3A_414 = arith.constant 48 : index
        %swap3A_415 = tpu.vector_load %arg6[%swap3A_414] {strides = array<i32>} : memref<128xi32, #tpu.memory_space<vmem>>, vector<16xi32>,
        %swap3A_416 = vector.shape_cast %swap3A_415 : vector<16xi32> to vector<16xi32>
        %swap3A_417 = vector.shape_cast %and3A_413 : vector<16xi32> to vector<16xi32>
        tpu.vector_store %arg6[%swap3A_414], %swap3A_417 {strides = array<i32>} : memref<128xi32, #tpu.memory_space<vmem>>, vector<16xi32>,
        %shift_right_logical3A_418 = arith.constant 16 : i32
        %shift_right_logical3A_419 = vector.broadcast %shift_right_logical3A_418 : i32 to vector<16xi32>
        %shift_right_logical3A_420 = arith.shrui %get3A_410, %shift_right_logical3A_419 : vector<16xi32>
        %swap3A_421 = arith.constant 48 : index
        %swap3A_422 = tpu.vector_load %arg7[%swap3A_421] {strides = array<i32>} : memref<128xi32, #tpu.memory_space<vmem>>, vector<16xi32>,
        %swap3A_423 = vector.shape_cast %swap3A_422 : vector<16xi32> to vector<16xi32>
        %swap3A_424 = vector.shape_cast %shift_right_logical3A_420 : vector<16xi32> to vector<16xi32>
        tpu.vector_store %arg7[%swap3A_421], %swap3A_424 {strides = array<i32>} : memref<128xi32, #tpu.memory_space<vmem>>, vector<16xi32>,
        %get3A_425 = arith.index_cast %add3A_352 : i32 to index
        %get3A_426 = arith.constant 64 : index
        %get3A_427 = tpu.vector_load %arg5[%get3A_425, %get3A_426] {strides = array<i32>} : memref<26x128xi32, #tpu.memory_space<vmem>>, vector<1x16xi32>,
        %get3A_428 = vector.shape_cast %get3A_427 : vector<1x16xi32> to vector<16xi32>
        %and3A_429 = arith.constant 65535 : i32
        %and3A_430 = vector.broadcast %and3A_429 : i32 to vector<16xi32>
        %and3A_431 = arith.andi %get3A_428, %and3A_430 : vector<16xi32>
        %swap3A_432 = arith.constant 64 : index
        %swap3A_433 = tpu.vector_load %arg6[%swap3A_432] {strides = array<i32>} : memref<128xi32, #tpu.memory_space<vmem>>, vector<16xi32>,
        %swap3A_434 = vector.shape_cast %swap3A_433 : vector<16xi32> to vector<16xi32>
        %swap3A_435 = vector.shape_cast %and3A_431 : vector<16xi32> to vector<16xi32>
        tpu.vector_store %arg6[%swap3A_432], %swap3A_435 {strides = array<i32>} : memref<128xi32, #tpu.memory_space<vmem>>, vector<16xi32>,
        %shift_right_logical3A_436 = arith.constant 16 : i32
        %shift_right_logical3A_437 = vector.broadcast %shift_right_logical3A_436 : i32 to vector<16xi32>
        %shift_right_logical3A_438 = arith.shrui %get3A_428, %shift_right_logical3A_437 : vector<16xi32>
        %swap3A_439 = arith.constant 64 : index
        %swap3A_440 = tpu.vector_load %arg7[%swap3A_439] {strides = array<i32>} : memref<128xi32, #tpu.memory_space<vmem>>, vector<16xi32>,
        %swap3A_441 = vector.shape_cast %swap3A_440 : vector<16xi32> to vector<16xi32>
        %swap3A_442 = vector.shape_cast %shift_right_logical3A_438 : vector<16xi32> to vector<16xi32>
        tpu.vector_store %arg7[%swap3A_439], %swap3A_442 {strides = array<i32>} : memref<128xi32, #tpu.memory_space<vmem>>, vector<16xi32>,
        %get3A_443 = arith.index_cast %add3A_352 : i32 to index
        %get3A_444 = arith.constant 80 : index
        %get3A_445 = tpu.vector_load %arg5[%get3A_443, %get3A_444] {strides = array<i32>} : memref<26x128xi32, #tpu.memory_space<vmem>>, vector<1x16xi32>,
        %get3A_446 = vector.shape_cast %get3A_445 : vector<1x16xi32> to vector<16xi32>
        %and3A_447 = arith.constant 65535 : i32
        %and3A_448 = vector.broadcast %and3A_447 : i32 to vector<16xi32>
        %and3A_449 = arith.andi %get3A_446, %and3A_448 : vector<16xi32>
        %swap3A_450 = arith.constant 80 : index
        %swap3A_451 = tpu.vector_load %arg6[%swap3A_450] {strides = array<i32>} : memref<128xi32, #tpu.memory_space<vmem>>, vector<16xi32>,
        %swap3A_452 = vector.shape_cast %swap3A_451 : vector<16xi32> to vector<16xi32>
        %swap3A_453 = vector.shape_cast %and3A_449 : vector<16xi32> to vector<16xi32>
        tpu.vector_store %arg6[%swap3A_450], %swap3A_453 {strides = array<i32>} : memref<128xi32, #tpu.memory_space<vmem>>, vector<16xi32>,
        %shift_right_logical3A_454 = arith.constant 16 : i32
        %shift_right_logical3A_455 = vector.broadcast %shift_right_logical3A_454 : i32 to vector<16xi32>
        %shift_right_logical3A_456 = arith.shrui %get3A_446, %shift_right_logical3A_455 : vector<16xi32>
        %swap3A_457 = arith.constant 80 : index
        %swap3A_458 = tpu.vector_load %arg7[%swap3A_457] {strides = array<i32>} : memref<128xi32, #tpu.memory_space<vmem>>, vector<16xi32>,
        %swap3A_459 = vector.shape_cast %swap3A_458 : vector<16xi32> to vector<16xi32>
        %swap3A_460 = vector.shape_cast %shift_right_logical3A_456 : vector<16xi32> to vector<16xi32>
        tpu.vector_store %arg7[%swap3A_457], %swap3A_460 {strides = array<i32>} : memref<128xi32, #tpu.memory_space<vmem>>, vector<16xi32>,
        %get3A_461 = arith.index_cast %add3A_352 : i32 to index
        %get3A_462 = arith.constant 96 : index
        %get3A_463 = tpu.vector_load %arg5[%get3A_461, %get3A_462] {strides = array<i32>} : memref<26x128xi32, #tpu.memory_space<vmem>>, vector<1x16xi32>,
        %get3A_464 = vector.shape_cast %get3A_463 : vector<1x16xi32> to vector<16xi32>
        %and3A_465 = arith.constant 65535 : i32
        %and3A_466 = vector.broadcast %and3A_465 : i32 to vector<16xi32>
        %and3A_467 = arith.andi %get3A_464, %and3A_466 : vector<16xi32>
        %swap3A_468 = arith.constant 96 : index
        %swap3A_469 = tpu.vector_load %arg6[%swap3A_468] {strides = array<i32>} : memref<128xi32, #tpu.memory_space<vmem>>, vector<16xi32>,
        %swap3A_470 = vector.shape_cast %swap3A_469 : vector<16xi32> to vector<16xi32>
        %swap3A_471 = vector.shape_cast %and3A_467 : vector<16xi32> to vector<16xi32>
        tpu.vector_store %arg6[%swap3A_468], %swap3A_471 {strides = array<i32>} : memref<128xi32, #tpu.memory_space<vmem>>, vector<16xi32>,
        %shift_right_logical3A_472 = arith.constant 16 : i32
        %shift_right_logical3A_473 = vector.broadcast %shift_right_logical3A_472 : i32 to vector<16xi32>
        %shift_right_logical3A_474 = arith.shrui %get3A_464, %shift_right_logical3A_473 : vector<16xi32>
        %swap3A_475 = arith.constant 96 : index
        %swap3A_476 = tpu.vector_load %arg7[%swap3A_475] {strides = array<i32>} : memref<128xi32, #tpu.memory_space<vmem>>, vector<16xi32>,
        %swap3A_477 = vector.shape_cast %swap3A_476 : vector<16xi32> to vector<16xi32>
        %swap3A_478 = vector.shape_cast %shift_right_logical3A_474 : vector<16xi32> to vector<16xi32>
        tpu.vector_store %arg7[%swap3A_475], %swap3A_478 {strides = array<i32>} : memref<128xi32, #tpu.memory_space<vmem>>, vector<16xi32>,
        %get3A_479 = arith.index_cast %add3A_352 : i32 to index
        %get3A_480 = arith.constant 112 : index
        %get3A_481 = tpu.vector_load %arg5[%get3A_479, %get3A_480] {strides = array<i32>} : memref<26x128xi32, #tpu.memory_space<vmem>>, vector<1x16xi32>,
        %get3A_482 = vector.shape_cast %get3A_481 : vector<1x16xi32> to vector<16xi32>
        %and3A_483 = arith.constant 65535 : i32
        %and3A_484 = vector.broadcast %and3A_483 : i32 to vector<16xi32>
        %and3A_485 = arith.andi %get3A_482, %and3A_484 : vector<16xi32>
        %swap3A_486 = arith.constant 112 : index
        %swap3A_487 = tpu.vector_load %arg6[%swap3A_486] {strides = array<i32>} : memref<128xi32, #tpu.memory_space<vmem>>, vector<16xi32>,
        %swap3A_488 = vector.shape_cast %swap3A_487 : vector<16xi32> to vector<16xi32>
        %swap3A_489 = vector.shape_cast %and3A_485 : vector<16xi32> to vector<16xi32>
        tpu.vector_store %arg6[%swap3A_486], %swap3A_489 {strides = array<i32>} : memref<128xi32, #tpu.memory_space<vmem>>, vector<16xi32>,
        %shift_right_logical3A_490 = arith.constant 16 : i32
        %shift_right_logical3A_491 = vector.broadcast %shift_right_logical3A_490 : i32 to vector<16xi32>
        %shift_right_logical3A_492 = arith.shrui %get3A_482, %shift_right_logical3A_491 : vector<16xi32>
        %swap3A_493 = arith.constant 112 : index
        %swap3A_494 = tpu.vector_load %arg7[%swap3A_493] {strides = array<i32>} : memref<128xi32, #tpu.memory_space<vmem>>, vector<16xi32>,
        %swap3A_495 = vector.shape_cast %swap3A_494 : vector<16xi32> to vector<16xi32>
        %swap3A_496 = vector.shape_cast %shift_right_logical3A_492 : vector<16xi32> to vector<16xi32>
        tpu.vector_store %arg7[%swap3A_493], %swap3A_496 {strides = array<i32>} : memref<128xi32, #tpu.memory_space<vmem>>, vector<16xi32>,
        %dma_start3A_497 = arith.constant 0 : i32
        %dma_start3A_498 = arith.constant 0 : i32
        %dma_start3A_499 = tpu.memref_slice %arg2[%dma_start3A_497, %dma_start3A_498] : memref<10240x128xf32, #tpu.memory_space<hbm>> -> memref<10240x128xf32, #tpu.memory_space<hbm>>
        tpu.enqueue_indirect_dma source(%dma_start3A_499 : memref<10240x128xf32, #tpu.memory_space<hbm>>) target(%arg10 : memref<128x128xf32, #tpu.memory_space<vmem>>) offsets(%arg6 : memref<128xi32, #tpu.memory_space<vmem>>) semaphore(%arg15 : memref<!tpu.dma_semaphore, #tpu.memory_space<semaphore_mem>>)
        %dma_start3A_500 = arith.constant 0 : i32
        %dma_start3A_501 = arith.constant 0 : i32
        %dma_start3A_502 = tpu.memref_slice %arg2[%dma_start3A_500, %dma_start3A_501] : memref<10240x128xf32, #tpu.memory_space<hbm>> -> memref<10240x128xf32, #tpu.memory_space<hbm>>
        tpu.enqueue_indirect_dma source(%dma_start3A_502 : memref<10240x128xf32, #tpu.memory_space<hbm>>) target(%arg11 : memref<128x128xf32, #tpu.memory_space<vmem>>) offsets(%arg7 : memref<128xi32, #tpu.memory_space<vmem>>) semaphore(%arg16 : memref<!tpu.dma_semaphore, #tpu.memory_space<semaphore_mem>>)
      } else {
      }
      %dma_wait3A_332 = arith.constant 0 : i32
      %dma_wait3A_333 = arith.constant 0 : i32
      %dma_wait3A_334 = tpu.memref_slice %arg2[%dma_wait3A_332, %dma_wait3A_333] : memref<10240x128xf32, #tpu.memory_space<hbm>> -> memref<10240x128xf32, #tpu.memory_space<hbm>>
      tpu.wait_indirect_dma semaphore(%arg17 : memref<!tpu.dma_semaphore, #tpu.memory_space<semaphore_mem>>) src(%dma_wait3A_334 : memref<10240x128xf32, #tpu.memory_space<hbm>>) dst(%arg12 : memref<128x128xf32, #tpu.memory_space<vmem>>)
      %dma_wait3A_335 = arith.constant 0 : i32
      %dma_wait3A_336 = arith.constant 0 : i32
      %dma_wait3A_337 = tpu.memref_slice %arg2[%dma_wait3A_335, %dma_wait3A_336] : memref<10240x128xf32, #tpu.memory_space<hbm>> -> memref<10240x128xf32, #tpu.memory_space<hbm>>
      tpu.wait_indirect_dma semaphore(%arg18 : memref<!tpu.dma_semaphore, #tpu.memory_space<semaphore_mem>>) src(%dma_wait3A_337 : memref<10240x128xf32, #tpu.memory_space<hbm>>) dst(%arg13 : memref<128x128xf32, #tpu.memory_space<vmem>>)
      %add3A_338 = arith.constant 1 : i32
      %add3A_339 = arith.addi %mul3A_161, %add3A_338 : i32
      %scan3A_340 = arith.constant 0 : i32
      %scan3A_341 = arith.constant 0 : i32
      %scan3A_342 = arith.constant 128 : i32
      %scan3A_343 = arith.addi %scan3A_341, %scan3A_342 : i32
      %scan3A_344 = arith.constant 1 : i32
      scf.for %scan3A_351 = %scan3A_341 to %scan3A_343 step %scan3A_344  : i32 {
        %get3A_352 = arith.index_cast %scan3A_351 : i32 to index
        %get3A_353 = arith.constant 0 : index
        %get3A_354 = tpu.vector_load %arg12[%get3A_352, %get3A_353] {strides = array<i32>} : memref<128x128xf32, #tpu.memory_space<vmem>>, vector<1x16xf32>,
        %get3A_355 = vector.shape_cast %get3A_354 : vector<1x16xf32> to vector<16xf32>
        %get3A_356 = arith.index_cast %scan3A_351 : i32 to index
        %get3A_357 = arith.constant 0 : index
        %get3A_358 = tpu.vector_load %arg13[%get3A_356, %get3A_357] {strides = array<i32>} : memref<128x128xf32, #tpu.memory_space<vmem>>, vector<1x16xf32>,
        %get3A_359 = vector.shape_cast %get3A_358 : vector<1x16xf32> to vector<16xf32>
        %mul3A_360 = arith.mulf %get3A_355, %get3A_359 : vector<16xf32>
        %get3A_361 = arith.index_cast %scan3A_351 : i32 to index
        %get3A_362 = arith.constant 16 : index
        %get3A_363 = tpu.vector_load %arg12[%get3A_361, %get3A_362] {strides = array<i32>} : memref<128x128xf32, #tpu.memory_space<vmem>>, vector<1x16xf32>,
        %get3A_364 = vector.shape_cast %get3A_363 : vector<1x16xf32> to vector<16xf32>
        %get3A_365 = arith.index_cast %scan3A_351 : i32 to index
        %get3A_366 = arith.constant 16 : index
        %get3A_367 = tpu.vector_load %arg13[%get3A_365, %get3A_366] {strides = array<i32>} : memref<128x128xf32, #tpu.memory_space<vmem>>, vector<1x16xf32>,
        %get3A_368 = vector.shape_cast %get3A_367 : vector<1x16xf32> to vector<16xf32>
        %mul3A_369 = arith.mulf %get3A_364, %get3A_368 : vector<16xf32>
        %add3A_370 = arith.addf %mul3A_360, %mul3A_369 : vector<16xf32>
        %get3A_371 = arith.index_cast %scan3A_351 : i32 to index
        %get3A_372 = arith.constant 32 : index
        %get3A_373 = tpu.vector_load %arg12[%get3A_371, %get3A_372] {strides = array<i32>} : memref<128x128xf32, #tpu.memory_space<vmem>>, vector<1x16xf32>,
        %get3A_374 = vector.shape_cast %get3A_373 : vector<1x16xf32> to vector<16xf32>
        %get3A_375 = arith.index_cast %scan3A_351 : i32 to index
        %get3A_376 = arith.constant 32 : index
        %get3A_377 = tpu.vector_load %arg13[%get3A_375, %get3A_376] {strides = array<i32>} : memref<128x128xf32, #tpu.memory_space<vmem>>, vector<1x16xf32>,
        %get3A_378 = vector.shape_cast %get3A_377 : vector<1x16xf32> to vector<16xf32>
        %mul3A_379 = arith.mulf %get3A_374, %get3A_378 : vector<16xf32>
        %add3A_380 = arith.addf %add3A_370, %mul3A_379 : vector<16xf32>
        %get3A_381 = arith.index_cast %scan3A_351 : i32 to index
        %get3A_382 = arith.constant 48 : index
        %get3A_383 = tpu.vector_load %arg12[%get3A_381, %get3A_382] {strides = array<i32>} : memref<128x128xf32, #tpu.memory_space<vmem>>, vector<1x16xf32>,
        %get3A_384 = vector.shape_cast %get3A_383 : vector<1x16xf32> to vector<16xf32>
        %get3A_385 = arith.index_cast %scan3A_351 : i32 to index
        %get3A_386 = arith.constant 48 : index
        %get3A_387 = tpu.vector_load %arg13[%get3A_385, %get3A_386] {strides = array<i32>} : memref<128x128xf32, #tpu.memory_space<vmem>>, vector<1x16xf32>,
        %get3A_388 = vector.shape_cast %get3A_387 : vector<1x16xf32> to vector<16xf32>
        %mul3A_389 = arith.mulf %get3A_384, %get3A_388 : vector<16xf32>
        %add3A_390 = arith.addf %add3A_380, %mul3A_389 : vector<16xf32>
        %get3A_391 = arith.index_cast %scan3A_351 : i32 to index
        %get3A_392 = arith.constant 64 : index
        %get3A_393 = tpu.vector_load %arg12[%get3A_391, %get3A_392] {strides = array<i32>} : memref<128x128xf32, #tpu.memory_space<vmem>>, vector<1x16xf32>,
        %get3A_394 = vector.shape_cast %get3A_393 : vector<1x16xf32> to vector<16xf32>
        %get3A_395 = arith.index_cast %scan3A_351 : i32 to index
        %get3A_396 = arith.constant 64 : index
        %get3A_397 = tpu.vector_load %arg13[%get3A_395, %get3A_396] {strides = array<i32>} : memref<128x128xf32, #tpu.memory_space<vmem>>, vector<1x16xf32>,
        %get3A_398 = vector.shape_cast %get3A_397 : vector<1x16xf32> to vector<16xf32>
        %mul3A_399 = arith.mulf %get3A_394, %get3A_398 : vector<16xf32>
        %add3A_400 = arith.addf %add3A_390, %mul3A_399 : vector<16xf32>
        %get3A_401 = arith.index_cast %scan3A_351 : i32 to index
        %get3A_402 = arith.constant 80 : index
        %get3A_403 = tpu.vector_load %arg12[%get3A_401, %get3A_402] {strides = array<i32>} : memref<128x128xf32, #tpu.memory_space<vmem>>, vector<1x16xf32>,
        %get3A_404 = vector.shape_cast %get3A_403 : vector<1x16xf32> to vector<16xf32>
        %get3A_405 = arith.index_cast %scan3A_351 : i32 to index
        %get3A_406 = arith.constant 80 : index
        %get3A_407 = tpu.vector_load %arg13[%get3A_405, %get3A_406] {strides = array<i32>} : memref<128x128xf32, #tpu.memory_space<vmem>>, vector<1x16xf32>,
        %get3A_408 = vector.shape_cast %get3A_407 : vector<1x16xf32> to vector<16xf32>
        %mul3A_409 = arith.mulf %get3A_404, %get3A_408 : vector<16xf32>
        %add3A_410 = arith.addf %add3A_400, %mul3A_409 : vector<16xf32>
        %get3A_411 = arith.index_cast %scan3A_351 : i32 to index
        %get3A_412 = arith.constant 96 : index
        %get3A_413 = tpu.vector_load %arg12[%get3A_411, %get3A_412] {strides = array<i32>} : memref<128x128xf32, #tpu.memory_space<vmem>>, vector<1x16xf32>,
        %get3A_414 = vector.shape_cast %get3A_413 : vector<1x16xf32> to vector<16xf32>
        %get3A_415 = arith.index_cast %scan3A_351 : i32 to index
        %get3A_416 = arith.constant 96 : index
        %get3A_417 = tpu.vector_load %arg13[%get3A_415, %get3A_416] {strides = array<i32>} : memref<128x128xf32, #tpu.memory_space<vmem>>, vector<1x16xf32>,
        %get3A_418 = vector.shape_cast %get3A_417 : vector<1x16xf32> to vector<16xf32>
        %mul3A_419 = arith.mulf %get3A_414, %get3A_418 : vector<16xf32>
        %add3A_420 = arith.addf %add3A_410, %mul3A_419 : vector<16xf32>
        %get3A_421 = arith.index_cast %scan3A_351 : i32 to index
        %get3A_422 = arith.constant 112 : index
        %get3A_423 = tpu.vector_load %arg12[%get3A_421, %get3A_422] {strides = array<i32>} : memref<128x128xf32, #tpu.memory_space<vmem>>, vector<1x16xf32>,
        %get3A_424 = vector.shape_cast %get3A_423 : vector<1x16xf32> to vector<16xf32>
        %get3A_425 = arith.index_cast %scan3A_351 : i32 to index
        %get3A_426 = arith.constant 112 : index
        %get3A_427 = tpu.vector_load %arg13[%get3A_425, %get3A_426] {strides = array<i32>} : memref<128x128xf32, #tpu.memory_space<vmem>>, vector<1x16xf32>,
        %get3A_428 = vector.shape_cast %get3A_427 : vector<1x16xf32> to vector<16xf32>
        %mul3A_429 = arith.mulf %get3A_424, %get3A_428 : vector<16xf32>
        %add3A_430 = arith.addf %add3A_420, %mul3A_429 : vector<16xf32>
        %swap3A_431 = arith.index_cast %scan3A_351 : i32 to index
        %swap3A_432 = arith.constant 0 : index
        %swap3A_433 = tpu.vector_load %arg14[%swap3A_431, %swap3A_432] {strides = array<i32>} : memref<128x16xf32, #tpu.memory_space<vmem>>, vector<1x16xf32>,
        %swap3A_434 = vector.shape_cast %swap3A_433 : vector<1x16xf32> to vector<16xf32>
        %swap3A_435 = vector.shape_cast %add3A_430 : vector<16xf32> to vector<1x16xf32>
        tpu.vector_store %arg14[%swap3A_431, %swap3A_432], %swap3A_435 {strides = array<i32>} : memref<128x16xf32, #tpu.memory_space<vmem>>, vector<1x16xf32>,
      }
      %scan3A_345 = arith.constant 128 : i32
      %mul3A_346 = arith.constant 3328 : i32
      %mul3A_347 = arith.muli %add3A, %mul3A_346 : i32
      %mul3A_348 = arith.constant 128 : i32
      %mul3A_349 = arith.muli %add3A_339, %mul3A_348 : i32
      %add3A_350 = arith.addi %mul3A_347, %mul3A_349 : i32
      "tpu.region"() ({
        %run_scoped3A = tpu.sem_alloc : memref<!tpu.dma_semaphore, #tpu.memory_space<semaphore_mem>>
        %dma_start3A_351 = arith.constant 0 : i32
        %dma_start3A_352 = tpu.memref_slice %arg4[%add3A_350, %dma_start3A_351] : memref<106496x16xf32, #tpu.memory_space<hbm>> -> memref<128x16xf32, #tpu.memory_space<hbm>>
        %dma_start3A_353 = arith.constant 0 : i32
        %dma_start3A_354 = tpu.memref_slice %arg4[%add3A_350, %dma_start3A_353] : memref<106496x16xf32, #tpu.memory_space<hbm>> -> memref<128x16xf32, #tpu.memory_space<hbm>>
        tpu.enqueue_dma source(%arg14 : memref<128x16xf32, #tpu.memory_space<vmem>>) target(%dma_start3A_354 : memref<128x16xf32, #tpu.memory_space<hbm>>) target_semaphore(%run_scoped3A : memref<!tpu.dma_semaphore, #tpu.memory_space<semaphore_mem>>)
        %dma_wait3A_355 = arith.constant 0 : i32
        %dma_wait3A_356 = tpu.memref_slice %arg4[%add3A_350, %dma_wait3A_355] : memref<106496x16xf32, #tpu.memory_space<hbm>> -> memref<128x16xf32, #tpu.memory_space<hbm>>
        %dma_wait3A_357 = arith.constant 0 : i32
        %dma_wait3A_358 = tpu.memref_slice %arg4[%add3A_350, %dma_wait3A_357] : memref<106496x16xf32, #tpu.memory_space<hbm>> -> memref<128x16xf32, #tpu.memory_space<hbm>>
        tpu.wait_dma2 semaphore(%run_scoped3A : memref<!tpu.dma_semaphore, #tpu.memory_space<semaphore_mem>>) src(%arg14 : memref<128x16xf32, #tpu.memory_space<vmem>>) dst(%dma_wait3A_358 : memref<128x16xf32, #tpu.memory_space<hbm>>)
        tpu.yield
      }) : () -> ()
    }
    %scan3A_158 = arith.constant 13 : i32
    return
  }
}

#map = affine_map<(d0, d1) -> (0, 0)>
#map1 = affine_map<(d0, d1) -> (0, 0, 0)>
module attributes {stable_mosaic.version = 14 : i64} {
  func.func @_sc_msg_body(%arg0: i32, %arg1: i32, %arg2: memref<10240x128xf32, #tpu.memory_space<hbm>>, %arg3: memref<32x80x128xi32, #tpu.memory_space<hbm>>, %arg4: memref<20480x128xf32, #tpu.memory_space<hbm>>, %arg5: memref<80x128xi32, #tpu.memory_space<vmem>>, %arg6: memref<128xi32, #tpu.memory_space<vmem>>, %arg7: memref<128xi32, #tpu.memory_space<vmem>>, %arg8: memref<128xi32, #tpu.memory_space<vmem>>, %arg9: memref<128xi32, #tpu.memory_space<vmem>>, %arg10: memref<128x128xf32, #tpu.memory_space<vmem>>, %arg11: memref<128x128xf32, #tpu.memory_space<vmem>>, %arg12: memref<10240x128xf32, #tpu.memory_space<vmem_shared>>, %arg13: memref<!tpu.dma_semaphore, #tpu.memory_space<semaphore_mem>>, %arg14: memref<!tpu.dma_semaphore, #tpu.memory_space<semaphore_mem>>, %arg15: memref<!tpu.dma_semaphore, #tpu.memory_space<semaphore_mem>>, %arg16: memref<!tpu.dma_semaphore, #tpu.memory_space<semaphore_mem>>) attributes {dimension_semantics = [#tpu.dimension_semantics<core_parallel>, #tpu.dimension_semantics<subcore_parallel>], iteration_bounds = array<i64: 2, 16>, scalar_prefetch = 0 : i64, scratch_operands = 12 : i64, tpu.core_type = #tpu.core_type<sc_vector_subcore>, window_params = [{transform_indices = #map}, {transform_indices = #map1}, {transform_indices = #map}]} {
    %mul3A = arith.constant 2 : i32
    %mul3A_0 = arith.muli %arg1, %mul3A : i32
    %add3A = arith.addi %mul3A_0, %arg0 : i32
    %broadcast_in_dim3A = arith.constant 0.000000e+00 : f32
    %broadcast_in_dim3A_1 = vector.broadcast %broadcast_in_dim3A : f32 to vector<16xf32>
    %scan3A = arith.constant 0 : i32
    %scan3A_2 = arith.constant 0 : i32
    %scan3A_3 = arith.constant 128 : i32
    %scan3A_4 = arith.addi %scan3A_2, %scan3A_3 : i32
    %scan3A_5 = arith.constant 1 : i32
    scf.for %scan3A_193 = %scan3A_2 to %scan3A_4 step %scan3A_5  : i32 {
      %swap3A_194 = arith.index_cast %scan3A_193 : i32 to index
      %swap3A_195 = arith.constant 0 : index
      %swap3A_196 = tpu.vector_load %arg10[%swap3A_194, %swap3A_195] {strides = array<i32>} : memref<128x128xf32, #tpu.memory_space<vmem>>, vector<1x16xf32>,
      %swap3A_197 = vector.shape_cast %swap3A_196 : vector<1x16xf32> to vector<16xf32>
      %swap3A_198 = vector.shape_cast %broadcast_in_dim3A_1 : vector<16xf32> to vector<1x16xf32>
      tpu.vector_store %arg10[%swap3A_194, %swap3A_195], %swap3A_198 {strides = array<i32>} : memref<128x128xf32, #tpu.memory_space<vmem>>, vector<1x16xf32>,
      %swap3A_199 = arith.index_cast %scan3A_193 : i32 to index
      %swap3A_200 = arith.constant 16 : index
      %swap3A_201 = tpu.vector_load %arg10[%swap3A_199, %swap3A_200] {strides = array<i32>} : memref<128x128xf32, #tpu.memory_space<vmem>>, vector<1x16xf32>,
      %swap3A_202 = vector.shape_cast %swap3A_201 : vector<1x16xf32> to vector<16xf32>
      %swap3A_203 = vector.shape_cast %broadcast_in_dim3A_1 : vector<16xf32> to vector<1x16xf32>
      tpu.vector_store %arg10[%swap3A_199, %swap3A_200], %swap3A_203 {strides = array<i32>} : memref<128x128xf32, #tpu.memory_space<vmem>>, vector<1x16xf32>,
      %swap3A_204 = arith.index_cast %scan3A_193 : i32 to index
      %swap3A_205 = arith.constant 32 : index
      %swap3A_206 = tpu.vector_load %arg10[%swap3A_204, %swap3A_205] {strides = array<i32>} : memref<128x128xf32, #tpu.memory_space<vmem>>, vector<1x16xf32>,
      %swap3A_207 = vector.shape_cast %swap3A_206 : vector<1x16xf32> to vector<16xf32>
      %swap3A_208 = vector.shape_cast %broadcast_in_dim3A_1 : vector<16xf32> to vector<1x16xf32>
      tpu.vector_store %arg10[%swap3A_204, %swap3A_205], %swap3A_208 {strides = array<i32>} : memref<128x128xf32, #tpu.memory_space<vmem>>, vector<1x16xf32>,
      %swap3A_209 = arith.index_cast %scan3A_193 : i32 to index
      %swap3A_210 = arith.constant 48 : index
      %swap3A_211 = tpu.vector_load %arg10[%swap3A_209, %swap3A_210] {strides = array<i32>} : memref<128x128xf32, #tpu.memory_space<vmem>>, vector<1x16xf32>,
      %swap3A_212 = vector.shape_cast %swap3A_211 : vector<1x16xf32> to vector<16xf32>
      %swap3A_213 = vector.shape_cast %broadcast_in_dim3A_1 : vector<16xf32> to vector<1x16xf32>
      tpu.vector_store %arg10[%swap3A_209, %swap3A_210], %swap3A_213 {strides = array<i32>} : memref<128x128xf32, #tpu.memory_space<vmem>>, vector<1x16xf32>,
      %swap3A_214 = arith.index_cast %scan3A_193 : i32 to index
      %swap3A_215 = arith.constant 64 : index
      %swap3A_216 = tpu.vector_load %arg10[%swap3A_214, %swap3A_215] {strides = array<i32>} : memref<128x128xf32, #tpu.memory_space<vmem>>, vector<1x16xf32>,
      %swap3A_217 = vector.shape_cast %swap3A_216 : vector<1x16xf32> to vector<16xf32>
      %swap3A_218 = vector.shape_cast %broadcast_in_dim3A_1 : vector<16xf32> to vector<1x16xf32>
      tpu.vector_store %arg10[%swap3A_214, %swap3A_215], %swap3A_218 {strides = array<i32>} : memref<128x128xf32, #tpu.memory_space<vmem>>, vector<1x16xf32>,
      %swap3A_219 = arith.index_cast %scan3A_193 : i32 to index
      %swap3A_220 = arith.constant 80 : index
      %swap3A_221 = tpu.vector_load %arg10[%swap3A_219, %swap3A_220] {strides = array<i32>} : memref<128x128xf32, #tpu.memory_space<vmem>>, vector<1x16xf32>,
      %swap3A_222 = vector.shape_cast %swap3A_221 : vector<1x16xf32> to vector<16xf32>
      %swap3A_223 = vector.shape_cast %broadcast_in_dim3A_1 : vector<16xf32> to vector<1x16xf32>
      tpu.vector_store %arg10[%swap3A_219, %swap3A_220], %swap3A_223 {strides = array<i32>} : memref<128x128xf32, #tpu.memory_space<vmem>>, vector<1x16xf32>,
      %swap3A_224 = arith.index_cast %scan3A_193 : i32 to index
      %swap3A_225 = arith.constant 96 : index
      %swap3A_226 = tpu.vector_load %arg10[%swap3A_224, %swap3A_225] {strides = array<i32>} : memref<128x128xf32, #tpu.memory_space<vmem>>, vector<1x16xf32>,
      %swap3A_227 = vector.shape_cast %swap3A_226 : vector<1x16xf32> to vector<16xf32>
      %swap3A_228 = vector.shape_cast %broadcast_in_dim3A_1 : vector<16xf32> to vector<1x16xf32>
      tpu.vector_store %arg10[%swap3A_224, %swap3A_225], %swap3A_228 {strides = array<i32>} : memref<128x128xf32, #tpu.memory_space<vmem>>, vector<1x16xf32>,
      %swap3A_229 = arith.index_cast %scan3A_193 : i32 to index
      %swap3A_230 = arith.constant 112 : index
      %swap3A_231 = tpu.vector_load %arg10[%swap3A_229, %swap3A_230] {strides = array<i32>} : memref<128x128xf32, #tpu.memory_space<vmem>>, vector<1x16xf32>,
      %swap3A_232 = vector.shape_cast %swap3A_231 : vector<1x16xf32> to vector<16xf32>
      %swap3A_233 = vector.shape_cast %broadcast_in_dim3A_1 : vector<16xf32> to vector<1x16xf32>
      tpu.vector_store %arg10[%swap3A_229, %swap3A_230], %swap3A_233 {strides = array<i32>} : memref<128x128xf32, #tpu.memory_space<vmem>>, vector<1x16xf32>,
    }
    %scan3A_6 = arith.constant 128 : i32
    %mul3A_7 = arith.constant 640 : i32
    %mul3A_8 = arith.muli %arg1, %mul3A_7 : i32
    %add3A_9 = arith.constant 0 : i32
    %add3A_10 = arith.addi %mul3A_8, %add3A_9 : i32
    "tpu.region"() ({
      %run_scoped3A = tpu.sem_alloc : memref<!tpu.dma_semaphore, #tpu.memory_space<semaphore_mem>>
      %dma_start3A_193 = arith.constant 0 : i32
      %dma_start3A_194 = tpu.memref_slice %arg12[%add3A_10, %dma_start3A_193] : memref<10240x128xf32, #tpu.memory_space<vmem_shared>> -> memref<128x128xf32, #tpu.memory_space<vmem_shared>>
      %dma_start3A_195 = arith.constant 0 : i32
      %dma_start3A_196 = tpu.memref_slice %arg12[%add3A_10, %dma_start3A_195] : memref<10240x128xf32, #tpu.memory_space<vmem_shared>> -> memref<128x128xf32, #tpu.memory_space<vmem_shared>>
      tpu.enqueue_dma source(%arg10 : memref<128x128xf32, #tpu.memory_space<vmem>>) target(%dma_start3A_196 : memref<128x128xf32, #tpu.memory_space<vmem_shared>>) target_semaphore(%run_scoped3A : memref<!tpu.dma_semaphore, #tpu.memory_space<semaphore_mem>>)
      %dma_wait3A_197 = arith.constant 0 : i32
      %dma_wait3A_198 = tpu.memref_slice %arg12[%add3A_10, %dma_wait3A_197] : memref<10240x128xf32, #tpu.memory_space<vmem_shared>> -> memref<128x128xf32, #tpu.memory_space<vmem_shared>>
      %dma_wait3A_199 = arith.constant 0 : i32
      %dma_wait3A_200 = tpu.memref_slice %arg12[%add3A_10, %dma_wait3A_199] : memref<10240x128xf32, #tpu.memory_space<vmem_shared>> -> memref<128x128xf32, #tpu.memory_space<vmem_shared>>
      tpu.wait_dma2 semaphore(%run_scoped3A : memref<!tpu.dma_semaphore, #tpu.memory_space<semaphore_mem>>) src(%arg10 : memref<128x128xf32, #tpu.memory_space<vmem>>) dst(%dma_wait3A_200 : memref<128x128xf32, #tpu.memory_space<vmem_shared>>)
      tpu.yield
    }) : () -> ()
    %mul3A_11 = arith.constant 640 : i32
    %mul3A_12 = arith.muli %arg1, %mul3A_11 : i32
    %add3A_13 = arith.constant 128 : i32
    %add3A_14 = arith.addi %mul3A_12, %add3A_13 : i32
    "tpu.region"() ({
      %run_scoped3A = tpu.sem_alloc : memref<!tpu.dma_semaphore, #tpu.memory_space<semaphore_mem>>
      %dma_start3A_193 = arith.constant 0 : i32
      %dma_start3A_194 = tpu.memref_slice %arg12[%add3A_14, %dma_start3A_193] : memref<10240x128xf32, #tpu.memory_space<vmem_shared>> -> memref<128x128xf32, #tpu.memory_space<vmem_shared>>
      %dma_start3A_195 = arith.constant 0 : i32
      %dma_start3A_196 = tpu.memref_slice %arg12[%add3A_14, %dma_start3A_195] : memref<10240x128xf32, #tpu.memory_space<vmem_shared>> -> memref<128x128xf32, #tpu.memory_space<vmem_shared>>
      tpu.enqueue_dma source(%arg10 : memref<128x128xf32, #tpu.memory_space<vmem>>) target(%dma_start3A_196 : memref<128x128xf32, #tpu.memory_space<vmem_shared>>) target_semaphore(%run_scoped3A : memref<!tpu.dma_semaphore, #tpu.memory_space<semaphore_mem>>)
      %dma_wait3A_197 = arith.constant 0 : i32
      %dma_wait3A_198 = tpu.memref_slice %arg12[%add3A_14, %dma_wait3A_197] : memref<10240x128xf32, #tpu.memory_space<vmem_shared>> -> memref<128x128xf32, #tpu.memory_space<vmem_shared>>
      %dma_wait3A_199 = arith.constant 0 : i32
      %dma_wait3A_200 = tpu.memref_slice %arg12[%add3A_14, %dma_wait3A_199] : memref<10240x128xf32, #tpu.memory_space<vmem_shared>> -> memref<128x128xf32, #tpu.memory_space<vmem_shared>>
      tpu.wait_dma2 semaphore(%run_scoped3A : memref<!tpu.dma_semaphore, #tpu.memory_space<semaphore_mem>>) src(%arg10 : memref<128x128xf32, #tpu.memory_space<vmem>>) dst(%dma_wait3A_200 : memref<128x128xf32, #tpu.memory_space<vmem_shared>>)
      tpu.yield
    }) : () -> ()
    %mul3A_15 = arith.constant 640 : i32
    %mul3A_16 = arith.muli %arg1, %mul3A_15 : i32
    %add3A_17 = arith.constant 256 : i32
    %add3A_18 = arith.addi %mul3A_16, %add3A_17 : i32
    "tpu.region"() ({
      %run_scoped3A = tpu.sem_alloc : memref<!tpu.dma_semaphore, #tpu.memory_space<semaphore_mem>>
      %dma_start3A_193 = arith.constant 0 : i32
      %dma_start3A_194 = tpu.memref_slice %arg12[%add3A_18, %dma_start3A_193] : memref<10240x128xf32, #tpu.memory_space<vmem_shared>> -> memref<128x128xf32, #tpu.memory_space<vmem_shared>>
      %dma_start3A_195 = arith.constant 0 : i32
      %dma_start3A_196 = tpu.memref_slice %arg12[%add3A_18, %dma_start3A_195] : memref<10240x128xf32, #tpu.memory_space<vmem_shared>> -> memref<128x128xf32, #tpu.memory_space<vmem_shared>>
      tpu.enqueue_dma source(%arg10 : memref<128x128xf32, #tpu.memory_space<vmem>>) target(%dma_start3A_196 : memref<128x128xf32, #tpu.memory_space<vmem_shared>>) target_semaphore(%run_scoped3A : memref<!tpu.dma_semaphore, #tpu.memory_space<semaphore_mem>>)
      %dma_wait3A_197 = arith.constant 0 : i32
      %dma_wait3A_198 = tpu.memref_slice %arg12[%add3A_18, %dma_wait3A_197] : memref<10240x128xf32, #tpu.memory_space<vmem_shared>> -> memref<128x128xf32, #tpu.memory_space<vmem_shared>>
      %dma_wait3A_199 = arith.constant 0 : i32
      %dma_wait3A_200 = tpu.memref_slice %arg12[%add3A_18, %dma_wait3A_199] : memref<10240x128xf32, #tpu.memory_space<vmem_shared>> -> memref<128x128xf32, #tpu.memory_space<vmem_shared>>
      tpu.wait_dma2 semaphore(%run_scoped3A : memref<!tpu.dma_semaphore, #tpu.memory_space<semaphore_mem>>) src(%arg10 : memref<128x128xf32, #tpu.memory_space<vmem>>) dst(%dma_wait3A_200 : memref<128x128xf32, #tpu.memory_space<vmem_shared>>)
      tpu.yield
    }) : () -> ()
    %mul3A_19 = arith.constant 640 : i32
    %mul3A_20 = arith.muli %arg1, %mul3A_19 : i32
    %add3A_21 = arith.constant 384 : i32
    %add3A_22 = arith.addi %mul3A_20, %add3A_21 : i32
    "tpu.region"() ({
      %run_scoped3A = tpu.sem_alloc : memref<!tpu.dma_semaphore, #tpu.memory_space<semaphore_mem>>
      %dma_start3A_193 = arith.constant 0 : i32
      %dma_start3A_194 = tpu.memref_slice %arg12[%add3A_22, %dma_start3A_193] : memref<10240x128xf32, #tpu.memory_space<vmem_shared>> -> memref<128x128xf32, #tpu.memory_space<vmem_shared>>
      %dma_start3A_195 = arith.constant 0 : i32
      %dma_start3A_196 = tpu.memref_slice %arg12[%add3A_22, %dma_start3A_195] : memref<10240x128xf32, #tpu.memory_space<vmem_shared>> -> memref<128x128xf32, #tpu.memory_space<vmem_shared>>
      tpu.enqueue_dma source(%arg10 : memref<128x128xf32, #tpu.memory_space<vmem>>) target(%dma_start3A_196 : memref<128x128xf32, #tpu.memory_space<vmem_shared>>) target_semaphore(%run_scoped3A : memref<!tpu.dma_semaphore, #tpu.memory_space<semaphore_mem>>)
      %dma_wait3A_197 = arith.constant 0 : i32
      %dma_wait3A_198 = tpu.memref_slice %arg12[%add3A_22, %dma_wait3A_197] : memref<10240x128xf32, #tpu.memory_space<vmem_shared>> -> memref<128x128xf32, #tpu.memory_space<vmem_shared>>
      %dma_wait3A_199 = arith.constant 0 : i32
      %dma_wait3A_200 = tpu.memref_slice %arg12[%add3A_22, %dma_wait3A_199] : memref<10240x128xf32, #tpu.memory_space<vmem_shared>> -> memref<128x128xf32, #tpu.memory_space<vmem_shared>>
      tpu.wait_dma2 semaphore(%run_scoped3A : memref<!tpu.dma_semaphore, #tpu.memory_space<semaphore_mem>>) src(%arg10 : memref<128x128xf32, #tpu.memory_space<vmem>>) dst(%dma_wait3A_200 : memref<128x128xf32, #tpu.memory_space<vmem_shared>>)
      tpu.yield
    }) : () -> ()
    %mul3A_23 = arith.constant 640 : i32
    %mul3A_24 = arith.muli %arg1, %mul3A_23 : i32
    %add3A_25 = arith.constant 512 : i32
    %add3A_26 = arith.addi %mul3A_24, %add3A_25 : i32
    "tpu.region"() ({
      %run_scoped3A = tpu.sem_alloc : memref<!tpu.dma_semaphore, #tpu.memory_space<semaphore_mem>>
      %dma_start3A_193 = arith.constant 0 : i32
      %dma_start3A_194 = tpu.memref_slice %arg12[%add3A_26, %dma_start3A_193] : memref<10240x128xf32, #tpu.memory_space<vmem_shared>> -> memref<128x128xf32, #tpu.memory_space<vmem_shared>>
      %dma_start3A_195 = arith.constant 0 : i32
      %dma_start3A_196 = tpu.memref_slice %arg12[%add3A_26, %dma_start3A_195] : memref<10240x128xf32, #tpu.memory_space<vmem_shared>> -> memref<128x128xf32, #tpu.memory_space<vmem_shared>>
      tpu.enqueue_dma source(%arg10 : memref<128x128xf32, #tpu.memory_space<vmem>>) target(%dma_start3A_196 : memref<128x128xf32, #tpu.memory_space<vmem_shared>>) target_semaphore(%run_scoped3A : memref<!tpu.dma_semaphore, #tpu.memory_space<semaphore_mem>>)
      %dma_wait3A_197 = arith.constant 0 : i32
      %dma_wait3A_198 = tpu.memref_slice %arg12[%add3A_26, %dma_wait3A_197] : memref<10240x128xf32, #tpu.memory_space<vmem_shared>> -> memref<128x128xf32, #tpu.memory_space<vmem_shared>>
      %dma_wait3A_199 = arith.constant 0 : i32
      %dma_wait3A_200 = tpu.memref_slice %arg12[%add3A_26, %dma_wait3A_199] : memref<10240x128xf32, #tpu.memory_space<vmem_shared>> -> memref<128x128xf32, #tpu.memory_space<vmem_shared>>
      tpu.wait_dma2 semaphore(%run_scoped3A : memref<!tpu.dma_semaphore, #tpu.memory_space<semaphore_mem>>) src(%arg10 : memref<128x128xf32, #tpu.memory_space<vmem>>) dst(%dma_wait3A_200 : memref<128x128xf32, #tpu.memory_space<vmem_shared>>)
      tpu.yield
    }) : () -> ()
    "tpu.region"() ({
      %run_scoped3A = tpu.sem_alloc : memref<!tpu.dma_semaphore, #tpu.memory_space<semaphore_mem>>
      %dma_start3A_193 = arith.constant 0 : i32
      %dma_start3A_194 = arith.constant 0 : i32
      %dma_start3A_195 = tpu.memref_slice %arg3[%add3A, %dma_start3A_193, %dma_start3A_194] : memref<32x80x128xi32, #tpu.memory_space<hbm>> -> memref<1x80x128xi32, #tpu.memory_space<hbm>>
      %dma_start3A_196 = tpu.memref_squeeze %dma_start3A_195 : memref<1x80x128xi32, #tpu.memory_space<hbm>> -> memref<80x128xi32, #tpu.memory_space<hbm>>
      %dma_start3A_197 = arith.constant 0 : i32
      %dma_start3A_198 = arith.constant 0 : i32
      %dma_start3A_199 = tpu.memref_slice %arg3[%add3A, %dma_start3A_197, %dma_start3A_198] : memref<32x80x128xi32, #tpu.memory_space<hbm>> -> memref<1x80x128xi32, #tpu.memory_space<hbm>>
      %dma_start3A_200 = tpu.memref_squeeze %dma_start3A_199 : memref<1x80x128xi32, #tpu.memory_space<hbm>> -> memref<80x128xi32, #tpu.memory_space<hbm>>
      tpu.enqueue_dma source(%dma_start3A_200 : memref<80x128xi32, #tpu.memory_space<hbm>>) target(%arg5 : memref<80x128xi32, #tpu.memory_space<vmem>>) target_semaphore(%run_scoped3A : memref<!tpu.dma_semaphore, #tpu.memory_space<semaphore_mem>>)
      %dma_wait3A_201 = arith.constant 0 : i32
      %dma_wait3A_202 = arith.constant 0 : i32
      %dma_wait3A_203 = tpu.memref_slice %arg3[%add3A, %dma_wait3A_201, %dma_wait3A_202] : memref<32x80x128xi32, #tpu.memory_space<hbm>> -> memref<1x80x128xi32, #tpu.memory_space<hbm>>
      %dma_wait3A_204 = tpu.memref_squeeze %dma_wait3A_203 : memref<1x80x128xi32, #tpu.memory_space<hbm>> -> memref<80x128xi32, #tpu.memory_space<hbm>>
      %dma_wait3A_205 = arith.constant 0 : i32
      %dma_wait3A_206 = arith.constant 0 : i32
      %dma_wait3A_207 = tpu.memref_slice %arg3[%add3A, %dma_wait3A_205, %dma_wait3A_206] : memref<32x80x128xi32, #tpu.memory_space<hbm>> -> memref<1x80x128xi32, #tpu.memory_space<hbm>>
      %dma_wait3A_208 = tpu.memref_squeeze %dma_wait3A_207 : memref<1x80x128xi32, #tpu.memory_space<hbm>> -> memref<80x128xi32, #tpu.memory_space<hbm>>
      tpu.wait_dma2 semaphore(%run_scoped3A : memref<!tpu.dma_semaphore, #tpu.memory_space<semaphore_mem>>) src(%dma_wait3A_208 : memref<80x128xi32, #tpu.memory_space<hbm>>) dst(%arg5 : memref<80x128xi32, #tpu.memory_space<vmem>>)
      tpu.yield
    }) : () -> ()
    %barrier3A = arith.constant 0 : index
    tpu.barrier barrier_id(%barrier3A)
    %get3A = arith.constant 0 : i32
    %get3A_27 = arith.index_cast %get3A : i32 to index
    %get3A_28 = arith.constant 0 : index
    %get3A_29 = tpu.vector_load %arg5[%get3A_27, %get3A_28] {strides = array<i32>} : memref<80x128xi32, #tpu.memory_space<vmem>>, vector<1x16xi32>,
    %get3A_30 = vector.shape_cast %get3A_29 : vector<1x16xi32> to vector<16xi32>
    %and3A = arith.constant 65535 : i32
    %and3A_31 = vector.broadcast %and3A : i32 to vector<16xi32>
    %and3A_32 = arith.andi %get3A_30, %and3A_31 : vector<16xi32>
    %swap3A = arith.constant 0 : index
    %swap3A_33 = tpu.vector_load %arg6[%swap3A] {strides = array<i32>} : memref<128xi32, #tpu.memory_space<vmem>>, vector<16xi32>,
    %swap3A_34 = vector.shape_cast %swap3A_33 : vector<16xi32> to vector<16xi32>
    %swap3A_35 = vector.shape_cast %and3A_32 : vector<16xi32> to vector<16xi32>
    tpu.vector_store %arg6[%swap3A], %swap3A_35 {strides = array<i32>} : memref<128xi32, #tpu.memory_space<vmem>>, vector<16xi32>,
    %shift_right_logical3A = arith.constant 16 : i32
    %shift_right_logical3A_36 = vector.broadcast %shift_right_logical3A : i32 to vector<16xi32>
    %shift_right_logical3A_37 = arith.shrui %get3A_30, %shift_right_logical3A_36 : vector<16xi32>
    %swap3A_38 = arith.constant 0 : index
    %swap3A_39 = tpu.vector_load %arg8[%swap3A_38] {strides = array<i32>} : memref<128xi32, #tpu.memory_space<vmem>>, vector<16xi32>,
    %swap3A_40 = vector.shape_cast %swap3A_39 : vector<16xi32> to vector<16xi32>
    %swap3A_41 = vector.shape_cast %shift_right_logical3A_37 : vector<16xi32> to vector<16xi32>
    tpu.vector_store %arg8[%swap3A_38], %swap3A_41 {strides = array<i32>} : memref<128xi32, #tpu.memory_space<vmem>>, vector<16xi32>,
    %get3A_42 = arith.constant 0 : i32
    %get3A_43 = arith.index_cast %get3A_42 : i32 to index
    %get3A_44 = arith.constant 16 : index
    %get3A_45 = tpu.vector_load %arg5[%get3A_43, %get3A_44] {strides = array<i32>} : memref<80x128xi32, #tpu.memory_space<vmem>>, vector<1x16xi32>,
    %get3A_46 = vector.shape_cast %get3A_45 : vector<1x16xi32> to vector<16xi32>
    %and3A_47 = arith.constant 65535 : i32
    %and3A_48 = vector.broadcast %and3A_47 : i32 to vector<16xi32>
    %and3A_49 = arith.andi %get3A_46, %and3A_48 : vector<16xi32>
    %swap3A_50 = arith.constant 16 : index
    %swap3A_51 = tpu.vector_load %arg6[%swap3A_50] {strides = array<i32>} : memref<128xi32, #tpu.memory_space<vmem>>, vector<16xi32>,
    %swap3A_52 = vector.shape_cast %swap3A_51 : vector<16xi32> to vector<16xi32>
    %swap3A_53 = vector.shape_cast %and3A_49 : vector<16xi32> to vector<16xi32>
    tpu.vector_store %arg6[%swap3A_50], %swap3A_53 {strides = array<i32>} : memref<128xi32, #tpu.memory_space<vmem>>, vector<16xi32>,
    %shift_right_logical3A_54 = arith.constant 16 : i32
    %shift_right_logical3A_55 = vector.broadcast %shift_right_logical3A_54 : i32 to vector<16xi32>
    %shift_right_logical3A_56 = arith.shrui %get3A_46, %shift_right_logical3A_55 : vector<16xi32>
    %swap3A_57 = arith.constant 16 : index
    %swap3A_58 = tpu.vector_load %arg8[%swap3A_57] {strides = array<i32>} : memref<128xi32, #tpu.memory_space<vmem>>, vector<16xi32>,
    %swap3A_59 = vector.shape_cast %swap3A_58 : vector<16xi32> to vector<16xi32>
    %swap3A_60 = vector.shape_cast %shift_right_logical3A_56 : vector<16xi32> to vector<16xi32>
    tpu.vector_store %arg8[%swap3A_57], %swap3A_60 {strides = array<i32>} : memref<128xi32, #tpu.memory_space<vmem>>, vector<16xi32>,
    %get3A_61 = arith.constant 0 : i32
    %get3A_62 = arith.index_cast %get3A_61 : i32 to index
    %get3A_63 = arith.constant 32 : index
    %get3A_64 = tpu.vector_load %arg5[%get3A_62, %get3A_63] {strides = array<i32>} : memref<80x128xi32, #tpu.memory_space<vmem>>, vector<1x16xi32>,
    %get3A_65 = vector.shape_cast %get3A_64 : vector<1x16xi32> to vector<16xi32>
    %and3A_66 = arith.constant 65535 : i32
    %and3A_67 = vector.broadcast %and3A_66 : i32 to vector<16xi32>
    %and3A_68 = arith.andi %get3A_65, %and3A_67 : vector<16xi32>
    %swap3A_69 = arith.constant 32 : index
    %swap3A_70 = tpu.vector_load %arg6[%swap3A_69] {strides = array<i32>} : memref<128xi32, #tpu.memory_space<vmem>>, vector<16xi32>,
    %swap3A_71 = vector.shape_cast %swap3A_70 : vector<16xi32> to vector<16xi32>
    %swap3A_72 = vector.shape_cast %and3A_68 : vector<16xi32> to vector<16xi32>
    tpu.vector_store %arg6[%swap3A_69], %swap3A_72 {strides = array<i32>} : memref<128xi32, #tpu.memory_space<vmem>>, vector<16xi32>,
    %shift_right_logical3A_73 = arith.constant 16 : i32
    %shift_right_logical3A_74 = vector.broadcast %shift_right_logical3A_73 : i32 to vector<16xi32>
    %shift_right_logical3A_75 = arith.shrui %get3A_65, %shift_right_logical3A_74 : vector<16xi32>
    %swap3A_76 = arith.constant 32 : index
    %swap3A_77 = tpu.vector_load %arg8[%swap3A_76] {strides = array<i32>} : memref<128xi32, #tpu.memory_space<vmem>>, vector<16xi32>,
    %swap3A_78 = vector.shape_cast %swap3A_77 : vector<16xi32> to vector<16xi32>
    %swap3A_79 = vector.shape_cast %shift_right_logical3A_75 : vector<16xi32> to vector<16xi32>
    tpu.vector_store %arg8[%swap3A_76], %swap3A_79 {strides = array<i32>} : memref<128xi32, #tpu.memory_space<vmem>>, vector<16xi32>,
    %get3A_80 = arith.constant 0 : i32
    %get3A_81 = arith.index_cast %get3A_80 : i32 to index
    %get3A_82 = arith.constant 48 : index
    %get3A_83 = tpu.vector_load %arg5[%get3A_81, %get3A_82] {strides = array<i32>} : memref<80x128xi32, #tpu.memory_space<vmem>>, vector<1x16xi32>,
    %get3A_84 = vector.shape_cast %get3A_83 : vector<1x16xi32> to vector<16xi32>
    %and3A_85 = arith.constant 65535 : i32
    %and3A_86 = vector.broadcast %and3A_85 : i32 to vector<16xi32>
    %and3A_87 = arith.andi %get3A_84, %and3A_86 : vector<16xi32>
    %swap3A_88 = arith.constant 48 : index
    %swap3A_89 = tpu.vector_load %arg6[%swap3A_88] {strides = array<i32>} : memref<128xi32, #tpu.memory_space<vmem>>, vector<16xi32>,
    %swap3A_90 = vector.shape_cast %swap3A_89 : vector<16xi32> to vector<16xi32>
    %swap3A_91 = vector.shape_cast %and3A_87 : vector<16xi32> to vector<16xi32>
    tpu.vector_store %arg6[%swap3A_88], %swap3A_91 {strides = array<i32>} : memref<128xi32, #tpu.memory_space<vmem>>, vector<16xi32>,
    %shift_right_logical3A_92 = arith.constant 16 : i32
    %shift_right_logical3A_93 = vector.broadcast %shift_right_logical3A_92 : i32 to vector<16xi32>
    %shift_right_logical3A_94 = arith.shrui %get3A_84, %shift_right_logical3A_93 : vector<16xi32>
    %swap3A_95 = arith.constant 48 : index
    %swap3A_96 = tpu.vector_load %arg8[%swap3A_95] {strides = array<i32>} : memref<128xi32, #tpu.memory_space<vmem>>, vector<16xi32>,
    %swap3A_97 = vector.shape_cast %swap3A_96 : vector<16xi32> to vector<16xi32>
    %swap3A_98 = vector.shape_cast %shift_right_logical3A_94 : vector<16xi32> to vector<16xi32>
    tpu.vector_store %arg8[%swap3A_95], %swap3A_98 {strides = array<i32>} : memref<128xi32, #tpu.memory_space<vmem>>, vector<16xi32>,
    %get3A_99 = arith.constant 0 : i32
    %get3A_100 = arith.index_cast %get3A_99 : i32 to index
    %get3A_101 = arith.constant 64 : index
    %get3A_102 = tpu.vector_load %arg5[%get3A_100, %get3A_101] {strides = array<i32>} : memref<80x128xi32, #tpu.memory_space<vmem>>, vector<1x16xi32>,
    %get3A_103 = vector.shape_cast %get3A_102 : vector<1x16xi32> to vector<16xi32>
    %and3A_104 = arith.constant 65535 : i32
    %and3A_105 = vector.broadcast %and3A_104 : i32 to vector<16xi32>
    %and3A_106 = arith.andi %get3A_103, %and3A_105 : vector<16xi32>
    %swap3A_107 = arith.constant 64 : index
    %swap3A_108 = tpu.vector_load %arg6[%swap3A_107] {strides = array<i32>} : memref<128xi32, #tpu.memory_space<vmem>>, vector<16xi32>,
    %swap3A_109 = vector.shape_cast %swap3A_108 : vector<16xi32> to vector<16xi32>
    %swap3A_110 = vector.shape_cast %and3A_106 : vector<16xi32> to vector<16xi32>
    tpu.vector_store %arg6[%swap3A_107], %swap3A_110 {strides = array<i32>} : memref<128xi32, #tpu.memory_space<vmem>>, vector<16xi32>,
    %shift_right_logical3A_111 = arith.constant 16 : i32
    %shift_right_logical3A_112 = vector.broadcast %shift_right_logical3A_111 : i32 to vector<16xi32>
    %shift_right_logical3A_113 = arith.shrui %get3A_103, %shift_right_logical3A_112 : vector<16xi32>
    %swap3A_114 = arith.constant 64 : index
    %swap3A_115 = tpu.vector_load %arg8[%swap3A_114] {strides = array<i32>} : memref<128xi32, #tpu.memory_space<vmem>>, vector<16xi32>,
    %swap3A_116 = vector.shape_cast %swap3A_115 : vector<16xi32> to vector<16xi32>
    %swap3A_117 = vector.shape_cast %shift_right_logical3A_113 : vector<16xi32> to vector<16xi32>
    tpu.vector_store %arg8[%swap3A_114], %swap3A_117 {strides = array<i32>} : memref<128xi32, #tpu.memory_space<vmem>>, vector<16xi32>,
    %get3A_118 = arith.constant 0 : i32
    %get3A_119 = arith.index_cast %get3A_118 : i32 to index
    %get3A_120 = arith.constant 80 : index
    %get3A_121 = tpu.vector_load %arg5[%get3A_119, %get3A_120] {strides = array<i32>} : memref<80x128xi32, #tpu.memory_space<vmem>>, vector<1x16xi32>,
    %get3A_122 = vector.shape_cast %get3A_121 : vector<1x16xi32> to vector<16xi32>
    %and3A_123 = arith.constant 65535 : i32
    %and3A_124 = vector.broadcast %and3A_123 : i32 to vector<16xi32>
    %and3A_125 = arith.andi %get3A_122, %and3A_124 : vector<16xi32>
    %swap3A_126 = arith.constant 80 : index
    %swap3A_127 = tpu.vector_load %arg6[%swap3A_126] {strides = array<i32>} : memref<128xi32, #tpu.memory_space<vmem>>, vector<16xi32>,
    %swap3A_128 = vector.shape_cast %swap3A_127 : vector<16xi32> to vector<16xi32>
    %swap3A_129 = vector.shape_cast %and3A_125 : vector<16xi32> to vector<16xi32>
    tpu.vector_store %arg6[%swap3A_126], %swap3A_129 {strides = array<i32>} : memref<128xi32, #tpu.memory_space<vmem>>, vector<16xi32>,
    %shift_right_logical3A_130 = arith.constant 16 : i32
    %shift_right_logical3A_131 = vector.broadcast %shift_right_logical3A_130 : i32 to vector<16xi32>
    %shift_right_logical3A_132 = arith.shrui %get3A_122, %shift_right_logical3A_131 : vector<16xi32>
    %swap3A_133 = arith.constant 80 : index
    %swap3A_134 = tpu.vector_load %arg8[%swap3A_133] {strides = array<i32>} : memref<128xi32, #tpu.memory_space<vmem>>, vector<16xi32>,
    %swap3A_135 = vector.shape_cast %swap3A_134 : vector<16xi32> to vector<16xi32>
    %swap3A_136 = vector.shape_cast %shift_right_logical3A_132 : vector<16xi32> to vector<16xi32>
    tpu.vector_store %arg8[%swap3A_133], %swap3A_136 {strides = array<i32>} : memref<128xi32, #tpu.memory_space<vmem>>, vector<16xi32>,
    %get3A_137 = arith.constant 0 : i32
    %get3A_138 = arith.index_cast %get3A_137 : i32 to index
    %get3A_139 = arith.constant 96 : index
    %get3A_140 = tpu.vector_load %arg5[%get3A_138, %get3A_139] {strides = array<i32>} : memref<80x128xi32, #tpu.memory_space<vmem>>, vector<1x16xi32>,
    %get3A_141 = vector.shape_cast %get3A_140 : vector<1x16xi32> to vector<16xi32>
    %and3A_142 = arith.constant 65535 : i32
    %and3A_143 = vector.broadcast %and3A_142 : i32 to vector<16xi32>
    %and3A_144 = arith.andi %get3A_141, %and3A_143 : vector<16xi32>
    %swap3A_145 = arith.constant 96 : index
    %swap3A_146 = tpu.vector_load %arg6[%swap3A_145] {strides = array<i32>} : memref<128xi32, #tpu.memory_space<vmem>>, vector<16xi32>,
    %swap3A_147 = vector.shape_cast %swap3A_146 : vector<16xi32> to vector<16xi32>
    %swap3A_148 = vector.shape_cast %and3A_144 : vector<16xi32> to vector<16xi32>
    tpu.vector_store %arg6[%swap3A_145], %swap3A_148 {strides = array<i32>} : memref<128xi32, #tpu.memory_space<vmem>>, vector<16xi32>,
    %shift_right_logical3A_149 = arith.constant 16 : i32
    %shift_right_logical3A_150 = vector.broadcast %shift_right_logical3A_149 : i32 to vector<16xi32>
    %shift_right_logical3A_151 = arith.shrui %get3A_141, %shift_right_logical3A_150 : vector<16xi32>
    %swap3A_152 = arith.constant 96 : index
    %swap3A_153 = tpu.vector_load %arg8[%swap3A_152] {strides = array<i32>} : memref<128xi32, #tpu.memory_space<vmem>>, vector<16xi32>,
    %swap3A_154 = vector.shape_cast %swap3A_153 : vector<16xi32> to vector<16xi32>
    %swap3A_155 = vector.shape_cast %shift_right_logical3A_151 : vector<16xi32> to vector<16xi32>
    tpu.vector_store %arg8[%swap3A_152], %swap3A_155 {strides = array<i32>} : memref<128xi32, #tpu.memory_space<vmem>>, vector<16xi32>,
    %get3A_156 = arith.constant 0 : i32
    %get3A_157 = arith.index_cast %get3A_156 : i32 to index
    %get3A_158 = arith.constant 112 : index
    %get3A_159 = tpu.vector_load %arg5[%get3A_157, %get3A_158] {strides = array<i32>} : memref<80x128xi32, #tpu.memory_space<vmem>>, vector<1x16xi32>,
    %get3A_160 = vector.shape_cast %get3A_159 : vector<1x16xi32> to vector<16xi32>
    %and3A_161 = arith.constant 65535 : i32
    %and3A_162 = vector.broadcast %and3A_161 : i32 to vector<16xi32>
    %and3A_163 = arith.andi %get3A_160, %and3A_162 : vector<16xi32>
    %swap3A_164 = arith.constant 112 : index
    %swap3A_165 = tpu.vector_load %arg6[%swap3A_164] {strides = array<i32>} : memref<128xi32, #tpu.memory_space<vmem>>, vector<16xi32>,
    %swap3A_166 = vector.shape_cast %swap3A_165 : vector<16xi32> to vector<16xi32>
    %swap3A_167 = vector.shape_cast %and3A_163 : vector<16xi32> to vector<16xi32>
    tpu.vector_store %arg6[%swap3A_164], %swap3A_167 {strides = array<i32>} : memref<128xi32, #tpu.memory_space<vmem>>, vector<16xi32>,
    %shift_right_logical3A_168 = arith.constant 16 : i32
    %shift_right_logical3A_169 = vector.broadcast %shift_right_logical3A_168 : i32 to vector<16xi32>
    %shift_right_logical3A_170 = arith.shrui %get3A_160, %shift_right_logical3A_169 : vector<16xi32>
    %swap3A_171 = arith.constant 112 : index
    %swap3A_172 = tpu.vector_load %arg8[%swap3A_171] {strides = array<i32>} : memref<128xi32, #tpu.memory_space<vmem>>, vector<16xi32>,
    %swap3A_173 = vector.shape_cast %swap3A_172 : vector<16xi32> to vector<16xi32>
    %swap3A_174 = vector.shape_cast %shift_right_logical3A_170 : vector<16xi32> to vector<16xi32>
    tpu.vector_store %arg8[%swap3A_171], %swap3A_174 {strides = array<i32>} : memref<128xi32, #tpu.memory_space<vmem>>, vector<16xi32>,
    %dma_start3A = arith.constant 0 : i32
    %dma_start3A_175 = arith.constant 0 : i32
    %dma_start3A_176 = tpu.memref_slice %arg2[%dma_start3A, %dma_start3A_175] : memref<10240x128xf32, #tpu.memory_space<hbm>> -> memref<10240x128xf32, #tpu.memory_space<hbm>>
    tpu.enqueue_indirect_dma source(%dma_start3A_176 : memref<10240x128xf32, #tpu.memory_space<hbm>>) target(%arg10 : memref<128x128xf32, #tpu.memory_space<vmem>>) offsets(%arg6 : memref<128xi32, #tpu.memory_space<vmem>>) semaphore(%arg13 : memref<!tpu.dma_semaphore, #tpu.memory_space<semaphore_mem>>)
    %scan3A_177 = arith.constant 0 : i32
    %scan3A_178 = arith.constant 0 : i32
    %scan3A_179 = arith.constant 40 : i32
    %scan3A_180 = arith.addi %scan3A_178, %scan3A_179 : i32
    %scan3A_181 = arith.constant 1 : i32
    scf.for %scan3A_193 = %scan3A_178 to %scan3A_180 step %scan3A_181  : i32 {
      %mul3A_194 = arith.constant 2 : i32
      %mul3A_195 = arith.muli %mul3A_194, %scan3A_193 : i32
      %gt3A = arith.constant 0 : i32
      %gt3A_196 = arith.cmpi sgt, %scan3A_193, %gt3A : i32
      %convert_element_type3A = arith.extui %gt3A_196 : i1 to i32
      %cond3A = arith.constant 0 : i32
      %cond3A_197 = arith.cmpi ne, %convert_element_type3A, %cond3A : i32
      scf.if %cond3A_197 {
        %dma_wait3A_366 = arith.constant 0 : i32
        %dma_wait3A_367 = arith.constant 0 : i32
        %dma_wait3A_368 = tpu.memref_slice %arg12[%dma_wait3A_366, %dma_wait3A_367] : memref<10240x128xf32, #tpu.memory_space<vmem_shared>> -> memref<10240x128xf32, #tpu.memory_space<vmem_shared>>
        tpu.wait_indirect_dma semaphore(%arg16 : memref<!tpu.dma_semaphore, #tpu.memory_space<semaphore_mem>>) src(%arg10 : memref<128x128xf32, #tpu.memory_space<vmem>>) dst(%dma_wait3A_368 : memref<10240x128xf32, #tpu.memory_space<vmem_shared>>)
      } else {
      }
      %add3A_198 = arith.constant 1 : i32
      %add3A_199 = arith.addi %mul3A_195, %add3A_198 : i32
      %get3A_200 = arith.index_cast %add3A_199 : i32 to index
      %get3A_201 = arith.constant 0 : index
      %get3A_202 = tpu.vector_load %arg5[%get3A_200, %get3A_201] {strides = array<i32>} : memref<80x128xi32, #tpu.memory_space<vmem>>, vector<1x16xi32>,
      %get3A_203 = vector.shape_cast %get3A_202 : vector<1x16xi32> to vector<16xi32>
      %and3A_204 = arith.constant 65535 : i32
      %and3A_205 = vector.broadcast %and3A_204 : i32 to vector<16xi32>
      %and3A_206 = arith.andi %get3A_203, %and3A_205 : vector<16xi32>
      %swap3A_207 = arith.constant 0 : index
      %swap3A_208 = tpu.vector_load %arg7[%swap3A_207] {strides = array<i32>} : memref<128xi32, #tpu.memory_space<vmem>>, vector<16xi32>,
      %swap3A_209 = vector.shape_cast %swap3A_208 : vector<16xi32> to vector<16xi32>
      %swap3A_210 = vector.shape_cast %and3A_206 : vector<16xi32> to vector<16xi32>
      tpu.vector_store %arg7[%swap3A_207], %swap3A_210 {strides = array<i32>} : memref<128xi32, #tpu.memory_space<vmem>>, vector<16xi32>,
      %shift_right_logical3A_211 = arith.constant 16 : i32
      %shift_right_logical3A_212 = vector.broadcast %shift_right_logical3A_211 : i32 to vector<16xi32>
      %shift_right_logical3A_213 = arith.shrui %get3A_203, %shift_right_logical3A_212 : vector<16xi32>
      %swap3A_214 = arith.constant 0 : index
      %swap3A_215 = tpu.vector_load %arg9[%swap3A_214] {strides = array<i32>} : memref<128xi32, #tpu.memory_space<vmem>>, vector<16xi32>,
      %swap3A_216 = vector.shape_cast %swap3A_215 : vector<16xi32> to vector<16xi32>
      %swap3A_217 = vector.shape_cast %shift_right_logical3A_213 : vector<16xi32> to vector<16xi32>
      tpu.vector_store %arg9[%swap3A_214], %swap3A_217 {strides = array<i32>} : memref<128xi32, #tpu.memory_space<vmem>>, vector<16xi32>,
      %get3A_218 = arith.index_cast %add3A_199 : i32 to index
      %get3A_219 = arith.constant 16 : index
      %get3A_220 = tpu.vector_load %arg5[%get3A_218, %get3A_219] {strides = array<i32>} : memref<80x128xi32, #tpu.memory_space<vmem>>, vector<1x16xi32>,
      %get3A_221 = vector.shape_cast %get3A_220 : vector<1x16xi32> to vector<16xi32>
      %and3A_222 = arith.constant 65535 : i32
      %and3A_223 = vector.broadcast %and3A_222 : i32 to vector<16xi32>
      %and3A_224 = arith.andi %get3A_221, %and3A_223 : vector<16xi32>
      %swap3A_225 = arith.constant 16 : index
      %swap3A_226 = tpu.vector_load %arg7[%swap3A_225] {strides = array<i32>} : memref<128xi32, #tpu.memory_space<vmem>>, vector<16xi32>,
      %swap3A_227 = vector.shape_cast %swap3A_226 : vector<16xi32> to vector<16xi32>
      %swap3A_228 = vector.shape_cast %and3A_224 : vector<16xi32> to vector<16xi32>
      tpu.vector_store %arg7[%swap3A_225], %swap3A_228 {strides = array<i32>} : memref<128xi32, #tpu.memory_space<vmem>>, vector<16xi32>,
      %shift_right_logical3A_229 = arith.constant 16 : i32
      %shift_right_logical3A_230 = vector.broadcast %shift_right_logical3A_229 : i32 to vector<16xi32>
      %shift_right_logical3A_231 = arith.shrui %get3A_221, %shift_right_logical3A_230 : vector<16xi32>
      %swap3A_232 = arith.constant 16 : index
      %swap3A_233 = tpu.vector_load %arg9[%swap3A_232] {strides = array<i32>} : memref<128xi32, #tpu.memory_space<vmem>>, vector<16xi32>,
      %swap3A_234 = vector.shape_cast %swap3A_233 : vector<16xi32> to vector<16xi32>
      %swap3A_235 = vector.shape_cast %shift_right_logical3A_231 : vector<16xi32> to vector<16xi32>
      tpu.vector_store %arg9[%swap3A_232], %swap3A_235 {strides = array<i32>} : memref<128xi32, #tpu.memory_space<vmem>>, vector<16xi32>,
      %get3A_236 = arith.index_cast %add3A_199 : i32 to index
      %get3A_237 = arith.constant 32 : index
      %get3A_238 = tpu.vector_load %arg5[%get3A_236, %get3A_237] {strides = array<i32>} : memref<80x128xi32, #tpu.memory_space<vmem>>, vector<1x16xi32>,
      %get3A_239 = vector.shape_cast %get3A_238 : vector<1x16xi32> to vector<16xi32>
      %and3A_240 = arith.constant 65535 : i32
      %and3A_241 = vector.broadcast %and3A_240 : i32 to vector<16xi32>
      %and3A_242 = arith.andi %get3A_239, %and3A_241 : vector<16xi32>
      %swap3A_243 = arith.constant 32 : index
      %swap3A_244 = tpu.vector_load %arg7[%swap3A_243] {strides = array<i32>} : memref<128xi32, #tpu.memory_space<vmem>>, vector<16xi32>,
      %swap3A_245 = vector.shape_cast %swap3A_244 : vector<16xi32> to vector<16xi32>
      %swap3A_246 = vector.shape_cast %and3A_242 : vector<16xi32> to vector<16xi32>
      tpu.vector_store %arg7[%swap3A_243], %swap3A_246 {strides = array<i32>} : memref<128xi32, #tpu.memory_space<vmem>>, vector<16xi32>,
      %shift_right_logical3A_247 = arith.constant 16 : i32
      %shift_right_logical3A_248 = vector.broadcast %shift_right_logical3A_247 : i32 to vector<16xi32>
      %shift_right_logical3A_249 = arith.shrui %get3A_239, %shift_right_logical3A_248 : vector<16xi32>
      %swap3A_250 = arith.constant 32 : index
      %swap3A_251 = tpu.vector_load %arg9[%swap3A_250] {strides = array<i32>} : memref<128xi32, #tpu.memory_space<vmem>>, vector<16xi32>,
      %swap3A_252 = vector.shape_cast %swap3A_251 : vector<16xi32> to vector<16xi32>
      %swap3A_253 = vector.shape_cast %shift_right_logical3A_249 : vector<16xi32> to vector<16xi32>
      tpu.vector_store %arg9[%swap3A_250], %swap3A_253 {strides = array<i32>} : memref<128xi32, #tpu.memory_space<vmem>>, vector<16xi32>,
      %get3A_254 = arith.index_cast %add3A_199 : i32 to index
      %get3A_255 = arith.constant 48 : index
      %get3A_256 = tpu.vector_load %arg5[%get3A_254, %get3A_255] {strides = array<i32>} : memref<80x128xi32, #tpu.memory_space<vmem>>, vector<1x16xi32>,
      %get3A_257 = vector.shape_cast %get3A_256 : vector<1x16xi32> to vector<16xi32>
      %and3A_258 = arith.constant 65535 : i32
      %and3A_259 = vector.broadcast %and3A_258 : i32 to vector<16xi32>
      %and3A_260 = arith.andi %get3A_257, %and3A_259 : vector<16xi32>
      %swap3A_261 = arith.constant 48 : index
      %swap3A_262 = tpu.vector_load %arg7[%swap3A_261] {strides = array<i32>} : memref<128xi32, #tpu.memory_space<vmem>>, vector<16xi32>,
      %swap3A_263 = vector.shape_cast %swap3A_262 : vector<16xi32> to vector<16xi32>
      %swap3A_264 = vector.shape_cast %and3A_260 : vector<16xi32> to vector<16xi32>
      tpu.vector_store %arg7[%swap3A_261], %swap3A_264 {strides = array<i32>} : memref<128xi32, #tpu.memory_space<vmem>>, vector<16xi32>,
      %shift_right_logical3A_265 = arith.constant 16 : i32
      %shift_right_logical3A_266 = vector.broadcast %shift_right_logical3A_265 : i32 to vector<16xi32>
      %shift_right_logical3A_267 = arith.shrui %get3A_257, %shift_right_logical3A_266 : vector<16xi32>
      %swap3A_268 = arith.constant 48 : index
      %swap3A_269 = tpu.vector_load %arg9[%swap3A_268] {strides = array<i32>} : memref<128xi32, #tpu.memory_space<vmem>>, vector<16xi32>,
      %swap3A_270 = vector.shape_cast %swap3A_269 : vector<16xi32> to vector<16xi32>
      %swap3A_271 = vector.shape_cast %shift_right_logical3A_267 : vector<16xi32> to vector<16xi32>
      tpu.vector_store %arg9[%swap3A_268], %swap3A_271 {strides = array<i32>} : memref<128xi32, #tpu.memory_space<vmem>>, vector<16xi32>,
      %get3A_272 = arith.index_cast %add3A_199 : i32 to index
      %get3A_273 = arith.constant 64 : index
      %get3A_274 = tpu.vector_load %arg5[%get3A_272, %get3A_273] {strides = array<i32>} : memref<80x128xi32, #tpu.memory_space<vmem>>, vector<1x16xi32>,
      %get3A_275 = vector.shape_cast %get3A_274 : vector<1x16xi32> to vector<16xi32>
      %and3A_276 = arith.constant 65535 : i32
      %and3A_277 = vector.broadcast %and3A_276 : i32 to vector<16xi32>
      %and3A_278 = arith.andi %get3A_275, %and3A_277 : vector<16xi32>
      %swap3A_279 = arith.constant 64 : index
      %swap3A_280 = tpu.vector_load %arg7[%swap3A_279] {strides = array<i32>} : memref<128xi32, #tpu.memory_space<vmem>>, vector<16xi32>,
      %swap3A_281 = vector.shape_cast %swap3A_280 : vector<16xi32> to vector<16xi32>
      %swap3A_282 = vector.shape_cast %and3A_278 : vector<16xi32> to vector<16xi32>
      tpu.vector_store %arg7[%swap3A_279], %swap3A_282 {strides = array<i32>} : memref<128xi32, #tpu.memory_space<vmem>>, vector<16xi32>,
      %shift_right_logical3A_283 = arith.constant 16 : i32
      %shift_right_logical3A_284 = vector.broadcast %shift_right_logical3A_283 : i32 to vector<16xi32>
      %shift_right_logical3A_285 = arith.shrui %get3A_275, %shift_right_logical3A_284 : vector<16xi32>
      %swap3A_286 = arith.constant 64 : index
      %swap3A_287 = tpu.vector_load %arg9[%swap3A_286] {strides = array<i32>} : memref<128xi32, #tpu.memory_space<vmem>>, vector<16xi32>,
      %swap3A_288 = vector.shape_cast %swap3A_287 : vector<16xi32> to vector<16xi32>
      %swap3A_289 = vector.shape_cast %shift_right_logical3A_285 : vector<16xi32> to vector<16xi32>
      tpu.vector_store %arg9[%swap3A_286], %swap3A_289 {strides = array<i32>} : memref<128xi32, #tpu.memory_space<vmem>>, vector<16xi32>,
      %get3A_290 = arith.index_cast %add3A_199 : i32 to index
      %get3A_291 = arith.constant 80 : index
      %get3A_292 = tpu.vector_load %arg5[%get3A_290, %get3A_291] {strides = array<i32>} : memref<80x128xi32, #tpu.memory_space<vmem>>, vector<1x16xi32>,
      %get3A_293 = vector.shape_cast %get3A_292 : vector<1x16xi32> to vector<16xi32>
      %and3A_294 = arith.constant 65535 : i32
      %and3A_295 = vector.broadcast %and3A_294 : i32 to vector<16xi32>
      %and3A_296 = arith.andi %get3A_293, %and3A_295 : vector<16xi32>
      %swap3A_297 = arith.constant 80 : index
      %swap3A_298 = tpu.vector_load %arg7[%swap3A_297] {strides = array<i32>} : memref<128xi32, #tpu.memory_space<vmem>>, vector<16xi32>,
      %swap3A_299 = vector.shape_cast %swap3A_298 : vector<16xi32> to vector<16xi32>
      %swap3A_300 = vector.shape_cast %and3A_296 : vector<16xi32> to vector<16xi32>
      tpu.vector_store %arg7[%swap3A_297], %swap3A_300 {strides = array<i32>} : memref<128xi32, #tpu.memory_space<vmem>>, vector<16xi32>,
      %shift_right_logical3A_301 = arith.constant 16 : i32
      %shift_right_logical3A_302 = vector.broadcast %shift_right_logical3A_301 : i32 to vector<16xi32>
      %shift_right_logical3A_303 = arith.shrui %get3A_293, %shift_right_logical3A_302 : vector<16xi32>
      %swap3A_304 = arith.constant 80 : index
      %swap3A_305 = tpu.vector_load %arg9[%swap3A_304] {strides = array<i32>} : memref<128xi32, #tpu.memory_space<vmem>>, vector<16xi32>,
      %swap3A_306 = vector.shape_cast %swap3A_305 : vector<16xi32> to vector<16xi32>
      %swap3A_307 = vector.shape_cast %shift_right_logical3A_303 : vector<16xi32> to vector<16xi32>
      tpu.vector_store %arg9[%swap3A_304], %swap3A_307 {strides = array<i32>} : memref<128xi32, #tpu.memory_space<vmem>>, vector<16xi32>,
      %get3A_308 = arith.index_cast %add3A_199 : i32 to index
      %get3A_309 = arith.constant 96 : index
      %get3A_310 = tpu.vector_load %arg5[%get3A_308, %get3A_309] {strides = array<i32>} : memref<80x128xi32, #tpu.memory_space<vmem>>, vector<1x16xi32>,
      %get3A_311 = vector.shape_cast %get3A_310 : vector<1x16xi32> to vector<16xi32>
      %and3A_312 = arith.constant 65535 : i32
      %and3A_313 = vector.broadcast %and3A_312 : i32 to vector<16xi32>
      %and3A_314 = arith.andi %get3A_311, %and3A_313 : vector<16xi32>
      %swap3A_315 = arith.constant 96 : index
      %swap3A_316 = tpu.vector_load %arg7[%swap3A_315] {strides = array<i32>} : memref<128xi32, #tpu.memory_space<vmem>>, vector<16xi32>,
      %swap3A_317 = vector.shape_cast %swap3A_316 : vector<16xi32> to vector<16xi32>
      %swap3A_318 = vector.shape_cast %and3A_314 : vector<16xi32> to vector<16xi32>
      tpu.vector_store %arg7[%swap3A_315], %swap3A_318 {strides = array<i32>} : memref<128xi32, #tpu.memory_space<vmem>>, vector<16xi32>,
      %shift_right_logical3A_319 = arith.constant 16 : i32
      %shift_right_logical3A_320 = vector.broadcast %shift_right_logical3A_319 : i32 to vector<16xi32>
      %shift_right_logical3A_321 = arith.shrui %get3A_311, %shift_right_logical3A_320 : vector<16xi32>
      %swap3A_322 = arith.constant 96 : index
      %swap3A_323 = tpu.vector_load %arg9[%swap3A_322] {strides = array<i32>} : memref<128xi32, #tpu.memory_space<vmem>>, vector<16xi32>,
      %swap3A_324 = vector.shape_cast %swap3A_323 : vector<16xi32> to vector<16xi32>
      %swap3A_325 = vector.shape_cast %shift_right_logical3A_321 : vector<16xi32> to vector<16xi32>
      tpu.vector_store %arg9[%swap3A_322], %swap3A_325 {strides = array<i32>} : memref<128xi32, #tpu.memory_space<vmem>>, vector<16xi32>,
      %get3A_326 = arith.index_cast %add3A_199 : i32 to index
      %get3A_327 = arith.constant 112 : index
      %get3A_328 = tpu.vector_load %arg5[%get3A_326, %get3A_327] {strides = array<i32>} : memref<80x128xi32, #tpu.memory_space<vmem>>, vector<1x16xi32>,
      %get3A_329 = vector.shape_cast %get3A_328 : vector<1x16xi32> to vector<16xi32>
      %and3A_330 = arith.constant 65535 : i32
      %and3A_331 = vector.broadcast %and3A_330 : i32 to vector<16xi32>
      %and3A_332 = arith.andi %get3A_329, %and3A_331 : vector<16xi32>
      %swap3A_333 = arith.constant 112 : index
      %swap3A_334 = tpu.vector_load %arg7[%swap3A_333] {strides = array<i32>} : memref<128xi32, #tpu.memory_space<vmem>>, vector<16xi32>,
      %swap3A_335 = vector.shape_cast %swap3A_334 : vector<16xi32> to vector<16xi32>
      %swap3A_336 = vector.shape_cast %and3A_332 : vector<16xi32> to vector<16xi32>
      tpu.vector_store %arg7[%swap3A_333], %swap3A_336 {strides = array<i32>} : memref<128xi32, #tpu.memory_space<vmem>>, vector<16xi32>,
      %shift_right_logical3A_337 = arith.constant 16 : i32
      %shift_right_logical3A_338 = vector.broadcast %shift_right_logical3A_337 : i32 to vector<16xi32>
      %shift_right_logical3A_339 = arith.shrui %get3A_329, %shift_right_logical3A_338 : vector<16xi32>
      %swap3A_340 = arith.constant 112 : index
      %swap3A_341 = tpu.vector_load %arg9[%swap3A_340] {strides = array<i32>} : memref<128xi32, #tpu.memory_space<vmem>>, vector<16xi32>,
      %swap3A_342 = vector.shape_cast %swap3A_341 : vector<16xi32> to vector<16xi32>
      %swap3A_343 = vector.shape_cast %shift_right_logical3A_339 : vector<16xi32> to vector<16xi32>
      tpu.vector_store %arg9[%swap3A_340], %swap3A_343 {strides = array<i32>} : memref<128xi32, #tpu.memory_space<vmem>>, vector<16xi32>,
      %dma_start3A_344 = arith.constant 0 : i32
      %dma_start3A_345 = arith.constant 0 : i32
      %dma_start3A_346 = tpu.memref_slice %arg2[%dma_start3A_344, %dma_start3A_345] : memref<10240x128xf32, #tpu.memory_space<hbm>> -> memref<10240x128xf32, #tpu.memory_space<hbm>>
      tpu.enqueue_indirect_dma source(%dma_start3A_346 : memref<10240x128xf32, #tpu.memory_space<hbm>>) target(%arg11 : memref<128x128xf32, #tpu.memory_space<vmem>>) offsets(%arg7 : memref<128xi32, #tpu.memory_space<vmem>>) semaphore(%arg14 : memref<!tpu.dma_semaphore, #tpu.memory_space<semaphore_mem>>)
      %dma_wait3A_347 = arith.constant 0 : i32
      %dma_wait3A_348 = arith.constant 0 : i32
      %dma_wait3A_349 = tpu.memref_slice %arg2[%dma_wait3A_347, %dma_wait3A_348] : memref<10240x128xf32, #tpu.memory_space<hbm>> -> memref<10240x128xf32, #tpu.memory_space<hbm>>
      tpu.wait_indirect_dma semaphore(%arg13 : memref<!tpu.dma_semaphore, #tpu.memory_space<semaphore_mem>>) src(%dma_wait3A_349 : memref<10240x128xf32, #tpu.memory_space<hbm>>) dst(%arg10 : memref<128x128xf32, #tpu.memory_space<vmem>>)
      %dma_start3A_350 = arith.constant 0 : i32
      %dma_start3A_351 = arith.constant 0 : i32
      %dma_start3A_352 = tpu.memref_slice %arg12[%dma_start3A_350, %dma_start3A_351] : memref<10240x128xf32, #tpu.memory_space<vmem_shared>> -> memref<10240x128xf32, #tpu.memory_space<vmem_shared>>
      tpu.enqueue_indirect_dma source(%arg10 : memref<128x128xf32, #tpu.memory_space<vmem>>) target(%dma_start3A_352 : memref<10240x128xf32, #tpu.memory_space<vmem_shared>>) offsets(%arg8 : memref<128xi32, #tpu.memory_space<vmem>>) semaphore(%arg15 : memref<!tpu.dma_semaphore, #tpu.memory_space<semaphore_mem>>) {add = true}
      %dma_wait3A_353 = arith.constant 0 : i32
      %dma_wait3A_354 = arith.constant 0 : i32
      %dma_wait3A_355 = tpu.memref_slice %arg2[%dma_wait3A_353, %dma_wait3A_354] : memref<10240x128xf32, #tpu.memory_space<hbm>> -> memref<10240x128xf32, #tpu.memory_space<hbm>>
      tpu.wait_indirect_dma semaphore(%arg14 : memref<!tpu.dma_semaphore, #tpu.memory_space<semaphore_mem>>) src(%dma_wait3A_355 : memref<10240x128xf32, #tpu.memory_space<hbm>>) dst(%arg11 : memref<128x128xf32, #tpu.memory_space<vmem>>)
      %dma_wait3A_356 = arith.constant 0 : i32
      %dma_wait3A_357 = arith.constant 0 : i32
      %dma_wait3A_358 = tpu.memref_slice %arg12[%dma_wait3A_356, %dma_wait3A_357] : memref<10240x128xf32, #tpu.memory_space<vmem_shared>> -> memref<10240x128xf32, #tpu.memory_space<vmem_shared>>
      tpu.wait_indirect_dma semaphore(%arg15 : memref<!tpu.dma_semaphore, #tpu.memory_space<semaphore_mem>>) src(%arg10 : memref<128x128xf32, #tpu.memory_space<vmem>>) dst(%dma_wait3A_358 : memref<10240x128xf32, #tpu.memory_space<vmem_shared>>)
      %lt3A = arith.constant 39 : i32
      %lt3A_359 = arith.cmpi slt, %scan3A_193, %lt3A : i32
      %convert_element_type3A_360 = arith.extui %lt3A_359 : i1 to i32
      %cond3A_361 = arith.constant 0 : i32
      %cond3A_362 = arith.cmpi ne, %convert_element_type3A_360, %cond3A_361 : i32
      scf.if %cond3A_362 {
        %add3A_366 = arith.constant 2 : i32
        %add3A_367 = arith.addi %mul3A_195, %add3A_366 : i32
        %get3A_368 = arith.index_cast %add3A_367 : i32 to index
        %get3A_369 = arith.constant 0 : index
        %get3A_370 = tpu.vector_load %arg5[%get3A_368, %get3A_369] {strides = array<i32>} : memref<80x128xi32, #tpu.memory_space<vmem>>, vector<1x16xi32>,
        %get3A_371 = vector.shape_cast %get3A_370 : vector<1x16xi32> to vector<16xi32>
        %and3A_372 = arith.constant 65535 : i32
        %and3A_373 = vector.broadcast %and3A_372 : i32 to vector<16xi32>
        %and3A_374 = arith.andi %get3A_371, %and3A_373 : vector<16xi32>
        %swap3A_375 = arith.constant 0 : index
        %swap3A_376 = tpu.vector_load %arg6[%swap3A_375] {strides = array<i32>} : memref<128xi32, #tpu.memory_space<vmem>>, vector<16xi32>,
        %swap3A_377 = vector.shape_cast %swap3A_376 : vector<16xi32> to vector<16xi32>
        %swap3A_378 = vector.shape_cast %and3A_374 : vector<16xi32> to vector<16xi32>
        tpu.vector_store %arg6[%swap3A_375], %swap3A_378 {strides = array<i32>} : memref<128xi32, #tpu.memory_space<vmem>>, vector<16xi32>,
        %shift_right_logical3A_379 = arith.constant 16 : i32
        %shift_right_logical3A_380 = vector.broadcast %shift_right_logical3A_379 : i32 to vector<16xi32>
        %shift_right_logical3A_381 = arith.shrui %get3A_371, %shift_right_logical3A_380 : vector<16xi32>
        %swap3A_382 = arith.constant 0 : index
        %swap3A_383 = tpu.vector_load %arg8[%swap3A_382] {strides = array<i32>} : memref<128xi32, #tpu.memory_space<vmem>>, vector<16xi32>,
        %swap3A_384 = vector.shape_cast %swap3A_383 : vector<16xi32> to vector<16xi32>
        %swap3A_385 = vector.shape_cast %shift_right_logical3A_381 : vector<16xi32> to vector<16xi32>
        tpu.vector_store %arg8[%swap3A_382], %swap3A_385 {strides = array<i32>} : memref<128xi32, #tpu.memory_space<vmem>>, vector<16xi32>,
        %get3A_386 = arith.index_cast %add3A_367 : i32 to index
        %get3A_387 = arith.constant 16 : index
        %get3A_388 = tpu.vector_load %arg5[%get3A_386, %get3A_387] {strides = array<i32>} : memref<80x128xi32, #tpu.memory_space<vmem>>, vector<1x16xi32>,
        %get3A_389 = vector.shape_cast %get3A_388 : vector<1x16xi32> to vector<16xi32>
        %and3A_390 = arith.constant 65535 : i32
        %and3A_391 = vector.broadcast %and3A_390 : i32 to vector<16xi32>
        %and3A_392 = arith.andi %get3A_389, %and3A_391 : vector<16xi32>
        %swap3A_393 = arith.constant 16 : index
        %swap3A_394 = tpu.vector_load %arg6[%swap3A_393] {strides = array<i32>} : memref<128xi32, #tpu.memory_space<vmem>>, vector<16xi32>,
        %swap3A_395 = vector.shape_cast %swap3A_394 : vector<16xi32> to vector<16xi32>
        %swap3A_396 = vector.shape_cast %and3A_392 : vector<16xi32> to vector<16xi32>
        tpu.vector_store %arg6[%swap3A_393], %swap3A_396 {strides = array<i32>} : memref<128xi32, #tpu.memory_space<vmem>>, vector<16xi32>,
        %shift_right_logical3A_397 = arith.constant 16 : i32
        %shift_right_logical3A_398 = vector.broadcast %shift_right_logical3A_397 : i32 to vector<16xi32>
        %shift_right_logical3A_399 = arith.shrui %get3A_389, %shift_right_logical3A_398 : vector<16xi32>
        %swap3A_400 = arith.constant 16 : index
        %swap3A_401 = tpu.vector_load %arg8[%swap3A_400] {strides = array<i32>} : memref<128xi32, #tpu.memory_space<vmem>>, vector<16xi32>,
        %swap3A_402 = vector.shape_cast %swap3A_401 : vector<16xi32> to vector<16xi32>
        %swap3A_403 = vector.shape_cast %shift_right_logical3A_399 : vector<16xi32> to vector<16xi32>
        tpu.vector_store %arg8[%swap3A_400], %swap3A_403 {strides = array<i32>} : memref<128xi32, #tpu.memory_space<vmem>>, vector<16xi32>,
        %get3A_404 = arith.index_cast %add3A_367 : i32 to index
        %get3A_405 = arith.constant 32 : index
        %get3A_406 = tpu.vector_load %arg5[%get3A_404, %get3A_405] {strides = array<i32>} : memref<80x128xi32, #tpu.memory_space<vmem>>, vector<1x16xi32>,
        %get3A_407 = vector.shape_cast %get3A_406 : vector<1x16xi32> to vector<16xi32>
        %and3A_408 = arith.constant 65535 : i32
        %and3A_409 = vector.broadcast %and3A_408 : i32 to vector<16xi32>
        %and3A_410 = arith.andi %get3A_407, %and3A_409 : vector<16xi32>
        %swap3A_411 = arith.constant 32 : index
        %swap3A_412 = tpu.vector_load %arg6[%swap3A_411] {strides = array<i32>} : memref<128xi32, #tpu.memory_space<vmem>>, vector<16xi32>,
        %swap3A_413 = vector.shape_cast %swap3A_412 : vector<16xi32> to vector<16xi32>
        %swap3A_414 = vector.shape_cast %and3A_410 : vector<16xi32> to vector<16xi32>
        tpu.vector_store %arg6[%swap3A_411], %swap3A_414 {strides = array<i32>} : memref<128xi32, #tpu.memory_space<vmem>>, vector<16xi32>,
        %shift_right_logical3A_415 = arith.constant 16 : i32
        %shift_right_logical3A_416 = vector.broadcast %shift_right_logical3A_415 : i32 to vector<16xi32>
        %shift_right_logical3A_417 = arith.shrui %get3A_407, %shift_right_logical3A_416 : vector<16xi32>
        %swap3A_418 = arith.constant 32 : index
        %swap3A_419 = tpu.vector_load %arg8[%swap3A_418] {strides = array<i32>} : memref<128xi32, #tpu.memory_space<vmem>>, vector<16xi32>,
        %swap3A_420 = vector.shape_cast %swap3A_419 : vector<16xi32> to vector<16xi32>
        %swap3A_421 = vector.shape_cast %shift_right_logical3A_417 : vector<16xi32> to vector<16xi32>
        tpu.vector_store %arg8[%swap3A_418], %swap3A_421 {strides = array<i32>} : memref<128xi32, #tpu.memory_space<vmem>>, vector<16xi32>,
        %get3A_422 = arith.index_cast %add3A_367 : i32 to index
        %get3A_423 = arith.constant 48 : index
        %get3A_424 = tpu.vector_load %arg5[%get3A_422, %get3A_423] {strides = array<i32>} : memref<80x128xi32, #tpu.memory_space<vmem>>, vector<1x16xi32>,
        %get3A_425 = vector.shape_cast %get3A_424 : vector<1x16xi32> to vector<16xi32>
        %and3A_426 = arith.constant 65535 : i32
        %and3A_427 = vector.broadcast %and3A_426 : i32 to vector<16xi32>
        %and3A_428 = arith.andi %get3A_425, %and3A_427 : vector<16xi32>
        %swap3A_429 = arith.constant 48 : index
        %swap3A_430 = tpu.vector_load %arg6[%swap3A_429] {strides = array<i32>} : memref<128xi32, #tpu.memory_space<vmem>>, vector<16xi32>,
        %swap3A_431 = vector.shape_cast %swap3A_430 : vector<16xi32> to vector<16xi32>
        %swap3A_432 = vector.shape_cast %and3A_428 : vector<16xi32> to vector<16xi32>
        tpu.vector_store %arg6[%swap3A_429], %swap3A_432 {strides = array<i32>} : memref<128xi32, #tpu.memory_space<vmem>>, vector<16xi32>,
        %shift_right_logical3A_433 = arith.constant 16 : i32
        %shift_right_logical3A_434 = vector.broadcast %shift_right_logical3A_433 : i32 to vector<16xi32>
        %shift_right_logical3A_435 = arith.shrui %get3A_425, %shift_right_logical3A_434 : vector<16xi32>
        %swap3A_436 = arith.constant 48 : index
        %swap3A_437 = tpu.vector_load %arg8[%swap3A_436] {strides = array<i32>} : memref<128xi32, #tpu.memory_space<vmem>>, vector<16xi32>,
        %swap3A_438 = vector.shape_cast %swap3A_437 : vector<16xi32> to vector<16xi32>
        %swap3A_439 = vector.shape_cast %shift_right_logical3A_435 : vector<16xi32> to vector<16xi32>
        tpu.vector_store %arg8[%swap3A_436], %swap3A_439 {strides = array<i32>} : memref<128xi32, #tpu.memory_space<vmem>>, vector<16xi32>,
        %get3A_440 = arith.index_cast %add3A_367 : i32 to index
        %get3A_441 = arith.constant 64 : index
        %get3A_442 = tpu.vector_load %arg5[%get3A_440, %get3A_441] {strides = array<i32>} : memref<80x128xi32, #tpu.memory_space<vmem>>, vector<1x16xi32>,
        %get3A_443 = vector.shape_cast %get3A_442 : vector<1x16xi32> to vector<16xi32>
        %and3A_444 = arith.constant 65535 : i32
        %and3A_445 = vector.broadcast %and3A_444 : i32 to vector<16xi32>
        %and3A_446 = arith.andi %get3A_443, %and3A_445 : vector<16xi32>
        %swap3A_447 = arith.constant 64 : index
        %swap3A_448 = tpu.vector_load %arg6[%swap3A_447] {strides = array<i32>} : memref<128xi32, #tpu.memory_space<vmem>>, vector<16xi32>,
        %swap3A_449 = vector.shape_cast %swap3A_448 : vector<16xi32> to vector<16xi32>
        %swap3A_450 = vector.shape_cast %and3A_446 : vector<16xi32> to vector<16xi32>
        tpu.vector_store %arg6[%swap3A_447], %swap3A_450 {strides = array<i32>} : memref<128xi32, #tpu.memory_space<vmem>>, vector<16xi32>,
        %shift_right_logical3A_451 = arith.constant 16 : i32
        %shift_right_logical3A_452 = vector.broadcast %shift_right_logical3A_451 : i32 to vector<16xi32>
        %shift_right_logical3A_453 = arith.shrui %get3A_443, %shift_right_logical3A_452 : vector<16xi32>
        %swap3A_454 = arith.constant 64 : index
        %swap3A_455 = tpu.vector_load %arg8[%swap3A_454] {strides = array<i32>} : memref<128xi32, #tpu.memory_space<vmem>>, vector<16xi32>,
        %swap3A_456 = vector.shape_cast %swap3A_455 : vector<16xi32> to vector<16xi32>
        %swap3A_457 = vector.shape_cast %shift_right_logical3A_453 : vector<16xi32> to vector<16xi32>
        tpu.vector_store %arg8[%swap3A_454], %swap3A_457 {strides = array<i32>} : memref<128xi32, #tpu.memory_space<vmem>>, vector<16xi32>,
        %get3A_458 = arith.index_cast %add3A_367 : i32 to index
        %get3A_459 = arith.constant 80 : index
        %get3A_460 = tpu.vector_load %arg5[%get3A_458, %get3A_459] {strides = array<i32>} : memref<80x128xi32, #tpu.memory_space<vmem>>, vector<1x16xi32>,
        %get3A_461 = vector.shape_cast %get3A_460 : vector<1x16xi32> to vector<16xi32>
        %and3A_462 = arith.constant 65535 : i32
        %and3A_463 = vector.broadcast %and3A_462 : i32 to vector<16xi32>
        %and3A_464 = arith.andi %get3A_461, %and3A_463 : vector<16xi32>
        %swap3A_465 = arith.constant 80 : index
        %swap3A_466 = tpu.vector_load %arg6[%swap3A_465] {strides = array<i32>} : memref<128xi32, #tpu.memory_space<vmem>>, vector<16xi32>,
        %swap3A_467 = vector.shape_cast %swap3A_466 : vector<16xi32> to vector<16xi32>
        %swap3A_468 = vector.shape_cast %and3A_464 : vector<16xi32> to vector<16xi32>
        tpu.vector_store %arg6[%swap3A_465], %swap3A_468 {strides = array<i32>} : memref<128xi32, #tpu.memory_space<vmem>>, vector<16xi32>,
        %shift_right_logical3A_469 = arith.constant 16 : i32
        %shift_right_logical3A_470 = vector.broadcast %shift_right_logical3A_469 : i32 to vector<16xi32>
        %shift_right_logical3A_471 = arith.shrui %get3A_461, %shift_right_logical3A_470 : vector<16xi32>
        %swap3A_472 = arith.constant 80 : index
        %swap3A_473 = tpu.vector_load %arg8[%swap3A_472] {strides = array<i32>} : memref<128xi32, #tpu.memory_space<vmem>>, vector<16xi32>,
        %swap3A_474 = vector.shape_cast %swap3A_473 : vector<16xi32> to vector<16xi32>
        %swap3A_475 = vector.shape_cast %shift_right_logical3A_471 : vector<16xi32> to vector<16xi32>
        tpu.vector_store %arg8[%swap3A_472], %swap3A_475 {strides = array<i32>} : memref<128xi32, #tpu.memory_space<vmem>>, vector<16xi32>,
        %get3A_476 = arith.index_cast %add3A_367 : i32 to index
        %get3A_477 = arith.constant 96 : index
        %get3A_478 = tpu.vector_load %arg5[%get3A_476, %get3A_477] {strides = array<i32>} : memref<80x128xi32, #tpu.memory_space<vmem>>, vector<1x16xi32>,
        %get3A_479 = vector.shape_cast %get3A_478 : vector<1x16xi32> to vector<16xi32>
        %and3A_480 = arith.constant 65535 : i32
        %and3A_481 = vector.broadcast %and3A_480 : i32 to vector<16xi32>
        %and3A_482 = arith.andi %get3A_479, %and3A_481 : vector<16xi32>
        %swap3A_483 = arith.constant 96 : index
        %swap3A_484 = tpu.vector_load %arg6[%swap3A_483] {strides = array<i32>} : memref<128xi32, #tpu.memory_space<vmem>>, vector<16xi32>,
        %swap3A_485 = vector.shape_cast %swap3A_484 : vector<16xi32> to vector<16xi32>
        %swap3A_486 = vector.shape_cast %and3A_482 : vector<16xi32> to vector<16xi32>
        tpu.vector_store %arg6[%swap3A_483], %swap3A_486 {strides = array<i32>} : memref<128xi32, #tpu.memory_space<vmem>>, vector<16xi32>,
        %shift_right_logical3A_487 = arith.constant 16 : i32
        %shift_right_logical3A_488 = vector.broadcast %shift_right_logical3A_487 : i32 to vector<16xi32>
        %shift_right_logical3A_489 = arith.shrui %get3A_479, %shift_right_logical3A_488 : vector<16xi32>
        %swap3A_490 = arith.constant 96 : index
        %swap3A_491 = tpu.vector_load %arg8[%swap3A_490] {strides = array<i32>} : memref<128xi32, #tpu.memory_space<vmem>>, vector<16xi32>,
        %swap3A_492 = vector.shape_cast %swap3A_491 : vector<16xi32> to vector<16xi32>
        %swap3A_493 = vector.shape_cast %shift_right_logical3A_489 : vector<16xi32> to vector<16xi32>
        tpu.vector_store %arg8[%swap3A_490], %swap3A_493 {strides = array<i32>} : memref<128xi32, #tpu.memory_space<vmem>>, vector<16xi32>,
        %get3A_494 = arith.index_cast %add3A_367 : i32 to index
        %get3A_495 = arith.constant 112 : index
        %get3A_496 = tpu.vector_load %arg5[%get3A_494, %get3A_495] {strides = array<i32>} : memref<80x128xi32, #tpu.memory_space<vmem>>, vector<1x16xi32>,
        %get3A_497 = vector.shape_cast %get3A_496 : vector<1x16xi32> to vector<16xi32>
        %and3A_498 = arith.constant 65535 : i32
        %and3A_499 = vector.broadcast %and3A_498 : i32 to vector<16xi32>
        %and3A_500 = arith.andi %get3A_497, %and3A_499 : vector<16xi32>
        %swap3A_501 = arith.constant 112 : index
        %swap3A_502 = tpu.vector_load %arg6[%swap3A_501] {strides = array<i32>} : memref<128xi32, #tpu.memory_space<vmem>>, vector<16xi32>,
        %swap3A_503 = vector.shape_cast %swap3A_502 : vector<16xi32> to vector<16xi32>
        %swap3A_504 = vector.shape_cast %and3A_500 : vector<16xi32> to vector<16xi32>
        tpu.vector_store %arg6[%swap3A_501], %swap3A_504 {strides = array<i32>} : memref<128xi32, #tpu.memory_space<vmem>>, vector<16xi32>,
        %shift_right_logical3A_505 = arith.constant 16 : i32
        %shift_right_logical3A_506 = vector.broadcast %shift_right_logical3A_505 : i32 to vector<16xi32>
        %shift_right_logical3A_507 = arith.shrui %get3A_497, %shift_right_logical3A_506 : vector<16xi32>
        %swap3A_508 = arith.constant 112 : index
        %swap3A_509 = tpu.vector_load %arg8[%swap3A_508] {strides = array<i32>} : memref<128xi32, #tpu.memory_space<vmem>>, vector<16xi32>,
        %swap3A_510 = vector.shape_cast %swap3A_509 : vector<16xi32> to vector<16xi32>
        %swap3A_511 = vector.shape_cast %shift_right_logical3A_507 : vector<16xi32> to vector<16xi32>
        tpu.vector_store %arg8[%swap3A_508], %swap3A_511 {strides = array<i32>} : memref<128xi32, #tpu.memory_space<vmem>>, vector<16xi32>,
        %dma_start3A_512 = arith.constant 0 : i32
        %dma_start3A_513 = arith.constant 0 : i32
        %dma_start3A_514 = tpu.memref_slice %arg2[%dma_start3A_512, %dma_start3A_513] : memref<10240x128xf32, #tpu.memory_space<hbm>> -> memref<10240x128xf32, #tpu.memory_space<hbm>>
        tpu.enqueue_indirect_dma source(%dma_start3A_514 : memref<10240x128xf32, #tpu.memory_space<hbm>>) target(%arg10 : memref<128x128xf32, #tpu.memory_space<vmem>>) offsets(%arg6 : memref<128xi32, #tpu.memory_space<vmem>>) semaphore(%arg13 : memref<!tpu.dma_semaphore, #tpu.memory_space<semaphore_mem>>)
      } else {
      }
      %dma_start3A_363 = arith.constant 0 : i32
      %dma_start3A_364 = arith.constant 0 : i32
      %dma_start3A_365 = tpu.memref_slice %arg12[%dma_start3A_363, %dma_start3A_364] : memref<10240x128xf32, #tpu.memory_space<vmem_shared>> -> memref<10240x128xf32, #tpu.memory_space<vmem_shared>>
      tpu.enqueue_indirect_dma source(%arg11 : memref<128x128xf32, #tpu.memory_space<vmem>>) target(%dma_start3A_365 : memref<10240x128xf32, #tpu.memory_space<vmem_shared>>) offsets(%arg9 : memref<128xi32, #tpu.memory_space<vmem>>) semaphore(%arg16 : memref<!tpu.dma_semaphore, #tpu.memory_space<semaphore_mem>>) {add = true}
    }
    %scan3A_182 = arith.constant 40 : i32
    %dma_wait3A = arith.constant 0 : i32
    %dma_wait3A_183 = arith.constant 0 : i32
    %dma_wait3A_184 = tpu.memref_slice %arg12[%dma_wait3A, %dma_wait3A_183] : memref<10240x128xf32, #tpu.memory_space<vmem_shared>> -> memref<10240x128xf32, #tpu.memory_space<vmem_shared>>
    tpu.wait_indirect_dma semaphore(%arg16 : memref<!tpu.dma_semaphore, #tpu.memory_space<semaphore_mem>>) src(%arg10 : memref<128x128xf32, #tpu.memory_space<vmem>>) dst(%dma_wait3A_184 : memref<10240x128xf32, #tpu.memory_space<vmem_shared>>)
    %barrier3A_185 = arith.constant 0 : index
    tpu.barrier barrier_id(%barrier3A_185)
    %mul3A_186 = arith.constant 640 : i32
    %mul3A_187 = arith.muli %arg1, %mul3A_186 : i32
    %mul3A_188 = arith.constant 10240 : i32
    %mul3A_189 = arith.muli %arg0, %mul3A_188 : i32
    %mul3A_190 = arith.constant 640 : i32
    %mul3A_191 = arith.muli %arg1, %mul3A_190 : i32
    %add3A_192 = arith.addi %mul3A_189, %mul3A_191 : i32
    "tpu.region"() ({
      %run_scoped3A = tpu.sem_alloc : memref<!tpu.dma_semaphore, #tpu.memory_space<semaphore_mem>>
      %dma_start3A_193 = arith.constant 0 : i32
      %dma_start3A_194 = tpu.memref_slice %arg4[%add3A_192, %dma_start3A_193] : memref<20480x128xf32, #tpu.memory_space<hbm>> -> memref<640x128xf32, #tpu.memory_space<hbm>>
      %dma_start3A_195 = arith.constant 0 : i32
      %dma_start3A_196 = tpu.memref_slice %arg12[%mul3A_187, %dma_start3A_195] : memref<10240x128xf32, #tpu.memory_space<vmem_shared>> -> memref<640x128xf32, #tpu.memory_space<vmem_shared>>
      tpu.enqueue_dma source(%dma_start3A_196 : memref<640x128xf32, #tpu.memory_space<vmem_shared>>) target(%dma_start3A_194 : memref<640x128xf32, #tpu.memory_space<hbm>>) target_semaphore(%run_scoped3A : memref<!tpu.dma_semaphore, #tpu.memory_space<semaphore_mem>>)
      %dma_wait3A_197 = arith.constant 0 : i32
      %dma_wait3A_198 = tpu.memref_slice %arg4[%add3A_192, %dma_wait3A_197] : memref<20480x128xf32, #tpu.memory_space<hbm>> -> memref<640x128xf32, #tpu.memory_space<hbm>>
      %dma_wait3A_199 = arith.constant 0 : i32
      %dma_wait3A_200 = tpu.memref_slice %arg12[%mul3A_187, %dma_wait3A_199] : memref<10240x128xf32, #tpu.memory_space<vmem_shared>> -> memref<640x128xf32, #tpu.memory_space<vmem_shared>>
      tpu.wait_dma2 semaphore(%run_scoped3A : memref<!tpu.dma_semaphore, #tpu.memory_space<semaphore_mem>>) src(%dma_wait3A_200 : memref<640x128xf32, #tpu.memory_space<vmem_shared>>) dst(%dma_wait3A_198 : memref<640x128xf32, #tpu.memory_space<hbm>>)
      tpu.yield
    }) : () -> ()
    return
  }
}

module attributes {stable_mosaic.version = 14 : i64} {
  func.func @_tc_prep1_body(%arg0: i32, %arg1: memref<512x128xf32, #tpu.memory_space<vmem>>, %arg2: memref<128x128xf32, #tpu.memory_space<vmem>>, %arg3: memref<2x512x8xf32, #tpu.memory_space<vmem>>, %arg4: memref<512x128xf32, #tpu.memory_space<vmem>>) attributes {dimension_semantics = [#tpu.dimension_semantics<arbitrary>], iteration_bounds = array<i64: 20>, scalar_prefetch = 0 : i64, scratch_operands = 0 : i64, tpu.core_type = #tpu.core_type<tc>, window_params = [{transform_indices = @transform_0, window_bounds = array<i64: 512, 128>}, {pipeline_mode = #tpu.pipeline_mode<synchronous>, transform_indices = @transform_1, window_bounds = array<i64: 128, 128>}, {transform_indices = @transform_2, window_bounds = array<i64: 2, 512, 8>}, {transform_indices = @transform_3, window_bounds = array<i64: 512, 128>}]} {
    %get3A = arith.constant 0 : index
    %get3A_0 = arith.constant 0 : index
    %get3A_1 = arith.constant 0 : index
    %get3A_2 = vector.load %arg3[%get3A, %get3A_0, %get3A_1] : memref<2x512x8xf32, #tpu.memory_space<vmem>>, vector<2x512x8xf32>
    %slice3A = vector.extract_strided_slice %get3A_2 {offsets = [0, 0, 0], sizes = [1, 512, 1], strides = [1, 1, 1]} : vector<2x512x8xf32> to vector<1x512x1xf32>
    %squeeze3A = vector.shape_cast %slice3A : vector<1x512x1xf32> to vector<512x1xf32>
    %add3A = arith.constant 1.000000e+00 : f32
    %add3A_3 = vector.broadcast %add3A : f32 to vector<512x1xf32>
    %add3A_4 = arith.addf %add3A_3, %squeeze3A : vector<512x1xf32>
    %slice3A_5 = vector.extract_strided_slice %get3A_2 {offsets = [1, 0, 0], sizes = [1, 512, 1], strides = [1, 1, 1]} : vector<2x512x8xf32> to vector<1x512x1xf32>
    %squeeze3A_6 = vector.shape_cast %slice3A_5 : vector<1x512x1xf32> to vector<512x1xf32>
    %add3A_7 = arith.addf %add3A_4, %squeeze3A_6 : vector<512x1xf32>
    %rsqrt3A = math.rsqrt %add3A_7 : vector<512x1xf32>
    %get3A_8 = arith.constant 0 : index
    %get3A_9 = arith.constant 0 : index
    %get3A_10 = vector.load %arg1[%get3A_8, %get3A_9] : memref<512x128xf32, #tpu.memory_space<vmem>>, vector<512x128xf32>
    %get3A_11 = arith.constant 0 : index
    %get3A_12 = arith.constant 0 : index
    %get3A_13 = vector.load %arg2[%get3A_11, %get3A_12] : memref<128x128xf32, #tpu.memory_space<vmem>>, vector<128x128xf32>
    %dot_general3A = arith.constant dense<0.000000e+00> : vector<512x128xf32>
    %dot_general3A_14 = tpu.matmul %get3A_10, %get3A_13, %dot_general3A {dimension_numbers = #tpu.dot_dimension_numbers<[1], [0], [0], [1], [0, 0, 1, 1], [], []>, transpose_lhs_hint = false} : vector<512x128xf32>, vector<128x128xf32>, vector<512x128xf32> -> vector<512x128xf32>
    %mul3A = vector.broadcast %rsqrt3A : vector<512x1xf32> to vector<512x128xf32>
    %mul3A_15 = arith.mulf %dot_general3A_14, %mul3A : vector<512x128xf32>
    %swap3A = arith.constant 0 : index
    %swap3A_16 = arith.constant 0 : index
    %swap3A_17 = vector.load %arg4[%swap3A, %swap3A_16] : memref<512x128xf32, #tpu.memory_space<vmem>>, vector<512x128xf32>
    tpu.vector_store %arg4[%swap3A, %swap3A_16], %mul3A_15 {strides = array<i32>} : memref<512x128xf32, #tpu.memory_space<vmem>>, vector<512x128xf32>,
    return
  }
  func.func @transform_0(%arg0: i32) -> (i32, i32) {
    %c0_i32 = arith.constant 0 : i32
    %c0_i32_0 = arith.constant 0 : i32
    return %arg0, %c0_i32 : i32, i32
  }
  func.func @transform_1(%arg0: i32) -> (i32, i32) {
    %c0_i32 = arith.constant 0 : i32
    %c0_i32_0 = arith.constant 0 : i32
    %c0_i32_1 = arith.constant 0 : i32
    return %c0_i32, %c0_i32_0 : i32, i32
  }
  func.func @transform_2(%arg0: i32) -> (i32, i32, i32) {
    %c0_i32 = arith.constant 0 : i32
    %c0_i32_0 = arith.constant 0 : i32
    %c0_i32_1 = arith.constant 0 : i32
    return %c0_i32, %arg0, %c0_i32_0 : i32, i32, i32
  }
  func.func @transform_3(%arg0: i32) -> (i32, i32) {
    %c0_i32 = arith.constant 0 : i32
    %c0_i32_0 = arith.constant 0 : i32
    return %arg0, %c0_i32 : i32, i32
  }
}

module attributes {stable_mosaic.version = 14 : i64} {
  func.func @_tc_prep2_body(%arg0: i32, %arg1: memref<2x512x128xf32, #tpu.memory_space<vmem>>, %arg2: memref<512x128xf32, #tpu.memory_space<vmem>>, %arg3: memref<2x512x8xf32, #tpu.memory_space<vmem>>, %arg4: memref<1x128xf32, #tpu.memory_space<vmem>>, %arg5: memref<128x128xf32, #tpu.memory_space<vmem>>, %arg6: memref<512x128xf32, #tpu.memory_space<vmem>>) attributes {dimension_semantics = [#tpu.dimension_semantics<arbitrary>], iteration_bounds = array<i64: 20>, scalar_prefetch = 0 : i64, scratch_operands = 0 : i64, tpu.core_type = #tpu.core_type<tc>, window_params = [{transform_indices = @transform_0, window_bounds = array<i64: 2, 512, 128>}, {transform_indices = @transform_1, window_bounds = array<i64: 512, 128>}, {transform_indices = @transform_2, window_bounds = array<i64: 2, 512, 8>}, {pipeline_mode = #tpu.pipeline_mode<synchronous>, transform_indices = @transform_3, window_bounds = array<i64: 1, 128>}, {pipeline_mode = #tpu.pipeline_mode<synchronous>, transform_indices = @transform_4, window_bounds = array<i64: 128, 128>}, {transform_indices = @transform_5, window_bounds = array<i64: 512, 128>}]} {
    %get3A = arith.constant 0 : index
    %get3A_0 = arith.constant 0 : index
    %get3A_1 = arith.constant 0 : index
    %get3A_2 = vector.load %arg3[%get3A, %get3A_0, %get3A_1] : memref<2x512x8xf32, #tpu.memory_space<vmem>>, vector<2x512x8xf32>
    %slice3A = vector.extract_strided_slice %get3A_2 {offsets = [0, 0, 0], sizes = [1, 512, 1], strides = [1, 1, 1]} : vector<2x512x8xf32> to vector<1x512x1xf32>
    %squeeze3A = vector.shape_cast %slice3A : vector<1x512x1xf32> to vector<512x1xf32>
    %add3A = arith.constant 1.000000e+00 : f32
    %add3A_3 = vector.broadcast %add3A : f32 to vector<512x1xf32>
    %add3A_4 = arith.addf %add3A_3, %squeeze3A : vector<512x1xf32>
    %slice3A_5 = vector.extract_strided_slice %get3A_2 {offsets = [1, 0, 0], sizes = [1, 512, 1], strides = [1, 1, 1]} : vector<2x512x8xf32> to vector<1x512x1xf32>
    %squeeze3A_6 = vector.shape_cast %slice3A_5 : vector<1x512x1xf32> to vector<512x1xf32>
    %add3A_7 = arith.addf %add3A_4, %squeeze3A_6 : vector<512x1xf32>
    %rsqrt3A = math.rsqrt %add3A_7 : vector<512x1xf32>
    %get3A_8 = arith.constant 0 : index
    %get3A_9 = arith.constant 0 : index
    %get3A_10 = arith.constant 0 : index
    %get3A_11 = vector.load %arg1[%get3A_8, %get3A_9, %get3A_10] : memref<2x512x128xf32, #tpu.memory_space<vmem>>, vector<2x512x128xf32>
    %slice3A_12 = vector.extract_strided_slice %get3A_11 {offsets = [0, 0, 0], sizes = [1, 512, 128], strides = [1, 1, 1]} : vector<2x512x128xf32> to vector<1x512x128xf32>
    %squeeze3A_13 = vector.shape_cast %slice3A_12 : vector<1x512x128xf32> to vector<512x128xf32>
    %slice3A_14 = vector.extract_strided_slice %get3A_11 {offsets = [1, 0, 0], sizes = [1, 512, 128], strides = [1, 1, 1]} : vector<2x512x128xf32> to vector<1x512x128xf32>
    %squeeze3A_15 = vector.shape_cast %slice3A_14 : vector<1x512x128xf32> to vector<512x128xf32>
    %add3A_16 = arith.addf %squeeze3A_13, %squeeze3A_15 : vector<512x128xf32>
    %get3A_17 = arith.constant 0 : index
    %get3A_18 = arith.constant 0 : index
    %get3A_19 = vector.load %arg2[%get3A_17, %get3A_18] : memref<512x128xf32, #tpu.memory_space<vmem>>, vector<512x128xf32>
    %add3A_20 = arith.addf %add3A_16, %get3A_19 : vector<512x128xf32>
    %mul3A = vector.broadcast %rsqrt3A : vector<512x1xf32> to vector<512x128xf32>
    %mul3A_21 = arith.mulf %mul3A, %add3A_20 : vector<512x128xf32>
    %get3A_22 = arith.constant 0 : index
    %get3A_23 = arith.constant 0 : index
    %get3A_24 = vector.load %arg4[%get3A_22, %get3A_23] : memref<1x128xf32, #tpu.memory_space<vmem>>, vector<1x128xf32>
    %add3A_25 = vector.broadcast %get3A_24 : vector<1x128xf32> to vector<512x128xf32>
    %add3A_26 = arith.addf %mul3A_21, %add3A_25 : vector<512x128xf32>
    %max3A = arith.constant 0.000000e+00 : f32
    %max3A_27 = vector.broadcast %max3A : f32 to vector<512x128xf32>
    %max3A_28 = arith.maximumf %add3A_26, %max3A_27 : vector<512x128xf32>
    %get3A_29 = arith.constant 0 : index
    %get3A_30 = arith.constant 0 : index
    %get3A_31 = vector.load %arg5[%get3A_29, %get3A_30] : memref<128x128xf32, #tpu.memory_space<vmem>>, vector<128x128xf32>
    %dot_general3A = arith.constant dense<0.000000e+00> : vector<512x128xf32>
    %dot_general3A_32 = tpu.matmul %max3A_28, %get3A_31, %dot_general3A {dimension_numbers = #tpu.dot_dimension_numbers<[1], [0], [0], [1], [0, 0, 1, 1], [], []>, transpose_lhs_hint = false} : vector<512x128xf32>, vector<128x128xf32>, vector<512x128xf32> -> vector<512x128xf32>
    %mul3A_33 = vector.broadcast %rsqrt3A : vector<512x1xf32> to vector<512x128xf32>
    %mul3A_34 = arith.mulf %dot_general3A_32, %mul3A_33 : vector<512x128xf32>
    %swap3A = arith.constant 0 : index
    %swap3A_35 = arith.constant 0 : index
    %swap3A_36 = vector.load %arg6[%swap3A, %swap3A_35] : memref<512x128xf32, #tpu.memory_space<vmem>>, vector<512x128xf32>
    tpu.vector_store %arg6[%swap3A, %swap3A_35], %mul3A_34 {strides = array<i32>} : memref<512x128xf32, #tpu.memory_space<vmem>>, vector<512x128xf32>,
    return
  }
  func.func @transform_0(%arg0: i32) -> (i32, i32, i32) {
    %c0_i32 = arith.constant 0 : i32
    %c0_i32_0 = arith.constant 0 : i32
    %c0_i32_1 = arith.constant 0 : i32
    return %c0_i32, %arg0, %c0_i32_0 : i32, i32, i32
  }
  func.func @transform_1(%arg0: i32) -> (i32, i32) {
    %c0_i32 = arith.constant 0 : i32
    %c0_i32_0 = arith.constant 0 : i32
    return %arg0, %c0_i32 : i32, i32
  }
  func.func @transform_2(%arg0: i32) -> (i32, i32, i32) {
    %c0_i32 = arith.constant 0 : i32
    %c0_i32_0 = arith.constant 0 : i32
    %c0_i32_1 = arith.constant 0 : i32
    return %c0_i32, %arg0, %c0_i32_0 : i32, i32, i32
  }
  func.func @transform_3(%arg0: i32) -> (i32, i32) {
    %c0_i32 = arith.constant 0 : i32
    %c0_i32_0 = arith.constant 0 : i32
    %c0_i32_1 = arith.constant 0 : i32
    return %c0_i32, %c0_i32_0 : i32, i32
  }
  func.func @transform_4(%arg0: i32) -> (i32, i32) {
    %c0_i32 = arith.constant 0 : i32
    %c0_i32_0 = arith.constant 0 : i32
    %c0_i32_1 = arith.constant 0 : i32
    return %c0_i32, %c0_i32_0 : i32, i32
  }
  func.func @transform_5(%arg0: i32) -> (i32, i32) {
    %c0_i32 = arith.constant 0 : i32
    %c0_i32_0 = arith.constant 0 : i32
    return %arg0, %c0_i32 : i32, i32
  }
}

module attributes {stable_mosaic.version = 14 : i64} {
  func.func @_tc_final_body(%arg0: i32, %arg1: memref<2x512x128xf32, #tpu.memory_space<vmem>>, %arg2: memref<512x128xf32, #tpu.memory_space<vmem>>, %arg3: memref<2x512x8xf32, #tpu.memory_space<vmem>>, %arg4: memref<1x128xf32, #tpu.memory_space<vmem>>, %arg5: memref<512x128xf32, #tpu.memory_space<vmem>>) attributes {dimension_semantics = [#tpu.dimension_semantics<arbitrary>], iteration_bounds = array<i64: 20>, scalar_prefetch = 0 : i64, scratch_operands = 0 : i64, tpu.core_type = #tpu.core_type<tc>, window_params = [{transform_indices = @transform_0, window_bounds = array<i64: 2, 512, 128>}, {transform_indices = @transform_1, window_bounds = array<i64: 512, 128>}, {transform_indices = @transform_2, window_bounds = array<i64: 2, 512, 8>}, {pipeline_mode = #tpu.pipeline_mode<synchronous>, transform_indices = @transform_3, window_bounds = array<i64: 1, 128>}, {transform_indices = @transform_4, window_bounds = array<i64: 512, 128>}]} {
    %get3A = arith.constant 0 : index
    %get3A_0 = arith.constant 0 : index
    %get3A_1 = arith.constant 0 : index
    %get3A_2 = vector.load %arg3[%get3A, %get3A_0, %get3A_1] : memref<2x512x8xf32, #tpu.memory_space<vmem>>, vector<2x512x8xf32>
    %slice3A = vector.extract_strided_slice %get3A_2 {offsets = [0, 0, 0], sizes = [1, 512, 1], strides = [1, 1, 1]} : vector<2x512x8xf32> to vector<1x512x1xf32>
    %squeeze3A = vector.shape_cast %slice3A : vector<1x512x1xf32> to vector<512x1xf32>
    %add3A = arith.constant 1.000000e+00 : f32
    %add3A_3 = vector.broadcast %add3A : f32 to vector<512x1xf32>
    %add3A_4 = arith.addf %add3A_3, %squeeze3A : vector<512x1xf32>
    %slice3A_5 = vector.extract_strided_slice %get3A_2 {offsets = [1, 0, 0], sizes = [1, 512, 1], strides = [1, 1, 1]} : vector<2x512x8xf32> to vector<1x512x1xf32>
    %squeeze3A_6 = vector.shape_cast %slice3A_5 : vector<1x512x1xf32> to vector<512x1xf32>
    %add3A_7 = arith.addf %add3A_4, %squeeze3A_6 : vector<512x1xf32>
    %rsqrt3A = math.rsqrt %add3A_7 : vector<512x1xf32>
    %get3A_8 = arith.constant 0 : index
    %get3A_9 = arith.constant 0 : index
    %get3A_10 = arith.constant 0 : index
    %get3A_11 = vector.load %arg1[%get3A_8, %get3A_9, %get3A_10] : memref<2x512x128xf32, #tpu.memory_space<vmem>>, vector<2x512x128xf32>
    %slice3A_12 = vector.extract_strided_slice %get3A_11 {offsets = [0, 0, 0], sizes = [1, 512, 128], strides = [1, 1, 1]} : vector<2x512x128xf32> to vector<1x512x128xf32>
    %squeeze3A_13 = vector.shape_cast %slice3A_12 : vector<1x512x128xf32> to vector<512x128xf32>
    %slice3A_14 = vector.extract_strided_slice %get3A_11 {offsets = [1, 0, 0], sizes = [1, 512, 128], strides = [1, 1, 1]} : vector<2x512x128xf32> to vector<1x512x128xf32>
    %squeeze3A_15 = vector.shape_cast %slice3A_14 : vector<1x512x128xf32> to vector<512x128xf32>
    %add3A_16 = arith.addf %squeeze3A_13, %squeeze3A_15 : vector<512x128xf32>
    %get3A_17 = arith.constant 0 : index
    %get3A_18 = arith.constant 0 : index
    %get3A_19 = vector.load %arg2[%get3A_17, %get3A_18] : memref<512x128xf32, #tpu.memory_space<vmem>>, vector<512x128xf32>
    %add3A_20 = arith.addf %add3A_16, %get3A_19 : vector<512x128xf32>
    %mul3A = vector.broadcast %rsqrt3A : vector<512x1xf32> to vector<512x128xf32>
    %mul3A_21 = arith.mulf %mul3A, %add3A_20 : vector<512x128xf32>
    %get3A_22 = arith.constant 0 : index
    %get3A_23 = arith.constant 0 : index
    %get3A_24 = vector.load %arg4[%get3A_22, %get3A_23] : memref<1x128xf32, #tpu.memory_space<vmem>>, vector<1x128xf32>
    %add3A_25 = vector.broadcast %get3A_24 : vector<1x128xf32> to vector<512x128xf32>
    %add3A_26 = arith.addf %mul3A_21, %add3A_25 : vector<512x128xf32>
    %swap3A = arith.constant 0 : index
    %swap3A_27 = arith.constant 0 : index
    %swap3A_28 = vector.load %arg5[%swap3A, %swap3A_27] : memref<512x128xf32, #tpu.memory_space<vmem>>, vector<512x128xf32>
    tpu.vector_store %arg5[%swap3A, %swap3A_27], %add3A_26 {strides = array<i32>} : memref<512x128xf32, #tpu.memory_space<vmem>>, vector<512x128xf32>,
    return
  }
  func.func @transform_0(%arg0: i32) -> (i32, i32, i32) {
    %c0_i32 = arith.constant 0 : i32
    %c0_i32_0 = arith.constant 0 : i32
    %c0_i32_1 = arith.constant 0 : i32
    return %c0_i32, %arg0, %c0_i32_0 : i32, i32, i32
  }
  func.func @transform_1(%arg0: i32) -> (i32, i32) {
    %c0_i32 = arith.constant 0 : i32
    %c0_i32_0 = arith.constant 0 : i32
    return %arg0, %c0_i32 : i32, i32
  }
  func.func @transform_2(%arg0: i32) -> (i32, i32, i32) {
    %c0_i32 = arith.constant 0 : i32
    %c0_i32_0 = arith.constant 0 : i32
    %c0_i32_1 = arith.constant 0 : i32
    return %c0_i32, %arg0, %c0_i32_0 : i32, i32, i32
  }
  func.func @transform_3(%arg0: i32) -> (i32, i32) {
    %c0_i32 = arith.constant 0 : i32
    %c0_i32_0 = arith.constant 0 : i32
    %c0_i32_1 = arith.constant 0 : i32
    return %c0_i32, %c0_i32_0 : i32, i32
  }
  func.func @transform_4(%arg0: i32) -> (i32, i32) {
    %c0_i32 = arith.constant 0 : i32
    %c0_i32_0 = arith.constant 0 : i32
    return %arg0, %c0_i32 : i32, i32
  }
}

module attributes {stable_mosaic.version = 14 : i64} {
  func.func @_tc_reduce_body(%arg0: i32, %arg1: memref<16x128x16xf32, #tpu.memory_space<vmem>>, %arg2: memref<16x128xf32, #tpu.memory_space<vmem>>) attributes {dimension_semantics = [#tpu.dimension_semantics<arbitrary>], iteration_bounds = array<i64: 52>, scalar_prefetch = 0 : i64, scratch_operands = 0 : i64, tpu.core_type = #tpu.core_type<tc>, window_params = [{transform_indices = @transform_0, window_bounds = array<i64: 16, 128, 16>}, {transform_indices = @transform_1, window_bounds = array<i64: 16, 128>}]} {
    %get3A = arith.constant 0 : index
    %get3A_0 = arith.constant 0 : index
    %get3A_1 = arith.constant 0 : index
    %get3A_2 = vector.load %arg1[%get3A, %get3A_0, %get3A_1] : memref<16x128x16xf32, #tpu.memory_space<vmem>>, vector<16x128x16xf32>
    %reduce_sum3A = arith.constant dense<0.000000e+00> : vector<16x128xf32>
    %reduce_sum3A_3 = vector.multi_reduction <add>, %get3A_2, %reduce_sum3A [2] : vector<16x128x16xf32> to vector<16x128xf32>
    %swap3A = arith.constant 0 : index
    %swap3A_4 = arith.constant 0 : index
    %swap3A_5 = vector.load %arg2[%swap3A, %swap3A_4] : memref<16x128xf32, #tpu.memory_space<vmem>>, vector<16x128xf32>
    tpu.vector_store %arg2[%swap3A, %swap3A_4], %reduce_sum3A_3 {strides = array<i32>} : memref<16x128xf32, #tpu.memory_space<vmem>>, vector<16x128xf32>,
    return
  }
  func.func @transform_0(%arg0: i32) -> (i32, i32, i32) {
    %c0_i32 = arith.constant 0 : i32
    %c0_i32_0 = arith.constant 0 : i32
    %c0_i32_1 = arith.constant 0 : i32
    return %arg0, %c0_i32, %c0_i32_0 : i32, i32, i32
  }
  func.func @transform_1(%arg0: i32) -> (i32, i32) {
    %c0_i32 = arith.constant 0 : i32
    %c0_i32_0 = arith.constant 0 : i32
    return %arg0, %c0_i32 : i32, i32
  }
}

</mosaic_0001>

<sc_bundles>
// kernel: kernel.10.cloned.1.call-start
scs
__scs_entry_jumppad:
0x0: {  	(pc) =	sbr.rel $0x88, $3  }
0x1: {  	(tag) =	ssettag $0x0;
	lr =	simm.s32 $0x1  }
0x2: {  	[smem:$0x3F9A] =	sst lr;
	_ =	strace $0xD0000000  }
0x3: {  	_ = 	snop  }
0x4: {  	_ = 	snop  }
0x5: {  	_ = 	snop  }
0x6: {  	_ = 	snop  }
0x7: {  	_ = 	snop  }
__scs_overlays_trampoline_lowered:
0x8: {  	[smem:$0x3FA9] =	sst s0  }
0x9: {  	[smem:$0x3FAA] =	sst s1  }
0xa: {  	[smem:$0x3FAB] =	sst s2  }
0xb: {  	[smem:$0x3FAC] =	sst s3  }
0xc: {  	[smem:$0x3FAD] =	sst s4  }
0xd: {  	[smem:$0x3FAE] =	sst s5  }
0xe: {  	[smem:$0x3FAF] =	sst s6  }
0xf: {  	[smem:$0x3FB0] =	sst s7  }
0x10: {  	[smem:$0x3FB1] =	sst s8  }
0x11: {  	[smem:$0x3FB2] =	sst s9;
	s0 =	simm.s32 @!p0 $0x0  }
0x12: {  	s1 =	sld [smem:$0x3F98];
	s0 =	simm.s32 @p0 $0x1  }
0x13: {  	[smem:$0x3FB3] =	sst s0;
	s0 =	simm.s32 @!p1 $0x0  }
0x14: {  	s2 =	sld [smem:$0x3F97];
	s0 =	simm.s32 @p1 $0x1  }
0x15: {  	[smem:$0x3FB4] =	sst s0;
	s0 =	simm.s32 @!p2 $0x0  }
0x16: {  	s3 =	sld [smem:$0x3FDB];
	s0 =	simm.s32 @p2 $0x1  }
0x17: {  	s4 =	simm.s32 $0x1BF5;
	[smem:$0x3FB6] =	sst s0  }
0x18: {  	s0 =	sld [smem:$0x3F99];
	_ =	swait.ge [sflag:s4], $0x0  }
0x19: {  	s7 =	sld [smem:$0x3F9A]  }
0x1a: {  	s8 =	sadd.s32 $0xFFFFE003, lr  }
0x1b: {  	s9 =	sadd.s32 $0xFFFFFEF7, lr;
	s5 =	simm.s32 $0xFFFFFFFF;
	p2 =	slt.u32 s8, $0xFFFFF086  }
0x1c: {  	p1 =	slt.u32 s9, $0xF7A;
	s5 =	simm.s32 @!p2 $0x0  }
0x1d: {  	s5 =	simm.s32 @p1 $0x1;
	p0 =	seq.s32 s7, s2  }
0x1e: {  	s7 =	smul.u32 @!p0 $0xF7A, s2;
	p2 =	seq.s32 @!p0 s5, $0x0  }
0x1f: {  	s9 =	smul.u32 $0xF7A, s1;
	s8 =	simm.s32 @!p0 $0x1BF5;
	p2 =	por !p2, p0  }
0x20: {  	[sflag:s8] =	ssyncset.s32 @!p0 $0xFFFFF086;
	s6 =	sadd.s32 @!p0 s3, s7;
	s7 =	simm.s32 @!p0 $0x108  }
0x21: {  	s3 =	sadd.s32 s3, s9;
	s6 =	sadd.s32 @!p0 $0x88, s6;
	s7 =	simm.s32 @p2 $0x1082  }
0x22: {  	[simem:s7], [sflag:s8] =	dma.local @!p0 [hbm:s6], $0xF7A  }
0x23: {  	s9 =	sor.u32 $0xD0000000, s2;
	s6 =	simm.s32 $0x108;
	_ =	swait.ge @!p0 [sflag:s8], $0x0  }
0x24: {  	s3 =	sadd.s32 $0x88, s3;
	s6 =	simm.s32 @!p1 $0x1082;
	[sflag:s4] =	ssyncset.s32 $0xFFFFF086  }
0x25: {  	[simem:s6], [sflag:s4] =	dma.local [hbm:s3], $0xF7A  }
0x26: {  	[smem:$0x3F9A] =	sst s1;
	(tag) =	ssettag s2;
	_ =	strace s9  }
0x27: {  	s1 =	sld [smem:$0x3FAA]  }
0x28: {  	s2 =	sld [smem:$0x3FAB]  }
0x29: {  	s4 =	sld [smem:$0x3FAD]  }
0x2a: {  	p0 =	seq.s32 s5, $0x0;
	s5 =	sld [smem:$0x3FAE]  }
0x2b: {  	s6 =	sld [smem:$0x3FAF]  }
0x2c: {  	s7 =	sld [smem:$0x3FB0]  }
0x2d: {  	s3 =	simm.s32 $0x108;
	s8 =	sld [smem:$0x3FB1]  }
0x2e: {  	s3 =	simm.s32 @!p0 $0x1082;
	s9 =	sld [smem:$0x3FB2]  }
0x2f: {  	lr =	sadd.s32 s0, s3;
	s0 =	sld [smem:$0x3FA9]  }
0x30: {  	s3 =	sld [smem:$0x3FAC]  }
0x31: {  	[smem:$0x3FB5] =	sst s10  }
0x32: {  	s10 =	sld [smem:$0x3FB3];
	_ =	sdelay $0x3  }
0x33: {  	p0 =	seq.s32 s10, $0x1;
	s10 =	sld [smem:$0x3FB5];
	_ =	sdelay $0x3  }
0x34: {  	[smem:$0x3FB5] =	sst s10  }
0x35: {  	s10 =	sld [smem:$0x3FB4];
	_ =	sdelay $0x3  }
0x36: {  	p1 =	seq.s32 s10, $0x1;
	s10 =	sld [smem:$0x3FB5];
	_ =	sdelay $0x3  }
0x37: {  	[smem:$0x3FB5] =	sst s10  }
0x38: {  	s10 =	sld [smem:$0x3FB6]  }
0x39: {  	_ = 	snop;
	(pc) =	sbr.ind lr, $3  }
0x3a: {  	_ = 	snop  }
0x3b: {  	_ = 	snop  }
0x3c: {  	p2 =	seq.s32 s10, $0x1;
	s10 =	sld [smem:$0x3FB5]  }
0x3d: {  	_ =	shalt  }
0x3e: {  	_ =	shalt  }
0x3f: {  	_ =	shalt  }
0x40: {  	_ =	shalt  }
0x41: {  	_ =	shalt  }
0x42: {  	_ =	shalt  }
0x43: {  	_ =	shalt  }
0x44: {  	_ =	shalt  }
0x45: {  	_ =	shalt  }
0x46: {  	_ =	shalt  }
0x47: {  	_ =	shalt  }
0x48: {  	_ =	shalt  }
0x49: {  	_ =	shalt  }
0x4a: {  	_ =	shalt  }
0x4b: {  	_ =	shalt  }
0x4c: {  	_ =	shalt  }
0x4d: {  	_ =	shalt  }
0x4e: {  	_ =	shalt  }
0x4f: {  	_ =	shalt  }
0x50: {  	_ =	shalt  }
0x51: {  	_ =	shalt  }
0x52: {  	_ =	shalt  }
0x53: {  	_ =	shalt  }
0x54: {  	_ =	shalt  }
0x55: {  	_ =	shalt  }
0x56: {  	_ =	shalt  }
0x57: {  	_ =	shalt  }
0x58: {  	_ =	shalt  }
0x59: {  	_ =	shalt  }
0x5a: {  	_ =	shalt  }
0x5b: {  	_ =	shalt  }
0x5c: {  	_ =	shalt  }
0x5d: {  	_ =	shalt  }
0x5e: {  	_ =	shalt  }
0x5f: {  	_ =	shalt  }
0x60: {  	_ =	shalt  }
0x61: {  	_ =	shalt  }
0x62: {  	_ =	shalt  }
0x63: {  	_ =	shalt  }
0x64: {  	_ =	shalt  }
0x65: {  	_ =	shalt  }
0x66: {  	_ =	shalt  }
0x67: {  	_ =	shalt  }
0x68: {  	_ =	shalt  }
0x69: {  	_ =	shalt  }
0x6a: {  	_ =	shalt  }
0x6b: {  	_ =	shalt  }
0x6c: {  	_ =	shalt  }
0x6d: {  	_ =	shalt  }
0x6e: {  	_ =	shalt  }
0x6f: {  	_ =	shalt  }
0x70: {  	_ =	shalt  }
0x71: {  	_ =	shalt  }
0x72: {  	_ =	shalt  }
0x73: {  	_ =	shalt  }
0x74: {  	_ =	shalt  }
0x75: {  	_ =	shalt  }
0x76: {  	_ =	shalt  }
0x77: {  	_ =	shalt  }
0x78: {  	_ =	shalt  }
0x79: {  	_ =	shalt  }
0x7a: {  	_ =	shalt  }
0x7b: {  	_ =	shalt  }
0x7c: {  	_ =	shalt  }
0x7d: {  	_ =	shalt  }
0x7e: {  	_ =	shalt  }
0x7f: {  	_ =	shalt  }
0x80: {  	_ =	shalt  }
0x81: {  	_ =	shalt  }
0x82: {  	_ =	shalt  }
0x83: {  	_ =	shalt  }
0x84: {  	_ =	shalt  }
0x85: {  	_ =	shalt  }
0x86: {  	_ =	shalt  }
0x87: {  	_ =	shalt  }
.Lfunc_end0:
.L_simem_size_0:
called_computation_lowered:
.L_overlay_start_0:
0x88: {  	s2 =	sld [smem:$0x3FD9]  }
0x89: {  	s3 =	sld [smem:$0x3FFE];
	_ =	sdelay $0x1  }
0x8a: {  	s1 =	srdreg.scid  }
0x8b: {  	s0 =	sand.u32 $0x1, s1  }
0x8c: {  	s16 =	sshll.u32 s0, $0xA;
	s2 =	sadd.s32 s3, s2  }
0x8d: {  	s2 =	sadd.s32 s2, s16  }
0x8e: {  	[smem:$0x3FC1] =	sst s2  }
0x8f: {  	_ = 	snop  }
0x90: {  	(tm) =	ssettm $0x1  }
0x91: {  	s17 =	sld [smem:$0x3FFB];
	_ =	sdelay $0x3  }
0x92: {  	_ =	strace s17  }
0x93: {  	s2 =	sld [smem:$0x3FFC];
	_ =	sdelay $0x3  }
0x94: {  	_ =	strace s2  }
0x95: {  	s2 =	sld [smem:$0x3FFD];
	_ =	sdelay $0x3  }
0x96: {  	_ =	strace s2  }
0x97: {  	_ =	strace $0x8FFFFFFF  }
0x98: {  	s18 =	sld [smem:$0x3FDB];
	_ =	sdelay $0x1  }
0x99: {  	s19 =	simm.s32 $_scs_section_size  }
0x9a: {  	s4 =	simm.s32 $_size__tile_overlayer_lowered;
	s5 =	simm.s32 $_tile_overlayer_lowered  }
0x9b: {  	s22 =	simm.s32 $0x1BFF;
	s21 =	sshll.u32 s5, $0x1;
	s2 =	sadd.s32 s19, s18  }
0x9c: {  	s6 =	simm.s32 $0x0;
	s20 =	sshll.u32 s4, $0x1;
	s4 =	sadd.s32 s21, s2  }
0x9d: {  	[timem:s6], [sflag:s22] =	dma.local [hbm:s4], s20  }
0x9e: {  	_ =	swait.ge [sflag:s22], s20  }
0x9f: {  	s3 =	ssub.s32 $0x0, s20;
	[sflag:s22] =	ssyncset.done $0x0  }
0xa0: {  	[sflag:s22] =	ssyncadd.s32 s3;
	_ =	sdelay $0x1  }
0xa1: {  	s23 =	simm.s32 $0x1B8B  }
0xa2: {  	_ =	swait.ge [sflag:s23], $0x1  }
0xa3: {  	[sflag:s23] =	ssyncset.done $0x0  }
0xa4: {  	s25 =	simm.s32 $0x1B8E;
	s24 =	sld [smem:$0x3FFE];
	[sflag:s23] =	ssyncadd.s32 $0xFFFFFFFF  }
0xa5: {  	s26 =	simm.s32 $execute0_lowered;
	[smem:$0x3FD2] =	sst s25  }
0xa6: {  	s4 =	sshll.u32 s26, $0x1;
	_ =	strace $0x80000046;
	[dreg:$0x1] =	wrdreg $0xFFFFFFFF  }
0xa7: {  	s28 =	simm.s32 $_size_execute0_lowered;
	s2 =	sadd.s32 s2, s4;
	[dreg:$0x0] =	wrdreg $0x0  }
0xa8: {  	s4 =	sshll.u32 s28, $0x1;
	[dreg:$0x2] =	wrdreg s2  }
0xa9: {  	[dreg:$0x3] =	wrdreg s4  }
0xaa: {  	[dreg:$0x4] =	wrdreg $0xC0  }
0xab: {  	_ =	task [dreg:s6], $0x5FFFF  }
0xac: {  	[dreg:$0x1] =	wrdreg $0xFFFFFFFF  }
0xad: {  	[dreg:$0x0] =	wrdreg $0x60  }
0xae: {  	[dreg:$0x2] =	wrdreg s24  }
0xaf: {  	[dreg:$0x3] =	wrdreg $0x68800  }
0xb0: {  	[dreg:$0x4] =	wrdreg $0x9  }
0xb1: {  	_ =	task.clear_ibuf [dreg:s6], $0x5FFFF;
	_ =	strace $0x90000046  }
0xb2: {  	s29 =	simm.s32 $0x9;
	_ =	strace $0x80000048  }
0xb3: {  	_ =	swait.ge [sflag:s29], $0x1  }
0xb4: {  	[sflag:s29] =	ssyncadd.s32 $0xFFFFFFFF  }
0xb5: {  	_ =	strace $0x90000048  }
0xb6: {  	_ =	sfence  }
0xb7: {  	s30 =	sld [smem:$0x0];
	_ =	sdelay $0x2  }
0xb8: {  	s31 =	sshll.u32 s1, $0xD;
	s1 =	sshrl.u32 s1, $0x2  }
0xb9: {  	s3 =	sand.u32 $0x4000, s31;
	s1 =	sadd.s32 s1, s30  }
0xba: {  	s0 =	sor.u32 s3, s0;
	s1 =	sshll.u32 s1, $0x11  }
0xbb: {  	s0 =	sor.u32 s1, s0  }
0xbc: {  	s0 =	sadd.s32 $0x8F2B, s0  }
0xbd: {  	[sflag:s0] =	ssyncadd.remote.s32 $0x1  }
0xbe: {  	_ =	sfence.sel $0xFFFF  }
0xbf: {  	[dreg:$0x0] =	wrdreg $0xFFFFFFFF;
	(pc) =	sbr.abs _section_cstart, $3  }
0xc0: {  	[dreg:$0x1] =	wrdreg $0xFFFFFFFF  }
0xc1: {  	_ =	task.clear_ibuf [dreg:s6], $0x2FFFF;
	_ =	strace $0x9FFFFFFF  }
0xc2: {  	(tm) =	ssettm $0x7FFFFFFF  }
0xc3: {  	_ =	shalt  }
tec
execute0_lowered:
.L_overlay_start_1:
0x0: {  	(tag) =	ssettag $0x1  }
0x1: {  	s5 =	rddreg [dreg:$0x0]  }
0x2: {  	s2 =	rddreg [dreg:$0x1]  }
0x3: {  	s0 =	rddreg [dreg:$0x2]  }
0x4: {  	s4 =	srdreg.scid;
	s1 =	stileid.u32  }
0x5: {  	s3 =	simm.s32 $0x0;
	s13 =	simm.s32 $0x2;
	s6 =	sand.u32 $0x1, s4  }
0x6: {  	s7 =	smul.u32 $0x2800, s1;
	[smem:$0x7FF] =	sst s3;
	s4 =	sadd.s32 $0x2800, s5  }
0x7: {  	s28 =	smul.u32 $0x50000, s1;
	s30 =	sshll.u32 s1, $0x1;
	s18 =	sshll.u32 s1, $0x6  }
0x8: {  	s8 =	smul.u32 $0x28000, s6;
	s29 =	ssub.s32 $0x2, s6;
	s6 =	sor.u32 s6, s30  }
0x9: {  	_ =	strace $0x80000047;
	s9 =	sshrl.u32 s29, $0x1;
	s12 =	smul.u32 $0x50, s6  }
0xa: {  	s31 =	sshrl.u32 s28, $0x2;
	s7 =	sadd.s32 s7, s8;
	s11 =	ssub.s32 s29, s9  }
0xb: {  	s10 =	sadd.s32 s7, s5;
	s5 =	sadd.s32 s31, s2;
	s14 =	sadd.s32 $0x10, s12  }
0xc: {  	v4 =	vlaneseq.u32;
	s15 =	sadd.s32 $0x20, s12;
	s16 =	sadd.s32 $0x30, s12;
	s17 =	sadd.s32 $0x40, s12  }
0xd: {  	v0 =	vor.u32 s12, v4;
	s11 =	smax.u32 s11, $0x1;
	s12 =	simm.s32 $0x2880;
	s6 =	sadd.s32 $0x4000, s5  }
0xe: {  	s7 =	sadd.s32 $0x8000, s5;
	s8 =	sadd.s32 $0xC000, s5;
	s9 =	sadd.s32 $0x10000, s5  }
0xf: {  	v5 =	vimm.f32 $0.0e+00;
	s10 =	sadd.s32 $0x16800, s10;
	v1 =	vor.u32 s14, v4;
	v2 =	vor.u32 s15, v4;
	s14 =	simm.s32 $0x50;
	s15 =	simm.s32 $0x80  }
0x10: {  	v6 =	vimm.f32 $1.000000000e+00;
	v3 =	vor.u32 s16, v4;
	v4 =	vor.u32 s17, v4;
	s16 =	simm.s32 $0x1;
	s17 =	sor.u32 $0x1C02, s18;
	s18 =	sshrl.u32 s5, $0x3  }
.LBB2_1:
0x11: {  	s19 =	simm.s32 $0x0;
	s20 =	simm.s32 $0x200  }
.LBB2_2:
0x12: {  	p0 =	sne.s32 s20, $0xFE00;
	[tilespmem:s19+$0x28F0] =	vst v5  }
0x13: {  	[tilespmem:s19+$0x2880] =	vst v5  }
0x14: {  	[tilespmem:s19+$0x2890] =	vst v5  }
.Ltmp0:
0x15: {  	[tilespmem:s19+$0x28A0] =	vst v5;
	(pc) =	sbr.rel @p0 .LBB2_2-.Ltmp0, $4  }
0x16: {  	[tilespmem:s19+$0x28B0] =	vst v5  }
0x17: {  	[tilespmem:s19+$0x28C0] =	vst v5  }
0x18: {  	[tilespmem:s19+$0x28D0] =	vst v5  }
0x19: {  	[tilespmem:s19+$0x28E0] =	vst v5;
	s19 =	sshra.s32 s20, $0x2;
	s20 =	sadd.s32 $0x200, s20  }
0x1a: {  	[tilespmem:s19+$0x28F0] =	vst v5  }
0x1b: {  	[tilespmem:s19+$0x2880] =	vst v5  }
0x1c: {  	[tilespmem:s19+$0x2890] =	vst v5  }
0x1d: {  	[tilespmem:s19+$0x28A0] =	vst v5  }
0x1e: {  	[tilespmem:s19+$0x28B0] =	vst v5  }
0x1f: {  	[tilespmem:s19+$0x28C0] =	vst v5  }
0x20: {  	[tilespmem:s19+$0x28D0] =	vst v5  }
0x21: {  	[tilespmem:s19+$0x28E0] =	vst v5  }
0x22: {  	[spmem:s5] =	stream.linear.scatter [tilespmem:s12], [sflag:$0x2], $0x4000, $0x38;
	[tilespmem:$0x1A880] =	vst v63  }
0x23: {  	_ =	swait.ge [sflag:s13], $0x4000  }
0x24: {  	[sflag:s13] =	ssyncset.done $0x0  }
0x25: {  	[sflag:s13] =	ssyncadd.s32 $0xFFFFC000  }
0x26: {  	[spmem:s6] =	stream.linear.scatter [tilespmem:s12], [sflag:$0x2], $0x4000, $0x38;
	[tilespmem:$0x1A880] =	vst v63  }
0x27: {  	_ =	swait.ge [sflag:s13], $0x4000  }
0x28: {  	[sflag:s13] =	ssyncset.done $0x0  }
0x29: {  	[sflag:s13] =	ssyncadd.s32 $0xFFFFC000  }
0x2a: {  	[spmem:s7] =	stream.linear.scatter [tilespmem:s12], [sflag:$0x2], $0x4000, $0x38;
	[tilespmem:$0x1A880] =	vst v63  }
0x2b: {  	_ =	swait.ge [sflag:s13], $0x4000  }
0x2c: {  	[sflag:s13] =	ssyncset.done $0x0  }
0x2d: {  	[sflag:s13] =	ssyncadd.s32 $0xFFFFC000  }
0x2e: {  	[spmem:s8] =	stream.linear.scatter [tilespmem:s12], [sflag:$0x2], $0x4000, $0x38;
	[tilespmem:$0x1A880] =	vst v63  }
0x2f: {  	_ =	swait.ge [sflag:s13], $0x4000  }
0x30: {  	[sflag:s13] =	ssyncset.done $0x0  }
0x31: {  	[sflag:s13] =	ssyncadd.s32 $0xFFFFC000  }
0x32: {  	[spmem:s9] =	stream.linear.scatter [tilespmem:s12], [sflag:$0x2], $0x4000, $0x38;
	[tilespmem:$0x1A880] =	vst v63  }
0x33: {  	_ =	swait.ge [sflag:s13], $0x4000  }
0x34: {  	[sflag:s13] =	ssyncset.done $0x0  }
0x35: {  	s19 =	simm.s32 $0x0;
	s20 =	simm.s32 $0x200;
	[sflag:s13] =	ssyncadd.s32 $0xFFFFC000  }
.LBB2_4:
0x36: {  	p0 =	sne.s32 s20, $0xFE00;
	[tilespmem:s19+$0x28F0] =	vst v6  }
0x37: {  	[tilespmem:s19+$0x2880] =	vst v6  }
0x38: {  	[tilespmem:s19+$0x2890] =	vst v6  }
.Ltmp1:
0x39: {  	[tilespmem:s19+$0x28A0] =	vst v6;
	(pc) =	sbr.rel @p0 .LBB2_4-.Ltmp1, $4  }
0x3a: {  	[tilespmem:s19+$0x28B0] =	vst v6  }
0x3b: {  	[tilespmem:s19+$0x28C0] =	vst v6  }
0x3c: {  	[tilespmem:s19+$0x28D0] =	vst v6  }
0x3d: {  	[tilespmem:s19+$0x28E0] =	vst v6;
	s19 =	sshra.s32 s20, $0x2;
	s20 =	sadd.s32 $0x200, s20  }
0x3e: {  	[tilespmem:s19+$0x28F0] =	vst v6  }
0x3f: {  	[tilespmem:s19+$0x2880] =	vst v6  }
0x40: {  	[tilespmem:s19+$0x2890] =	vst v6  }
0x41: {  	[tilespmem:s19+$0x28A0] =	vst v6  }
0x42: {  	[tilespmem:s19+$0x28B0] =	vst v6  }
0x43: {  	[tilespmem:s19+$0x28C0] =	vst v6  }
0x44: {  	[tilespmem:s19+$0x28D0] =	vst v6  }
0x45: {  	[tilespmem:s19+$0x28E0] =	vst v6  }
0x46: {  	[tilespmem:$0x0] =	vst v0  }
0x47: {  	[tilespmem:$0x10] =	vst v1  }
0x48: {  	[tilespmem:$0x20] =	vst v2  }
0x49: {  	[tilespmem:$0x30] =	vst v3  }
0x4a: {  	s26 =	simm.s32 $0x0;
	[tilespmem:$0x40] =	vst v4  }
0x4b: {  	[tilespmem:s15], [sflag:$0x1] =	stream.indirect.gather [hbm4b:s4+s14], $0x80, s26, s14, $0xb8;
	[tilespmem:$0x1A880] =	vst v63  }
0x4c: {  	_ =	swait.ge [sflag:s16], $0x2800  }
0x4d: {  	[sflag:s16] =	ssyncset.done $0x0  }
0x4e: {  	[sflag:s16] =	ssyncadd.s32 $0xFFFFD800  }
0x4f: {  	s28 =	simm.s32 $0x80;
	[bflag:$0x0] =	sbarrier.arrive $0xFFFF  }
0x50: {  	[spmem:s2] =	stream.indirect.scatter.add.f32 [tilespmem:s12], [sflag:$0x1], $0x80, s28, s15, $0xb8;
	[tilespmem:$0x1A880] =	vst v63  }
0x51: {  	s29 =	simm.s32 $0x100  }
0x52: {  	[spmem:s2] =	stream.indirect.scatter.add.f32 [tilespmem:s12], [sflag:$0x1], $0x80, s29, s15, $0xb8;
	[tilespmem:$0x1A880] =	vst v63  }
0x53: {  	s30 =	simm.s32 $0x180  }
0x54: {  	[spmem:s2] =	stream.indirect.scatter.add.f32 [tilespmem:s12], [sflag:$0x1], $0x80, s30, s15, $0xb8;
	[tilespmem:$0x1A880] =	vst v63  }
0x55: {  	s31 =	simm.s32 $0x200  }
0x56: {  	[spmem:s2] =	stream.indirect.scatter.add.f32 [tilespmem:s12], [sflag:$0x1], $0x80, s31, s15, $0xb8;
	[tilespmem:$0x1A880] =	vst v63  }
0x57: {  	_ =	swait.ge [sflag:s16], $0x4000  }
0x58: {  	[sflag:s16] =	ssyncset.done $0x0  }
0x59: {  	[sflag:s16] =	ssyncadd.s32 $0xFFFFC000  }
0x5a: {  	_ =	swait.ge [sflag:s16], $0x4000  }
0x5b: {  	[sflag:s16] =	ssyncset.done $0x0  }
0x5c: {  	[sflag:s16] =	ssyncadd.s32 $0xFFFFC000  }
0x5d: {  	_ =	swait.ge [sflag:s16], $0x4000  }
0x5e: {  	[sflag:s16] =	ssyncset.done $0x0  }
0x5f: {  	[sflag:s16] =	ssyncadd.s32 $0xFFFFC000  }
0x60: {  	_ =	swait.ge [sflag:s16], $0x4000  }
0x61: {  	s20 =	simm.s32 $0x1000;
	s19 =	simm.s32 $0x200;
	[sflag:s16] =	ssyncset.done $0x0  }
.LBB2_6:
0x62: {  	s21 =	sadd.s32 $0x80, s19  }
0x63: {  	[sflag:s16] =	ssyncadd.s32 $0xFFFFC000;
	s22 =	smov.u32 s20;
	s23 =	sadd.s32 $0x800, s20  }
0x64: {  	[spmem:s2] =	stream.indirect.scatter.add.f32 [tilespmem:s12], [sflag:$0x1], $0x80, s21, s15, $0xb8;
	[tilespmem:$0x1A880] =	vst v63  }
0x65: {  	p0 =	sne.s32 s20, $0x9800;
	s20 =	sadd.s32 $0x100, s19  }
0x66: {  	[spmem:s2] =	stream.indirect.scatter.add.f32 [tilespmem:s12], [sflag:$0x1], $0x80, s20, s15, $0xb8;
	[tilespmem:$0x1A880] =	vst v63  }
0x67: {  	s20 =	sadd.s32 $0x180, s19  }
0x68: {  	[spmem:s2] =	stream.indirect.scatter.add.f32 [tilespmem:s12], [sflag:$0x1], $0x80, s20, s15, $0xb8;
	[tilespmem:$0x1A880] =	vst v63  }
0x69: {  	s19 =	sadd.s32 $0x200, s19  }
0x6a: {  	[spmem:s2] =	stream.indirect.scatter.add.f32 [tilespmem:s12], [sflag:$0x1], $0x80, s19, s15, $0xb8;
	[tilespmem:$0x1A880] =	vst v63  }
0x6b: {  	_ =	swait.ge [sflag:s16], $0x4000  }
0x6c: {  	[sflag:s16] =	ssyncset.done $0x0  }
0x6d: {  	[sflag:s16] =	ssyncadd.s32 $0xFFFFC000  }
0x6e: {  	_ =	swait.ge [sflag:s16], $0x4000  }
0x6f: {  	[sflag:s16] =	ssyncset.done $0x0  }
0x70: {  	[sflag:s16] =	ssyncadd.s32 $0xFFFFC000  }
.Ltmp2:
0x71: {  	_ =	swait.ge [sflag:s16], $0x4000;
	(pc) =	sbr.rel @p0 .LBB2_6-.Ltmp2, $4  }
0x72: {  	[sflag:s16] =	ssyncset.done $0x0  }
0x73: {  	[sflag:s16] =	ssyncadd.s32 $0xFFFFC000  }
0x74: {  	_ =	swait.ge [sflag:s16], $0x4000  }
0x75: {  	s20 =	smov.u32 s23;
	s19 =	sshra.s32 s22, $0x2;
	[sflag:s16] =	ssyncset.done $0x0  }
0x76: {  	s20 =	sadd.s32 $0x80, s19;
	[sflag:s16] =	ssyncadd.s32 $0xFFFFC000  }
0x77: {  	[spmem:s2] =	stream.indirect.scatter.add.f32 [tilespmem:s12], [sflag:$0x1], $0x80, s20, s15, $0xb8;
	[tilespmem:$0x1A880] =	vst v63  }
0x78: {  	s29 =	sadd.s32 $0x100, s19  }
0x79: {  	[spmem:s2] =	stream.indirect.scatter.add.f32 [tilespmem:s12], [sflag:$0x1], $0x80, s29, s15, $0xb8;
	[tilespmem:$0x1A880] =	vst v63  }
0x7a: {  	s30 =	sadd.s32 $0x180, s19  }
0x7b: {  	[spmem:s2] =	stream.indirect.scatter.add.f32 [tilespmem:s12], [sflag:$0x1], $0x80, s30, s15, $0xb8;
	[tilespmem:$0x1A880] =	vst v63  }
0x7c: {  	s31 =	sadd.s32 $0x200, s19  }
0x7d: {  	[spmem:s2] =	stream.indirect.scatter.add.f32 [tilespmem:s12], [sflag:$0x1], $0x80, s31, s15, $0xb8;
	[tilespmem:$0x1A880] =	vst v63  }
0x7e: {  	_ =	swait.ge [sflag:s16], $0x4000  }
0x7f: {  	[sflag:s16] =	ssyncset.done $0x0  }
0x80: {  	[sflag:s16] =	ssyncadd.s32 $0xFFFFC000  }
0x81: {  	_ =	swait.ge [sflag:s16], $0x4000  }
0x82: {  	[sflag:s16] =	ssyncset.done $0x0  }
0x83: {  	[sflag:s16] =	ssyncadd.s32 $0xFFFFC000  }
0x84: {  	_ =	swait.ge [sflag:s16], $0x4000  }
0x85: {  	[sflag:s16] =	ssyncset.done $0x0  }
0x86: {  	[sflag:s16] =	ssyncadd.s32 $0xFFFFC000  }
0x87: {  	_ =	swait.ge [sflag:s16], $0x4000  }
0x88: {  	s3 =	sadd.s32 $0x1, s3;
	[sflag:s16] =	ssyncset.done $0x0  }
0x89: {  	p0 =	sne.s32 s3, s11;
	[sflag:s16] =	ssyncadd.s32 $0xFFFFC000  }
.Ltmp3:
0x8a: {  	[bflag:$0x0] =	sbarrier.arrive $0xFFFF;
	(pc) =	sbr.rel @p0 .LBB2_1-.Ltmp3, $4  }
0x8b: {  	[hbm:s10], [sflag:s17] =	dma.local [spmem:s18], $0x2800  }
0x8c: {  	_ =	swait.ge [sflag:s13], $0x2800  }
0x8d: {  	[sflag:s13] =	ssyncset.done $0x0  }
0x8e: {  	[sflag:s13] =	ssyncadd.s32 $0xFFFFD800  }
0x8f: {  	_ =	sfence.sel $0x180000  }
0x90: {  	[bflag:$0x0] =	sbarrier.arrive $0xFFFF  }
0x91: {  	p0 =	sne.s32 s1, $0x0;
	_ =	strace $0x90000047  }
0x92: {  	s0 =	sadd.s32 @!p0 $0x100000, s0;
	[bflag:$0x2] =	sbarrier.arrive $0xFFFF  }
0x93: {  	[sflag:s0] =	ssyncadd.tile.s32 @!p0 $0x1;
	_ =	shalt  }
.Lfunc_end2:
_tile_overlayer_lowered:
.L_overlay_start_2:
0x94: {  	(tag) =	ssettag $0x2  }
0x95: {  	s0 =	rddreg [dreg:$0x0];
	s2 =	stileid.u32  }
0x96: {  	s1 =	rddreg [dreg:$0x1];
	p0 =	sne.s32 s2, $0x0  }
0x97: {  	s3 =	rddreg [dreg:$0x2];
	[bflag:$0x3] =	sbarrier.arrive $0xFFFF;
	s2 =	simm.s32 @!p0 $0x1C02  }
0x98: {  	[timem:s3], [sflag:s2] =	dma.local @!p0 [hbm:s0], s1  }
0x99: {  	s0 =	simm.s32 @!p0 $0x2  }
0x9a: {  	_ =	swait.ge @!p0 [sflag:s0], s1  }
0x9b: {  	s1 =	ssub.s32 @!p0 $0x0, s1;
	[sflag:s0] =	ssyncset.done @!p0 $0x0  }
0x9c: {  	[sflag:s0] =	ssyncadd.s32 @!p0 s1  }
0x9d: {  	[bflag:$0x3] =	sbarrier.arrive $0xFFFF  }
0x9e: {  	_ =	shalt  }

// kernel: kernel.13.cloned.1.call-start
scs
__scs_entry_jumppad:
0x0: {  	(pc) =	sbr.rel $0x88, $3  }
0x1: {  	(tag) =	ssettag $0x0;
	lr =	simm.s32 $0x1  }
0x2: {  	[smem:$0x3F9A] =	sst lr;
	_ =	strace $0xD0000000  }
0x3: {  	_ = 	snop  }
0x4: {  	_ = 	snop  }
0x5: {  	_ = 	snop  }
0x6: {  	_ = 	snop  }
0x7: {  	_ = 	snop  }
__scs_overlays_trampoline_lowered:
0x8: {  	[smem:$0x3FA9] =	sst s0  }
0x9: {  	[smem:$0x3FAA] =	sst s1  }
0xa: {  	[smem:$0x3FAB] =	sst s2  }
0xb: {  	[smem:$0x3FAC] =	sst s3  }
0xc: {  	[smem:$0x3FAD] =	sst s4  }
0xd: {  	[smem:$0x3FAE] =	sst s5  }
0xe: {  	[smem:$0x3FAF] =	sst s6  }
0xf: {  	[smem:$0x3FB0] =	sst s7  }
0x10: {  	[smem:$0x3FB1] =	sst s8  }
0x11: {  	[smem:$0x3FB2] =	sst s9;
	s0 =	simm.s32 @!p0 $0x0  }
0x12: {  	s1 =	sld [smem:$0x3F98];
	s0 =	simm.s32 @p0 $0x1  }
0x13: {  	[smem:$0x3FB3] =	sst s0;
	s0 =	simm.s32 @!p1 $0x0  }
0x14: {  	s2 =	sld [smem:$0x3F97];
	s0 =	simm.s32 @p1 $0x1  }
0x15: {  	[smem:$0x3FB4] =	sst s0;
	s0 =	simm.s32 @!p2 $0x0  }
0x16: {  	s3 =	sld [smem:$0x3FDB];
	s0 =	simm.s32 @p2 $0x1  }
0x17: {  	s4 =	simm.s32 $0x1BF5;
	[smem:$0x3FB6] =	sst s0  }
0x18: {  	s0 =	sld [smem:$0x3F99];
	_ =	swait.ge [sflag:s4], $0x0  }
0x19: {  	s7 =	sld [smem:$0x3F9A]  }
0x1a: {  	s8 =	sadd.s32 $0xFFFFE003, lr  }
0x1b: {  	s9 =	sadd.s32 $0xFFFFFEF7, lr;
	s5 =	simm.s32 $0xFFFFFFFF;
	p2 =	slt.u32 s8, $0xFFFFF086  }
0x1c: {  	p1 =	slt.u32 s9, $0xF7A;
	s5 =	simm.s32 @!p2 $0x0  }
0x1d: {  	s5 =	simm.s32 @p1 $0x1;
	p0 =	seq.s32 s7, s2  }
0x1e: {  	s7 =	smul.u32 @!p0 $0xF7A, s2;
	p2 =	seq.s32 @!p0 s5, $0x0  }
0x1f: {  	s9 =	smul.u32 $0xF7A, s1;
	s8 =	simm.s32 @!p0 $0x1BF5;
	p2 =	por !p2, p0  }
0x20: {  	[sflag:s8] =	ssyncset.s32 @!p0 $0xFFFFF086;
	s6 =	sadd.s32 @!p0 s3, s7;
	s7 =	simm.s32 @!p0 $0x108  }
0x21: {  	s3 =	sadd.s32 s3, s9;
	s6 =	sadd.s32 @!p0 $0x88, s6;
	s7 =	simm.s32 @p2 $0x1082  }
0x22: {  	[simem:s7], [sflag:s8] =	dma.local @!p0 [hbm:s6], $0xF7A  }
0x23: {  	s9 =	sor.u32 $0xD0000000, s2;
	s6 =	simm.s32 $0x108;
	_ =	swait.ge @!p0 [sflag:s8], $0x0  }
0x24: {  	s3 =	sadd.s32 $0x88, s3;
	s6 =	simm.s32 @!p1 $0x1082;
	[sflag:s4] =	ssyncset.s32 $0xFFFFF086  }
0x25: {  	[simem:s6], [sflag:s4] =	dma.local [hbm:s3], $0xF7A  }
0x26: {  	[smem:$0x3F9A] =	sst s1;
	(tag) =	ssettag s2;
	_ =	strace s9  }
0x27: {  	s1 =	sld [smem:$0x3FAA]  }
0x28: {  	s2 =	sld [smem:$0x3FAB]  }
0x29: {  	s4 =	sld [smem:$0x3FAD]  }
0x2a: {  	p0 =	seq.s32 s5, $0x0;
	s5 =	sld [smem:$0x3FAE]  }
0x2b: {  	s6 =	sld [smem:$0x3FAF]  }
0x2c: {  	s7 =	sld [smem:$0x3FB0]  }
0x2d: {  	s3 =	simm.s32 $0x108;
	s8 =	sld [smem:$0x3FB1]  }
0x2e: {  	s3 =	simm.s32 @!p0 $0x1082;
	s9 =	sld [smem:$0x3FB2]  }
0x2f: {  	lr =	sadd.s32 s0, s3;
	s0 =	sld [smem:$0x3FA9]  }
0x30: {  	s3 =	sld [smem:$0x3FAC]  }
0x31: {  	[smem:$0x3FB5] =	sst s10  }
0x32: {  	s10 =	sld [smem:$0x3FB3];
	_ =	sdelay $0x3  }
0x33: {  	p0 =	seq.s32 s10, $0x1;
	s10 =	sld [smem:$0x3FB5];
	_ =	sdelay $0x3  }
0x34: {  	[smem:$0x3FB5] =	sst s10  }
0x35: {  	s10 =	sld [smem:$0x3FB4];
	_ =	sdelay $0x3  }
0x36: {  	p1 =	seq.s32 s10, $0x1;
	s10 =	sld [smem:$0x3FB5];
	_ =	sdelay $0x3  }
0x37: {  	[smem:$0x3FB5] =	sst s10  }
0x38: {  	s10 =	sld [smem:$0x3FB6]  }
0x39: {  	_ = 	snop;
	(pc) =	sbr.ind lr, $3  }
0x3a: {  	_ = 	snop  }
0x3b: {  	_ = 	snop  }
0x3c: {  	p2 =	seq.s32 s10, $0x1;
	s10 =	sld [smem:$0x3FB5]  }
0x3d: {  	_ =	shalt  }
0x3e: {  	_ =	shalt  }
0x3f: {  	_ =	shalt  }
0x40: {  	_ =	shalt  }
0x41: {  	_ =	shalt  }
0x42: {  	_ =	shalt  }
0x43: {  	_ =	shalt  }
0x44: {  	_ =	shalt  }
0x45: {  	_ =	shalt  }
0x46: {  	_ =	shalt  }
0x47: {  	_ =	shalt  }
0x48: {  	_ =	shalt  }
0x49: {  	_ =	shalt  }
0x4a: {  	_ =	shalt  }
0x4b: {  	_ =	shalt  }
0x4c: {  	_ =	shalt  }
0x4d: {  	_ =	shalt  }
0x4e: {  	_ =	shalt  }
0x4f: {  	_ =	shalt  }
0x50: {  	_ =	shalt  }
0x51: {  	_ =	shalt  }
0x52: {  	_ =	shalt  }
0x53: {  	_ =	shalt  }
0x54: {  	_ =	shalt  }
0x55: {  	_ =	shalt  }
0x56: {  	_ =	shalt  }
0x57: {  	_ =	shalt  }
0x58: {  	_ =	shalt  }
0x59: {  	_ =	shalt  }
0x5a: {  	_ =	shalt  }
0x5b: {  	_ =	shalt  }
0x5c: {  	_ =	shalt  }
0x5d: {  	_ =	shalt  }
0x5e: {  	_ =	shalt  }
0x5f: {  	_ =	shalt  }
0x60: {  	_ =	shalt  }
0x61: {  	_ =	shalt  }
0x62: {  	_ =	shalt  }
0x63: {  	_ =	shalt  }
0x64: {  	_ =	shalt  }
0x65: {  	_ =	shalt  }
0x66: {  	_ =	shalt  }
0x67: {  	_ =	shalt  }
0x68: {  	_ =	shalt  }
0x69: {  	_ =	shalt  }
0x6a: {  	_ =	shalt  }
0x6b: {  	_ =	shalt  }
0x6c: {  	_ =	shalt  }
0x6d: {  	_ =	shalt  }
0x6e: {  	_ =	shalt  }
0x6f: {  	_ =	shalt  }
0x70: {  	_ =	shalt  }
0x71: {  	_ =	shalt  }
0x72: {  	_ =	shalt  }
0x73: {  	_ =	shalt  }
0x74: {  	_ =	shalt  }
0x75: {  	_ =	shalt  }
0x76: {  	_ =	shalt  }
0x77: {  	_ =	shalt  }
0x78: {  	_ =	shalt  }
0x79: {  	_ =	shalt  }
0x7a: {  	_ =	shalt  }
0x7b: {  	_ =	shalt  }
0x7c: {  	_ =	shalt  }
0x7d: {  	_ =	shalt  }
0x7e: {  	_ =	shalt  }
0x7f: {  	_ =	shalt  }
0x80: {  	_ =	shalt  }
0x81: {  	_ =	shalt  }
0x82: {  	_ =	shalt  }
0x83: {  	_ =	shalt  }
0x84: {  	_ =	shalt  }
0x85: {  	_ =	shalt  }
0x86: {  	_ =	shalt  }
0x87: {  	_ =	shalt  }
.Lfunc_end0:
.L_simem_size_0:
called_computation.1_lowered:
.L_overlay_start_0:
0x88: {  	s2 =	sld [smem:$0x3FD9]  }
0x89: {  	s3 =	sld [smem:$0x3FFE];
	_ =	sdelay $0x1  }
0x8a: {  	s1 =	srdreg.scid  }
0x8b: {  	s0 =	sand.u32 $0x1, s1  }
0x8c: {  	s16 =	sshll.u32 s0, $0xA;
	s2 =	sadd.s32 s3, s2  }
0x8d: {  	s2 =	sadd.s32 s2, s16  }
0x8e: {  	[smem:$0x3FC1] =	sst s2  }
0x8f: {  	_ = 	snop  }
0x90: {  	(tm) =	ssettm $0x1  }
0x91: {  	s17 =	sld [smem:$0x3FFB];
	_ =	sdelay $0x3  }
0x92: {  	_ =	strace s17  }
0x93: {  	s2 =	sld [smem:$0x3FFC];
	_ =	sdelay $0x3  }
0x94: {  	_ =	strace s2  }
0x95: {  	s2 =	sld [smem:$0x3FFD];
	_ =	sdelay $0x3  }
0x96: {  	_ =	strace s2  }
0x97: {  	_ =	strace $0x8FFFFFFF  }
0x98: {  	s18 =	sld [smem:$0x3FDB];
	_ =	sdelay $0x1  }
0x99: {  	s19 =	simm.s32 $_scs_section_size  }
0x9a: {  	s4 =	simm.s32 $_size__tile_overlayer_lowered;
	s5 =	simm.s32 $_tile_overlayer_lowered  }
0x9b: {  	s22 =	simm.s32 $0x1BFF;
	s21 =	sshll.u32 s5, $0x1;
	s2 =	sadd.s32 s19, s18  }
0x9c: {  	s6 =	simm.s32 $0x0;
	s20 =	sshll.u32 s4, $0x1;
	s4 =	sadd.s32 s21, s2  }
0x9d: {  	[timem:s6], [sflag:s22] =	dma.local [hbm:s4], s20  }
0x9e: {  	_ =	swait.ge [sflag:s22], s20  }
0x9f: {  	s3 =	ssub.s32 $0x0, s20;
	[sflag:s22] =	ssyncset.done $0x0  }
0xa0: {  	[sflag:s22] =	ssyncadd.s32 s3;
	_ =	sdelay $0x1  }
0xa1: {  	s23 =	simm.s32 $0x1B8B  }
0xa2: {  	_ =	swait.ge [sflag:s23], $0x1  }
0xa3: {  	[sflag:s23] =	ssyncset.done $0x0  }
0xa4: {  	s25 =	simm.s32 $0x1B8E;
	s24 =	sld [smem:$0x3FFE];
	[sflag:s23] =	ssyncadd.s32 $0xFFFFFFFF  }
0xa5: {  	s26 =	simm.s32 $execute0_lowered;
	[smem:$0x3FD2] =	sst s25  }
0xa6: {  	s4 =	sshll.u32 s26, $0x1;
	_ =	strace $0x80000049;
	[dreg:$0x1] =	wrdreg $0xFFFFFFFF  }
0xa7: {  	s28 =	simm.s32 $_size_execute0_lowered;
	s2 =	sadd.s32 s2, s4;
	[dreg:$0x0] =	wrdreg $0x0  }
0xa8: {  	s4 =	sshll.u32 s28, $0x1;
	[dreg:$0x2] =	wrdreg s2  }
0xa9: {  	[dreg:$0x3] =	wrdreg s4  }
0xaa: {  	[dreg:$0x4] =	wrdreg $0xC0  }
0xab: {  	_ =	task [dreg:s6], $0x5FFFF  }
0xac: {  	[dreg:$0x1] =	wrdreg $0xFFFFFFFF  }
0xad: {  	[dreg:$0x0] =	wrdreg $0x60  }
0xae: {  	[dreg:$0x2] =	wrdreg s24  }
0xaf: {  	[dreg:$0x3] =	wrdreg $0xAA000  }
0xb0: {  	[dreg:$0x4] =	wrdreg $0x9  }
0xb1: {  	_ =	task.clear_ibuf [dreg:s6], $0x5FFFF;
	_ =	strace $0x90000049  }
0xb2: {  	s29 =	simm.s32 $0x9;
	_ =	strace $0x8000004B  }
0xb3: {  	_ =	swait.ge [sflag:s29], $0x1  }
0xb4: {  	[sflag:s29] =	ssyncadd.s32 $0xFFFFFFFF  }
0xb5: {  	_ =	strace $0x9000004B  }
0xb6: {  	_ =	sfence  }
0xb7: {  	s30 =	sld [smem:$0x0];
	_ =	sdelay $0x2  }
0xb8: {  	s31 =	sshll.u32 s1, $0xD;
	s1 =	sshrl.u32 s1, $0x2  }
0xb9: {  	s3 =	sand.u32 $0x4000, s31;
	s1 =	sadd.s32 s1, s30  }
0xba: {  	s0 =	sor.u32 s3, s0;
	s1 =	sshll.u32 s1, $0x11  }
0xbb: {  	s0 =	sor.u32 s1, s0  }
0xbc: {  	s0 =	sadd.s32 $0x8F2B, s0  }
0xbd: {  	[sflag:s0] =	ssyncadd.remote.s32 $0x1  }
0xbe: {  	_ =	sfence.sel $0xFFFF  }
0xbf: {  	[dreg:$0x0] =	wrdreg $0xFFFFFFFF;
	(pc) =	sbr.abs _section_cstart, $3  }
0xc0: {  	[dreg:$0x1] =	wrdreg $0xFFFFFFFF  }
0xc1: {  	_ =	task.clear_ibuf [dreg:s6], $0x2FFFF;
	_ =	strace $0x9FFFFFFF  }
0xc2: {  	(tm) =	ssettm $0x7FFFFFFF  }
0xc3: {  	_ =	shalt  }
tec
execute0_lowered:
.L_overlay_start_1:
0x0: {  	(tag) =	ssettag $0x1  }
0x1: {  	s1 =	srdreg.scid;
	s6 =	rddreg [dreg:$0x0]  }
0x2: {  	s0 =	stileid.u32;
	s2 =	rddreg [dreg:$0x1];
	s3 =	simm.s32 $0x0  }
0x3: {  	s14 =	simm.s32 $0x5;
	s15 =	simm.s32 $0x80;
	s16 =	simm.s32 $0x2800  }
0x4: {  	s17 =	simm.s32 $0x2880;
	s18 =	simm.s32 $0x6A00;
	s19 =	simm.s32 $0x1  }
0x5: {  	s20 =	simm.s32 $0x2900;
	s21 =	simm.s32 $0x2;
	s22 =	simm.s32 $0x3  }
0x6: {  	s23 =	simm.s32 $0x2980;
	s24 =	simm.s32 $0x4;
	s8 =	smul.u32 $0x2800, s0  }
0x7: {  	s5 =	sand.u32 $0x1, s1;
	s28 =	sshll.u32 s0, $0x1;
	s9 =	smul.u32 $0x50000, s0  }
0x8: {  	[smem:$0x7FF] =	sst s3;
	s1 =	sor.u32 s5, s28;
	s10 =	smul.u32 $0x28000, s5  }
0x9: {  	s4 =	sadd.s32 $0x66800, s6;
	s29 =	ssub.s32 $0x2, s5;
	s7 =	smul.u32 $0x500, s1  }
0xa: {  	s1 =	rddreg [dreg:$0x2];
	_ =	strace $0x8000004A;
	s30 =	sshrl.u32 s9, $0x2  }
.Ltmp0:
0xb: {  	s31 =	sshrl.u32 s29, $0x1;
	s8 =	sadd.s32 s8, s10;
	(pc) =	sbr.rel .LBB2_1-.Ltmp0, $4  }
0xc: {  	s5 =	sadd.s32 s30, s2;
	s13 =	ssub.s32 s29, s31;
	s11 =	sadd.s32 s7, s6  }
0xd: {  	s12 =	sadd.s32 s8, s6;
	s6 =	sadd.s32 $0x4000, s5;
	s7 =	sadd.s32 $0x8000, s5  }
0xe: {  	s8 =	sadd.s32 $0xC000, s5;
	s9 =	sadd.s32 $0x10000, s5;
	s10 =	sadd.s32 $0xC800, s11  }
0xf: {  	v0 =	vimm.f32 $0.0e+00;
	s11 =	sadd.s32 $0x8E800, s12;
	s12 =	smax.u32 s13, $0x1;
	s13 =	simm.s32 $0x2A00  }
.LBB2_6:
0x10: {  	[spmem:s2] =	stream.indirect.scatter.add.f32 [tilespmem:s18], [sflag:$0x4], $0x80, s23, s15, $0xb8;
	[tilespmem:$0x1EA00] =	vst v63  }
0x11: {  	_ =	swait.ge [sflag:s24], $0x4000  }
0x12: {  	s25 =	sshll.u32 s0, $0x6;
	s3 =	sadd.s32 $0x1, s3;
	[sflag:s24] =	ssyncset.done $0x0  }
0x13: {  	s26 =	sshrl.u32 s5, $0x3;
	p0 =	sne.s32 s3, s12;
	[sflag:s24] =	ssyncadd.s32 $0xFFFFC000  }
.Ltmp1:
0x14: {  	s25 =	sor.u32 $0x1C05, s25;
	[bflag:$0x0] =	sbarrier.arrive $0xFFFF;
	(pc) =	sbr.rel @!p0 .LBB2_7-.Ltmp1, $4  }
0x15: {  	[hbm:s11], [sflag:s25] =	dma.local [spmem:s26], $0x2800  }
0x16: {  	_ =	swait.ge [sflag:s14], $0x2800  }
0x17: {  	[sflag:s14] =	ssyncset.done $0x0  }
0x18: {  	[sflag:s14] =	ssyncadd.s32 $0xFFFFD800  }
.LBB2_1:
0x19: {  	s25 =	simm.s32 $0x0;
	s26 =	simm.s32 $0x200  }
.LBB2_2:
0x1a: {  	p0 =	sne.s32 s26, $0xFE00;
	[tilespmem:s25+$0x2A70] =	vst v0  }
0x1b: {  	[tilespmem:s25+$0x2A00] =	vst v0  }
0x1c: {  	[tilespmem:s25+$0x2A10] =	vst v0  }
.Ltmp2:
0x1d: {  	[tilespmem:s25+$0x2A20] =	vst v0;
	(pc) =	sbr.rel @p0 .LBB2_2-.Ltmp2, $4  }
0x1e: {  	[tilespmem:s25+$0x2A30] =	vst v0  }
0x1f: {  	[tilespmem:s25+$0x2A40] =	vst v0  }
0x20: {  	[tilespmem:s25+$0x2A50] =	vst v0  }
0x21: {  	[tilespmem:s25+$0x2A60] =	vst v0;
	s25 =	sshra.s32 s26, $0x2;
	s26 =	sadd.s32 $0x200, s26  }
0x22: {  	[tilespmem:s25+$0x2A70] =	vst v0  }
0x23: {  	[tilespmem:s25+$0x2A00] =	vst v0  }
0x24: {  	[tilespmem:s25+$0x2A10] =	vst v0  }
0x25: {  	[tilespmem:s25+$0x2A20] =	vst v0  }
0x26: {  	[tilespmem:s25+$0x2A30] =	vst v0  }
0x27: {  	[tilespmem:s25+$0x2A40] =	vst v0  }
0x28: {  	[tilespmem:s25+$0x2A50] =	vst v0  }
0x29: {  	[tilespmem:s25+$0x2A60] =	vst v0  }
0x2a: {  	[spmem:s5] =	stream.linear.scatter [tilespmem:s13], [sflag:$0x5], $0x4000, $0x38;
	[tilespmem:$0x1EA00] =	vst v63  }
0x2b: {  	_ =	swait.ge [sflag:s14], $0x4000  }
0x2c: {  	[sflag:s14] =	ssyncset.done $0x0  }
0x2d: {  	[sflag:s14] =	ssyncadd.s32 $0xFFFFC000  }
0x2e: {  	[spmem:s6] =	stream.linear.scatter [tilespmem:s13], [sflag:$0x5], $0x4000, $0x38;
	[tilespmem:$0x1EA00] =	vst v63  }
0x2f: {  	_ =	swait.ge [sflag:s14], $0x4000  }
0x30: {  	[sflag:s14] =	ssyncset.done $0x0  }
0x31: {  	[sflag:s14] =	ssyncadd.s32 $0xFFFFC000  }
0x32: {  	[spmem:s7] =	stream.linear.scatter [tilespmem:s13], [sflag:$0x5], $0x4000, $0x38;
	[tilespmem:$0x1EA00] =	vst v63  }
0x33: {  	_ =	swait.ge [sflag:s14], $0x4000  }
0x34: {  	[sflag:s14] =	ssyncset.done $0x0  }
0x35: {  	[sflag:s14] =	ssyncadd.s32 $0xFFFFC000  }
0x36: {  	[spmem:s8] =	stream.linear.scatter [tilespmem:s13], [sflag:$0x5], $0x4000, $0x38;
	[tilespmem:$0x1EA00] =	vst v63  }
0x37: {  	_ =	swait.ge [sflag:s14], $0x4000  }
0x38: {  	[sflag:s14] =	ssyncset.done $0x0  }
0x39: {  	[sflag:s14] =	ssyncadd.s32 $0xFFFFC000  }
0x3a: {  	[spmem:s9] =	stream.linear.scatter [tilespmem:s13], [sflag:$0x5], $0x4000, $0x38;
	[tilespmem:$0x1EA00] =	vst v63  }
0x3b: {  	_ =	swait.ge [sflag:s14], $0x4000  }
0x3c: {  	[sflag:s14] =	ssyncset.done $0x0  }
0x3d: {  	s25 =	simm.s32 $0x0;
	[sflag:s14] =	ssyncadd.s32 $0xFFFFC000  }
0x3e: {  	[tilespmem:s25], [sflag:$0x5] =	stream.linear.gather [hbm4b:s10+s25], $0x2800, $0x38;
	[tilespmem:$0x1EA00] =	vst v63  }
0x3f: {  	_ =	swait.ge [sflag:s14], $0x2800  }
0x40: {  	[sflag:s14] =	ssyncset.done $0x0  }
0x41: {  	[sflag:s14] =	ssyncadd.s32 $0xFFFFD800  }
0x42: {  	[bflag:$0x0] =	sbarrier.arrive $0xFFFF  }
0x43: {  	v1 =	vld [tilespmem:$0x0];
	_ =	sdelay $0x1  }
0x44: {  	v2 =	vld [tilespmem:$0x10];
	_ =	sdelay $0x1  }
0x45: {  	v3 =	vld [tilespmem:$0x20]  }
0x46: {  	v4 =	vand.u32 $0xFFFF, v1  }
0x47: {  	v62 =	vld [tilespmem:$0x30];
	v1 =	vshrl.u32 v1, $0x10;
	[tilespmem:$0x2800] =	vst v4  }
0x48: {  	[tilespmem:$0x2900] =	vst v1;
	v1 =	vand.u32 $0xFFFF, v2  }
0x49: {  	[tilespmem:$0x2810] =	vst v1;
	v1 =	vshrl.u32 v2, $0x10;
	v2 =	vld [tilespmem:$0x40]  }
0x4a: {  	[tilespmem:$0x2910] =	vst v1;
	v1 =	vand.u32 $0xFFFF, v3  }
0x4b: {  	[tilespmem:$0x2820] =	vst v1;
	v1 =	vshrl.u32 v3, $0x10;
	v3 =	vld [tilespmem:$0x50]  }
0x4c: {  	[tilespmem:$0x2920] =	vst v1;
	v1 =	vand.u32 $0xFFFF, v62  }
0x4d: {  	v63 =	vld [tilespmem:$0x60];
	[tilespmem:$0x2830] =	vst v1;
	v1 =	vshrl.u32 v62, $0x10  }
0x4e: {  	[tilespmem:$0x2930] =	vst v1;
	v1 =	vand.u32 $0xFFFF, v2  }
0x4f: {  	[tilespmem:$0x2840] =	vst v1;
	v1 =	vshrl.u32 v2, $0x10;
	v2 =	vld [tilespmem:$0x70]  }
0x50: {  	[tilespmem:$0x2940] =	vst v1;
	v1 =	vand.u32 $0xFFFF, v3  }
0x51: {  	[tilespmem:$0x2850] =	vst v1;
	v1 =	vshrl.u32 v3, $0x10  }
0x52: {  	[tilespmem:$0x2950] =	vst v1;
	v1 =	vand.u32 $0xFFFF, v63  }
0x53: {  	[tilespmem:$0x2860] =	vst v1;
	v1 =	vshrl.u32 v63, $0x10  }
0x54: {  	[tilespmem:$0x2960] =	vst v1;
	v1 =	vand.u32 $0xFFFF, v2  }
0x55: {  	[tilespmem:$0x2870] =	vst v1;
	v1 =	vshrl.u32 v2, $0x10  }
0x56: {  	[tilespmem:$0x2970] =	vst v1  }
0x57: {  	[tilespmem:s13], [sflag:$0x1] =	stream.indirect.gather [hbm4b:s4+s15], $0x80, s16, s15, $0xb8;
	[tilespmem:$0x1EA00] =	vst v63  }
.LBB2_4:
0x58: {  	p0 =	seq.s32 s25, $0x0  }
0x59: {  	s26 =	simm.s32 @!p0 $0x4  }
0x5a: {  	_ =	swait.ge @!p0 [sflag:s26], $0x4000  }
0x5b: {  	[sflag:s26] =	ssyncset.done @!p0 $0x0  }
0x5c: {  	[sflag:s26] =	ssyncadd.s32 @!p0 $0xFFFFC000;
	s26 =	sshra.s32 s25, $0x2  }
0x5d: {  	v1 =	vld [tilespmem:s26+$0x80];
	_ =	sdelay $0x4  }
0x5e: {  	v2 =	vand.u32 $0xFFFF, v1  }
0x5f: {  	v1 =	vshrl.u32 v1, $0x10;
	[tilespmem:$0x2880] =	vst v2  }
0x60: {  	[tilespmem:$0x2980] =	vst v1  }
0x61: {  	v1 =	vld [tilespmem:s26+$0x90];
	_ =	sdelay $0x4  }
0x62: {  	v2 =	vand.u32 $0xFFFF, v1  }
0x63: {  	v1 =	vshrl.u32 v1, $0x10;
	[tilespmem:$0x2890] =	vst v2  }
0x64: {  	[tilespmem:$0x2990] =	vst v1  }
0x65: {  	v1 =	vld [tilespmem:s26+$0xA0];
	_ =	sdelay $0x4  }
0x66: {  	v2 =	vand.u32 $0xFFFF, v1  }
0x67: {  	v1 =	vshrl.u32 v1, $0x10;
	[tilespmem:$0x28A0] =	vst v2  }
0x68: {  	[tilespmem:$0x29A0] =	vst v1  }
0x69: {  	v1 =	vld [tilespmem:s26+$0xB0];
	_ =	sdelay $0x4  }
0x6a: {  	v2 =	vand.u32 $0xFFFF, v1  }
0x6b: {  	v1 =	vshrl.u32 v1, $0x10;
	[tilespmem:$0x28B0] =	vst v2  }
0x6c: {  	[tilespmem:$0x29B0] =	vst v1  }
0x6d: {  	v1 =	vld [tilespmem:s26+$0xC0];
	_ =	sdelay $0x4  }
0x6e: {  	v2 =	vand.u32 $0xFFFF, v1  }
0x6f: {  	v1 =	vshrl.u32 v1, $0x10;
	[tilespmem:$0x28C0] =	vst v2  }
0x70: {  	[tilespmem:$0x29C0] =	vst v1  }
0x71: {  	v1 =	vld [tilespmem:s26+$0xD0];
	_ =	sdelay $0x4  }
0x72: {  	v2 =	vand.u32 $0xFFFF, v1  }
0x73: {  	v1 =	vshrl.u32 v1, $0x10;
	[tilespmem:$0x28D0] =	vst v2  }
0x74: {  	[tilespmem:$0x29D0] =	vst v1  }
0x75: {  	v1 =	vld [tilespmem:s26+$0xE0];
	_ =	sdelay $0x4  }
0x76: {  	v2 =	vand.u32 $0xFFFF, v1  }
0x77: {  	v1 =	vshrl.u32 v1, $0x10;
	[tilespmem:$0x28E0] =	vst v2  }
0x78: {  	[tilespmem:$0x29E0] =	vst v1  }
0x79: {  	v1 =	vld [tilespmem:s26+$0xF0];
	_ =	sdelay $0x4  }
0x7a: {  	v2 =	vand.u32 $0xFFFF, v1  }
0x7b: {  	v1 =	vshrl.u32 v1, $0x10;
	[tilespmem:$0x28F0] =	vst v2  }
0x7c: {  	[tilespmem:$0x29F0] =	vst v1  }
0x7d: {  	[tilespmem:s18], [sflag:$0x2] =	stream.indirect.gather [hbm4b:s4+s15], $0x80, s17, s15, $0xb8;
	[tilespmem:$0x1EA00] =	vst v63  }
0x7e: {  	_ =	swait.ge [sflag:s19], $0x4000  }
0x7f: {  	[sflag:s19] =	ssyncset.done $0x0  }
0x80: {  	[sflag:s19] =	ssyncadd.s32 $0xFFFFC000  }
0x81: {  	[spmem:s2] =	stream.indirect.scatter.add.f32 [tilespmem:s13], [sflag:$0x3], $0x80, s20, s15, $0xb8;
	[tilespmem:$0x1EA00] =	vst v63  }
0x82: {  	p0 =	seq.s32 s25, $0x9C00;
	_ =	swait.ge [sflag:s21], $0x4000  }
.Ltmp3:
0x83: {  	[sflag:s21] =	ssyncset.done $0x0;
	(pc) =	sbr.rel @p0 .LBB2_6-.Ltmp3, $4  }
0x84: {  	[sflag:s21] =	ssyncadd.s32 $0xFFFFC000  }
0x85: {  	_ =	swait.ge [sflag:s22], $0x4000  }
0x86: {  	[sflag:s22] =	ssyncset.done $0x0  }
0x87: {  	[sflag:s22] =	ssyncadd.s32 $0xFFFFC000  }
0x88: {  	v1 =	vld [tilespmem:s26+$0x100];
	_ =	sdelay $0x4  }
0x89: {  	v2 =	vand.u32 $0xFFFF, v1  }
0x8a: {  	v1 =	vshrl.u32 v1, $0x10;
	[tilespmem:$0x2800] =	vst v2  }
0x8b: {  	[tilespmem:$0x2900] =	vst v1  }
0x8c: {  	v1 =	vld [tilespmem:s26+$0x110];
	_ =	sdelay $0x4  }
0x8d: {  	v2 =	vand.u32 $0xFFFF, v1  }
0x8e: {  	v1 =	vshrl.u32 v1, $0x10;
	[tilespmem:$0x2810] =	vst v2  }
0x8f: {  	[tilespmem:$0x2910] =	vst v1  }
0x90: {  	v1 =	vld [tilespmem:s26+$0x120];
	_ =	sdelay $0x4  }
0x91: {  	v2 =	vand.u32 $0xFFFF, v1  }
0x92: {  	v1 =	vshrl.u32 v1, $0x10;
	[tilespmem:$0x2820] =	vst v2  }
0x93: {  	[tilespmem:$0x2920] =	vst v1  }
0x94: {  	v1 =	vld [tilespmem:s26+$0x130];
	_ =	sdelay $0x4  }
0x95: {  	v2 =	vand.u32 $0xFFFF, v1  }
0x96: {  	v1 =	vshrl.u32 v1, $0x10;
	[tilespmem:$0x2830] =	vst v2  }
0x97: {  	[tilespmem:$0x2930] =	vst v1  }
0x98: {  	v1 =	vld [tilespmem:s26+$0x140];
	_ =	sdelay $0x4  }
0x99: {  	v2 =	vand.u32 $0xFFFF, v1  }
0x9a: {  	v1 =	vshrl.u32 v1, $0x10;
	[tilespmem:$0x2840] =	vst v2  }
0x9b: {  	[tilespmem:$0x2940] =	vst v1  }
0x9c: {  	v1 =	vld [tilespmem:s26+$0x150];
	_ =	sdelay $0x4  }
0x9d: {  	v2 =	vand.u32 $0xFFFF, v1  }
0x9e: {  	v1 =	vshrl.u32 v1, $0x10;
	[tilespmem:$0x2850] =	vst v2  }
0x9f: {  	[tilespmem:$0x2950] =	vst v1  }
0xa0: {  	v1 =	vld [tilespmem:s26+$0x160];
	_ =	sdelay $0x4  }
0xa1: {  	v2 =	vand.u32 $0xFFFF, v1  }
0xa2: {  	v1 =	vshrl.u32 v1, $0x10;
	[tilespmem:$0x2860] =	vst v2  }
0xa3: {  	[tilespmem:$0x2960] =	vst v1  }
0xa4: {  	v1 =	vld [tilespmem:s26+$0x170];
	_ =	sdelay $0x4  }
0xa5: {  	v2 =	vand.u32 $0xFFFF, v1  }
.Ltmp4:
0xa6: {  	v1 =	vshrl.u32 v1, $0x10;
	[tilespmem:$0x2870] =	vst v2;
	(pc) =	sbr.rel .LBB2_4-.Ltmp4, $4  }
0xa7: {  	[tilespmem:$0x2970] =	vst v1  }
0xa8: {  	[tilespmem:s13], [sflag:$0x1] =	stream.indirect.gather [hbm4b:s4+s15], $0x80, s16, s15, $0xb8;
	[tilespmem:$0x1EA00] =	vst v63  }
0xa9: {  	s25 =	sadd.s32 $0x400, s25  }
0xaa: {  	[spmem:s2] =	stream.indirect.scatter.add.f32 [tilespmem:s18], [sflag:$0x4], $0x80, s23, s15, $0xb8;
	[tilespmem:$0x1EA00] =	vst v63  }
.LBB2_7:
0xab: {  	_ =	sfence.sel $0x180000  }
0xac: {  	[bflag:$0x0] =	sbarrier.arrive $0xFFFF  }
0xad: {  	p0 =	sne.s32 s0, $0x0;
	_ =	strace $0x9000004A  }
0xae: {  	s0 =	sadd.s32 @!p0 $0x100000, s1;
	[bflag:$0x2] =	sbarrier.arrive $0xFFFF  }
0xaf: {  	[sflag:s0] =	ssyncadd.tile.s32 @!p0 $0x1;
	_ =	shalt  }
.Lfunc_end2:
_tile_overlayer_lowered:
.L_overlay_start_2:
0xb0: {  	(tag) =	ssettag $0x2  }
0xb1: {  	s0 =	rddreg [dreg:$0x0];
	s2 =	stileid.u32  }
0xb2: {  	s1 =	rddreg [dreg:$0x1];
	p0 =	sne.s32 s2, $0x0  }
0xb3: {  	s3 =	rddreg [dreg:$0x2];
	[bflag:$0x3] =	sbarrier.arrive $0xFFFF;
	s2 =	simm.s32 @!p0 $0x1C05  }
0xb4: {  	[timem:s3], [sflag:s2] =	dma.local @!p0 [hbm:s0], s1  }
0xb5: {  	s0 =	simm.s32 @!p0 $0x5  }
0xb6: {  	_ =	swait.ge @!p0 [sflag:s0], s1  }
0xb7: {  	s1 =	ssub.s32 @!p0 $0x0, s1;
	[sflag:s0] =	ssyncset.done @!p0 $0x0  }
0xb8: {  	[sflag:s0] =	ssyncadd.s32 @!p0 s1  }
0xb9: {  	[bflag:$0x3] =	sbarrier.arrive $0xFFFF  }
0xba: {  	_ =	shalt  }

// kernel: kernel.16.cloned.1.call-start
scs
__scs_entry_jumppad:
0x0: {  	(pc) =	sbr.rel $0x88, $3  }
0x1: {  	(tag) =	ssettag $0x0;
	lr =	simm.s32 $0x1  }
0x2: {  	[smem:$0x3F9A] =	sst lr;
	_ =	strace $0xD0000000  }
0x3: {  	_ = 	snop  }
0x4: {  	_ = 	snop  }
0x5: {  	_ = 	snop  }
0x6: {  	_ = 	snop  }
0x7: {  	_ = 	snop  }
__scs_overlays_trampoline_lowered:
0x8: {  	[smem:$0x3FA9] =	sst s0  }
0x9: {  	[smem:$0x3FAA] =	sst s1  }
0xa: {  	[smem:$0x3FAB] =	sst s2  }
0xb: {  	[smem:$0x3FAC] =	sst s3  }
0xc: {  	[smem:$0x3FAD] =	sst s4  }
0xd: {  	[smem:$0x3FAE] =	sst s5  }
0xe: {  	[smem:$0x3FAF] =	sst s6  }
0xf: {  	[smem:$0x3FB0] =	sst s7  }
0x10: {  	[smem:$0x3FB1] =	sst s8  }
0x11: {  	[smem:$0x3FB2] =	sst s9;
	s0 =	simm.s32 @!p0 $0x0  }
0x12: {  	s1 =	sld [smem:$0x3F98];
	s0 =	simm.s32 @p0 $0x1  }
0x13: {  	[smem:$0x3FB3] =	sst s0;
	s0 =	simm.s32 @!p1 $0x0  }
0x14: {  	s2 =	sld [smem:$0x3F97];
	s0 =	simm.s32 @p1 $0x1  }
0x15: {  	[smem:$0x3FB4] =	sst s0;
	s0 =	simm.s32 @!p2 $0x0  }
0x16: {  	s3 =	sld [smem:$0x3FDB];
	s0 =	simm.s32 @p2 $0x1  }
0x17: {  	s4 =	simm.s32 $0x1BF5;
	[smem:$0x3FB6] =	sst s0  }
0x18: {  	s0 =	sld [smem:$0x3F99];
	_ =	swait.ge [sflag:s4], $0x0  }
0x19: {  	s7 =	sld [smem:$0x3F9A]  }
0x1a: {  	s8 =	sadd.s32 $0xFFFFE003, lr  }
0x1b: {  	s9 =	sadd.s32 $0xFFFFFEF7, lr;
	s5 =	simm.s32 $0xFFFFFFFF;
	p2 =	slt.u32 s8, $0xFFFFF086  }
0x1c: {  	p1 =	slt.u32 s9, $0xF7A;
	s5 =	simm.s32 @!p2 $0x0  }
0x1d: {  	s5 =	simm.s32 @p1 $0x1;
	p0 =	seq.s32 s7, s2  }
0x1e: {  	s7 =	smul.u32 @!p0 $0xF7A, s2;
	p2 =	seq.s32 @!p0 s5, $0x0  }
0x1f: {  	s9 =	smul.u32 $0xF7A, s1;
	s8 =	simm.s32 @!p0 $0x1BF5;
	p2 =	por !p2, p0  }
0x20: {  	[sflag:s8] =	ssyncset.s32 @!p0 $0xFFFFF086;
	s6 =	sadd.s32 @!p0 s3, s7;
	s7 =	simm.s32 @!p0 $0x108  }
0x21: {  	s3 =	sadd.s32 s3, s9;
	s6 =	sadd.s32 @!p0 $0x88, s6;
	s7 =	simm.s32 @p2 $0x1082  }
0x22: {  	[simem:s7], [sflag:s8] =	dma.local @!p0 [hbm:s6], $0xF7A  }
0x23: {  	s9 =	sor.u32 $0xD0000000, s2;
	s6 =	simm.s32 $0x108;
	_ =	swait.ge @!p0 [sflag:s8], $0x0  }
0x24: {  	s3 =	sadd.s32 $0x88, s3;
	s6 =	simm.s32 @!p1 $0x1082;
	[sflag:s4] =	ssyncset.s32 $0xFFFFF086  }
0x25: {  	[simem:s6], [sflag:s4] =	dma.local [hbm:s3], $0xF7A  }
0x26: {  	[smem:$0x3F9A] =	sst s1;
	(tag) =	ssettag s2;
	_ =	strace s9  }
0x27: {  	s1 =	sld [smem:$0x3FAA]  }
0x28: {  	s2 =	sld [smem:$0x3FAB]  }
0x29: {  	s4 =	sld [smem:$0x3FAD]  }
0x2a: {  	p0 =	seq.s32 s5, $0x0;
	s5 =	sld [smem:$0x3FAE]  }
0x2b: {  	s6 =	sld [smem:$0x3FAF]  }
0x2c: {  	s7 =	sld [smem:$0x3FB0]  }
0x2d: {  	s3 =	simm.s32 $0x108;
	s8 =	sld [smem:$0x3FB1]  }
0x2e: {  	s3 =	simm.s32 @!p0 $0x1082;
	s9 =	sld [smem:$0x3FB2]  }
0x2f: {  	lr =	sadd.s32 s0, s3;
	s0 =	sld [smem:$0x3FA9]  }
0x30: {  	s3 =	sld [smem:$0x3FAC]  }
0x31: {  	[smem:$0x3FB5] =	sst s10  }
0x32: {  	s10 =	sld [smem:$0x3FB3];
	_ =	sdelay $0x3  }
0x33: {  	p0 =	seq.s32 s10, $0x1;
	s10 =	sld [smem:$0x3FB5];
	_ =	sdelay $0x3  }
0x34: {  	[smem:$0x3FB5] =	sst s10  }
0x35: {  	s10 =	sld [smem:$0x3FB4];
	_ =	sdelay $0x3  }
0x36: {  	p1 =	seq.s32 s10, $0x1;
	s10 =	sld [smem:$0x3FB5];
	_ =	sdelay $0x3  }
0x37: {  	[smem:$0x3FB5] =	sst s10  }
0x38: {  	s10 =	sld [smem:$0x3FB6]  }
0x39: {  	_ = 	snop;
	(pc) =	sbr.ind lr, $3  }
0x3a: {  	_ = 	snop  }
0x3b: {  	_ = 	snop  }
0x3c: {  	p2 =	seq.s32 s10, $0x1;
	s10 =	sld [smem:$0x3FB5]  }
0x3d: {  	_ =	shalt  }
0x3e: {  	_ =	shalt  }
0x3f: {  	_ =	shalt  }
0x40: {  	_ =	shalt  }
0x41: {  	_ =	shalt  }
0x42: {  	_ =	shalt  }
0x43: {  	_ =	shalt  }
0x44: {  	_ =	shalt  }
0x45: {  	_ =	shalt  }
0x46: {  	_ =	shalt  }
0x47: {  	_ =	shalt  }
0x48: {  	_ =	shalt  }
0x49: {  	_ =	shalt  }
0x4a: {  	_ =	shalt  }
0x4b: {  	_ =	shalt  }
0x4c: {  	_ =	shalt  }
0x4d: {  	_ =	shalt  }
0x4e: {  	_ =	shalt  }
0x4f: {  	_ =	shalt  }
0x50: {  	_ =	shalt  }
0x51: {  	_ =	shalt  }
0x52: {  	_ =	shalt  }
0x53: {  	_ =	shalt  }
0x54: {  	_ =	shalt  }
0x55: {  	_ =	shalt  }
0x56: {  	_ =	shalt  }
0x57: {  	_ =	shalt  }
0x58: {  	_ =	shalt  }
0x59: {  	_ =	shalt  }
0x5a: {  	_ =	shalt  }
0x5b: {  	_ =	shalt  }
0x5c: {  	_ =	shalt  }
0x5d: {  	_ =	shalt  }
0x5e: {  	_ =	shalt  }
0x5f: {  	_ =	shalt  }
0x60: {  	_ =	shalt  }
0x61: {  	_ =	shalt  }
0x62: {  	_ =	shalt  }
0x63: {  	_ =	shalt  }
0x64: {  	_ =	shalt  }
0x65: {  	_ =	shalt  }
0x66: {  	_ =	shalt  }
0x67: {  	_ =	shalt  }
0x68: {  	_ =	shalt  }
0x69: {  	_ =	shalt  }
0x6a: {  	_ =	shalt  }
0x6b: {  	_ =	shalt  }
0x6c: {  	_ =	shalt  }
0x6d: {  	_ =	shalt  }
0x6e: {  	_ =	shalt  }
0x6f: {  	_ =	shalt  }
0x70: {  	_ =	shalt  }
0x71: {  	_ =	shalt  }
0x72: {  	_ =	shalt  }
0x73: {  	_ =	shalt  }
0x74: {  	_ =	shalt  }
0x75: {  	_ =	shalt  }
0x76: {  	_ =	shalt  }
0x77: {  	_ =	shalt  }
0x78: {  	_ =	shalt  }
0x79: {  	_ =	shalt  }
0x7a: {  	_ =	shalt  }
0x7b: {  	_ =	shalt  }
0x7c: {  	_ =	shalt  }
0x7d: {  	_ =	shalt  }
0x7e: {  	_ =	shalt  }
0x7f: {  	_ =	shalt  }
0x80: {  	_ =	shalt  }
0x81: {  	_ =	shalt  }
0x82: {  	_ =	shalt  }
0x83: {  	_ =	shalt  }
0x84: {  	_ =	shalt  }
0x85: {  	_ =	shalt  }
0x86: {  	_ =	shalt  }
0x87: {  	_ =	shalt  }
.Lfunc_end0:
.L_simem_size_0:
called_computation.2_lowered:
.L_overlay_start_0:
0x88: {  	s2 =	sld [smem:$0x3FD9]  }
0x89: {  	s3 =	sld [smem:$0x3FFE];
	_ =	sdelay $0x1  }
0x8a: {  	s1 =	srdreg.scid  }
0x8b: {  	s0 =	sand.u32 $0x1, s1  }
0x8c: {  	s16 =	sshll.u32 s0, $0xA;
	s2 =	sadd.s32 s3, s2  }
0x8d: {  	s2 =	sadd.s32 s2, s16  }
0x8e: {  	[smem:$0x3FC1] =	sst s2  }
0x8f: {  	_ = 	snop  }
0x90: {  	(tm) =	ssettm $0x1  }
0x91: {  	s17 =	sld [smem:$0x3FFB];
	_ =	sdelay $0x3  }
0x92: {  	_ =	strace s17  }
0x93: {  	s2 =	sld [smem:$0x3FFC];
	_ =	sdelay $0x3  }
0x94: {  	_ =	strace s2  }
0x95: {  	s2 =	sld [smem:$0x3FFD];
	_ =	sdelay $0x3  }
0x96: {  	_ =	strace s2  }
0x97: {  	_ =	strace $0x8FFFFFFF  }
0x98: {  	s18 =	sld [smem:$0x3FDB];
	_ =	sdelay $0x1  }
0x99: {  	s19 =	simm.s32 $_scs_section_size  }
0x9a: {  	s4 =	simm.s32 $_size__tile_overlayer_lowered;
	s5 =	simm.s32 $_tile_overlayer_lowered  }
0x9b: {  	s22 =	simm.s32 $0x1BFF;
	s21 =	sshll.u32 s5, $0x1;
	s2 =	sadd.s32 s19, s18  }
0x9c: {  	s6 =	simm.s32 $0x0;
	s20 =	sshll.u32 s4, $0x1;
	s4 =	sadd.s32 s21, s2  }
0x9d: {  	[timem:s6], [sflag:s22] =	dma.local [hbm:s4], s20  }
0x9e: {  	_ =	swait.ge [sflag:s22], s20  }
0x9f: {  	s3 =	ssub.s32 $0x0, s20;
	[sflag:s22] =	ssyncset.done $0x0  }
0xa0: {  	[sflag:s22] =	ssyncadd.s32 s3;
	_ =	sdelay $0x1  }
0xa1: {  	s23 =	simm.s32 $0x1B8B  }
0xa2: {  	_ =	swait.ge [sflag:s23], $0x1  }
0xa3: {  	[sflag:s23] =	ssyncset.done $0x0  }
0xa4: {  	s25 =	simm.s32 $0x1B8E;
	s24 =	sld [smem:$0x3FFE];
	[sflag:s23] =	ssyncadd.s32 $0xFFFFFFFF  }
0xa5: {  	s26 =	simm.s32 $execute0_lowered;
	[smem:$0x3FD2] =	sst s25  }
0xa6: {  	s4 =	sshll.u32 s26, $0x1;
	_ =	strace $0x8000004C;
	[dreg:$0x1] =	wrdreg $0xFFFFFFFF  }
0xa7: {  	s28 =	simm.s32 $_size_execute0_lowered;
	s2 =	sadd.s32 s2, s4;
	[dreg:$0x0] =	wrdreg $0x0  }
0xa8: {  	s4 =	sshll.u32 s28, $0x1;
	[dreg:$0x2] =	wrdreg s2  }
0xa9: {  	[dreg:$0x3] =	wrdreg s4  }
0xaa: {  	[dreg:$0x4] =	wrdreg $0xC0  }
0xab: {  	_ =	task [dreg:s6], $0x5FFFF  }
0xac: {  	[dreg:$0x1] =	wrdreg $0xFFFFFFFF  }
0xad: {  	[dreg:$0x0] =	wrdreg $0x60  }
0xae: {  	[dreg:$0x2] =	wrdreg s24  }
0xaf: {  	[dreg:$0x3] =	wrdreg $0xAA000  }
0xb0: {  	[dreg:$0x4] =	wrdreg $0x9  }
0xb1: {  	_ =	task.clear_ibuf [dreg:s6], $0x5FFFF;
	_ =	strace $0x9000004C  }
0xb2: {  	s29 =	simm.s32 $0x9;
	_ =	strace $0x8000004E  }
0xb3: {  	_ =	swait.ge [sflag:s29], $0x1  }
0xb4: {  	[sflag:s29] =	ssyncadd.s32 $0xFFFFFFFF  }
0xb5: {  	_ =	strace $0x9000004E  }
0xb6: {  	_ =	sfence  }
0xb7: {  	s30 =	sld [smem:$0x0];
	_ =	sdelay $0x2  }
0xb8: {  	s31 =	sshll.u32 s1, $0xD;
	s1 =	sshrl.u32 s1, $0x2  }
0xb9: {  	s3 =	sand.u32 $0x4000, s31;
	s1 =	sadd.s32 s1, s30  }
0xba: {  	s0 =	sor.u32 s3, s0;
	s1 =	sshll.u32 s1, $0x11  }
0xbb: {  	s0 =	sor.u32 s1, s0  }
0xbc: {  	s0 =	sadd.s32 $0x8F2B, s0  }
0xbd: {  	[sflag:s0] =	ssyncadd.remote.s32 $0x1  }
0xbe: {  	_ =	sfence.sel $0xFFFF  }
0xbf: {  	[dreg:$0x0] =	wrdreg $0xFFFFFFFF;
	(pc) =	sbr.abs _section_cstart, $3  }
0xc0: {  	[dreg:$0x1] =	wrdreg $0xFFFFFFFF  }
0xc1: {  	_ =	task.clear_ibuf [dreg:s6], $0x2FFFF;
	_ =	strace $0x9FFFFFFF  }
0xc2: {  	(tm) =	ssettm $0x7FFFFFFF  }
0xc3: {  	_ =	shalt  }
tec
execute0_lowered:
.L_overlay_start_1:
0x0: {  	(tag) =	ssettag $0x1  }
0x1: {  	s1 =	srdreg.scid;
	s6 =	rddreg [dreg:$0x0]  }
0x2: {  	s0 =	stileid.u32;
	s2 =	rddreg [dreg:$0x1];
	s3 =	simm.s32 $0x0  }
0x3: {  	s14 =	simm.s32 $0x5;
	s15 =	simm.s32 $0x80;
	s16 =	simm.s32 $0x2800  }
0x4: {  	s17 =	simm.s32 $0x2880;
	s18 =	simm.s32 $0x6A00;
	s19 =	simm.s32 $0x1  }
0x5: {  	s20 =	simm.s32 $0x2900;
	s21 =	simm.s32 $0x2;
	s22 =	simm.s32 $0x3  }
0x6: {  	s23 =	simm.s32 $0x2980;
	s24 =	simm.s32 $0x4;
	s8 =	smul.u32 $0x2800, s0  }
0x7: {  	s5 =	sand.u32 $0x1, s1;
	s28 =	sshll.u32 s0, $0x1;
	s9 =	smul.u32 $0x50000, s0  }
0x8: {  	[smem:$0x7FF] =	sst s3;
	s1 =	sor.u32 s5, s28;
	s10 =	smul.u32 $0x28000, s5  }
0x9: {  	s4 =	sadd.s32 $0x66800, s6;
	s29 =	ssub.s32 $0x2, s5;
	s7 =	smul.u32 $0x500, s1  }
0xa: {  	s1 =	rddreg [dreg:$0x2];
	_ =	strace $0x8000004D;
	s30 =	sshrl.u32 s9, $0x2  }
.Ltmp0:
0xb: {  	s31 =	sshrl.u32 s29, $0x1;
	s8 =	sadd.s32 s8, s10;
	(pc) =	sbr.rel .LBB2_1-.Ltmp0, $4  }
0xc: {  	s5 =	sadd.s32 s30, s2;
	s13 =	ssub.s32 s29, s31;
	s11 =	sadd.s32 s7, s6  }
0xd: {  	s12 =	sadd.s32 s8, s6;
	s6 =	sadd.s32 $0x4000, s5;
	s7 =	sadd.s32 $0x8000, s5  }
0xe: {  	s8 =	sadd.s32 $0xC000, s5;
	s9 =	sadd.s32 $0x10000, s5;
	s10 =	sadd.s32 $0xC800, s11  }
0xf: {  	v0 =	vimm.f32 $0.0e+00;
	s11 =	sadd.s32 $0x8E800, s12;
	s12 =	smax.u32 s13, $0x1;
	s13 =	simm.s32 $0x2A00  }
.LBB2_6:
0x10: {  	[spmem:s2] =	stream.indirect.scatter.add.f32 [tilespmem:s18], [sflag:$0x4], $0x80, s23, s15, $0xb8;
	[tilespmem:$0x1EA00] =	vst v63  }
0x11: {  	_ =	swait.ge [sflag:s24], $0x4000  }
0x12: {  	s25 =	sshll.u32 s0, $0x6;
	s3 =	sadd.s32 $0x1, s3;
	[sflag:s24] =	ssyncset.done $0x0  }
0x13: {  	s26 =	sshrl.u32 s5, $0x3;
	p0 =	sne.s32 s3, s12;
	[sflag:s24] =	ssyncadd.s32 $0xFFFFC000  }
.Ltmp1:
0x14: {  	s25 =	sor.u32 $0x1C05, s25;
	[bflag:$0x0] =	sbarrier.arrive $0xFFFF;
	(pc) =	sbr.rel @!p0 .LBB2_7-.Ltmp1, $4  }
0x15: {  	[hbm:s11], [sflag:s25] =	dma.local [spmem:s26], $0x2800  }
0x16: {  	_ =	swait.ge [sflag:s14], $0x2800  }
0x17: {  	[sflag:s14] =	ssyncset.done $0x0  }
0x18: {  	[sflag:s14] =	ssyncadd.s32 $0xFFFFD800  }
.LBB2_1:
0x19: {  	s25 =	simm.s32 $0x0;
	s26 =	simm.s32 $0x200  }
.LBB2_2:
0x1a: {  	p0 =	sne.s32 s26, $0xFE00;
	[tilespmem:s25+$0x2A70] =	vst v0  }
0x1b: {  	[tilespmem:s25+$0x2A00] =	vst v0  }
0x1c: {  	[tilespmem:s25+$0x2A10] =	vst v0  }
.Ltmp2:
0x1d: {  	[tilespmem:s25+$0x2A20] =	vst v0;
	(pc) =	sbr.rel @p0 .LBB2_2-.Ltmp2, $4  }
0x1e: {  	[tilespmem:s25+$0x2A30] =	vst v0  }
0x1f: {  	[tilespmem:s25+$0x2A40] =	vst v0  }
0x20: {  	[tilespmem:s25+$0x2A50] =	vst v0  }
0x21: {  	[tilespmem:s25+$0x2A60] =	vst v0;
	s25 =	sshra.s32 s26, $0x2;
	s26 =	sadd.s32 $0x200, s26  }
0x22: {  	[tilespmem:s25+$0x2A70] =	vst v0  }
0x23: {  	[tilespmem:s25+$0x2A00] =	vst v0  }
0x24: {  	[tilespmem:s25+$0x2A10] =	vst v0  }
0x25: {  	[tilespmem:s25+$0x2A20] =	vst v0  }
0x26: {  	[tilespmem:s25+$0x2A30] =	vst v0  }
0x27: {  	[tilespmem:s25+$0x2A40] =	vst v0  }
0x28: {  	[tilespmem:s25+$0x2A50] =	vst v0  }
0x29: {  	[tilespmem:s25+$0x2A60] =	vst v0  }
0x2a: {  	[spmem:s5] =	stream.linear.scatter [tilespmem:s13], [sflag:$0x5], $0x4000, $0x38;
	[tilespmem:$0x1EA00] =	vst v63  }
0x2b: {  	_ =	swait.ge [sflag:s14], $0x4000  }
0x2c: {  	[sflag:s14] =	ssyncset.done $0x0  }
0x2d: {  	[sflag:s14] =	ssyncadd.s32 $0xFFFFC000  }
0x2e: {  	[spmem:s6] =	stream.linear.scatter [tilespmem:s13], [sflag:$0x5], $0x4000, $0x38;
	[tilespmem:$0x1EA00] =	vst v63  }
0x2f: {  	_ =	swait.ge [sflag:s14], $0x4000  }
0x30: {  	[sflag:s14] =	ssyncset.done $0x0  }
0x31: {  	[sflag:s14] =	ssyncadd.s32 $0xFFFFC000  }
0x32: {  	[spmem:s7] =	stream.linear.scatter [tilespmem:s13], [sflag:$0x5], $0x4000, $0x38;
	[tilespmem:$0x1EA00] =	vst v63  }
0x33: {  	_ =	swait.ge [sflag:s14], $0x4000  }
0x34: {  	[sflag:s14] =	ssyncset.done $0x0  }
0x35: {  	[sflag:s14] =	ssyncadd.s32 $0xFFFFC000  }
0x36: {  	[spmem:s8] =	stream.linear.scatter [tilespmem:s13], [sflag:$0x5], $0x4000, $0x38;
	[tilespmem:$0x1EA00] =	vst v63  }
0x37: {  	_ =	swait.ge [sflag:s14], $0x4000  }
0x38: {  	[sflag:s14] =	ssyncset.done $0x0  }
0x39: {  	[sflag:s14] =	ssyncadd.s32 $0xFFFFC000  }
0x3a: {  	[spmem:s9] =	stream.linear.scatter [tilespmem:s13], [sflag:$0x5], $0x4000, $0x38;
	[tilespmem:$0x1EA00] =	vst v63  }
0x3b: {  	_ =	swait.ge [sflag:s14], $0x4000  }
0x3c: {  	[sflag:s14] =	ssyncset.done $0x0  }
0x3d: {  	s25 =	simm.s32 $0x0;
	[sflag:s14] =	ssyncadd.s32 $0xFFFFC000  }
0x3e: {  	[tilespmem:s25], [sflag:$0x5] =	stream.linear.gather [hbm4b:s10+s25], $0x2800, $0x38;
	[tilespmem:$0x1EA00] =	vst v63  }
0x3f: {  	_ =	swait.ge [sflag:s14], $0x2800  }
0x40: {  	[sflag:s14] =	ssyncset.done $0x0  }
0x41: {  	[sflag:s14] =	ssyncadd.s32 $0xFFFFD800  }
0x42: {  	[bflag:$0x0] =	sbarrier.arrive $0xFFFF  }
0x43: {  	v1 =	vld [tilespmem:$0x0];
	_ =	sdelay $0x1  }
0x44: {  	v2 =	vld [tilespmem:$0x10];
	_ =	sdelay $0x1  }
0x45: {  	v3 =	vld [tilespmem:$0x20]  }
0x46: {  	v4 =	vand.u32 $0xFFFF, v1  }
0x47: {  	v62 =	vld [tilespmem:$0x30];
	v1 =	vshrl.u32 v1, $0x10;
	[tilespmem:$0x2800] =	vst v4  }
0x48: {  	[tilespmem:$0x2900] =	vst v1;
	v1 =	vand.u32 $0xFFFF, v2  }
0x49: {  	[tilespmem:$0x2810] =	vst v1;
	v1 =	vshrl.u32 v2, $0x10;
	v2 =	vld [tilespmem:$0x40]  }
0x4a: {  	[tilespmem:$0x2910] =	vst v1;
	v1 =	vand.u32 $0xFFFF, v3  }
0x4b: {  	[tilespmem:$0x2820] =	vst v1;
	v1 =	vshrl.u32 v3, $0x10;
	v3 =	vld [tilespmem:$0x50]  }
0x4c: {  	[tilespmem:$0x2920] =	vst v1;
	v1 =	vand.u32 $0xFFFF, v62  }
0x4d: {  	v63 =	vld [tilespmem:$0x60];
	[tilespmem:$0x2830] =	vst v1;
	v1 =	vshrl.u32 v62, $0x10  }
0x4e: {  	[tilespmem:$0x2930] =	vst v1;
	v1 =	vand.u32 $0xFFFF, v2  }
0x4f: {  	[tilespmem:$0x2840] =	vst v1;
	v1 =	vshrl.u32 v2, $0x10;
	v2 =	vld [tilespmem:$0x70]  }
0x50: {  	[tilespmem:$0x2940] =	vst v1;
	v1 =	vand.u32 $0xFFFF, v3  }
0x51: {  	[tilespmem:$0x2850] =	vst v1;
	v1 =	vshrl.u32 v3, $0x10  }
0x52: {  	[tilespmem:$0x2950] =	vst v1;
	v1 =	vand.u32 $0xFFFF, v63  }
0x53: {  	[tilespmem:$0x2860] =	vst v1;
	v1 =	vshrl.u32 v63, $0x10  }
0x54: {  	[tilespmem:$0x2960] =	vst v1;
	v1 =	vand.u32 $0xFFFF, v2  }
0x55: {  	[tilespmem:$0x2870] =	vst v1;
	v1 =	vshrl.u32 v2, $0x10  }
0x56: {  	[tilespmem:$0x2970] =	vst v1  }
0x57: {  	[tilespmem:s13], [sflag:$0x1] =	stream.indirect.gather [hbm4b:s4+s15], $0x80, s16, s15, $0xb8;
	[tilespmem:$0x1EA00] =	vst v63  }
.LBB2_4:
0x58: {  	p0 =	seq.s32 s25, $0x0  }
0x59: {  	s26 =	simm.s32 @!p0 $0x4  }
0x5a: {  	_ =	swait.ge @!p0 [sflag:s26], $0x4000  }
0x5b: {  	[sflag:s26] =	ssyncset.done @!p0 $0x0  }
0x5c: {  	[sflag:s26] =	ssyncadd.s32 @!p0 $0xFFFFC000;
	s26 =	sshra.s32 s25, $0x2  }
0x5d: {  	v1 =	vld [tilespmem:s26+$0x80];
	_ =	sdelay $0x4  }
0x5e: {  	v2 =	vand.u32 $0xFFFF, v1  }
0x5f: {  	v1 =	vshrl.u32 v1, $0x10;
	[tilespmem:$0x2880] =	vst v2  }
0x60: {  	[tilespmem:$0x2980] =	vst v1  }
0x61: {  	v1 =	vld [tilespmem:s26+$0x90];
	_ =	sdelay $0x4  }
0x62: {  	v2 =	vand.u32 $0xFFFF, v1  }
0x63: {  	v1 =	vshrl.u32 v1, $0x10;
	[tilespmem:$0x2890] =	vst v2  }
0x64: {  	[tilespmem:$0x2990] =	vst v1  }
0x65: {  	v1 =	vld [tilespmem:s26+$0xA0];
	_ =	sdelay $0x4  }
0x66: {  	v2 =	vand.u32 $0xFFFF, v1  }
0x67: {  	v1 =	vshrl.u32 v1, $0x10;
	[tilespmem:$0x28A0] =	vst v2  }
0x68: {  	[tilespmem:$0x29A0] =	vst v1  }
0x69: {  	v1 =	vld [tilespmem:s26+$0xB0];
	_ =	sdelay $0x4  }
0x6a: {  	v2 =	vand.u32 $0xFFFF, v1  }
0x6b: {  	v1 =	vshrl.u32 v1, $0x10;
	[tilespmem:$0x28B0] =	vst v2  }
0x6c: {  	[tilespmem:$0x29B0] =	vst v1  }
0x6d: {  	v1 =	vld [tilespmem:s26+$0xC0];
	_ =	sdelay $0x4  }
0x6e: {  	v2 =	vand.u32 $0xFFFF, v1  }
0x6f: {  	v1 =	vshrl.u32 v1, $0x10;
	[tilespmem:$0x28C0] =	vst v2  }
0x70: {  	[tilespmem:$0x29C0] =	vst v1  }
0x71: {  	v1 =	vld [tilespmem:s26+$0xD0];
	_ =	sdelay $0x4  }
0x72: {  	v2 =	vand.u32 $0xFFFF, v1  }
0x73: {  	v1 =	vshrl.u32 v1, $0x10;
	[tilespmem:$0x28D0] =	vst v2  }
0x74: {  	[tilespmem:$0x29D0] =	vst v1  }
0x75: {  	v1 =	vld [tilespmem:s26+$0xE0];
	_ =	sdelay $0x4  }
0x76: {  	v2 =	vand.u32 $0xFFFF, v1  }
0x77: {  	v1 =	vshrl.u32 v1, $0x10;
	[tilespmem:$0x28E0] =	vst v2  }
0x78: {  	[tilespmem:$0x29E0] =	vst v1  }
0x79: {  	v1 =	vld [tilespmem:s26+$0xF0];
	_ =	sdelay $0x4  }
0x7a: {  	v2 =	vand.u32 $0xFFFF, v1  }
0x7b: {  	v1 =	vshrl.u32 v1, $0x10;
	[tilespmem:$0x28F0] =	vst v2  }
0x7c: {  	[tilespmem:$0x29F0] =	vst v1  }
0x7d: {  	[tilespmem:s18], [sflag:$0x2] =	stream.indirect.gather [hbm4b:s4+s15], $0x80, s17, s15, $0xb8;
	[tilespmem:$0x1EA00] =	vst v63  }
0x7e: {  	_ =	swait.ge [sflag:s19], $0x4000  }
0x7f: {  	[sflag:s19] =	ssyncset.done $0x0  }
0x80: {  	[sflag:s19] =	ssyncadd.s32 $0xFFFFC000  }
0x81: {  	[spmem:s2] =	stream.indirect.scatter.add.f32 [tilespmem:s13], [sflag:$0x3], $0x80, s20, s15, $0xb8;
	[tilespmem:$0x1EA00] =	vst v63  }
0x82: {  	p0 =	seq.s32 s25, $0x9C00;
	_ =	swait.ge [sflag:s21], $0x4000  }
.Ltmp3:
0x83: {  	[sflag:s21] =	ssyncset.done $0x0;
	(pc) =	sbr.rel @p0 .LBB2_6-.Ltmp3, $4  }
0x84: {  	[sflag:s21] =	ssyncadd.s32 $0xFFFFC000  }
0x85: {  	_ =	swait.ge [sflag:s22], $0x4000  }
0x86: {  	[sflag:s22] =	ssyncset.done $0x0  }
0x87: {  	[sflag:s22] =	ssyncadd.s32 $0xFFFFC000  }
0x88: {  	v1 =	vld [tilespmem:s26+$0x100];
	_ =	sdelay $0x4  }
0x89: {  	v2 =	vand.u32 $0xFFFF, v1  }
0x8a: {  	v1 =	vshrl.u32 v1, $0x10;
	[tilespmem:$0x2800] =	vst v2  }
0x8b: {  	[tilespmem:$0x2900] =	vst v1  }
0x8c: {  	v1 =	vld [tilespmem:s26+$0x110];
	_ =	sdelay $0x4  }
0x8d: {  	v2 =	vand.u32 $0xFFFF, v1  }
0x8e: {  	v1 =	vshrl.u32 v1, $0x10;
	[tilespmem:$0x2810] =	vst v2  }
0x8f: {  	[tilespmem:$0x2910] =	vst v1  }
0x90: {  	v1 =	vld [tilespmem:s26+$0x120];
	_ =	sdelay $0x4  }
0x91: {  	v2 =	vand.u32 $0xFFFF, v1  }
0x92: {  	v1 =	vshrl.u32 v1, $0x10;
	[tilespmem:$0x2820] =	vst v2  }
0x93: {  	[tilespmem:$0x2920] =	vst v1  }
0x94: {  	v1 =	vld [tilespmem:s26+$0x130];
	_ =	sdelay $0x4  }
0x95: {  	v2 =	vand.u32 $0xFFFF, v1  }
0x96: {  	v1 =	vshrl.u32 v1, $0x10;
	[tilespmem:$0x2830] =	vst v2  }
0x97: {  	[tilespmem:$0x2930] =	vst v1  }
0x98: {  	v1 =	vld [tilespmem:s26+$0x140];
	_ =	sdelay $0x4  }
0x99: {  	v2 =	vand.u32 $0xFFFF, v1  }
0x9a: {  	v1 =	vshrl.u32 v1, $0x10;
	[tilespmem:$0x2840] =	vst v2  }
0x9b: {  	[tilespmem:$0x2940] =	vst v1  }
0x9c: {  	v1 =	vld [tilespmem:s26+$0x150];
	_ =	sdelay $0x4  }
0x9d: {  	v2 =	vand.u32 $0xFFFF, v1  }
0x9e: {  	v1 =	vshrl.u32 v1, $0x10;
	[tilespmem:$0x2850] =	vst v2  }
0x9f: {  	[tilespmem:$0x2950] =	vst v1  }
0xa0: {  	v1 =	vld [tilespmem:s26+$0x160];
	_ =	sdelay $0x4  }
0xa1: {  	v2 =	vand.u32 $0xFFFF, v1  }
0xa2: {  	v1 =	vshrl.u32 v1, $0x10;
	[tilespmem:$0x2860] =	vst v2  }
0xa3: {  	[tilespmem:$0x2960] =	vst v1  }
0xa4: {  	v1 =	vld [tilespmem:s26+$0x170];
	_ =	sdelay $0x4  }
0xa5: {  	v2 =	vand.u32 $0xFFFF, v1  }
.Ltmp4:
0xa6: {  	v1 =	vshrl.u32 v1, $0x10;
	[tilespmem:$0x2870] =	vst v2;
	(pc) =	sbr.rel .LBB2_4-.Ltmp4, $4  }
0xa7: {  	[tilespmem:$0x2970] =	vst v1  }
0xa8: {  	[tilespmem:s13], [sflag:$0x1] =	stream.indirect.gather [hbm4b:s4+s15], $0x80, s16, s15, $0xb8;
	[tilespmem:$0x1EA00] =	vst v63  }
0xa9: {  	s25 =	sadd.s32 $0x400, s25  }
0xaa: {  	[spmem:s2] =	stream.indirect.scatter.add.f32 [tilespmem:s18], [sflag:$0x4], $0x80, s23, s15, $0xb8;
	[tilespmem:$0x1EA00] =	vst v63  }
.LBB2_7:
0xab: {  	_ =	sfence.sel $0x180000  }
0xac: {  	[bflag:$0x0] =	sbarrier.arrive $0xFFFF  }
0xad: {  	p0 =	sne.s32 s0, $0x0;
	_ =	strace $0x9000004D  }
0xae: {  	s0 =	sadd.s32 @!p0 $0x100000, s1;
	[bflag:$0x2] =	sbarrier.arrive $0xFFFF  }
0xaf: {  	[sflag:s0] =	ssyncadd.tile.s32 @!p0 $0x1;
	_ =	shalt  }
.Lfunc_end2:
_tile_overlayer_lowered:
.L_overlay_start_2:
0xb0: {  	(tag) =	ssettag $0x2  }
0xb1: {  	s0 =	rddreg [dreg:$0x0];
	s2 =	stileid.u32  }
0xb2: {  	s1 =	rddreg [dreg:$0x1];
	p0 =	sne.s32 s2, $0x0  }
0xb3: {  	s3 =	rddreg [dreg:$0x2];
	[bflag:$0x3] =	sbarrier.arrive $0xFFFF;
	s2 =	simm.s32 @!p0 $0x1C05  }
0xb4: {  	[timem:s3], [sflag:s2] =	dma.local @!p0 [hbm:s0], s1  }
0xb5: {  	s0 =	simm.s32 @!p0 $0x5  }
0xb6: {  	_ =	swait.ge @!p0 [sflag:s0], s1  }
0xb7: {  	s1 =	ssub.s32 @!p0 $0x0, s1;
	[sflag:s0] =	ssyncset.done @!p0 $0x0  }
0xb8: {  	[sflag:s0] =	ssyncadd.s32 @!p0 s1  }
0xb9: {  	[bflag:$0x3] =	sbarrier.arrive $0xFFFF  }
0xba: {  	_ =	shalt  }

// kernel: kernel.19.cloned.1.call-start
scs
__scs_entry_jumppad:
0x0: {  	(pc) =	sbr.rel $0x88, $3  }
0x1: {  	(tag) =	ssettag $0x0;
	lr =	simm.s32 $0x1  }
0x2: {  	[smem:$0x3F9A] =	sst lr;
	_ =	strace $0xD0000000  }
0x3: {  	_ = 	snop  }
0x4: {  	_ = 	snop  }
0x5: {  	_ = 	snop  }
0x6: {  	_ = 	snop  }
0x7: {  	_ = 	snop  }
__scs_overlays_trampoline_lowered:
0x8: {  	[smem:$0x3FA9] =	sst s0  }
0x9: {  	[smem:$0x3FAA] =	sst s1  }
0xa: {  	[smem:$0x3FAB] =	sst s2  }
0xb: {  	[smem:$0x3FAC] =	sst s3  }
0xc: {  	[smem:$0x3FAD] =	sst s4  }
0xd: {  	[smem:$0x3FAE] =	sst s5  }
0xe: {  	[smem:$0x3FAF] =	sst s6  }
0xf: {  	[smem:$0x3FB0] =	sst s7  }
0x10: {  	[smem:$0x3FB1] =	sst s8  }
0x11: {  	[smem:$0x3FB2] =	sst s9;
	s0 =	simm.s32 @!p0 $0x0  }
0x12: {  	s1 =	sld [smem:$0x3F98];
	s0 =	simm.s32 @p0 $0x1  }
0x13: {  	[smem:$0x3FB3] =	sst s0;
	s0 =	simm.s32 @!p1 $0x0  }
0x14: {  	s2 =	sld [smem:$0x3F97];
	s0 =	simm.s32 @p1 $0x1  }
0x15: {  	[smem:$0x3FB4] =	sst s0;
	s0 =	simm.s32 @!p2 $0x0  }
0x16: {  	s3 =	sld [smem:$0x3FDB];
	s0 =	simm.s32 @p2 $0x1  }
0x17: {  	s4 =	simm.s32 $0x1BF5;
	[smem:$0x3FB6] =	sst s0  }
0x18: {  	s0 =	sld [smem:$0x3F99];
	_ =	swait.ge [sflag:s4], $0x0  }
0x19: {  	s7 =	sld [smem:$0x3F9A]  }
0x1a: {  	s8 =	sadd.s32 $0xFFFFE003, lr  }
0x1b: {  	s9 =	sadd.s32 $0xFFFFFEF7, lr;
	s5 =	simm.s32 $0xFFFFFFFF;
	p2 =	slt.u32 s8, $0xFFFFF086  }
0x1c: {  	p1 =	slt.u32 s9, $0xF7A;
	s5 =	simm.s32 @!p2 $0x0  }
0x1d: {  	s5 =	simm.s32 @p1 $0x1;
	p0 =	seq.s32 s7, s2  }
0x1e: {  	s7 =	smul.u32 @!p0 $0xF7A, s2;
	p2 =	seq.s32 @!p0 s5, $0x0  }
0x1f: {  	s9 =	smul.u32 $0xF7A, s1;
	s8 =	simm.s32 @!p0 $0x1BF5;
	p2 =	por !p2, p0  }
0x20: {  	[sflag:s8] =	ssyncset.s32 @!p0 $0xFFFFF086;
	s6 =	sadd.s32 @!p0 s3, s7;
	s7 =	simm.s32 @!p0 $0x108  }
0x21: {  	s3 =	sadd.s32 s3, s9;
	s6 =	sadd.s32 @!p0 $0x88, s6;
	s7 =	simm.s32 @p2 $0x1082  }
0x22: {  	[simem:s7], [sflag:s8] =	dma.local @!p0 [hbm:s6], $0xF7A  }
0x23: {  	s9 =	sor.u32 $0xD0000000, s2;
	s6 =	simm.s32 $0x108;
	_ =	swait.ge @!p0 [sflag:s8], $0x0  }
0x24: {  	s3 =	sadd.s32 $0x88, s3;
	s6 =	simm.s32 @!p1 $0x1082;
	[sflag:s4] =	ssyncset.s32 $0xFFFFF086  }
0x25: {  	[simem:s6], [sflag:s4] =	dma.local [hbm:s3], $0xF7A  }
0x26: {  	[smem:$0x3F9A] =	sst s1;
	(tag) =	ssettag s2;
	_ =	strace s9  }
0x27: {  	s1 =	sld [smem:$0x3FAA]  }
0x28: {  	s2 =	sld [smem:$0x3FAB]  }
0x29: {  	s4 =	sld [smem:$0x3FAD]  }
0x2a: {  	p0 =	seq.s32 s5, $0x0;
	s5 =	sld [smem:$0x3FAE]  }
0x2b: {  	s6 =	sld [smem:$0x3FAF]  }
0x2c: {  	s7 =	sld [smem:$0x3FB0]  }
0x2d: {  	s3 =	simm.s32 $0x108;
	s8 =	sld [smem:$0x3FB1]  }
0x2e: {  	s3 =	simm.s32 @!p0 $0x1082;
	s9 =	sld [smem:$0x3FB2]  }
0x2f: {  	lr =	sadd.s32 s0, s3;
	s0 =	sld [smem:$0x3FA9]  }
0x30: {  	s3 =	sld [smem:$0x3FAC]  }
0x31: {  	[smem:$0x3FB5] =	sst s10  }
0x32: {  	s10 =	sld [smem:$0x3FB3];
	_ =	sdelay $0x3  }
0x33: {  	p0 =	seq.s32 s10, $0x1;
	s10 =	sld [smem:$0x3FB5];
	_ =	sdelay $0x3  }
0x34: {  	[smem:$0x3FB5] =	sst s10  }
0x35: {  	s10 =	sld [smem:$0x3FB4];
	_ =	sdelay $0x3  }
0x36: {  	p1 =	seq.s32 s10, $0x1;
	s10 =	sld [smem:$0x3FB5];
	_ =	sdelay $0x3  }
0x37: {  	[smem:$0x3FB5] =	sst s10  }
0x38: {  	s10 =	sld [smem:$0x3FB6]  }
0x39: {  	_ = 	snop;
	(pc) =	sbr.ind lr, $3  }
0x3a: {  	_ = 	snop  }
0x3b: {  	_ = 	snop  }
0x3c: {  	p2 =	seq.s32 s10, $0x1;
	s10 =	sld [smem:$0x3FB5]  }
0x3d: {  	_ =	shalt  }
0x3e: {  	_ =	shalt  }
0x3f: {  	_ =	shalt  }
0x40: {  	_ =	shalt  }
0x41: {  	_ =	shalt  }
0x42: {  	_ =	shalt  }
0x43: {  	_ =	shalt  }
0x44: {  	_ =	shalt  }
0x45: {  	_ =	shalt  }
0x46: {  	_ =	shalt  }
0x47: {  	_ =	shalt  }
0x48: {  	_ =	shalt  }
0x49: {  	_ =	shalt  }
0x4a: {  	_ =	shalt  }
0x4b: {  	_ =	shalt  }
0x4c: {  	_ =	shalt  }
0x4d: {  	_ =	shalt  }
0x4e: {  	_ =	shalt  }
0x4f: {  	_ =	shalt  }
0x50: {  	_ =	shalt  }
0x51: {  	_ =	shalt  }
0x52: {  	_ =	shalt  }
0x53: {  	_ =	shalt  }
0x54: {  	_ =	shalt  }
0x55: {  	_ =	shalt  }
0x56: {  	_ =	shalt  }
0x57: {  	_ =	shalt  }
0x58: {  	_ =	shalt  }
0x59: {  	_ =	shalt  }
0x5a: {  	_ =	shalt  }
0x5b: {  	_ =	shalt  }
0x5c: {  	_ =	shalt  }
0x5d: {  	_ =	shalt  }
0x5e: {  	_ =	shalt  }
0x5f: {  	_ =	shalt  }
0x60: {  	_ =	shalt  }
0x61: {  	_ =	shalt  }
0x62: {  	_ =	shalt  }
0x63: {  	_ =	shalt  }
0x64: {  	_ =	shalt  }
0x65: {  	_ =	shalt  }
0x66: {  	_ =	shalt  }
0x67: {  	_ =	shalt  }
0x68: {  	_ =	shalt  }
0x69: {  	_ =	shalt  }
0x6a: {  	_ =	shalt  }
0x6b: {  	_ =	shalt  }
0x6c: {  	_ =	shalt  }
0x6d: {  	_ =	shalt  }
0x6e: {  	_ =	shalt  }
0x6f: {  	_ =	shalt  }
0x70: {  	_ =	shalt  }
0x71: {  	_ =	shalt  }
0x72: {  	_ =	shalt  }
0x73: {  	_ =	shalt  }
0x74: {  	_ =	shalt  }
0x75: {  	_ =	shalt  }
0x76: {  	_ =	shalt  }
0x77: {  	_ =	shalt  }
0x78: {  	_ =	shalt  }
0x79: {  	_ =	shalt  }
0x7a: {  	_ =	shalt  }
0x7b: {  	_ =	shalt  }
0x7c: {  	_ =	shalt  }
0x7d: {  	_ =	shalt  }
0x7e: {  	_ =	shalt  }
0x7f: {  	_ =	shalt  }
0x80: {  	_ =	shalt  }
0x81: {  	_ =	shalt  }
0x82: {  	_ =	shalt  }
0x83: {  	_ =	shalt  }
0x84: {  	_ =	shalt  }
0x85: {  	_ =	shalt  }
0x86: {  	_ =	shalt  }
0x87: {  	_ =	shalt  }
.Lfunc_end0:
.L_simem_size_0:
called_computation.3_lowered:
.L_overlay_start_0:
0x88: {  	s2 =	sld [smem:$0x3FD9]  }
0x89: {  	s3 =	sld [smem:$0x3FFE];
	_ =	sdelay $0x1  }
0x8a: {  	s1 =	srdreg.scid  }
0x8b: {  	s0 =	sand.u32 $0x1, s1  }
0x8c: {  	s16 =	sshll.u32 s0, $0xA;
	s2 =	sadd.s32 s3, s2  }
0x8d: {  	s2 =	sadd.s32 s2, s16  }
0x8e: {  	[smem:$0x3FC1] =	sst s2  }
0x8f: {  	_ = 	snop  }
0x90: {  	(tm) =	ssettm $0x1  }
0x91: {  	s17 =	sld [smem:$0x3FFB];
	_ =	sdelay $0x3  }
0x92: {  	_ =	strace s17  }
0x93: {  	s2 =	sld [smem:$0x3FFC];
	_ =	sdelay $0x3  }
0x94: {  	_ =	strace s2  }
0x95: {  	s2 =	sld [smem:$0x3FFD];
	_ =	sdelay $0x3  }
0x96: {  	_ =	strace s2  }
0x97: {  	_ =	strace $0x8FFFFFFF  }
0x98: {  	s18 =	sld [smem:$0x3FDB];
	_ =	sdelay $0x1  }
0x99: {  	s19 =	simm.s32 $_scs_section_size  }
0x9a: {  	s4 =	simm.s32 $_size__tile_overlayer_lowered;
	s5 =	simm.s32 $_tile_overlayer_lowered  }
0x9b: {  	s22 =	simm.s32 $0x1BFF;
	s21 =	sshll.u32 s5, $0x1;
	s2 =	sadd.s32 s19, s18  }
0x9c: {  	s6 =	simm.s32 $0x0;
	s20 =	sshll.u32 s4, $0x1;
	s4 =	sadd.s32 s21, s2  }
0x9d: {  	[timem:s6], [sflag:s22] =	dma.local [hbm:s4], s20  }
0x9e: {  	_ =	swait.ge [sflag:s22], s20  }
0x9f: {  	s3 =	ssub.s32 $0x0, s20;
	[sflag:s22] =	ssyncset.done $0x0  }
0xa0: {  	[sflag:s22] =	ssyncadd.s32 s3;
	_ =	sdelay $0x1  }
0xa1: {  	s23 =	simm.s32 $0x1B8B  }
0xa2: {  	_ =	swait.ge [sflag:s23], $0x1  }
0xa3: {  	[sflag:s23] =	ssyncset.done $0x0  }
0xa4: {  	s25 =	simm.s32 $0x1B8E;
	s24 =	sld [smem:$0x3FFE];
	[sflag:s23] =	ssyncadd.s32 $0xFFFFFFFF  }
0xa5: {  	s26 =	simm.s32 $execute0_lowered;
	[smem:$0x3FD2] =	sst s25  }
0xa6: {  	s4 =	sshll.u32 s26, $0x1;
	_ =	strace $0x8000004F;
	[dreg:$0x1] =	wrdreg $0xFFFFFFFF  }
0xa7: {  	s28 =	simm.s32 $_size_execute0_lowered;
	s2 =	sadd.s32 s2, s4;
	[dreg:$0x0] =	wrdreg $0x0  }
0xa8: {  	s4 =	sshll.u32 s28, $0x1;
	[dreg:$0x2] =	wrdreg s2  }
0xa9: {  	[dreg:$0x3] =	wrdreg s4  }
0xaa: {  	[dreg:$0x4] =	wrdreg $0xC0  }
0xab: {  	_ =	task [dreg:s6], $0x5FFFF  }
0xac: {  	[dreg:$0x1] =	wrdreg $0xFFFFFFFF  }
0xad: {  	[dreg:$0x0] =	wrdreg $0x60  }
0xae: {  	[dreg:$0x2] =	wrdreg s24  }
0xaf: {  	[dreg:$0x3] =	wrdreg $0x9  }
0xb0: {  	_ =	task.clear_ibuf [dreg:s6], $0x4FFFF;
	_ =	strace $0x9000004F  }
0xb1: {  	s29 =	simm.s32 $0x9;
	_ =	strace $0x80000051  }
0xb2: {  	_ =	swait.ge [sflag:s29], $0x1  }
0xb3: {  	[sflag:s29] =	ssyncadd.s32 $0xFFFFFFFF  }
0xb4: {  	_ =	strace $0x90000051  }
0xb5: {  	_ =	sfence  }
0xb6: {  	s30 =	sld [smem:$0x0];
	_ =	sdelay $0x2  }
0xb7: {  	s31 =	sshll.u32 s1, $0xD;
	s1 =	sshrl.u32 s1, $0x2  }
0xb8: {  	s3 =	sand.u32 $0x4000, s31;
	s1 =	sadd.s32 s1, s30  }
0xb9: {  	s0 =	sor.u32 s3, s0;
	s1 =	sshll.u32 s1, $0x11  }
0xba: {  	s0 =	sor.u32 s1, s0  }
0xbb: {  	s0 =	sadd.s32 $0x8F2B, s0  }
0xbc: {  	[sflag:s0] =	ssyncadd.remote.s32 $0x1  }
0xbd: {  	_ =	sfence.sel $0xFFFF  }
0xbe: {  	[dreg:$0x0] =	wrdreg $0xFFFFFFFF;
	(pc) =	sbr.abs _section_cstart, $3  }
0xbf: {  	[dreg:$0x1] =	wrdreg $0xFFFFFFFF  }
0xc0: {  	_ =	task.clear_ibuf [dreg:s6], $0x2FFFF;
	_ =	strace $0x9FFFFFFF  }
0xc1: {  	(tm) =	ssettm $0x7FFFFFFF  }
tec
execute0_lowered:
.L_overlay_start_1:
0x0: {  	(tag) =	ssettag $0x1  }
0x1: {  	s4 =	rddreg [dreg:$0x0]  }
0x2: {  	s0 =	rddreg [dreg:$0x1];
	s2 =	simm.s32 $0x0;
	s3 =	srdreg.scid  }
0x3: {  	s1 =	stileid.u32;
	s9 =	simm.s32 $0x5;
	s10 =	simm.s32 $0x80  }
0x4: {  	s11 =	simm.s32 $0x1000;
	s12 =	simm.s32 $0x1200;
	s13 =	simm.s32 $0x1080  }
0x5: {  	s14 =	simm.s32 $0x5200;
	s15 =	simm.s32 $0x1100;
	s16 =	simm.s32 $0x9200  }
0x6: {  	s17 =	simm.s32 $0x1180;
	s18 =	simm.s32 $0xD200;
	s19 =	simm.s32 $0x1  }
0x7: {  	s20 =	simm.s32 $0x2;
	s21 =	simm.s32 $0x11200;
	s22 =	simm.s32 $0x3  }
0x8: {  	s23 =	simm.s32 $0x4;
	s5 =	sand.u32 $0x1, s3;
	s31 =	sshll.u32 s1, $0x1  }
0x9: {  	s24 =	simm.s32 $0x0;
	[smem:$0x7FF] =	sst s2;
	s7 =	sor.u32 s5, s31  }
0xa: {  	s3 =	sadd.s32 $0x6800, s4;
	s5 =	ssub.s32 $0x2, s5;
	s6 =	sshll.u32 s7, $0x9  }
0xb: {  	_ =	strace $0x80000050;
	s8 =	sshrl.u32 s5, $0x1;
	s6 =	sadd.s32 s6, s4  }
0xc: {  	s8 =	ssub.s32 s5, s8;
	s5 =	sadd.s32 $0x2800, s6;
	s6 =	smul.u32 $0xD00, s7  }
0xd: {  	s4 =	sadd.s32 $0x2E800, s4;
	s7 =	smul.u32 $0x68000, s7;
	s8 =	smax.u32 s8, $0x1  }
.LBB2_1:
0xe: {  	[tilespmem:s2], [sflag:$0x5] =	stream.linear.gather [hbm4b:s5+s2], $0xD00, $0x38;
	[tilespmem:$0x15200] =	vst v63  }
0xf: {  	_ =	swait.ge [sflag:s9], $0xD00  }
0x10: {  	[sflag:s9] =	ssyncset.done $0x0  }
0x11: {  	[sflag:s9] =	ssyncadd.s32 $0xFFFFF300  }
0x12: {  	v0 =	vld [tilespmem:$0x0];
	_ =	sdelay $0x1  }
0x13: {  	v1 =	vld [tilespmem:$0x10];
	_ =	sdelay $0x1  }
0x14: {  	v2 =	vld [tilespmem:$0x20]  }
0x15: {  	v3 =	vand.u32 $0xFFFF, v0  }
0x16: {  	v45 =	vld [tilespmem:$0x30];
	v0 =	vshrl.u32 v0, $0x10;
	[tilespmem:$0x1000] =	vst v3  }
0x17: {  	v46 =	vand.u32 $0xFFFF, v1;
	[tilespmem:$0x1080] =	vst v0  }
0x18: {  	v48 =	vld [tilespmem:$0x40];
	v47 =	vshrl.u32 v1, $0x10;
	[tilespmem:$0x1010] =	vst v46  }
0x19: {  	v49 =	vand.u32 $0xFFFF, v2;
	[tilespmem:$0x1090] =	vst v47  }
0x1a: {  	v51 =	vld [tilespmem:$0x50];
	v50 =	vshrl.u32 v2, $0x10;
	[tilespmem:$0x1020] =	vst v49  }
0x1b: {  	v52 =	vand.u32 $0xFFFF, v45;
	[tilespmem:$0x10A0] =	vst v50  }
0x1c: {  	v54 =	vld [tilespmem:$0x60];
	v53 =	vshrl.u32 v45, $0x10;
	[tilespmem:$0x1030] =	vst v52  }
0x1d: {  	v55 =	vand.u32 $0xFFFF, v48;
	[tilespmem:$0x10B0] =	vst v53  }
0x1e: {  	v57 =	vld [tilespmem:$0x70];
	v56 =	vshrl.u32 v48, $0x10;
	[tilespmem:$0x1040] =	vst v55  }
0x1f: {  	v58 =	vand.u32 $0xFFFF, v51;
	[tilespmem:$0x10C0] =	vst v56  }
0x20: {  	v59 =	vshrl.u32 v51, $0x10;
	[tilespmem:$0x1050] =	vst v58  }
0x21: {  	v60 =	vand.u32 $0xFFFF, v54;
	[tilespmem:$0x10D0] =	vst v59  }
0x22: {  	v61 =	vshrl.u32 v54, $0x10;
	[tilespmem:$0x1060] =	vst v60  }
0x23: {  	v62 =	vand.u32 $0xFFFF, v57;
	[tilespmem:$0x10E0] =	vst v61  }
0x24: {  	v63 =	vshrl.u32 v57, $0x10;
	[tilespmem:$0x1070] =	vst v62  }
0x25: {  	[tilespmem:$0x10F0] =	vst v63  }
0x26: {  	[tilespmem:s12], [sflag:$0x1] =	stream.indirect.gather [hbm4b:s3+s10], $0x80, s11, s10, $0xb8;
	[tilespmem:$0x15200] =	vst v63  }
0x27: {  	s25 =	simm.s32 $0x0  }
0x28: {  	[tilespmem:s14], [sflag:$0x2] =	stream.indirect.gather [hbm4b:s3+s10], $0x80, s13, s10, $0xb8;
	[tilespmem:$0x15200] =	vst v63  }
.LBB2_2:
0x29: {  	s28 =	sshll.u32 s25, $0x8  }
0x2a: {  	v0 =	vld [tilespmem:s28+$0x80];
	_ =	sdelay $0x4  }
0x2b: {  	v1 =	vand.u32 $0xFFFF, v0  }
0x2c: {  	v0 =	vshrl.u32 v0, $0x10;
	[tilespmem:$0x1100] =	vst v1  }
0x2d: {  	[tilespmem:$0x1180] =	vst v0  }
0x2e: {  	v0 =	vld [tilespmem:s28+$0x90];
	_ =	sdelay $0x4  }
0x2f: {  	v1 =	vand.u32 $0xFFFF, v0  }
0x30: {  	v0 =	vshrl.u32 v0, $0x10;
	[tilespmem:$0x1110] =	vst v1  }
0x31: {  	[tilespmem:$0x1190] =	vst v0  }
0x32: {  	v0 =	vld [tilespmem:s28+$0xA0];
	_ =	sdelay $0x4  }
0x33: {  	v1 =	vand.u32 $0xFFFF, v0  }
0x34: {  	v0 =	vshrl.u32 v0, $0x10;
	[tilespmem:$0x1120] =	vst v1  }
0x35: {  	[tilespmem:$0x11A0] =	vst v0  }
0x36: {  	v0 =	vld [tilespmem:s28+$0xB0];
	_ =	sdelay $0x4  }
0x37: {  	v1 =	vand.u32 $0xFFFF, v0  }
0x38: {  	v0 =	vshrl.u32 v0, $0x10;
	[tilespmem:$0x1130] =	vst v1  }
0x39: {  	[tilespmem:$0x11B0] =	vst v0  }
0x3a: {  	v0 =	vld [tilespmem:s28+$0xC0];
	_ =	sdelay $0x4  }
0x3b: {  	v1 =	vand.u32 $0xFFFF, v0  }
0x3c: {  	v0 =	vshrl.u32 v0, $0x10;
	[tilespmem:$0x1140] =	vst v1  }
0x3d: {  	[tilespmem:$0x11C0] =	vst v0  }
0x3e: {  	v0 =	vld [tilespmem:s28+$0xD0];
	_ =	sdelay $0x4  }
0x3f: {  	v1 =	vand.u32 $0xFFFF, v0  }
0x40: {  	v0 =	vshrl.u32 v0, $0x10;
	[tilespmem:$0x1150] =	vst v1  }
0x41: {  	[tilespmem:$0x11D0] =	vst v0  }
0x42: {  	v0 =	vld [tilespmem:s28+$0xE0];
	_ =	sdelay $0x4  }
0x43: {  	v1 =	vand.u32 $0xFFFF, v0  }
0x44: {  	v0 =	vshrl.u32 v0, $0x10;
	[tilespmem:$0x1160] =	vst v1  }
0x45: {  	[tilespmem:$0x11E0] =	vst v0  }
0x46: {  	v0 =	vld [tilespmem:s28+$0xF0];
	_ =	sdelay $0x4  }
0x47: {  	v1 =	vand.u32 $0xFFFF, v0  }
0x48: {  	v0 =	vshrl.u32 v0, $0x10;
	[tilespmem:$0x1170] =	vst v1  }
0x49: {  	[tilespmem:$0x11F0] =	vst v0  }
0x4a: {  	[tilespmem:s16], [sflag:$0x3] =	stream.indirect.gather [hbm4b:s3+s10], $0x80, s15, s10, $0xb8;
	[tilespmem:$0x15200] =	vst v63  }
0x4b: {  	_ = 	snop  }
0x4c: {  	[tilespmem:s18], [sflag:$0x4] =	stream.indirect.gather [hbm4b:s3+s10], $0x80, s17, s10, $0xb8;
	[tilespmem:$0x15200] =	vst v63  }
0x4d: {  	_ =	swait.ge [sflag:s19], $0x4000  }
0x4e: {  	[sflag:s19] =	ssyncset.done $0x0  }
0x4f: {  	[sflag:s19] =	ssyncadd.s32 $0xFFFFC000  }
0x50: {  	_ =	swait.ge [sflag:s20], $0x4000  }
0x51: {  	[sflag:s20] =	ssyncset.done $0x0  }
0x52: {  	s29 =	simm.s32 $0x0;
	[sflag:s20] =	ssyncadd.s32 $0xFFFFC000  }
0x53: {  	v0 =	vld [tilespmem:s29+$0x1200]  }
0x54: {  	v1 =	vld [tilespmem:s29+$0x5200]  }
0x55: {  	v2 =	vld [tilespmem:s29+$0x1210]  }
0x56: {  	v3 =	vld [tilespmem:s29+$0x5210]  }
0x57: {  	v4 =	vld [tilespmem:s29+$0x1220]  }
0x58: {  	v5 =	vld [tilespmem:s29+$0x5220]  }
0x59: {  	v6 =	vld [tilespmem:s29+$0x1230]  }
0x5a: {  	v7 =	vld [tilespmem:s29+$0x5230]  }
0x5b: {  	v0 =	vmul.f32 v1, v0;
	v1 =	vmul.f32 v3, v2;
	v2 =	vld [tilespmem:s29+$0x1240]  }
0x5c: {  	v3 =	vld [tilespmem:s29+$0x5240]  }
0x5d: {  	v8 =	vld [tilespmem:s29+$0x5250];
	v0 =	vadd.f32 v1, v0;
	v1 =	vmul.f32 v5, v4  }
0x5e: {  	v5 =	vld [tilespmem:s29+$0x1250]  }
0x5f: {  	v0 =	vadd.f32 v1, v0;
	v1 =	vmul.f32 v7, v6;
	v6 =	vld [tilespmem:s29+$0x1260]  }
0x60: {  	v7 =	vld [tilespmem:s29+$0x5260]  }
0x61: {  	v4 =	vld [tilespmem:s29+$0x5270];
	v2 =	vmul.f32 v3, v2;
	v9 =	vadd.f32 v1, v0  }
0x62: {  	s30 =	simm.s32 $0x80;
	v1 =	vld [tilespmem:s29+$0x1270]  }
0x63: {  	v3 =	vld [tilespmem:s30+$0x1210];
	v5 =	vmul.f32 v8, v5;
	v9 =	vadd.f32 v2, v9  }
0x64: {  	v0 =	vld [tilespmem:s30+$0x1200]  }
0x65: {  	s31 =	simm.s32 $0x400;
	s26 =	sor.u32 $0x80, s28;
	v2 =	vld [tilespmem:s30+$0x5200];
	v6 =	vmul.f32 v7, v6;
	v5 =	vadd.f32 v5, v9  }
.LBB2_3:
0x66: {  	p0 =	sne.s32 s31, $0xFE00;
	v7 =	vld [tilespmem:s30+$0x5210]  }
0x67: {  	v8 =	vld [tilespmem:s30+$0x1220];
	v5 =	vadd.f32 v6, v5;
	v1 =	vmul.f32 v4, v1  }
0x68: {  	v4 =	vld [tilespmem:s30+$0x5220]  }
0x69: {  	v6 =	vld [tilespmem:s30+$0x1230];
	v1 =	vadd.f32 v1, v5  }
0x6a: {  	v5 =	vld [tilespmem:s30+$0x5230]  }
0x6b: {  	v0 =	vmul.f32 v2, v0;
	v2 =	vmul.f32 v7, v3;
	v3 =	vld [tilespmem:s30+$0x1240];
	[tilespmem:s29+$0x11200] =	vst v1;
	s29 =	smov.u32 s30  }
0x6c: {  	v1 =	vld [tilespmem:s29+$0x5240]  }
0x6d: {  	v0 =	vadd.f32 v2, v0;
	v2 =	vmul.f32 v4, v8;
	v7 =	vld [tilespmem:s29+$0x1250]  }
0x6e: {  	v8 =	vld [tilespmem:s29+$0x5250]  }
0x6f: {  	v0 =	vadd.f32 v2, v0;
	v2 =	vmul.f32 v5, v6;
	v6 =	vld [tilespmem:s29+$0x1260]  }
0x70: {  	v9 =	vld [tilespmem:s29+$0x5260]  }
.Ltmp0:
0x71: {  	v2 =	vadd.f32 v2, v0;
	v3 =	vmul.f32 v1, v3;
	v1 =	vld [tilespmem:s29+$0x1270];
	(pc) =	sbr.rel @p0 .LBB2_3-.Ltmp0, $4  }
0x72: {  	s30 =	sshra.s32 s31, $0x2;
	v4 =	vld [tilespmem:s29+$0x5270]  }
0x73: {  	v0 =	vld [tilespmem:s30+$0x1200];
	v5 =	vadd.f32 v3, v2;
	v7 =	vmul.f32 v8, v7  }
0x74: {  	v2 =	vld [tilespmem:s30+$0x5200]  }
0x75: {  	s31 =	sadd.s32 $0x200, s31;
	v3 =	vld [tilespmem:s30+$0x1210];
	v5 =	vadd.f32 v7, v5;
	v6 =	vmul.f32 v9, v6  }
0x76: {  	v7 =	vld [tilespmem:s30+$0x5210]  }
0x77: {  	v8 =	vld [tilespmem:s30+$0x1220];
	v5 =	vadd.f32 v6, v5;
	v1 =	vmul.f32 v4, v1  }
0x78: {  	v4 =	vld [tilespmem:s30+$0x5220]  }
0x79: {  	v6 =	vld [tilespmem:s30+$0x1230];
	v1 =	vadd.f32 v1, v5  }
0x7a: {  	v5 =	vld [tilespmem:s30+$0x5230]  }
0x7b: {  	v9 =	vld [tilespmem:s30+$0x1240];
	v0 =	vmul.f32 v2, v0;
	v2 =	vmul.f32 v7, v3;
	[tilespmem:s29+$0x11200] =	vst v1  }
0x7c: {  	v1 =	vld [tilespmem:s30+$0x5240]  }
0x7d: {  	v3 =	vld [tilespmem:s30+$0x1250];
	v0 =	vadd.f32 v2, v0;
	v2 =	vmul.f32 v4, v8  }
0x7e: {  	v4 =	vld [tilespmem:s30+$0x5250]  }
0x7f: {  	v0 =	vadd.f32 v2, v0;
	v2 =	vmul.f32 v5, v6;
	v5 =	vld [tilespmem:s30+$0x1260]  }
0x80: {  	v6 =	vld [tilespmem:s30+$0x5260]  }
0x81: {  	v7 =	vld [tilespmem:s30+$0x5270];
	v0 =	vadd.f32 v2, v0;
	v1 =	vmul.f32 v1, v9  }
0x82: {  	v2 =	vld [tilespmem:s30+$0x1270]  }
0x83: {  	v0 =	vadd.f32 v1, v0;
	v1 =	vmul.f32 v4, v3;
	_ =	sdelay $0x1  }
0x84: {  	v0 =	vadd.f32 v1, v0;
	v1 =	vmul.f32 v6, v5;
	_ =	sdelay $0x1  }
0x85: {  	v0 =	vadd.f32 v1, v0;
	v1 =	vmul.f32 v7, v2  }
0x86: {  	s29 =	sshll.u32 s25, $0xF  }
0x87: {  	s29 =	sadd.s32 s7, s29;
	v0 =	vadd.f32 v1, v0  }
0x88: {  	s29 =	sshrl.u32 s29, $0x3  }
0x89: {  	s29 =	sadd.s32 s4, s29;
	[tilespmem:s30+$0x11200] =	vst v0  }
0x8a: {  	[hbm4b:s29+s2] =	stream.linear.scatter [tilespmem:s21], [sflag:$0x5], $0x4000, $0x38;
	[tilespmem:$0x15200] =	vst v63  }
0x8b: {  	_ =	swait.ge [sflag:s9], $0x4000  }
0x8c: {  	[sflag:s9] =	ssyncset.done $0x0  }
0x8d: {  	p0 =	seq.s32 s25, $0xC;
	[sflag:s9] =	ssyncadd.s32 $0xFFFFC000  }
0x8e: {  	v0 =	vld @!p0 [tilespmem:s28+$0x100];
	_ =	sdelay $0x4  }
0x8f: {  	v1 =	vand.u32 @!p0 $0xFFFF, v0  }
0x90: {  	v0 =	vshrl.u32 @!p0 v0, $0x10;
	[tilespmem:$0x1000] =	vst @!p0 v1  }
0x91: {  	[tilespmem:$0x1080] =	vst @!p0 v0  }
0x92: {  	v0 =	vld @!p0 [tilespmem:s28+$0x110];
	_ =	sdelay $0x4  }
0x93: {  	v1 =	vand.u32 @!p0 $0xFFFF, v0  }
0x94: {  	v0 =	vshrl.u32 @!p0 v0, $0x10;
	[tilespmem:$0x1010] =	vst @!p0 v1  }
0x95: {  	[tilespmem:$0x1090] =	vst @!p0 v0  }
0x96: {  	v0 =	vld @!p0 [tilespmem:s28+$0x120];
	_ =	sdelay $0x4  }
0x97: {  	v1 =	vand.u32 @!p0 $0xFFFF, v0  }
0x98: {  	v0 =	vshrl.u32 @!p0 v0, $0x10;
	[tilespmem:$0x1020] =	vst @!p0 v1  }
0x99: {  	[tilespmem:$0x10A0] =	vst @!p0 v0  }
0x9a: {  	v0 =	vld @!p0 [tilespmem:s28+$0x130];
	_ =	sdelay $0x4  }
0x9b: {  	v1 =	vand.u32 @!p0 $0xFFFF, v0  }
0x9c: {  	v0 =	vshrl.u32 @!p0 v0, $0x10;
	[tilespmem:$0x1030] =	vst @!p0 v1  }
0x9d: {  	[tilespmem:$0x10B0] =	vst @!p0 v0  }
0x9e: {  	v0 =	vld @!p0 [tilespmem:s28+$0x140];
	_ =	sdelay $0x4  }
0x9f: {  	v1 =	vand.u32 @!p0 $0xFFFF, v0  }
0xa0: {  	v0 =	vshrl.u32 @!p0 v0, $0x10;
	[tilespmem:$0x1040] =	vst @!p0 v1  }
0xa1: {  	[tilespmem:$0x10C0] =	vst @!p0 v0  }
0xa2: {  	v0 =	vld @!p0 [tilespmem:s28+$0x150];
	_ =	sdelay $0x4  }
0xa3: {  	v1 =	vand.u32 @!p0 $0xFFFF, v0  }
0xa4: {  	v0 =	vshrl.u32 @!p0 v0, $0x10;
	[tilespmem:$0x1050] =	vst @!p0 v1  }
0xa5: {  	[tilespmem:$0x10D0] =	vst @!p0 v0  }
0xa6: {  	v0 =	vld @!p0 [tilespmem:s28+$0x160];
	_ =	sdelay $0x4  }
0xa7: {  	v1 =	vand.u32 @!p0 $0xFFFF, v0  }
0xa8: {  	v0 =	vshrl.u32 @!p0 v0, $0x10;
	[tilespmem:$0x1060] =	vst @!p0 v1  }
0xa9: {  	[tilespmem:$0x10E0] =	vst @!p0 v0  }
0xaa: {  	v0 =	vld @!p0 [tilespmem:s28+$0x170];
	_ =	sdelay $0x4  }
0xab: {  	v1 =	vand.u32 @!p0 $0xFFFF, v0  }
0xac: {  	v0 =	vshrl.u32 @!p0 v0, $0x10;
	[tilespmem:$0x1070] =	vst @!p0 v1  }
0xad: {  	s30 =	simm.s32 @!p0 $0x1200;
	s29 =	simm.s32 @!p0 $0x1000;
	s28 =	simm.s32 @!p0 $0x80;
	[tilespmem:$0x10F0] =	vst @!p0 v0  }
0xae: {  	[tilespmem:s30], [sflag:$0x1] =	stream.indirect.gather @!p0 [hbm4b:s3+s28], $0x80, s29, s28, $0xb8;
	[tilespmem:$0x15200] =	vst v63  }
0xaf: {  	s29 =	simm.s32 @!p0 $0x1080;
	s30 =	simm.s32 @!p0 $0x5200  }
0xb0: {  	[tilespmem:s30], [sflag:$0x2] =	stream.indirect.gather @!p0 [hbm4b:s3+s28], $0x80, s29, s28, $0xb8;
	[tilespmem:$0x15200] =	vst v63  }
0xb1: {  	_ =	swait.ge [sflag:s22], $0x4000  }
0xb2: {  	[sflag:s22] =	ssyncset.done $0x0  }
0xb3: {  	[sflag:s22] =	ssyncadd.s32 $0xFFFFC000  }
0xb4: {  	_ =	swait.ge [sflag:s23], $0x4000  }
0xb5: {  	[sflag:s23] =	ssyncset.done $0x0  }
0xb6: {  	s28 =	simm.s32 $0x0;
	[sflag:s23] =	ssyncadd.s32 $0xFFFFC000  }
0xb7: {  	v0 =	vld [tilespmem:s28+$0x9200]  }
0xb8: {  	v1 =	vld [tilespmem:s28+$0xD200]  }
0xb9: {  	v2 =	vld [tilespmem:s28+$0x9210]  }
0xba: {  	v3 =	vld [tilespmem:s28+$0xD210]  }
0xbb: {  	v4 =	vld [tilespmem:s28+$0x9220]  }
0xbc: {  	v5 =	vld [tilespmem:s28+$0xD220]  }
0xbd: {  	v6 =	vld [tilespmem:s28+$0x9230]  }
0xbe: {  	v7 =	vld [tilespmem:s28+$0xD230]  }
0xbf: {  	v0 =	vmul.f32 v1, v0;
	v1 =	vmul.f32 v3, v2;
	v2 =	vld [tilespmem:s28+$0x9240]  }
0xc0: {  	v3 =	vld [tilespmem:s28+$0xD240]  }
0xc1: {  	v8 =	vld [tilespmem:s28+$0xD250];
	v0 =	vadd.f32 v1, v0;
	v1 =	vmul.f32 v5, v4  }
0xc2: {  	v5 =	vld [tilespmem:s28+$0x9250]  }
0xc3: {  	v0 =	vadd.f32 v1, v0;
	v1 =	vmul.f32 v7, v6;
	v6 =	vld [tilespmem:s28+$0x9260]  }
0xc4: {  	v7 =	vld [tilespmem:s28+$0xD260]  }
0xc5: {  	v4 =	vld [tilespmem:s28+$0xD270];
	v2 =	vmul.f32 v3, v2;
	v63 =	vadd.f32 v1, v0  }
0xc6: {  	s29 =	simm.s32 $0x80;
	v1 =	vld [tilespmem:s28+$0x9270]  }
0xc7: {  	v3 =	vld [tilespmem:s29+$0x9210];
	v5 =	vmul.f32 v8, v5;
	v9 =	vadd.f32 v2, v63  }
0xc8: {  	v0 =	vld [tilespmem:s29+$0x9200]  }
0xc9: {  	s30 =	simm.s32 $0x400;
	v2 =	vld [tilespmem:s29+$0xD200];
	v6 =	vmul.f32 v7, v6;
	v5 =	vadd.f32 v5, v9  }
.LBB2_5:
0xca: {  	p0 =	sne.s32 s30, $0xFE00;
	v7 =	vld [tilespmem:s29+$0xD210]  }
0xcb: {  	v8 =	vld [tilespmem:s29+$0x9220];
	v5 =	vadd.f32 v6, v5;
	v1 =	vmul.f32 v4, v1  }
0xcc: {  	v4 =	vld [tilespmem:s29+$0xD220]  }
0xcd: {  	v6 =	vld [tilespmem:s29+$0x9230];
	v1 =	vadd.f32 v1, v5  }
0xce: {  	v5 =	vld [tilespmem:s29+$0xD230]  }
0xcf: {  	v0 =	vmul.f32 v2, v0;
	v2 =	vmul.f32 v7, v3;
	v3 =	vld [tilespmem:s29+$0x9240];
	[tilespmem:s28+$0x11200] =	vst v1;
	s28 =	smov.u32 s29  }
0xd0: {  	v1 =	vld [tilespmem:s28+$0xD240]  }
0xd1: {  	v0 =	vadd.f32 v2, v0;
	v2 =	vmul.f32 v4, v8;
	v7 =	vld [tilespmem:s28+$0x9250]  }
0xd2: {  	v8 =	vld [tilespmem:s28+$0xD250]  }
0xd3: {  	v0 =	vadd.f32 v2, v0;
	v2 =	vmul.f32 v5, v6;
	v6 =	vld [tilespmem:s28+$0x9260]  }
0xd4: {  	v9 =	vld [tilespmem:s28+$0xD260]  }
.Ltmp1:
0xd5: {  	v2 =	vadd.f32 v2, v0;
	v3 =	vmul.f32 v1, v3;
	v1 =	vld [tilespmem:s28+$0x9270];
	(pc) =	sbr.rel @p0 .LBB2_5-.Ltmp1, $4  }
0xd6: {  	s29 =	sshra.s32 s30, $0x2;
	v4 =	vld [tilespmem:s28+$0xD270]  }
0xd7: {  	v0 =	vld [tilespmem:s29+$0x9200];
	v5 =	vadd.f32 v3, v2;
	v7 =	vmul.f32 v8, v7  }
0xd8: {  	v2 =	vld [tilespmem:s29+$0xD200]  }
0xd9: {  	s30 =	sadd.s32 $0x200, s30;
	v3 =	vld [tilespmem:s29+$0x9210];
	v5 =	vadd.f32 v7, v5;
	v6 =	vmul.f32 v9, v6  }
0xda: {  	v7 =	vld [tilespmem:s29+$0xD210]  }
0xdb: {  	v8 =	vld [tilespmem:s29+$0x9220];
	v5 =	vadd.f32 v6, v5;
	v1 =	vmul.f32 v4, v1  }
0xdc: {  	v49 =	vld [tilespmem:s29+$0xD220]  }
0xdd: {  	v50 =	vld [tilespmem:s29+$0x9230];
	v1 =	vadd.f32 v1, v5  }
0xde: {  	v51 =	vld [tilespmem:s29+$0xD230]  }
0xdf: {  	v9 =	vld [tilespmem:s29+$0x9240];
	v0 =	vmul.f32 v2, v0;
	v52 =	vmul.f32 v7, v3;
	[tilespmem:s28+$0x11200] =	vst v1  }
0xe0: {  	v1 =	vld [tilespmem:s29+$0xD240]  }
0xe1: {  	v53 =	vmul.f32 v49, v8;
	v54 =	vld [tilespmem:s29+$0x9250];
	v0 =	vadd.f32 v52, v0  }
0xe2: {  	v55 =	vld [tilespmem:s29+$0xD250]  }
0xe3: {  	v56 =	vmul.f32 v51, v50;
	v57 =	vld [tilespmem:s29+$0x9260];
	v0 =	vadd.f32 v53, v0  }
0xe4: {  	v58 =	vld [tilespmem:s29+$0xD260]  }
0xe5: {  	v59 =	vld [tilespmem:s29+$0x9270];
	v0 =	vadd.f32 v56, v0;
	v1 =	vmul.f32 v1, v9  }
0xe6: {  	v60 =	vld [tilespmem:s29+$0xD270]  }
0xe7: {  	v61 =	vmul.f32 v55, v54;
	v0 =	vadd.f32 v1, v0;
	_ =	sdelay $0x1  }
0xe8: {  	v62 =	vmul.f32 v58, v57;
	v0 =	vadd.f32 v61, v0;
	_ =	sdelay $0x1  }
0xe9: {  	v63 =	vmul.f32 v60, v59;
	v0 =	vadd.f32 v62, v0;
	_ =	sdelay $0x1  }
0xea: {  	s26 =	sadd.s32 s6, s26;
	s25 =	sadd.s32 $0x1, s25;
	v0 =	vadd.f32 v63, v0  }
0xeb: {  	s26 =	sshll.u32 s26, $0x4;
	p0 =	sne.s32 s25, $0xD  }
.Ltmp2:
0xec: {  	s26 =	sadd.s32 s4, s26;
	[tilespmem:s29+$0x11200] =	vst v0;
	(pc) =	sbr.rel @p0 .LBB2_2-.Ltmp2, $4  }
0xed: {  	[hbm4b:s26+s2] =	stream.linear.scatter [tilespmem:s21], [sflag:$0x5], $0x4000, $0x38;
	[tilespmem:$0x15200] =	vst v63  }
0xee: {  	_ =	swait.ge [sflag:s9], $0x4000  }
0xef: {  	[sflag:s9] =	ssyncset.done $0x0  }
0xf0: {  	[sflag:s9] =	ssyncadd.s32 $0xFFFFC000  }
0xf1: {  	s24 =	sadd.s32 $0x1, s24  }
0xf2: {  	p0 =	sne.s32 s24, s8  }
.Ltmp3:
0xf3: {  	_ = 	snop;
	(pc) =	sbr.rel @p0 .LBB2_1-.Ltmp3, $1  }
0xf4: {  	_ =	sdelay $0x3  }
0xf5: {  	_ =	sfence.sel $0x180000  }
0xf6: {  	[bflag:$0x0] =	sbarrier.arrive $0xFFFF  }
0xf7: {  	p0 =	sne.s32 s1, $0x0;
	_ =	strace $0x90000050  }
0xf8: {  	s0 =	sadd.s32 @!p0 $0x100000, s0;
	[bflag:$0x2] =	sbarrier.arrive $0xFFFF  }
0xf9: {  	[sflag:s0] =	ssyncadd.tile.s32 @!p0 $0x1;
	_ =	shalt  }
.Lfunc_end2:
_tile_overlayer_lowered:
.L_overlay_start_2:
0xfa: {  	(tag) =	ssettag $0x2  }
0xfb: {  	s0 =	rddreg [dreg:$0x0];
	s2 =	stileid.u32  }
0xfc: {  	s1 =	rddreg [dreg:$0x1];
	p0 =	sne.s32 s2, $0x0  }
0xfd: {  	s3 =	rddreg [dreg:$0x2];
	[bflag:$0x3] =	sbarrier.arrive $0xFFFF;
	s2 =	simm.s32 @!p0 $0x1C05  }
0xfe: {  	[timem:s3], [sflag:s2] =	dma.local @!p0 [hbm:s0], s1  }
0xff: {  	s0 =	simm.s32 @!p0 $0x5  }
0x100: {  	_ =	swait.ge @!p0 [sflag:s0], s1  }
0x101: {  	s1 =	ssub.s32 @!p0 $0x0, s1;
	[sflag:s0] =	ssyncset.done @!p0 $0x0  }
0x102: {  	[sflag:s0] =	ssyncadd.s32 @!p0 s1  }
0x103: {  	[bflag:$0x3] =	sbarrier.arrive $0xFFFF  }
0x104: {  	_ =	shalt  }

</sc_bundles>
